<compile_context>
chip_gen: v7x
topology: tpu7x:2x2x1
jax: 0.10.2.dev20260603
libtpu: 0.0.44.dev20260713+nightly
codegen_flags: <defaults>
</compile_context>

<pallas_src>
import functools

import jax
import jax.numpy as jnp
from jax import lax
from jax.experimental import pallas as pl
from jax.experimental.pallas import tpu as pltpu
from jax.experimental.pallas import tpu_sc as plsc

N = 10000
E = 320000
D = 128
H = 8
C = 16
ED = 4

NC = 2
NS = 16
NW = NC * NS

NP = 10240
CHUNK = 64
ET = E + N
EPAD = 331776
ECH = EPAD // CHUNK
CPW = ECH // NW
DROWS = NP // 16
NPD = NP + DROWS

BLK = 512
GRID = NP // BLK



def _mm_fill_body(x_ref, ea_ref, wl_ref, bl_ref, wr_ref, br_ref,
                  xl_ref, xr_ref, fill_ref):
    i = pl.program_id(0)
    xb = x_ref[...]
    xl_ref[...] = jnp.dot(xb, wl_ref[...], preferred_element_type=jnp.float32) + bl_ref[...]
    xr_ref[...] = jnp.dot(xb, wr_ref[...], preferred_element_type=jnp.float32) + br_ref[...]

    @pl.when(i == 0)
    def _():
        fill_ref[...] = jnp.zeros_like(fill_ref)

    colsum = jnp.sum(ea_ref[...], axis=0, keepdims=True)
    fill_ref[...] += jnp.broadcast_to(colsum, fill_ref.shape)

    @pl.when(i == GRID - 1)
    def _():
        s = fill_ref[0:1, :]
        g = (lax.broadcasted_iota(jnp.int32, (128, ED), 0) % ED
             == lax.broadcasted_iota(jnp.int32, (128, ED), 1)).astype(jnp.float32)
        f = jnp.dot(s, g, preferred_element_type=jnp.float32) / float(E)
        f8 = jnp.broadcast_to(f, (8, ED))
        fill_ref[...] = jnp.concatenate(
            [f8, jnp.zeros((8, 128 - ED), jnp.float32)], axis=1)


def _matmuls_and_fill(x_pad, ea_r, wl, bl, wr, br):
    return pl.pallas_call(
        _mm_fill_body,
        grid=(GRID,),
        in_specs=[
            pl.BlockSpec((BLK, D), lambda i: (i, 0)),
            pl.BlockSpec((BLK, 128), lambda i: (i, 0)),
            pl.BlockSpec((D, D), lambda i: (0, 0)),
            pl.BlockSpec((1, D), lambda i: (0, 0)),
            pl.BlockSpec((D, D), lambda i: (0, 0)),
            pl.BlockSpec((1, D), lambda i: (0, 0)),
        ],
        out_specs=[
            pl.BlockSpec((BLK, D), lambda i: (i, 0)),
            pl.BlockSpec((BLK, D), lambda i: (i, 0)),
            pl.BlockSpec((8, 128), lambda i: (0, 0)),
        ],
        out_shape=[
            jax.ShapeDtypeStruct((NP, D), jnp.float32),
            jax.ShapeDtypeStruct((NP, D), jnp.float32),
            jax.ShapeDtypeStruct((8, 128), jnp.float32),
        ],
    )(x_pad, ea_r, wl, bl, wr, br)


def _head_expand():
    return (lax.broadcasted_iota(jnp.int32, (H, H * C), 1) // C
            == lax.broadcasted_iota(jnp.int32, (H, H * C), 0)).astype(jnp.float32)


def _normalize(num_ref, den_ref):
    num = num_ref[0] + num_ref[1]
    den = jnp.sum(den_ref[...], axis=0)
    den128 = jnp.dot(den, _head_expand(), preferred_element_type=jnp.float32)
    return num / (den128 + 1e-16)


def _ln(h, g, b):
    mu = jnp.mean(h, axis=-1, keepdims=True)
    var = jnp.mean((h - mu) * (h - mu), axis=-1, keepdims=True)
    return (h - mu) * lax.rsqrt(var + 1e-5) * g + b


def _elu(x):
    return jnp.where(x > 0, x, jnp.exp(jnp.minimum(x, 0.0)) - 1.0)


def _combine_mm_body(num_ref, den_ref, hprev_ref, cb_ref, lg_ref, lb_ref,
                     wl_ref, bl_ref, wr_ref, br_ref,
                     h_ref, xl_ref, xr_ref):
    hh = _normalize(num_ref, den_ref) + cb_ref[...]
    hh = _elu(hh)
    hh = _ln(hh, lg_ref[...], lb_ref[...])
    hh = hh + hprev_ref[...]
    h_ref[...] = hh
    xl_ref[...] = jnp.dot(hh, wl_ref[...], preferred_element_type=jnp.float32) + bl_ref[...]
    xr_ref[...] = jnp.dot(hh, wr_ref[...], preferred_element_type=jnp.float32) + br_ref[...]


def _combine_and_matmuls(num, den, hprev, cb, lg, lb, wl, bl, wr, br):
    return pl.pallas_call(
        _combine_mm_body,
        grid=(GRID,),
        in_specs=[
            pl.BlockSpec((2, BLK, D), lambda i: (0, i, 0)),
            pl.BlockSpec((NC, BLK, H), lambda i: (0, i, 0)),
            pl.BlockSpec((BLK, D), lambda i: (i, 0)),
            pl.BlockSpec((1, D), lambda i: (0, 0)),
            pl.BlockSpec((1, D), lambda i: (0, 0)),
            pl.BlockSpec((1, D), lambda i: (0, 0)),
            pl.BlockSpec((D, D), lambda i: (0, 0)),
            pl.BlockSpec((1, D), lambda i: (0, 0)),
            pl.BlockSpec((D, D), lambda i: (0, 0)),
            pl.BlockSpec((1, D), lambda i: (0, 0)),
        ],
        out_specs=[
            pl.BlockSpec((BLK, D), lambda i: (i, 0)),
            pl.BlockSpec((BLK, D), lambda i: (i, 0)),
            pl.BlockSpec((BLK, D), lambda i: (i, 0)),
        ],
        out_shape=[
            jax.ShapeDtypeStruct((NP, D), jnp.float32),
            jax.ShapeDtypeStruct((NP, D), jnp.float32),
            jax.ShapeDtypeStruct((NP, D), jnp.float32),
        ],
    )(num, den, hprev, cb, lg, lb, wl, bl, wr, br)


def _final_body(num_ref, den_ref, cb_ref, lg_ref, lb_ref, wp_ref, bp_ref,
                out_ref):
    hh = _normalize(num_ref, den_ref)
    m = (lax.broadcasted_iota(jnp.int32, (H * C, C), 0) % C
         == lax.broadcasted_iota(jnp.int32, (H * C, C), 1)).astype(jnp.float32) / float(H)
    h2 = jnp.dot(hh, m, preferred_element_type=jnp.float32) + cb_ref[...]
    h2 = _elu(h2)
    h2 = _ln(h2, lg_ref[...], lb_ref[...])
    out_ref[...] = jnp.dot(h2, wp_ref[...], preferred_element_type=jnp.float32) + bp_ref[...]


def _final(num, den, cb, lg, lb, wp, bp):
    return pl.pallas_call(
        _final_body,
        grid=(GRID,),
        in_specs=[
            pl.BlockSpec((2, BLK, D), lambda i: (0, i, 0)),
            pl.BlockSpec((NC, BLK, H), lambda i: (0, i, 0)),
            pl.BlockSpec((1, C), lambda i: (0, 0)),
            pl.BlockSpec((1, C), lambda i: (0, 0)),
            pl.BlockSpec((1, C), lambda i: (0, 0)),
            pl.BlockSpec((C, D), lambda i: (0, 0)),
            pl.BlockSpec((1, D), lambda i: (0, 0)),
        ],
        out_specs=pl.BlockSpec((BLK, D), lambda i: (i, 0)),
        out_shape=jax.ShapeDtypeStruct((NP, D), jnp.float32),
    )(num, den, cb, lg, lb, wp, bp)



def _sc_edge_body(xl_hbm, xr_hbm, src_hbm, dst_hbm, ea_hbm, we_hbm, att_hbm,
                  num_hbm, den_hbm,
                  srcbuf, dstbuf, idx2buf, eabuf, xsbuf, xdbuf, valbuf,
                  val2buf, webuf, attbuf, acc, sem1, sem2):
    c = lax.axis_index("c")
    s = lax.axis_index("s")
    wid = c * NS + s

    pltpu.sync_copy(we_hbm, webuf)
    pltpu.sync_copy(att_hbm, attbuf)

    zeros16 = jnp.zeros((16,), jnp.float32)

    def _zrow(e, _):
        for j in range(D // 16):
            valbuf[e, pl.ds(16 * j, 16)] = zeros16
        return 0

    lax.fori_loop(0, CHUNK, _zrow, 0)
    rows_per_tile = NPD // NS
    tbase = s * rows_per_tile
    for r in range(rows_per_tile // CHUNK):
        pltpu.sync_copy(valbuf, acc.at[pl.ds(tbase + r * CHUNK, CHUNK)])
    rem = rows_per_tile % CHUNK
    if rem:
        pltpu.sync_copy(valbuf.at[pl.ds(0, rem)],
                        acc.at[pl.ds(tbase + rows_per_tile - rem, rem)])
    plsc.subcore_barrier()

    lane = lax.iota(jnp.int32, 16)
    dnums = lax.GatherDimensionNumbers(
        offset_dims=(), collapsed_slice_dims=(0,), start_index_map=(0,))

    def _lanetake(v, idx):
        return lax.gather(v, idx[:, None], dnums, (1,),
                          mode=lax.GatherScatterMode.PROMISE_IN_BOUNDS)

    def _lanesum(v):
        for sh in (8, 4, 2, 1):
            v = v + _lanetake(v, lane ^ sh)
        return v

    def _edge(e, _):
        ea4 = eabuf[pl.ds(ED * e, 16)]
        a0 = ea4[0]
        a1 = ea4[1]
        a2 = ea4[2]
        a3 = ea4[3]
        dvec = jnp.zeros((16,), jnp.float32)
        for h in range(H):
            em = (a0 * webuf[0, pl.ds(16 * h, 16)]
                  + a1 * webuf[1, pl.ds(16 * h, 16)]
                  + a2 * webuf[2, pl.ds(16 * h, 16)]
                  + a3 * webuf[3, pl.ds(16 * h, 16)])
            xs = xsbuf[e, pl.ds(16 * h, 16)]
            z = xs + xdbuf[e, pl.ds(16 * h, 16)] + em
            z = jnp.maximum(z, 0.2 * z)
            alpha = _lanesum(z * attbuf[h, :])
            ex = jnp.exp(alpha)
            valbuf[e, pl.ds(16 * h, 16)] = xs * ex
            dvec = jnp.where(lane == h, ex, dvec)
        for j in range(D // 16):
            val2buf[e, pl.ds(16 * j, 16)] = zeros16
        base = (e >> 4) << 4
        grp = dstbuf[pl.ds(base, 16)]
        dsc = _lanetake(grp, jnp.full((16,), e - base, jnp.int32))[0]
        off = (dsc & 15) << 3
        st = off & 15
        hv = lane - st
        val2 = jnp.where((hv >= 0) & (hv < H), _lanetake(dvec, hv & 15), 0.0)
        val2buf[e, pl.ds((off >> 4) << 4, 16)] = val2
        return 0

    def _chunk(t, _):
        j = wid * CPW + t
        pltpu.sync_copy(src_hbm.at[j], srcbuf)
        pltpu.sync_copy(dst_hbm.at[j], dstbuf)
        pltpu.sync_copy(ea_hbm.at[j], eabuf.at[pl.ds(0, CHUNK * ED)])
        cp1 = pltpu.async_copy(xl_hbm.at[srcbuf], xsbuf, sem1)
        cp2 = pltpu.async_copy(xr_hbm.at[dstbuf], xdbuf, sem2)
        cp1.wait()
        cp2.wait()
        for g in range(CHUNK // 16):
            dv = dstbuf[pl.ds(16 * g, 16)]
            idx2buf[pl.ds(16 * g, 16)] = NP + (dv >> 4)
        lax.fori_loop(0, CHUNK, _edge, 0)
        pltpu.sync_copy(valbuf, acc.at[dstbuf], add=True)
        pltpu.sync_copy(val2buf, acc.at[idx2buf], add=True)
        return 0

    lax.fori_loop(0, CPW, _chunk, 0)

    plsc.subcore_barrier()
    pltpu.sync_copy(acc.at[pl.ds(s * (NP // NS), NP // NS)],
                    num_hbm.at[c, pl.ds(s * (NP // NS), NP // NS)])
    pltpu.sync_copy(acc.at[pl.ds(NP + s * (DROWS // NS), DROWS // NS)],
                    den_hbm.at[c, pl.ds(s * (DROWS // NS), DROWS // NS)])


@functools.cache
def _make_sc_edge_pass():
    @functools.partial(
        pl.kernel,
        out_type=[
            jax.ShapeDtypeStruct((NC, NP, D), jnp.float32),
            jax.ShapeDtypeStruct((NC, DROWS, D), jnp.float32),
        ],
        mesh=plsc.VectorSubcoreMesh(core_axis_name="c", subcore_axis_name="s"),
        compiler_params=pltpu.CompilerParams(needs_layout_passes=False),
        scratch_types=[
            pltpu.VMEM((CHUNK,), jnp.int32),
            pltpu.VMEM((CHUNK,), jnp.int32),
            pltpu.VMEM((CHUNK,), jnp.int32),
            pltpu.VMEM((CHUNK * ED + 16,), jnp.float32),
            pltpu.VMEM((CHUNK, D), jnp.float32),
            pltpu.VMEM((CHUNK, D), jnp.float32),
            pltpu.VMEM((CHUNK, D), jnp.float32),
            pltpu.VMEM((CHUNK, D), jnp.float32),
            pltpu.VMEM((ED, D), jnp.float32),
            pltpu.VMEM((H, C), jnp.float32),
            pltpu.VMEM_SHARED((NPD, D), jnp.float32),
            pltpu.SemaphoreType.DMA,
            pltpu.SemaphoreType.DMA,
        ],
    )
    def _sc_edge_pass(xl_hbm, xr_hbm, src_hbm, dst_hbm, ea_hbm, we_hbm,
                      att_hbm, num_hbm, den_hbm,
                      srcbuf, dstbuf, idx2buf, eabuf, xsbuf, xdbuf, valbuf,
                      val2buf, webuf, attbuf, acc, sem1, sem2):
        _sc_edge_body(xl_hbm, xr_hbm, src_hbm, dst_hbm, ea_hbm, we_hbm,
                      att_hbm, num_hbm, den_hbm,
                      srcbuf, dstbuf, idx2buf, eabuf, xsbuf, xdbuf, valbuf,
                      val2buf, webuf, attbuf, acc, sem1, sem2)

    return _sc_edge_pass



def kernel(x, edge_index, edge_attr,
           Wl0, bl0, Wr0, br0, att0, We0, cb0, lg0, lb0,
           Wl1, bl1, Wr1, br1, att1, We1, cb1, lg1, lb1,
           Wl2, bl2, Wr2, br2, att2, We2, cb2, lg2, lb2,
           Wp, bp):
    f32 = jnp.float32
    x_pad = jnp.pad(x, ((0, NP - N), (0, 0)))
    ea_r = jnp.pad(edge_attr.reshape(E * ED // 128, 128),
                   ((0, NP - E * ED // 128), (0, 0)))

    loop = jnp.arange(N, dtype=edge_index.dtype)
    src_full = jnp.concatenate(
        [edge_index[0], loop,
         jnp.zeros((EPAD - ET,), edge_index.dtype)]).reshape(ECH, CHUNK)
    dst_full = jnp.concatenate(
        [edge_index[1], loop,
         jnp.full((EPAD - ET,), N, edge_index.dtype)]).reshape(ECH, CHUNK)

    xl, xr, fill8 = _matmuls_and_fill(
        x_pad, ea_r, Wl0, bl0.reshape(1, D), Wr0, br0.reshape(1, D))
    fill = fill8[0:1, 0:ED]

    ea_full = jnp.concatenate(
        [edge_attr, jnp.broadcast_to(fill, (N, ED)),
         jnp.zeros((EPAD - ET, ED), f32)]).reshape(ECH, CHUNK * ED)

    layers = [
        (We0, att0, cb0, lg0, lb0, Wl1, bl1, Wr1, br1),
        (We1, att1, cb1, lg1, lb1, Wl2, bl2, Wr2, br2),
    ]
    hprev = x_pad
    for (we, att, cb, lg, lb, wln, bln, wrn, brn) in layers:
        num, den_p = _make_sc_edge_pass()(
            xl, xr, src_full, dst_full, ea_full, we, att)
        den = den_p.reshape(NC, NP, H)
        hprev, xl, xr = _combine_and_matmuls(
            num, den, hprev, cb.reshape(1, D), lg.reshape(1, D),
            lb.reshape(1, D), wln, bln.reshape(1, D), wrn, brn.reshape(1, D))

    num, den_p = _make_sc_edge_pass()(
        xl, xr, src_full, dst_full, ea_full, We2, att2)
    den = den_p.reshape(NC, NP, H)
    out = _final(num, den, cb2.reshape(1, C), lg2.reshape(1, C),
                 lb2.reshape(1, C), Wp, bp.reshape(1, D))
    return out[:N]

# --- scband reference (transcript-rebuilt; emitter-appended) ---
"""Pipeline reference for scband-graph-attention-module-9500467659171 (READ-ONLY COPY).

The authoritative reference and input builder live on the scoring server;
editing this copy changes nothing except your own understanding.
"""

import jax, jax.numpy as jnp
import numpy as np

N = 10000
E = 320000
D = 128
H = 8
C = 16
ED = 4

PARAM_NAMES = []
for _l in range(3):
    for _nm in ("Wl", "bl", "Wr", "br", "att", "We", "cb", "lg", "lb"):
        PARAM_NAMES.append(_nm + str(_l))
PARAM_NAMES += ["Wp", "bp"]

def _ln(h, g, b):
    mu = jnp.mean(h, axis=-1, keepdims=True)
    var = jnp.var(h, axis=-1, keepdims=True)
    return (h - mu) / jnp.sqrt(var + 1e-5) * g + b

def _gatv2(x, src, dst, ea, Wl, bl, Wr, br, att, We, cb, concat, n):
    HH, CC = att.shape
    xl = (x @ Wl + bl).reshape(n, HH, CC)
    xr = (x @ Wr + br).reshape(n, HH, CC)
    em = (ea @ We).reshape(-1, HH, CC)
    m = xl[src] + xr[dst] + em
    m = jax.nn.leaky_relu(m, negative_slope=0.2)
    alpha = jnp.sum(m * att[None, :, :], axis=-1)
    amax = jax.ops.segment_max(alpha, dst, num_segments=n)
    amax = jnp.where(jnp.isfinite(amax), amax, 0.0)
    ex = jnp.exp(alpha - amax[dst])
    den = jax.ops.segment_sum(ex, dst, num_segments=n)
    a = ex / (den[dst] + 1e-16)
    out = jax.ops.segment_sum(a[:, :, None] * xl[src], dst, num_segments=n)
    if concat:
        out = out.reshape(n, HH * CC)
    else:
        out = jnp.mean(out, axis=1)
    return out + cb

def _forward(x, edge_index, edge_attr, *params):
    n = x.shape[0]
    loop = jnp.arange(n, dtype=edge_index.dtype)
    src = jnp.concatenate([edge_index[0], loop])
    dst = jnp.concatenate([edge_index[1], loop])
    fill = jnp.mean(edge_attr, axis=0, keepdims=True)
    ea = jnp.concatenate([edge_attr, jnp.tile(fill, (n, 1))], axis=0)
    p = list(params)
    h = x
    for l in range(3):
        Wl, bl, Wr, br, att, We, cb, lg, lb = p[l * 9:(l + 1) * 9]
        concat = l < 2
        hh = _gatv2(h, src, dst, ea, Wl, bl, Wr, br, att, We, cb, concat, n)
        hh = jax.nn.elu(hh)
        hh = _ln(hh, lg, lb)
        if hh.shape == h.shape:
            hh = hh + h
        h = hh
    Wp, bp = p[27], p[28]
    return h @ Wp + bp

def setup_inputs(seed: int = 0):
    key = jax.random.key(seed)
    def p(i, shape, s=0.1):
        return s * jax.random.normal(jax.random.fold_in(key, i), shape, dtype=jnp.float32)
    inp = {}
    inp["x"] = jax.random.normal(jax.random.fold_in(key, 1000), (N, D), dtype=jnp.float32)
    inp["edge_index"] = jax.random.randint(jax.random.fold_in(key, 1001), (2, E), 0, N, dtype=jnp.int32)
    inp["edge_attr"] = jax.random.normal(jax.random.fold_in(key, 1002), (E, ED), dtype=jnp.float32)
    i = 0
    for l in range(3):
        inp["Wl" + str(l)] = p(i, (D, H * C)); i += 1
        inp["bl" + str(l)] = p(i, (H * C,)); i += 1
        inp["Wr" + str(l)] = p(i, (D, H * C)); i += 1
        inp["br" + str(l)] = p(i, (H * C,)); i += 1
        inp["att" + str(l)] = p(i, (H, C)); i += 1
        inp["We" + str(l)] = p(i, (ED, H * C)); i += 1
        cdim = H * C if l < 2 else C
        inp["cb" + str(l)] = p(i, (cdim,)); i += 1
        inp["lg" + str(l)] = jnp.ones((cdim,), dtype=jnp.float32)
        inp["lb" + str(l)] = jnp.zeros((cdim,), dtype=jnp.float32)
    inp["Wp"] = p(100, (C, D))
    inp["bp"] = p(101, (D,))
    return inp

def reference(x, edge_index, edge_attr,
              Wl0, bl0, Wr0, br0, att0, We0, cb0, lg0, lb0,
              Wl1, bl1, Wr1, br1, att1, We1, cb1, lg1, lb1,
              Wl2, bl2, Wr2, br2, att2, We2, cb2, lg2, lb2,
              Wp, bp):
    return _forward(x, edge_index, edge_attr,
                    Wl0, bl0, Wr0, br0, att0, We0, cb0, lg0, lb0,
                    Wl1, bl1, Wr1, br1, att1, We1, cb1, lg1, lb1,
                    Wl2, bl2, Wr2, br2, att2, We2, cb2, lg2, lb2,
                    Wp, bp)

if __name__ == "__main__":
    import jax
    _d = setup_inputs()
    print(jax.jit(kernel)(*tuple(_d.values())))

</pallas_src>

<mosaic_0001>
#map = affine_map<(d0, d1) -> (0, 0)>
#map1 = affine_map<(d0, d1) -> (0, 0, 0)>
module attributes {stable_mosaic.version = 14 : i64} {
  func.func @_sc_edge_pass(%arg0: i32, %arg1: i32, %arg2: memref<10240x128xf32, #tpu.memory_space<hbm>>, %arg3: memref<10240x128xf32, #tpu.memory_space<hbm>>, %arg4: memref<5184x64xi32, #tpu.memory_space<hbm>>, %arg5: memref<5184x64xi32, #tpu.memory_space<hbm>>, %arg6: memref<5184x256xf32, #tpu.memory_space<hbm>>, %arg7: memref<4x128xf32, #tpu.memory_space<hbm>>, %arg8: memref<8x16xf32, #tpu.memory_space<hbm>>, %arg9: memref<2x10240x128xf32, #tpu.memory_space<hbm>>, %arg10: memref<2x640x128xf32, #tpu.memory_space<hbm>>, %arg11: memref<64xi32, #tpu.memory_space<vmem>>, %arg12: memref<64xi32, #tpu.memory_space<vmem>>, %arg13: memref<64xi32, #tpu.memory_space<vmem>>, %arg14: memref<272xf32, #tpu.memory_space<vmem>>, %arg15: memref<64x128xf32, #tpu.memory_space<vmem>>, %arg16: memref<64x128xf32, #tpu.memory_space<vmem>>, %arg17: memref<64x128xf32, #tpu.memory_space<vmem>>, %arg18: memref<64x128xf32, #tpu.memory_space<vmem>>, %arg19: memref<4x128xf32, #tpu.memory_space<vmem>>, %arg20: memref<8x16xf32, #tpu.memory_space<vmem>>, %arg21: memref<10880x128xf32, #tpu.memory_space<vmem_shared>>, %arg22: memref<!tpu.dma_semaphore, #tpu.memory_space<semaphore_mem>>, %arg23: memref<!tpu.dma_semaphore, #tpu.memory_space<semaphore_mem>>) attributes {dimension_semantics = [#tpu.dimension_semantics<core_parallel>, #tpu.dimension_semantics<subcore_parallel>], iteration_bounds = array<i64: 2, 16>, scalar_prefetch = 0 : i64, scratch_operands = 13 : i64, tpu.core_type = #tpu.core_type<sc_vector_subcore>, window_params = [{transform_indices = #map}, {transform_indices = #map}, {transform_indices = #map}, {transform_indices = #map}, {transform_indices = #map}, {transform_indices = #map}, {transform_indices = #map}, {transform_indices = #map1}, {transform_indices = #map1}]} {
    %mul3A = arith.constant 16 : i32
    %mul3A_0 = arith.muli %arg0, %mul3A : i32
    %add3A = arith.addi %mul3A_0, %arg1 : i32
    "tpu.region"() ({
      %run_scoped3A = tpu.sem_alloc : memref<!tpu.dma_semaphore, #tpu.memory_space<semaphore_mem>>
      tpu.enqueue_dma source(%arg7 : memref<4x128xf32, #tpu.memory_space<hbm>>) target(%arg19 : memref<4x128xf32, #tpu.memory_space<vmem>>) target_semaphore(%run_scoped3A : memref<!tpu.dma_semaphore, #tpu.memory_space<semaphore_mem>>)
      tpu.wait_dma2 semaphore(%run_scoped3A : memref<!tpu.dma_semaphore, #tpu.memory_space<semaphore_mem>>) src(%arg7 : memref<4x128xf32, #tpu.memory_space<hbm>>) dst(%arg19 : memref<4x128xf32, #tpu.memory_space<vmem>>)
      tpu.yield
    }) : () -> ()
    "tpu.region"() ({
      %run_scoped3A = tpu.sem_alloc : memref<!tpu.dma_semaphore, #tpu.memory_space<semaphore_mem>>
      tpu.enqueue_dma source(%arg8 : memref<8x16xf32, #tpu.memory_space<hbm>>) target(%arg20 : memref<8x16xf32, #tpu.memory_space<vmem>>) target_semaphore(%run_scoped3A : memref<!tpu.dma_semaphore, #tpu.memory_space<semaphore_mem>>)
      tpu.wait_dma2 semaphore(%run_scoped3A : memref<!tpu.dma_semaphore, #tpu.memory_space<semaphore_mem>>) src(%arg8 : memref<8x16xf32, #tpu.memory_space<hbm>>) dst(%arg20 : memref<8x16xf32, #tpu.memory_space<vmem>>)
      tpu.yield
    }) : () -> ()
    %broadcast_in_dim3A = arith.constant 0.000000e+00 : f32
    %broadcast_in_dim3A_1 = vector.broadcast %broadcast_in_dim3A : f32 to vector<16xf32>
    %scan3A = arith.constant 0 : i32
    %scan3A_2 = arith.constant 0 : i32
    %scan3A_3 = arith.constant 64 : i32
    %scan3A_4 = arith.addi %scan3A_2, %scan3A_3 : i32
    %scan3A_5 = arith.constant 1 : i32
    %scan3A_6 = scf.for %scan3A_51 = %scan3A_2 to %scan3A_4 step %scan3A_5 iter_args(%scan3A_52 = %scan3A) -> (i32)  : i32 {
      %swap3A = arith.index_cast %scan3A_51 : i32 to index
      %swap3A_53 = arith.constant 0 : index
      %swap3A_54 = tpu.vector_load %arg17[%swap3A, %swap3A_53] {strides = array<i32>} : memref<64x128xf32, #tpu.memory_space<vmem>>, vector<16xf32>,
      tpu.vector_store %arg17[%swap3A, %swap3A_53], %broadcast_in_dim3A_1 {strides = array<i32>} : memref<64x128xf32, #tpu.memory_space<vmem>>, vector<16xf32>,
      %swap3A_55 = arith.index_cast %scan3A_51 : i32 to index
      %swap3A_56 = arith.constant 16 : index
      %swap3A_57 = tpu.vector_load %arg17[%swap3A_55, %swap3A_56] {strides = array<i32>} : memref<64x128xf32, #tpu.memory_space<vmem>>, vector<16xf32>,
      tpu.vector_store %arg17[%swap3A_55, %swap3A_56], %broadcast_in_dim3A_1 {strides = array<i32>} : memref<64x128xf32, #tpu.memory_space<vmem>>, vector<16xf32>,
      %swap3A_58 = arith.index_cast %scan3A_51 : i32 to index
      %swap3A_59 = arith.constant 32 : index
      %swap3A_60 = tpu.vector_load %arg17[%swap3A_58, %swap3A_59] {strides = array<i32>} : memref<64x128xf32, #tpu.memory_space<vmem>>, vector<16xf32>,
      tpu.vector_store %arg17[%swap3A_58, %swap3A_59], %broadcast_in_dim3A_1 {strides = array<i32>} : memref<64x128xf32, #tpu.memory_space<vmem>>, vector<16xf32>,
      %swap3A_61 = arith.index_cast %scan3A_51 : i32 to index
      %swap3A_62 = arith.constant 48 : index
      %swap3A_63 = tpu.vector_load %arg17[%swap3A_61, %swap3A_62] {strides = array<i32>} : memref<64x128xf32, #tpu.memory_space<vmem>>, vector<16xf32>,
      tpu.vector_store %arg17[%swap3A_61, %swap3A_62], %broadcast_in_dim3A_1 {strides = array<i32>} : memref<64x128xf32, #tpu.memory_space<vmem>>, vector<16xf32>,
      %swap3A_64 = arith.index_cast %scan3A_51 : i32 to index
      %swap3A_65 = arith.constant 64 : index
      %swap3A_66 = tpu.vector_load %arg17[%swap3A_64, %swap3A_65] {strides = array<i32>} : memref<64x128xf32, #tpu.memory_space<vmem>>, vector<16xf32>,
      tpu.vector_store %arg17[%swap3A_64, %swap3A_65], %broadcast_in_dim3A_1 {strides = array<i32>} : memref<64x128xf32, #tpu.memory_space<vmem>>, vector<16xf32>,
      %swap3A_67 = arith.index_cast %scan3A_51 : i32 to index
      %swap3A_68 = arith.constant 80 : index
      %swap3A_69 = tpu.vector_load %arg17[%swap3A_67, %swap3A_68] {strides = array<i32>} : memref<64x128xf32, #tpu.memory_space<vmem>>, vector<16xf32>,
      tpu.vector_store %arg17[%swap3A_67, %swap3A_68], %broadcast_in_dim3A_1 {strides = array<i32>} : memref<64x128xf32, #tpu.memory_space<vmem>>, vector<16xf32>,
      %swap3A_70 = arith.index_cast %scan3A_51 : i32 to index
      %swap3A_71 = arith.constant 96 : index
      %swap3A_72 = tpu.vector_load %arg17[%swap3A_70, %swap3A_71] {strides = array<i32>} : memref<64x128xf32, #tpu.memory_space<vmem>>, vector<16xf32>,
      tpu.vector_store %arg17[%swap3A_70, %swap3A_71], %broadcast_in_dim3A_1 {strides = array<i32>} : memref<64x128xf32, #tpu.memory_space<vmem>>, vector<16xf32>,
      %swap3A_73 = arith.index_cast %scan3A_51 : i32 to index
      %swap3A_74 = arith.constant 112 : index
      %swap3A_75 = tpu.vector_load %arg17[%swap3A_73, %swap3A_74] {strides = array<i32>} : memref<64x128xf32, #tpu.memory_space<vmem>>, vector<16xf32>,
      tpu.vector_store %arg17[%swap3A_73, %swap3A_74], %broadcast_in_dim3A_1 {strides = array<i32>} : memref<64x128xf32, #tpu.memory_space<vmem>>, vector<16xf32>,
      %scan3A_76 = arith.constant 0 : i32
      scf.yield %scan3A_76 : i32
    }
    %scan3A_7 = arith.constant 64 : i32
    %mul3A_8 = arith.constant 680 : i32
    %mul3A_9 = arith.muli %arg1, %mul3A_8 : i32
    %add3A_10 = arith.constant 0 : i32
    %add3A_11 = arith.addi %mul3A_9, %add3A_10 : i32
    "tpu.region"() ({
      %run_scoped3A = tpu.sem_alloc : memref<!tpu.dma_semaphore, #tpu.memory_space<semaphore_mem>>
      %dma_start3A = arith.constant 0 : i32
      %dma_start3A_51 = tpu.memref_slice %arg21[%add3A_11, %dma_start3A] : memref<10880x128xf32, #tpu.memory_space<vmem_shared>> -> memref<64x128xf32, #tpu.memory_space<vmem_shared>>
      %dma_start3A_52 = arith.constant 0 : i32
      %dma_start3A_53 = tpu.memref_slice %arg21[%add3A_11, %dma_start3A_52] : memref<10880x128xf32, #tpu.memory_space<vmem_shared>> -> memref<64x128xf32, #tpu.memory_space<vmem_shared>>
      tpu.enqueue_dma source(%arg17 : memref<64x128xf32, #tpu.memory_space<vmem>>) target(%dma_start3A_53 : memref<64x128xf32, #tpu.memory_space<vmem_shared>>) target_semaphore(%run_scoped3A : memref<!tpu.dma_semaphore, #tpu.memory_space<semaphore_mem>>)
      %dma_wait3A = arith.constant 0 : i32
      %dma_wait3A_54 = tpu.memref_slice %arg21[%add3A_11, %dma_wait3A] : memref<10880x128xf32, #tpu.memory_space<vmem_shared>> -> memref<64x128xf32, #tpu.memory_space<vmem_shared>>
      %dma_wait3A_55 = arith.constant 0 : i32
      %dma_wait3A_56 = tpu.memref_slice %arg21[%add3A_11, %dma_wait3A_55] : memref<10880x128xf32, #tpu.memory_space<vmem_shared>> -> memref<64x128xf32, #tpu.memory_space<vmem_shared>>
      tpu.wait_dma2 semaphore(%run_scoped3A : memref<!tpu.dma_semaphore, #tpu.memory_space<semaphore_mem>>) src(%arg17 : memref<64x128xf32, #tpu.memory_space<vmem>>) dst(%dma_wait3A_56 : memref<64x128xf32, #tpu.memory_space<vmem_shared>>)
      tpu.yield
    }) : () -> ()
    %add3A_12 = arith.constant 64 : i32
    %add3A_13 = arith.addi %mul3A_9, %add3A_12 : i32
    "tpu.region"() ({
      %run_scoped3A = tpu.sem_alloc : memref<!tpu.dma_semaphore, #tpu.memory_space<semaphore_mem>>
      %dma_start3A = arith.constant 0 : i32
      %dma_start3A_51 = tpu.memref_slice %arg21[%add3A_13, %dma_start3A] : memref<10880x128xf32, #tpu.memory_space<vmem_shared>> -> memref<64x128xf32, #tpu.memory_space<vmem_shared>>
      %dma_start3A_52 = arith.constant 0 : i32
      %dma_start3A_53 = tpu.memref_slice %arg21[%add3A_13, %dma_start3A_52] : memref<10880x128xf32, #tpu.memory_space<vmem_shared>> -> memref<64x128xf32, #tpu.memory_space<vmem_shared>>
      tpu.enqueue_dma source(%arg17 : memref<64x128xf32, #tpu.memory_space<vmem>>) target(%dma_start3A_53 : memref<64x128xf32, #tpu.memory_space<vmem_shared>>) target_semaphore(%run_scoped3A : memref<!tpu.dma_semaphore, #tpu.memory_space<semaphore_mem>>)
      %dma_wait3A = arith.constant 0 : i32
      %dma_wait3A_54 = tpu.memref_slice %arg21[%add3A_13, %dma_wait3A] : memref<10880x128xf32, #tpu.memory_space<vmem_shared>> -> memref<64x128xf32, #tpu.memory_space<vmem_shared>>
      %dma_wait3A_55 = arith.constant 0 : i32
      %dma_wait3A_56 = tpu.memref_slice %arg21[%add3A_13, %dma_wait3A_55] : memref<10880x128xf32, #tpu.memory_space<vmem_shared>> -> memref<64x128xf32, #tpu.memory_space<vmem_shared>>
      tpu.wait_dma2 semaphore(%run_scoped3A : memref<!tpu.dma_semaphore, #tpu.memory_space<semaphore_mem>>) src(%arg17 : memref<64x128xf32, #tpu.memory_space<vmem>>) dst(%dma_wait3A_56 : memref<64x128xf32, #tpu.memory_space<vmem_shared>>)
      tpu.yield
    }) : () -> ()
    %add3A_14 = arith.constant 128 : i32
    %add3A_15 = arith.addi %mul3A_9, %add3A_14 : i32
    "tpu.region"() ({
      %run_scoped3A = tpu.sem_alloc : memref<!tpu.dma_semaphore, #tpu.memory_space<semaphore_mem>>
      %dma_start3A = arith.constant 0 : i32
      %dma_start3A_51 = tpu.memref_slice %arg21[%add3A_15, %dma_start3A] : memref<10880x128xf32, #tpu.memory_space<vmem_shared>> -> memref<64x128xf32, #tpu.memory_space<vmem_shared>>
      %dma_start3A_52 = arith.constant 0 : i32
      %dma_start3A_53 = tpu.memref_slice %arg21[%add3A_15, %dma_start3A_52] : memref<10880x128xf32, #tpu.memory_space<vmem_shared>> -> memref<64x128xf32, #tpu.memory_space<vmem_shared>>
      tpu.enqueue_dma source(%arg17 : memref<64x128xf32, #tpu.memory_space<vmem>>) target(%dma_start3A_53 : memref<64x128xf32, #tpu.memory_space<vmem_shared>>) target_semaphore(%run_scoped3A : memref<!tpu.dma_semaphore, #tpu.memory_space<semaphore_mem>>)
      %dma_wait3A = arith.constant 0 : i32
      %dma_wait3A_54 = tpu.memref_slice %arg21[%add3A_15, %dma_wait3A] : memref<10880x128xf32, #tpu.memory_space<vmem_shared>> -> memref<64x128xf32, #tpu.memory_space<vmem_shared>>
      %dma_wait3A_55 = arith.constant 0 : i32
      %dma_wait3A_56 = tpu.memref_slice %arg21[%add3A_15, %dma_wait3A_55] : memref<10880x128xf32, #tpu.memory_space<vmem_shared>> -> memref<64x128xf32, #tpu.memory_space<vmem_shared>>
      tpu.wait_dma2 semaphore(%run_scoped3A : memref<!tpu.dma_semaphore, #tpu.memory_space<semaphore_mem>>) src(%arg17 : memref<64x128xf32, #tpu.memory_space<vmem>>) dst(%dma_wait3A_56 : memref<64x128xf32, #tpu.memory_space<vmem_shared>>)
      tpu.yield
    }) : () -> ()
    %add3A_16 = arith.constant 192 : i32
    %add3A_17 = arith.addi %mul3A_9, %add3A_16 : i32
    "tpu.region"() ({
      %run_scoped3A = tpu.sem_alloc : memref<!tpu.dma_semaphore, #tpu.memory_space<semaphore_mem>>
      %dma_start3A = arith.constant 0 : i32
      %dma_start3A_51 = tpu.memref_slice %arg21[%add3A_17, %dma_start3A] : memref<10880x128xf32, #tpu.memory_space<vmem_shared>> -> memref<64x128xf32, #tpu.memory_space<vmem_shared>>
      %dma_start3A_52 = arith.constant 0 : i32
      %dma_start3A_53 = tpu.memref_slice %arg21[%add3A_17, %dma_start3A_52] : memref<10880x128xf32, #tpu.memory_space<vmem_shared>> -> memref<64x128xf32, #tpu.memory_space<vmem_shared>>
      tpu.enqueue_dma source(%arg17 : memref<64x128xf32, #tpu.memory_space<vmem>>) target(%dma_start3A_53 : memref<64x128xf32, #tpu.memory_space<vmem_shared>>) target_semaphore(%run_scoped3A : memref<!tpu.dma_semaphore, #tpu.memory_space<semaphore_mem>>)
      %dma_wait3A = arith.constant 0 : i32
      %dma_wait3A_54 = tpu.memref_slice %arg21[%add3A_17, %dma_wait3A] : memref<10880x128xf32, #tpu.memory_space<vmem_shared>> -> memref<64x128xf32, #tpu.memory_space<vmem_shared>>
      %dma_wait3A_55 = arith.constant 0 : i32
      %dma_wait3A_56 = tpu.memref_slice %arg21[%add3A_17, %dma_wait3A_55] : memref<10880x128xf32, #tpu.memory_space<vmem_shared>> -> memref<64x128xf32, #tpu.memory_space<vmem_shared>>
      tpu.wait_dma2 semaphore(%run_scoped3A : memref<!tpu.dma_semaphore, #tpu.memory_space<semaphore_mem>>) src(%arg17 : memref<64x128xf32, #tpu.memory_space<vmem>>) dst(%dma_wait3A_56 : memref<64x128xf32, #tpu.memory_space<vmem_shared>>)
      tpu.yield
    }) : () -> ()
    %add3A_18 = arith.constant 256 : i32
    %add3A_19 = arith.addi %mul3A_9, %add3A_18 : i32
    "tpu.region"() ({
      %run_scoped3A = tpu.sem_alloc : memref<!tpu.dma_semaphore, #tpu.memory_space<semaphore_mem>>
      %dma_start3A = arith.constant 0 : i32
      %dma_start3A_51 = tpu.memref_slice %arg21[%add3A_19, %dma_start3A] : memref<10880x128xf32, #tpu.memory_space<vmem_shared>> -> memref<64x128xf32, #tpu.memory_space<vmem_shared>>
      %dma_start3A_52 = arith.constant 0 : i32
      %dma_start3A_53 = tpu.memref_slice %arg21[%add3A_19, %dma_start3A_52] : memref<10880x128xf32, #tpu.memory_space<vmem_shared>> -> memref<64x128xf32, #tpu.memory_space<vmem_shared>>
      tpu.enqueue_dma source(%arg17 : memref<64x128xf32, #tpu.memory_space<vmem>>) target(%dma_start3A_53 : memref<64x128xf32, #tpu.memory_space<vmem_shared>>) target_semaphore(%run_scoped3A : memref<!tpu.dma_semaphore, #tpu.memory_space<semaphore_mem>>)
      %dma_wait3A = arith.constant 0 : i32
      %dma_wait3A_54 = tpu.memref_slice %arg21[%add3A_19, %dma_wait3A] : memref<10880x128xf32, #tpu.memory_space<vmem_shared>> -> memref<64x128xf32, #tpu.memory_space<vmem_shared>>
      %dma_wait3A_55 = arith.constant 0 : i32
      %dma_wait3A_56 = tpu.memref_slice %arg21[%add3A_19, %dma_wait3A_55] : memref<10880x128xf32, #tpu.memory_space<vmem_shared>> -> memref<64x128xf32, #tpu.memory_space<vmem_shared>>
      tpu.wait_dma2 semaphore(%run_scoped3A : memref<!tpu.dma_semaphore, #tpu.memory_space<semaphore_mem>>) src(%arg17 : memref<64x128xf32, #tpu.memory_space<vmem>>) dst(%dma_wait3A_56 : memref<64x128xf32, #tpu.memory_space<vmem_shared>>)
      tpu.yield
    }) : () -> ()
    %add3A_20 = arith.constant 320 : i32
    %add3A_21 = arith.addi %mul3A_9, %add3A_20 : i32
    "tpu.region"() ({
      %run_scoped3A = tpu.sem_alloc : memref<!tpu.dma_semaphore, #tpu.memory_space<semaphore_mem>>
      %dma_start3A = arith.constant 0 : i32
      %dma_start3A_51 = tpu.memref_slice %arg21[%add3A_21, %dma_start3A] : memref<10880x128xf32, #tpu.memory_space<vmem_shared>> -> memref<64x128xf32, #tpu.memory_space<vmem_shared>>
      %dma_start3A_52 = arith.constant 0 : i32
      %dma_start3A_53 = tpu.memref_slice %arg21[%add3A_21, %dma_start3A_52] : memref<10880x128xf32, #tpu.memory_space<vmem_shared>> -> memref<64x128xf32, #tpu.memory_space<vmem_shared>>
      tpu.enqueue_dma source(%arg17 : memref<64x128xf32, #tpu.memory_space<vmem>>) target(%dma_start3A_53 : memref<64x128xf32, #tpu.memory_space<vmem_shared>>) target_semaphore(%run_scoped3A : memref<!tpu.dma_semaphore, #tpu.memory_space<semaphore_mem>>)
      %dma_wait3A = arith.constant 0 : i32
      %dma_wait3A_54 = tpu.memref_slice %arg21[%add3A_21, %dma_wait3A] : memref<10880x128xf32, #tpu.memory_space<vmem_shared>> -> memref<64x128xf32, #tpu.memory_space<vmem_shared>>
      %dma_wait3A_55 = arith.constant 0 : i32
      %dma_wait3A_56 = tpu.memref_slice %arg21[%add3A_21, %dma_wait3A_55] : memref<10880x128xf32, #tpu.memory_space<vmem_shared>> -> memref<64x128xf32, #tpu.memory_space<vmem_shared>>
      tpu.wait_dma2 semaphore(%run_scoped3A : memref<!tpu.dma_semaphore, #tpu.memory_space<semaphore_mem>>) src(%arg17 : memref<64x128xf32, #tpu.memory_space<vmem>>) dst(%dma_wait3A_56 : memref<64x128xf32, #tpu.memory_space<vmem_shared>>)
      tpu.yield
    }) : () -> ()
    %add3A_22 = arith.constant 384 : i32
    %add3A_23 = arith.addi %mul3A_9, %add3A_22 : i32
    "tpu.region"() ({
      %run_scoped3A = tpu.sem_alloc : memref<!tpu.dma_semaphore, #tpu.memory_space<semaphore_mem>>
      %dma_start3A = arith.constant 0 : i32
      %dma_start3A_51 = tpu.memref_slice %arg21[%add3A_23, %dma_start3A] : memref<10880x128xf32, #tpu.memory_space<vmem_shared>> -> memref<64x128xf32, #tpu.memory_space<vmem_shared>>
      %dma_start3A_52 = arith.constant 0 : i32
      %dma_start3A_53 = tpu.memref_slice %arg21[%add3A_23, %dma_start3A_52] : memref<10880x128xf32, #tpu.memory_space<vmem_shared>> -> memref<64x128xf32, #tpu.memory_space<vmem_shared>>
      tpu.enqueue_dma source(%arg17 : memref<64x128xf32, #tpu.memory_space<vmem>>) target(%dma_start3A_53 : memref<64x128xf32, #tpu.memory_space<vmem_shared>>) target_semaphore(%run_scoped3A : memref<!tpu.dma_semaphore, #tpu.memory_space<semaphore_mem>>)
      %dma_wait3A = arith.constant 0 : i32
      %dma_wait3A_54 = tpu.memref_slice %arg21[%add3A_23, %dma_wait3A] : memref<10880x128xf32, #tpu.memory_space<vmem_shared>> -> memref<64x128xf32, #tpu.memory_space<vmem_shared>>
      %dma_wait3A_55 = arith.constant 0 : i32
      %dma_wait3A_56 = tpu.memref_slice %arg21[%add3A_23, %dma_wait3A_55] : memref<10880x128xf32, #tpu.memory_space<vmem_shared>> -> memref<64x128xf32, #tpu.memory_space<vmem_shared>>
      tpu.wait_dma2 semaphore(%run_scoped3A : memref<!tpu.dma_semaphore, #tpu.memory_space<semaphore_mem>>) src(%arg17 : memref<64x128xf32, #tpu.memory_space<vmem>>) dst(%dma_wait3A_56 : memref<64x128xf32, #tpu.memory_space<vmem_shared>>)
      tpu.yield
    }) : () -> ()
    %add3A_24 = arith.constant 448 : i32
    %add3A_25 = arith.addi %mul3A_9, %add3A_24 : i32
    "tpu.region"() ({
      %run_scoped3A = tpu.sem_alloc : memref<!tpu.dma_semaphore, #tpu.memory_space<semaphore_mem>>
      %dma_start3A = arith.constant 0 : i32
      %dma_start3A_51 = tpu.memref_slice %arg21[%add3A_25, %dma_start3A] : memref<10880x128xf32, #tpu.memory_space<vmem_shared>> -> memref<64x128xf32, #tpu.memory_space<vmem_shared>>
      %dma_start3A_52 = arith.constant 0 : i32
      %dma_start3A_53 = tpu.memref_slice %arg21[%add3A_25, %dma_start3A_52] : memref<10880x128xf32, #tpu.memory_space<vmem_shared>> -> memref<64x128xf32, #tpu.memory_space<vmem_shared>>
      tpu.enqueue_dma source(%arg17 : memref<64x128xf32, #tpu.memory_space<vmem>>) target(%dma_start3A_53 : memref<64x128xf32, #tpu.memory_space<vmem_shared>>) target_semaphore(%run_scoped3A : memref<!tpu.dma_semaphore, #tpu.memory_space<semaphore_mem>>)
      %dma_wait3A = arith.constant 0 : i32
      %dma_wait3A_54 = tpu.memref_slice %arg21[%add3A_25, %dma_wait3A] : memref<10880x128xf32, #tpu.memory_space<vmem_shared>> -> memref<64x128xf32, #tpu.memory_space<vmem_shared>>
      %dma_wait3A_55 = arith.constant 0 : i32
      %dma_wait3A_56 = tpu.memref_slice %arg21[%add3A_25, %dma_wait3A_55] : memref<10880x128xf32, #tpu.memory_space<vmem_shared>> -> memref<64x128xf32, #tpu.memory_space<vmem_shared>>
      tpu.wait_dma2 semaphore(%run_scoped3A : memref<!tpu.dma_semaphore, #tpu.memory_space<semaphore_mem>>) src(%arg17 : memref<64x128xf32, #tpu.memory_space<vmem>>) dst(%dma_wait3A_56 : memref<64x128xf32, #tpu.memory_space<vmem_shared>>)
      tpu.yield
    }) : () -> ()
    %add3A_26 = arith.constant 512 : i32
    %add3A_27 = arith.addi %mul3A_9, %add3A_26 : i32
    "tpu.region"() ({
      %run_scoped3A = tpu.sem_alloc : memref<!tpu.dma_semaphore, #tpu.memory_space<semaphore_mem>>
      %dma_start3A = arith.constant 0 : i32
      %dma_start3A_51 = tpu.memref_slice %arg21[%add3A_27, %dma_start3A] : memref<10880x128xf32, #tpu.memory_space<vmem_shared>> -> memref<64x128xf32, #tpu.memory_space<vmem_shared>>
      %dma_start3A_52 = arith.constant 0 : i32
      %dma_start3A_53 = tpu.memref_slice %arg21[%add3A_27, %dma_start3A_52] : memref<10880x128xf32, #tpu.memory_space<vmem_shared>> -> memref<64x128xf32, #tpu.memory_space<vmem_shared>>
      tpu.enqueue_dma source(%arg17 : memref<64x128xf32, #tpu.memory_space<vmem>>) target(%dma_start3A_53 : memref<64x128xf32, #tpu.memory_space<vmem_shared>>) target_semaphore(%run_scoped3A : memref<!tpu.dma_semaphore, #tpu.memory_space<semaphore_mem>>)
      %dma_wait3A = arith.constant 0 : i32
      %dma_wait3A_54 = tpu.memref_slice %arg21[%add3A_27, %dma_wait3A] : memref<10880x128xf32, #tpu.memory_space<vmem_shared>> -> memref<64x128xf32, #tpu.memory_space<vmem_shared>>
      %dma_wait3A_55 = arith.constant 0 : i32
      %dma_wait3A_56 = tpu.memref_slice %arg21[%add3A_27, %dma_wait3A_55] : memref<10880x128xf32, #tpu.memory_space<vmem_shared>> -> memref<64x128xf32, #tpu.memory_space<vmem_shared>>
      tpu.wait_dma2 semaphore(%run_scoped3A : memref<!tpu.dma_semaphore, #tpu.memory_space<semaphore_mem>>) src(%arg17 : memref<64x128xf32, #tpu.memory_space<vmem>>) dst(%dma_wait3A_56 : memref<64x128xf32, #tpu.memory_space<vmem_shared>>)
      tpu.yield
    }) : () -> ()
    %add3A_28 = arith.constant 576 : i32
    %add3A_29 = arith.addi %mul3A_9, %add3A_28 : i32
    "tpu.region"() ({
      %run_scoped3A = tpu.sem_alloc : memref<!tpu.dma_semaphore, #tpu.memory_space<semaphore_mem>>
      %dma_start3A = arith.constant 0 : i32
      %dma_start3A_51 = tpu.memref_slice %arg21[%add3A_29, %dma_start3A] : memref<10880x128xf32, #tpu.memory_space<vmem_shared>> -> memref<64x128xf32, #tpu.memory_space<vmem_shared>>
      %dma_start3A_52 = arith.constant 0 : i32
      %dma_start3A_53 = tpu.memref_slice %arg21[%add3A_29, %dma_start3A_52] : memref<10880x128xf32, #tpu.memory_space<vmem_shared>> -> memref<64x128xf32, #tpu.memory_space<vmem_shared>>
      tpu.enqueue_dma source(%arg17 : memref<64x128xf32, #tpu.memory_space<vmem>>) target(%dma_start3A_53 : memref<64x128xf32, #tpu.memory_space<vmem_shared>>) target_semaphore(%run_scoped3A : memref<!tpu.dma_semaphore, #tpu.memory_space<semaphore_mem>>)
      %dma_wait3A = arith.constant 0 : i32
      %dma_wait3A_54 = tpu.memref_slice %arg21[%add3A_29, %dma_wait3A] : memref<10880x128xf32, #tpu.memory_space<vmem_shared>> -> memref<64x128xf32, #tpu.memory_space<vmem_shared>>
      %dma_wait3A_55 = arith.constant 0 : i32
      %dma_wait3A_56 = tpu.memref_slice %arg21[%add3A_29, %dma_wait3A_55] : memref<10880x128xf32, #tpu.memory_space<vmem_shared>> -> memref<64x128xf32, #tpu.memory_space<vmem_shared>>
      tpu.wait_dma2 semaphore(%run_scoped3A : memref<!tpu.dma_semaphore, #tpu.memory_space<semaphore_mem>>) src(%arg17 : memref<64x128xf32, #tpu.memory_space<vmem>>) dst(%dma_wait3A_56 : memref<64x128xf32, #tpu.memory_space<vmem_shared>>)
      tpu.yield
    }) : () -> ()
    %add3A_30 = arith.constant 680 : i32
    %add3A_31 = arith.addi %mul3A_9, %add3A_30 : i32
    %sub3A = arith.constant 40 : i32
    %sub3A_32 = arith.subi %add3A_31, %sub3A : i32
    "tpu.region"() ({
      %run_scoped3A = tpu.sem_alloc : memref<!tpu.dma_semaphore, #tpu.memory_space<semaphore_mem>>
      %dma_start3A = arith.constant 0 : i32
      %dma_start3A_51 = arith.constant 0 : i32
      %dma_start3A_52 = tpu.memref_slice %arg17[%dma_start3A, %dma_start3A_51] : memref<64x128xf32, #tpu.memory_space<vmem>> -> memref<40x128xf32, #tpu.memory_space<vmem>>
      %dma_start3A_53 = arith.constant 0 : i32
      %dma_start3A_54 = tpu.memref_slice %arg21[%sub3A_32, %dma_start3A_53] : memref<10880x128xf32, #tpu.memory_space<vmem_shared>> -> memref<40x128xf32, #tpu.memory_space<vmem_shared>>
      %dma_start3A_55 = arith.constant 0 : i32
      %dma_start3A_56 = tpu.memref_slice %arg21[%sub3A_32, %dma_start3A_55] : memref<10880x128xf32, #tpu.memory_space<vmem_shared>> -> memref<40x128xf32, #tpu.memory_space<vmem_shared>>
      %dma_start3A_57 = arith.constant 0 : i32
      %dma_start3A_58 = arith.constant 0 : i32
      %dma_start3A_59 = tpu.memref_slice %arg17[%dma_start3A_57, %dma_start3A_58] : memref<64x128xf32, #tpu.memory_space<vmem>> -> memref<40x128xf32, #tpu.memory_space<vmem>>
      tpu.enqueue_dma source(%dma_start3A_59 : memref<40x128xf32, #tpu.memory_space<vmem>>) target(%dma_start3A_56 : memref<40x128xf32, #tpu.memory_space<vmem_shared>>) target_semaphore(%run_scoped3A : memref<!tpu.dma_semaphore, #tpu.memory_space<semaphore_mem>>)
      %dma_wait3A = arith.constant 0 : i32
      %dma_wait3A_60 = arith.constant 0 : i32
      %dma_wait3A_61 = tpu.memref_slice %arg17[%dma_wait3A, %dma_wait3A_60] : memref<64x128xf32, #tpu.memory_space<vmem>> -> memref<40x128xf32, #tpu.memory_space<vmem>>
      %dma_wait3A_62 = arith.constant 0 : i32
      %dma_wait3A_63 = tpu.memref_slice %arg21[%sub3A_32, %dma_wait3A_62] : memref<10880x128xf32, #tpu.memory_space<vmem_shared>> -> memref<40x128xf32, #tpu.memory_space<vmem_shared>>
      %dma_wait3A_64 = arith.constant 0 : i32
      %dma_wait3A_65 = tpu.memref_slice %arg21[%sub3A_32, %dma_wait3A_64] : memref<10880x128xf32, #tpu.memory_space<vmem_shared>> -> memref<40x128xf32, #tpu.memory_space<vmem_shared>>
      %dma_wait3A_66 = arith.constant 0 : i32
      %dma_wait3A_67 = arith.constant 0 : i32
      %dma_wait3A_68 = tpu.memref_slice %arg17[%dma_wait3A_66, %dma_wait3A_67] : memref<64x128xf32, #tpu.memory_space<vmem>> -> memref<40x128xf32, #tpu.memory_space<vmem>>
      tpu.wait_dma2 semaphore(%run_scoped3A : memref<!tpu.dma_semaphore, #tpu.memory_space<semaphore_mem>>) src(%dma_wait3A_68 : memref<40x128xf32, #tpu.memory_space<vmem>>) dst(%dma_wait3A_65 : memref<40x128xf32, #tpu.memory_space<vmem_shared>>)
      tpu.yield
    }) : () -> ()
    %barrier3A = arith.constant 0 : index
    tpu.barrier barrier_id(%barrier3A)
    %iota3A = tpu.iota {dimensions = array<i32: 0>} : vector<16xi32>
    %scan3A_33 = arith.constant 0 : i32
    %scan3A_34 = arith.constant 0 : i32
    %scan3A_35 = arith.constant 162 : i32
    %scan3A_36 = arith.addi %scan3A_34, %scan3A_35 : i32
    %scan3A_37 = arith.constant 1 : i32
    %scan3A_38 = scf.for %scan3A_51 = %scan3A_34 to %scan3A_36 step %scan3A_37 iter_args(%scan3A_52 = %scan3A_33) -> (i32)  : i32 {
      %mul3A_53 = arith.constant 162 : i32
      %mul3A_54 = arith.muli %add3A, %mul3A_53 : i32
      %add3A_55 = arith.addi %mul3A_54, %scan3A_51 : i32
      "tpu.region"() ({
        %run_scoped3A = tpu.sem_alloc : memref<!tpu.dma_semaphore, #tpu.memory_space<semaphore_mem>>
        %dma_start3A_111 = arith.constant 0 : i32
        %dma_start3A_112 = tpu.memref_slice %arg4[%add3A_55, %dma_start3A_111] : memref<5184x64xi32, #tpu.memory_space<hbm>> -> memref<1x64xi32, #tpu.memory_space<hbm>>
        %dma_start3A_113 = tpu.memref_squeeze %dma_start3A_112 : memref<1x64xi32, #tpu.memory_space<hbm>> -> memref<64xi32, #tpu.memory_space<hbm>>
        %dma_start3A_114 = arith.constant 0 : i32
        %dma_start3A_115 = tpu.memref_slice %arg4[%add3A_55, %dma_start3A_114] : memref<5184x64xi32, #tpu.memory_space<hbm>> -> memref<1x64xi32, #tpu.memory_space<hbm>>
        %dma_start3A_116 = tpu.memref_squeeze %dma_start3A_115 : memref<1x64xi32, #tpu.memory_space<hbm>> -> memref<64xi32, #tpu.memory_space<hbm>>
        tpu.enqueue_dma source(%dma_start3A_116 : memref<64xi32, #tpu.memory_space<hbm>>) target(%arg11 : memref<64xi32, #tpu.memory_space<vmem>>) target_semaphore(%run_scoped3A : memref<!tpu.dma_semaphore, #tpu.memory_space<semaphore_mem>>)
        %dma_wait3A_117 = arith.constant 0 : i32
        %dma_wait3A_118 = tpu.memref_slice %arg4[%add3A_55, %dma_wait3A_117] : memref<5184x64xi32, #tpu.memory_space<hbm>> -> memref<1x64xi32, #tpu.memory_space<hbm>>
        %dma_wait3A_119 = tpu.memref_squeeze %dma_wait3A_118 : memref<1x64xi32, #tpu.memory_space<hbm>> -> memref<64xi32, #tpu.memory_space<hbm>>
        %dma_wait3A_120 = arith.constant 0 : i32
        %dma_wait3A_121 = tpu.memref_slice %arg4[%add3A_55, %dma_wait3A_120] : memref<5184x64xi32, #tpu.memory_space<hbm>> -> memref<1x64xi32, #tpu.memory_space<hbm>>
        %dma_wait3A_122 = tpu.memref_squeeze %dma_wait3A_121 : memref<1x64xi32, #tpu.memory_space<hbm>> -> memref<64xi32, #tpu.memory_space<hbm>>
        tpu.wait_dma2 semaphore(%run_scoped3A : memref<!tpu.dma_semaphore, #tpu.memory_space<semaphore_mem>>) src(%dma_wait3A_122 : memref<64xi32, #tpu.memory_space<hbm>>) dst(%arg11 : memref<64xi32, #tpu.memory_space<vmem>>)
        tpu.yield
      }) : () -> ()
      "tpu.region"() ({
        %run_scoped3A = tpu.sem_alloc : memref<!tpu.dma_semaphore, #tpu.memory_space<semaphore_mem>>
        %dma_start3A_111 = arith.constant 0 : i32
        %dma_start3A_112 = tpu.memref_slice %arg5[%add3A_55, %dma_start3A_111] : memref<5184x64xi32, #tpu.memory_space<hbm>> -> memref<1x64xi32, #tpu.memory_space<hbm>>
        %dma_start3A_113 = tpu.memref_squeeze %dma_start3A_112 : memref<1x64xi32, #tpu.memory_space<hbm>> -> memref<64xi32, #tpu.memory_space<hbm>>
        %dma_start3A_114 = arith.constant 0 : i32
        %dma_start3A_115 = tpu.memref_slice %arg5[%add3A_55, %dma_start3A_114] : memref<5184x64xi32, #tpu.memory_space<hbm>> -> memref<1x64xi32, #tpu.memory_space<hbm>>
        %dma_start3A_116 = tpu.memref_squeeze %dma_start3A_115 : memref<1x64xi32, #tpu.memory_space<hbm>> -> memref<64xi32, #tpu.memory_space<hbm>>
        tpu.enqueue_dma source(%dma_start3A_116 : memref<64xi32, #tpu.memory_space<hbm>>) target(%arg12 : memref<64xi32, #tpu.memory_space<vmem>>) target_semaphore(%run_scoped3A : memref<!tpu.dma_semaphore, #tpu.memory_space<semaphore_mem>>)
        %dma_wait3A_117 = arith.constant 0 : i32
        %dma_wait3A_118 = tpu.memref_slice %arg5[%add3A_55, %dma_wait3A_117] : memref<5184x64xi32, #tpu.memory_space<hbm>> -> memref<1x64xi32, #tpu.memory_space<hbm>>
        %dma_wait3A_119 = tpu.memref_squeeze %dma_wait3A_118 : memref<1x64xi32, #tpu.memory_space<hbm>> -> memref<64xi32, #tpu.memory_space<hbm>>
        %dma_wait3A_120 = arith.constant 0 : i32
        %dma_wait3A_121 = tpu.memref_slice %arg5[%add3A_55, %dma_wait3A_120] : memref<5184x64xi32, #tpu.memory_space<hbm>> -> memref<1x64xi32, #tpu.memory_space<hbm>>
        %dma_wait3A_122 = tpu.memref_squeeze %dma_wait3A_121 : memref<1x64xi32, #tpu.memory_space<hbm>> -> memref<64xi32, #tpu.memory_space<hbm>>
        tpu.wait_dma2 semaphore(%run_scoped3A : memref<!tpu.dma_semaphore, #tpu.memory_space<semaphore_mem>>) src(%dma_wait3A_122 : memref<64xi32, #tpu.memory_space<hbm>>) dst(%arg12 : memref<64xi32, #tpu.memory_space<vmem>>)
        tpu.yield
      }) : () -> ()
      "tpu.region"() ({
        %run_scoped3A = tpu.sem_alloc : memref<!tpu.dma_semaphore, #tpu.memory_space<semaphore_mem>>
        %dma_start3A_111 = arith.constant 0 : i32
        %dma_start3A_112 = tpu.memref_slice %arg14[%dma_start3A_111] : memref<272xf32, #tpu.memory_space<vmem>> -> memref<256xf32, #tpu.memory_space<vmem>>
        %dma_start3A_113 = arith.constant 0 : i32
        %dma_start3A_114 = tpu.memref_slice %arg6[%add3A_55, %dma_start3A_113] : memref<5184x256xf32, #tpu.memory_space<hbm>> -> memref<1x256xf32, #tpu.memory_space<hbm>>
        %dma_start3A_115 = tpu.memref_squeeze %dma_start3A_114 : memref<1x256xf32, #tpu.memory_space<hbm>> -> memref<256xf32, #tpu.memory_space<hbm>>
        %dma_start3A_116 = arith.constant 0 : i32
        %dma_start3A_117 = tpu.memref_slice %arg14[%dma_start3A_116] : memref<272xf32, #tpu.memory_space<vmem>> -> memref<256xf32, #tpu.memory_space<vmem>>
        %dma_start3A_118 = arith.constant 0 : i32
        %dma_start3A_119 = tpu.memref_slice %arg6[%add3A_55, %dma_start3A_118] : memref<5184x256xf32, #tpu.memory_space<hbm>> -> memref<1x256xf32, #tpu.memory_space<hbm>>
        %dma_start3A_120 = tpu.memref_squeeze %dma_start3A_119 : memref<1x256xf32, #tpu.memory_space<hbm>> -> memref<256xf32, #tpu.memory_space<hbm>>
        tpu.enqueue_dma source(%dma_start3A_120 : memref<256xf32, #tpu.memory_space<hbm>>) target(%dma_start3A_117 : memref<256xf32, #tpu.memory_space<vmem>>) target_semaphore(%run_scoped3A : memref<!tpu.dma_semaphore, #tpu.memory_space<semaphore_mem>>)
        %dma_wait3A_121 = arith.constant 0 : i32
        %dma_wait3A_122 = tpu.memref_slice %arg14[%dma_wait3A_121] : memref<272xf32, #tpu.memory_space<vmem>> -> memref<256xf32, #tpu.memory_space<vmem>>
        %dma_wait3A_123 = arith.constant 0 : i32
        %dma_wait3A_124 = tpu.memref_slice %arg6[%add3A_55, %dma_wait3A_123] : memref<5184x256xf32, #tpu.memory_space<hbm>> -> memref<1x256xf32, #tpu.memory_space<hbm>>
        %dma_wait3A_125 = tpu.memref_squeeze %dma_wait3A_124 : memref<1x256xf32, #tpu.memory_space<hbm>> -> memref<256xf32, #tpu.memory_space<hbm>>
        %dma_wait3A_126 = arith.constant 0 : i32
        %dma_wait3A_127 = tpu.memref_slice %arg14[%dma_wait3A_126] : memref<272xf32, #tpu.memory_space<vmem>> -> memref<256xf32, #tpu.memory_space<vmem>>
        %dma_wait3A_128 = arith.constant 0 : i32
        %dma_wait3A_129 = tpu.memref_slice %arg6[%add3A_55, %dma_wait3A_128] : memref<5184x256xf32, #tpu.memory_space<hbm>> -> memref<1x256xf32, #tpu.memory_space<hbm>>
        %dma_wait3A_130 = tpu.memref_squeeze %dma_wait3A_129 : memref<1x256xf32, #tpu.memory_space<hbm>> -> memref<256xf32, #tpu.memory_space<hbm>>
        tpu.wait_dma2 semaphore(%run_scoped3A : memref<!tpu.dma_semaphore, #tpu.memory_space<semaphore_mem>>) src(%dma_wait3A_130 : memref<256xf32, #tpu.memory_space<hbm>>) dst(%dma_wait3A_127 : memref<256xf32, #tpu.memory_space<vmem>>)
        tpu.yield
      }) : () -> ()
      %dma_start3A = arith.constant 0 : i32
      %dma_start3A_56 = arith.constant 0 : i32
      %dma_start3A_57 = tpu.memref_slice %arg2[%dma_start3A, %dma_start3A_56] : memref<10240x128xf32, #tpu.memory_space<hbm>> -> memref<10240x128xf32, #tpu.memory_space<hbm>>
      tpu.enqueue_indirect_dma source(%dma_start3A_57 : memref<10240x128xf32, #tpu.memory_space<hbm>>) target(%arg15 : memref<64x128xf32, #tpu.memory_space<vmem>>) offsets(%arg11 : memref<64xi32, #tpu.memory_space<vmem>>) semaphore(%arg22 : memref<!tpu.dma_semaphore, #tpu.memory_space<semaphore_mem>>)
      %dma_start3A_58 = arith.constant 0 : i32
      %dma_start3A_59 = arith.constant 0 : i32
      %dma_start3A_60 = tpu.memref_slice %arg3[%dma_start3A_58, %dma_start3A_59] : memref<10240x128xf32, #tpu.memory_space<hbm>> -> memref<10240x128xf32, #tpu.memory_space<hbm>>
      tpu.enqueue_indirect_dma source(%dma_start3A_60 : memref<10240x128xf32, #tpu.memory_space<hbm>>) target(%arg16 : memref<64x128xf32, #tpu.memory_space<vmem>>) offsets(%arg12 : memref<64xi32, #tpu.memory_space<vmem>>) semaphore(%arg23 : memref<!tpu.dma_semaphore, #tpu.memory_space<semaphore_mem>>)
      %dma_wait3A = arith.constant 0 : i32
      %dma_wait3A_61 = arith.constant 0 : i32
      %dma_wait3A_62 = tpu.memref_slice %arg2[%dma_wait3A, %dma_wait3A_61] : memref<10240x128xf32, #tpu.memory_space<hbm>> -> memref<10240x128xf32, #tpu.memory_space<hbm>>
      tpu.wait_indirect_dma semaphore(%arg22 : memref<!tpu.dma_semaphore, #tpu.memory_space<semaphore_mem>>) src(%dma_wait3A_62 : memref<10240x128xf32, #tpu.memory_space<hbm>>) dst(%arg15 : memref<64x128xf32, #tpu.memory_space<vmem>>)
      %dma_wait3A_63 = arith.constant 0 : i32
      %dma_wait3A_64 = arith.constant 0 : i32
      %dma_wait3A_65 = tpu.memref_slice %arg3[%dma_wait3A_63, %dma_wait3A_64] : memref<10240x128xf32, #tpu.memory_space<hbm>> -> memref<10240x128xf32, #tpu.memory_space<hbm>>
      tpu.wait_indirect_dma semaphore(%arg23 : memref<!tpu.dma_semaphore, #tpu.memory_space<semaphore_mem>>) src(%dma_wait3A_65 : memref<10240x128xf32, #tpu.memory_space<hbm>>) dst(%arg16 : memref<64x128xf32, #tpu.memory_space<vmem>>)
      %get3A = arith.constant 0 : index
      %get3A_66 = tpu.vector_load %arg12[%get3A] {strides = array<i32>} : memref<64xi32, #tpu.memory_space<vmem>>, vector<16xi32>,
      %shift_right_arithmetic3A = arith.constant 4 : i32
      %shift_right_arithmetic3A_67 = vector.broadcast %shift_right_arithmetic3A : i32 to vector<16xi32>
      %shift_right_arithmetic3A_68 = arith.shrsi %get3A_66, %shift_right_arithmetic3A_67 : vector<16xi32>
      %add3A_69 = arith.constant 10240 : i32
      %add3A_70 = vector.broadcast %add3A_69 : i32 to vector<16xi32>
      %add3A_71 = arith.addi %add3A_70, %shift_right_arithmetic3A_68 : vector<16xi32>
      %swap3A = arith.constant 0 : index
      %swap3A_72 = tpu.vector_load %arg13[%swap3A] {strides = array<i32>} : memref<64xi32, #tpu.memory_space<vmem>>, vector<16xi32>,
      tpu.vector_store %arg13[%swap3A], %add3A_71 {strides = array<i32>} : memref<64xi32, #tpu.memory_space<vmem>>, vector<16xi32>,
      %get3A_73 = arith.constant 16 : index
      %get3A_74 = tpu.vector_load %arg12[%get3A_73] {strides = array<i32>} : memref<64xi32, #tpu.memory_space<vmem>>, vector<16xi32>,
      %shift_right_arithmetic3A_75 = arith.constant 4 : i32
      %shift_right_arithmetic3A_76 = vector.broadcast %shift_right_arithmetic3A_75 : i32 to vector<16xi32>
      %shift_right_arithmetic3A_77 = arith.shrsi %get3A_74, %shift_right_arithmetic3A_76 : vector<16xi32>
      %add3A_78 = arith.constant 10240 : i32
      %add3A_79 = vector.broadcast %add3A_78 : i32 to vector<16xi32>
      %add3A_80 = arith.addi %add3A_79, %shift_right_arithmetic3A_77 : vector<16xi32>
      %swap3A_81 = arith.constant 16 : index
      %swap3A_82 = tpu.vector_load %arg13[%swap3A_81] {strides = array<i32>} : memref<64xi32, #tpu.memory_space<vmem>>, vector<16xi32>,
      tpu.vector_store %arg13[%swap3A_81], %add3A_80 {strides = array<i32>} : memref<64xi32, #tpu.memory_space<vmem>>, vector<16xi32>,
      %get3A_83 = arith.constant 32 : index
      %get3A_84 = tpu.vector_load %arg12[%get3A_83] {strides = array<i32>} : memref<64xi32, #tpu.memory_space<vmem>>, vector<16xi32>,
      %shift_right_arithmetic3A_85 = arith.constant 4 : i32
      %shift_right_arithmetic3A_86 = vector.broadcast %shift_right_arithmetic3A_85 : i32 to vector<16xi32>
      %shift_right_arithmetic3A_87 = arith.shrsi %get3A_84, %shift_right_arithmetic3A_86 : vector<16xi32>
      %add3A_88 = arith.constant 10240 : i32
      %add3A_89 = vector.broadcast %add3A_88 : i32 to vector<16xi32>
      %add3A_90 = arith.addi %add3A_89, %shift_right_arithmetic3A_87 : vector<16xi32>
      %swap3A_91 = arith.constant 32 : index
      %swap3A_92 = tpu.vector_load %arg13[%swap3A_91] {strides = array<i32>} : memref<64xi32, #tpu.memory_space<vmem>>, vector<16xi32>,
      tpu.vector_store %arg13[%swap3A_91], %add3A_90 {strides = array<i32>} : memref<64xi32, #tpu.memory_space<vmem>>, vector<16xi32>,
      %get3A_93 = arith.constant 48 : index
      %get3A_94 = tpu.vector_load %arg12[%get3A_93] {strides = array<i32>} : memref<64xi32, #tpu.memory_space<vmem>>, vector<16xi32>,
      %shift_right_arithmetic3A_95 = arith.constant 4 : i32
      %shift_right_arithmetic3A_96 = vector.broadcast %shift_right_arithmetic3A_95 : i32 to vector<16xi32>
      %shift_right_arithmetic3A_97 = arith.shrsi %get3A_94, %shift_right_arithmetic3A_96 : vector<16xi32>
      %add3A_98 = arith.constant 10240 : i32
      %add3A_99 = vector.broadcast %add3A_98 : i32 to vector<16xi32>
      %add3A_100 = arith.addi %add3A_99, %shift_right_arithmetic3A_97 : vector<16xi32>
      %swap3A_101 = arith.constant 48 : index
      %swap3A_102 = tpu.vector_load %arg13[%swap3A_101] {strides = array<i32>} : memref<64xi32, #tpu.memory_space<vmem>>, vector<16xi32>,
      tpu.vector_store %arg13[%swap3A_101], %add3A_100 {strides = array<i32>} : memref<64xi32, #tpu.memory_space<vmem>>, vector<16xi32>,
      %scan3A_103 = arith.constant 0 : i32
      %scan3A_104 = arith.constant 0 : i32
      %scan3A_105 = arith.constant 64 : i32
      %scan3A_106 = arith.addi %scan3A_104, %scan3A_105 : i32
      %scan3A_107 = arith.constant 1 : i32
      %scan3A_108 = scf.for %scan3A_111 = %scan3A_104 to %scan3A_106 step %scan3A_107 iter_args(%scan3A_112 = %scan3A_103) -> (i32)  : i32 {
        %mul3A_113 = arith.constant 4 : i32
        %mul3A_114 = arith.muli %mul3A_113, %scan3A_111 : i32
        %get3A_115 = arith.index_cast %mul3A_114 : i32 to index
        %get3A_116 = tpu.vector_load %arg14[%get3A_115] {strides = array<i32>} : memref<272xf32, #tpu.memory_space<vmem>>, vector<16xf32>,
        %slice3A = vector.extract_strided_slice %get3A_116 {offsets = [0], sizes = [1], strides = [1]} : vector<16xf32> to vector<1xf32>
        %squeeze3A = vector.extract %slice3A[0] : f32 from vector<1xf32>
        %slice3A_117 = vector.extract_strided_slice %get3A_116 {offsets = [1], sizes = [1], strides = [1]} : vector<16xf32> to vector<1xf32>
        %squeeze3A_118 = vector.extract %slice3A_117[0] : f32 from vector<1xf32>
        %slice3A_119 = vector.extract_strided_slice %get3A_116 {offsets = [2], sizes = [1], strides = [1]} : vector<16xf32> to vector<1xf32>
        %squeeze3A_120 = vector.extract %slice3A_119[0] : f32 from vector<1xf32>
        %slice3A_121 = vector.extract_strided_slice %get3A_116 {offsets = [3], sizes = [1], strides = [1]} : vector<16xf32> to vector<1xf32>
        %squeeze3A_122 = vector.extract %slice3A_121[0] : f32 from vector<1xf32>
        %broadcast_in_dim3A_123 = arith.constant 0.000000e+00 : f32
        %broadcast_in_dim3A_124 = vector.broadcast %broadcast_in_dim3A_123 : f32 to vector<16xf32>
        %get3A_125 = arith.constant 0 : i32
        %get3A_126 = arith.index_cast %get3A_125 : i32 to index
        %get3A_127 = arith.constant 0 : index
        %get3A_128 = tpu.vector_load %arg19[%get3A_126, %get3A_127] {strides = array<i32>} : memref<4x128xf32, #tpu.memory_space<vmem>>, vector<16xf32>,
        %mul3A_129 = vector.broadcast %squeeze3A : f32 to vector<16xf32>
        %mul3A_130 = arith.mulf %mul3A_129, %get3A_128 : vector<16xf32>
        %get3A_131 = arith.constant 1 : i32
        %get3A_132 = arith.index_cast %get3A_131 : i32 to index
        %get3A_133 = arith.constant 0 : index
        %get3A_134 = tpu.vector_load %arg19[%get3A_132, %get3A_133] {strides = array<i32>} : memref<4x128xf32, #tpu.memory_space<vmem>>, vector<16xf32>,
        %mul3A_135 = vector.broadcast %squeeze3A_118 : f32 to vector<16xf32>
        %mul3A_136 = arith.mulf %mul3A_135, %get3A_134 : vector<16xf32>
        %add3A_137 = arith.addf %mul3A_130, %mul3A_136 : vector<16xf32>
        %get3A_138 = arith.constant 2 : i32
        %get3A_139 = arith.index_cast %get3A_138 : i32 to index
        %get3A_140 = arith.constant 0 : index
        %get3A_141 = tpu.vector_load %arg19[%get3A_139, %get3A_140] {strides = array<i32>} : memref<4x128xf32, #tpu.memory_space<vmem>>, vector<16xf32>,
        %mul3A_142 = vector.broadcast %squeeze3A_120 : f32 to vector<16xf32>
        %mul3A_143 = arith.mulf %mul3A_142, %get3A_141 : vector<16xf32>
        %add3A_144 = arith.addf %add3A_137, %mul3A_143 : vector<16xf32>
        %get3A_145 = arith.constant 3 : i32
        %get3A_146 = arith.index_cast %get3A_145 : i32 to index
        %get3A_147 = arith.constant 0 : index
        %get3A_148 = tpu.vector_load %arg19[%get3A_146, %get3A_147] {strides = array<i32>} : memref<4x128xf32, #tpu.memory_space<vmem>>, vector<16xf32>,
        %mul3A_149 = vector.broadcast %squeeze3A_122 : f32 to vector<16xf32>
        %mul3A_150 = arith.mulf %mul3A_149, %get3A_148 : vector<16xf32>
        %add3A_151 = arith.addf %add3A_144, %mul3A_150 : vector<16xf32>
        %get3A_152 = arith.index_cast %scan3A_111 : i32 to index
        %get3A_153 = arith.constant 0 : index
        %get3A_154 = tpu.vector_load %arg15[%get3A_152, %get3A_153] {strides = array<i32>} : memref<64x128xf32, #tpu.memory_space<vmem>>, vector<16xf32>,
        %get3A_155 = arith.index_cast %scan3A_111 : i32 to index
        %get3A_156 = arith.constant 0 : index
        %get3A_157 = tpu.vector_load %arg16[%get3A_155, %get3A_156] {strides = array<i32>} : memref<64x128xf32, #tpu.memory_space<vmem>>, vector<16xf32>,
        %add3A_158 = arith.addf %get3A_154, %get3A_157 : vector<16xf32>
        %add3A_159 = arith.addf %add3A_158, %add3A_151 : vector<16xf32>
        %mul3A_160 = arith.constant 2.000000e-01 : f32
        %mul3A_161 = vector.broadcast %mul3A_160 : f32 to vector<16xf32>
        %mul3A_162 = arith.mulf %mul3A_161, %add3A_159 : vector<16xf32>
        %max3A = arith.maximumf %add3A_159, %mul3A_162 : vector<16xf32>
        %get3A_163 = arith.constant 0 : i32
        %get3A_164 = arith.index_cast %get3A_163 : i32 to index
        %get3A_165 = arith.constant 0 : index
        %get3A_166 = tpu.vector_load %arg20[%get3A_164, %get3A_165] {strides = array<i32>} : memref<8x16xf32, #tpu.memory_space<vmem>>, vector<16xf32>,
        %mul3A_167 = arith.mulf %max3A, %get3A_166 : vector<16xf32>
        %xor3A = arith.constant 8 : i32
        %xor3A_168 = vector.broadcast %xor3A : i32 to vector<16xi32>
        %xor3A_169 = arith.xori %iota3A, %xor3A_168 : vector<16xi32>
        %broadcast_in_dim3A_170 = vector.shape_cast %xor3A_169 : vector<16xi32> to vector<16x1xi32>
        %gather3A = vector.shape_cast %broadcast_in_dim3A_170 : vector<16x1xi32> to vector<16xi32>
        %gather3A_171 = tpu.dynamic_gather %mul3A_167[%gather3A] in [0] : vector<16xf32>, vector<16xi32> -> vector<16xf32>
        %add3A_172 = arith.addf %mul3A_167, %gather3A_171 : vector<16xf32>
        %xor3A_173 = arith.constant 4 : i32
        %xor3A_174 = vector.broadcast %xor3A_173 : i32 to vector<16xi32>
        %xor3A_175 = arith.xori %iota3A, %xor3A_174 : vector<16xi32>
        %broadcast_in_dim3A_176 = vector.shape_cast %xor3A_175 : vector<16xi32> to vector<16x1xi32>
        %gather3A_177 = vector.shape_cast %broadcast_in_dim3A_176 : vector<16x1xi32> to vector<16xi32>
        %gather3A_178 = tpu.dynamic_gather %add3A_172[%gather3A_177] in [0] : vector<16xf32>, vector<16xi32> -> vector<16xf32>
        %add3A_179 = arith.addf %add3A_172, %gather3A_178 : vector<16xf32>
        %xor3A_180 = arith.constant 2 : i32
        %xor3A_181 = vector.broadcast %xor3A_180 : i32 to vector<16xi32>
        %xor3A_182 = arith.xori %iota3A, %xor3A_181 : vector<16xi32>
        %broadcast_in_dim3A_183 = vector.shape_cast %xor3A_182 : vector<16xi32> to vector<16x1xi32>
        %gather3A_184 = vector.shape_cast %broadcast_in_dim3A_183 : vector<16x1xi32> to vector<16xi32>
        %gather3A_185 = tpu.dynamic_gather %add3A_179[%gather3A_184] in [0] : vector<16xf32>, vector<16xi32> -> vector<16xf32>
        %add3A_186 = arith.addf %add3A_179, %gather3A_185 : vector<16xf32>
        %xor3A_187 = arith.constant 1 : i32
        %xor3A_188 = vector.broadcast %xor3A_187 : i32 to vector<16xi32>
        %xor3A_189 = arith.xori %iota3A, %xor3A_188 : vector<16xi32>
        %broadcast_in_dim3A_190 = vector.shape_cast %xor3A_189 : vector<16xi32> to vector<16x1xi32>
        %gather3A_191 = vector.shape_cast %broadcast_in_dim3A_190 : vector<16x1xi32> to vector<16xi32>
        %gather3A_192 = tpu.dynamic_gather %add3A_186[%gather3A_191] in [0] : vector<16xf32>, vector<16xi32> -> vector<16xf32>
        %add3A_193 = arith.addf %add3A_186, %gather3A_192 : vector<16xf32>
        %exp3A = math.exp %add3A_193 : vector<16xf32>
        %mul3A_194 = arith.mulf %get3A_154, %exp3A : vector<16xf32>
        %swap3A_195 = arith.index_cast %scan3A_111 : i32 to index
        %swap3A_196 = arith.constant 0 : index
        %swap3A_197 = tpu.vector_load %arg17[%swap3A_195, %swap3A_196] {strides = array<i32>} : memref<64x128xf32, #tpu.memory_space<vmem>>, vector<16xf32>,
        tpu.vector_store %arg17[%swap3A_195, %swap3A_196], %mul3A_194 {strides = array<i32>} : memref<64x128xf32, #tpu.memory_space<vmem>>, vector<16xf32>,
        %eq3A = arith.constant 0 : i32
        %eq3A_198 = vector.broadcast %eq3A : i32 to vector<16xi32>
        %eq3A_199 = arith.cmpi eq, %iota3A, %eq3A_198 : vector<16xi32>
        %select_n3A = arith.select %eq3A_199, %exp3A, %broadcast_in_dim3A_124 : vector<16xi1>, vector<16xf32>
        %get3A_200 = arith.constant 0 : i32
        %get3A_201 = arith.index_cast %get3A_200 : i32 to index
        %get3A_202 = arith.constant 16 : index
        %get3A_203 = tpu.vector_load %arg19[%get3A_201, %get3A_202] {strides = array<i32>} : memref<4x128xf32, #tpu.memory_space<vmem>>, vector<16xf32>,
        %mul3A_204 = vector.broadcast %squeeze3A : f32 to vector<16xf32>
        %mul3A_205 = arith.mulf %mul3A_204, %get3A_203 : vector<16xf32>
        %get3A_206 = arith.constant 1 : i32
        %get3A_207 = arith.index_cast %get3A_206 : i32 to index
        %get3A_208 = arith.constant 16 : index
        %get3A_209 = tpu.vector_load %arg19[%get3A_207, %get3A_208] {strides = array<i32>} : memref<4x128xf32, #tpu.memory_space<vmem>>, vector<16xf32>,
        %mul3A_210 = vector.broadcast %squeeze3A_118 : f32 to vector<16xf32>
        %mul3A_211 = arith.mulf %mul3A_210, %get3A_209 : vector<16xf32>
        %add3A_212 = arith.addf %mul3A_205, %mul3A_211 : vector<16xf32>
        %get3A_213 = arith.constant 2 : i32
        %get3A_214 = arith.index_cast %get3A_213 : i32 to index
        %get3A_215 = arith.constant 16 : index
        %get3A_216 = tpu.vector_load %arg19[%get3A_214, %get3A_215] {strides = array<i32>} : memref<4x128xf32, #tpu.memory_space<vmem>>, vector<16xf32>,
        %mul3A_217 = vector.broadcast %squeeze3A_120 : f32 to vector<16xf32>
        %mul3A_218 = arith.mulf %mul3A_217, %get3A_216 : vector<16xf32>
        %add3A_219 = arith.addf %add3A_212, %mul3A_218 : vector<16xf32>
        %get3A_220 = arith.constant 3 : i32
        %get3A_221 = arith.index_cast %get3A_220 : i32 to index
        %get3A_222 = arith.constant 16 : index
        %get3A_223 = tpu.vector_load %arg19[%get3A_221, %get3A_222] {strides = array<i32>} : memref<4x128xf32, #tpu.memory_space<vmem>>, vector<16xf32>,
        %mul3A_224 = vector.broadcast %squeeze3A_122 : f32 to vector<16xf32>
        %mul3A_225 = arith.mulf %mul3A_224, %get3A_223 : vector<16xf32>
        %add3A_226 = arith.addf %add3A_219, %mul3A_225 : vector<16xf32>
        %get3A_227 = arith.index_cast %scan3A_111 : i32 to index
        %get3A_228 = arith.constant 16 : index
        %get3A_229 = tpu.vector_load %arg15[%get3A_227, %get3A_228] {strides = array<i32>} : memref<64x128xf32, #tpu.memory_space<vmem>>, vector<16xf32>,
        %get3A_230 = arith.index_cast %scan3A_111 : i32 to index
        %get3A_231 = arith.constant 16 : index
        %get3A_232 = tpu.vector_load %arg16[%get3A_230, %get3A_231] {strides = array<i32>} : memref<64x128xf32, #tpu.memory_space<vmem>>, vector<16xf32>,
        %add3A_233 = arith.addf %get3A_229, %get3A_232 : vector<16xf32>
        %add3A_234 = arith.addf %add3A_233, %add3A_226 : vector<16xf32>
        %mul3A_235 = arith.constant 2.000000e-01 : f32
        %mul3A_236 = vector.broadcast %mul3A_235 : f32 to vector<16xf32>
        %mul3A_237 = arith.mulf %mul3A_236, %add3A_234 : vector<16xf32>
        %max3A_238 = arith.maximumf %add3A_234, %mul3A_237 : vector<16xf32>
        %get3A_239 = arith.constant 1 : i32
        %get3A_240 = arith.index_cast %get3A_239 : i32 to index
        %get3A_241 = arith.constant 0 : index
        %get3A_242 = tpu.vector_load %arg20[%get3A_240, %get3A_241] {strides = array<i32>} : memref<8x16xf32, #tpu.memory_space<vmem>>, vector<16xf32>,
        %mul3A_243 = arith.mulf %max3A_238, %get3A_242 : vector<16xf32>
        %xor3A_244 = arith.constant 8 : i32
        %xor3A_245 = vector.broadcast %xor3A_244 : i32 to vector<16xi32>
        %xor3A_246 = arith.xori %iota3A, %xor3A_245 : vector<16xi32>
        %broadcast_in_dim3A_247 = vector.shape_cast %xor3A_246 : vector<16xi32> to vector<16x1xi32>
        %gather3A_248 = vector.shape_cast %broadcast_in_dim3A_247 : vector<16x1xi32> to vector<16xi32>
        %gather3A_249 = tpu.dynamic_gather %mul3A_243[%gather3A_248] in [0] : vector<16xf32>, vector<16xi32> -> vector<16xf32>
        %add3A_250 = arith.addf %mul3A_243, %gather3A_249 : vector<16xf32>
        %xor3A_251 = arith.constant 4 : i32
        %xor3A_252 = vector.broadcast %xor3A_251 : i32 to vector<16xi32>
        %xor3A_253 = arith.xori %iota3A, %xor3A_252 : vector<16xi32>
        %broadcast_in_dim3A_254 = vector.shape_cast %xor3A_253 : vector<16xi32> to vector<16x1xi32>
        %gather3A_255 = vector.shape_cast %broadcast_in_dim3A_254 : vector<16x1xi32> to vector<16xi32>
        %gather3A_256 = tpu.dynamic_gather %add3A_250[%gather3A_255] in [0] : vector<16xf32>, vector<16xi32> -> vector<16xf32>
        %add3A_257 = arith.addf %add3A_250, %gather3A_256 : vector<16xf32>
        %xor3A_258 = arith.constant 2 : i32
        %xor3A_259 = vector.broadcast %xor3A_258 : i32 to vector<16xi32>
        %xor3A_260 = arith.xori %iota3A, %xor3A_259 : vector<16xi32>
        %broadcast_in_dim3A_261 = vector.shape_cast %xor3A_260 : vector<16xi32> to vector<16x1xi32>
        %gather3A_262 = vector.shape_cast %broadcast_in_dim3A_261 : vector<16x1xi32> to vector<16xi32>
        %gather3A_263 = tpu.dynamic_gather %add3A_257[%gather3A_262] in [0] : vector<16xf32>, vector<16xi32> -> vector<16xf32>
        %add3A_264 = arith.addf %add3A_257, %gather3A_263 : vector<16xf32>
        %xor3A_265 = arith.constant 1 : i32
        %xor3A_266 = vector.broadcast %xor3A_265 : i32 to vector<16xi32>
        %xor3A_267 = arith.xori %iota3A, %xor3A_266 : vector<16xi32>
        %broadcast_in_dim3A_268 = vector.shape_cast %xor3A_267 : vector<16xi32> to vector<16x1xi32>
        %gather3A_269 = vector.shape_cast %broadcast_in_dim3A_268 : vector<16x1xi32> to vector<16xi32>
        %gather3A_270 = tpu.dynamic_gather %add3A_264[%gather3A_269] in [0] : vector<16xf32>, vector<16xi32> -> vector<16xf32>
        %add3A_271 = arith.addf %add3A_264, %gather3A_270 : vector<16xf32>
        %exp3A_272 = math.exp %add3A_271 : vector<16xf32>
        %mul3A_273 = arith.mulf %get3A_229, %exp3A_272 : vector<16xf32>
        %swap3A_274 = arith.index_cast %scan3A_111 : i32 to index
        %swap3A_275 = arith.constant 16 : index
        %swap3A_276 = tpu.vector_load %arg17[%swap3A_274, %swap3A_275] {strides = array<i32>} : memref<64x128xf32, #tpu.memory_space<vmem>>, vector<16xf32>,
        tpu.vector_store %arg17[%swap3A_274, %swap3A_275], %mul3A_273 {strides = array<i32>} : memref<64x128xf32, #tpu.memory_space<vmem>>, vector<16xf32>,
        %eq3A_277 = arith.constant 1 : i32
        %eq3A_278 = vector.broadcast %eq3A_277 : i32 to vector<16xi32>
        %eq3A_279 = arith.cmpi eq, %iota3A, %eq3A_278 : vector<16xi32>
        %select_n3A_280 = arith.select %eq3A_279, %exp3A_272, %select_n3A : vector<16xi1>, vector<16xf32>
        %get3A_281 = arith.constant 0 : i32
        %get3A_282 = arith.index_cast %get3A_281 : i32 to index
        %get3A_283 = arith.constant 32 : index
        %get3A_284 = tpu.vector_load %arg19[%get3A_282, %get3A_283] {strides = array<i32>} : memref<4x128xf32, #tpu.memory_space<vmem>>, vector<16xf32>,
        %mul3A_285 = vector.broadcast %squeeze3A : f32 to vector<16xf32>
        %mul3A_286 = arith.mulf %mul3A_285, %get3A_284 : vector<16xf32>
        %get3A_287 = arith.constant 1 : i32
        %get3A_288 = arith.index_cast %get3A_287 : i32 to index
        %get3A_289 = arith.constant 32 : index
        %get3A_290 = tpu.vector_load %arg19[%get3A_288, %get3A_289] {strides = array<i32>} : memref<4x128xf32, #tpu.memory_space<vmem>>, vector<16xf32>,
        %mul3A_291 = vector.broadcast %squeeze3A_118 : f32 to vector<16xf32>
        %mul3A_292 = arith.mulf %mul3A_291, %get3A_290 : vector<16xf32>
        %add3A_293 = arith.addf %mul3A_286, %mul3A_292 : vector<16xf32>
        %get3A_294 = arith.constant 2 : i32
        %get3A_295 = arith.index_cast %get3A_294 : i32 to index
        %get3A_296 = arith.constant 32 : index
        %get3A_297 = tpu.vector_load %arg19[%get3A_295, %get3A_296] {strides = array<i32>} : memref<4x128xf32, #tpu.memory_space<vmem>>, vector<16xf32>,
        %mul3A_298 = vector.broadcast %squeeze3A_120 : f32 to vector<16xf32>
        %mul3A_299 = arith.mulf %mul3A_298, %get3A_297 : vector<16xf32>
        %add3A_300 = arith.addf %add3A_293, %mul3A_299 : vector<16xf32>
        %get3A_301 = arith.constant 3 : i32
        %get3A_302 = arith.index_cast %get3A_301 : i32 to index
        %get3A_303 = arith.constant 32 : index
        %get3A_304 = tpu.vector_load %arg19[%get3A_302, %get3A_303] {strides = array<i32>} : memref<4x128xf32, #tpu.memory_space<vmem>>, vector<16xf32>,
        %mul3A_305 = vector.broadcast %squeeze3A_122 : f32 to vector<16xf32>
        %mul3A_306 = arith.mulf %mul3A_305, %get3A_304 : vector<16xf32>
        %add3A_307 = arith.addf %add3A_300, %mul3A_306 : vector<16xf32>
        %get3A_308 = arith.index_cast %scan3A_111 : i32 to index
        %get3A_309 = arith.constant 32 : index
        %get3A_310 = tpu.vector_load %arg15[%get3A_308, %get3A_309] {strides = array<i32>} : memref<64x128xf32, #tpu.memory_space<vmem>>, vector<16xf32>,
        %get3A_311 = arith.index_cast %scan3A_111 : i32 to index
        %get3A_312 = arith.constant 32 : index
        %get3A_313 = tpu.vector_load %arg16[%get3A_311, %get3A_312] {strides = array<i32>} : memref<64x128xf32, #tpu.memory_space<vmem>>, vector<16xf32>,
        %add3A_314 = arith.addf %get3A_310, %get3A_313 : vector<16xf32>
        %add3A_315 = arith.addf %add3A_314, %add3A_307 : vector<16xf32>
        %mul3A_316 = arith.constant 2.000000e-01 : f32
        %mul3A_317 = vector.broadcast %mul3A_316 : f32 to vector<16xf32>
        %mul3A_318 = arith.mulf %mul3A_317, %add3A_315 : vector<16xf32>
        %max3A_319 = arith.maximumf %add3A_315, %mul3A_318 : vector<16xf32>
        %get3A_320 = arith.constant 2 : i32
        %get3A_321 = arith.index_cast %get3A_320 : i32 to index
        %get3A_322 = arith.constant 0 : index
        %get3A_323 = tpu.vector_load %arg20[%get3A_321, %get3A_322] {strides = array<i32>} : memref<8x16xf32, #tpu.memory_space<vmem>>, vector<16xf32>,
        %mul3A_324 = arith.mulf %max3A_319, %get3A_323 : vector<16xf32>
        %xor3A_325 = arith.constant 8 : i32
        %xor3A_326 = vector.broadcast %xor3A_325 : i32 to vector<16xi32>
        %xor3A_327 = arith.xori %iota3A, %xor3A_326 : vector<16xi32>
        %broadcast_in_dim3A_328 = vector.shape_cast %xor3A_327 : vector<16xi32> to vector<16x1xi32>
        %gather3A_329 = vector.shape_cast %broadcast_in_dim3A_328 : vector<16x1xi32> to vector<16xi32>
        %gather3A_330 = tpu.dynamic_gather %mul3A_324[%gather3A_329] in [0] : vector<16xf32>, vector<16xi32> -> vector<16xf32>
        %add3A_331 = arith.addf %mul3A_324, %gather3A_330 : vector<16xf32>
        %xor3A_332 = arith.constant 4 : i32
        %xor3A_333 = vector.broadcast %xor3A_332 : i32 to vector<16xi32>
        %xor3A_334 = arith.xori %iota3A, %xor3A_333 : vector<16xi32>
        %broadcast_in_dim3A_335 = vector.shape_cast %xor3A_334 : vector<16xi32> to vector<16x1xi32>
        %gather3A_336 = vector.shape_cast %broadcast_in_dim3A_335 : vector<16x1xi32> to vector<16xi32>
        %gather3A_337 = tpu.dynamic_gather %add3A_331[%gather3A_336] in [0] : vector<16xf32>, vector<16xi32> -> vector<16xf32>
        %add3A_338 = arith.addf %add3A_331, %gather3A_337 : vector<16xf32>
        %xor3A_339 = arith.constant 2 : i32
        %xor3A_340 = vector.broadcast %xor3A_339 : i32 to vector<16xi32>
        %xor3A_341 = arith.xori %iota3A, %xor3A_340 : vector<16xi32>
        %broadcast_in_dim3A_342 = vector.shape_cast %xor3A_341 : vector<16xi32> to vector<16x1xi32>
        %gather3A_343 = vector.shape_cast %broadcast_in_dim3A_342 : vector<16x1xi32> to vector<16xi32>
        %gather3A_344 = tpu.dynamic_gather %add3A_338[%gather3A_343] in [0] : vector<16xf32>, vector<16xi32> -> vector<16xf32>
        %add3A_345 = arith.addf %add3A_338, %gather3A_344 : vector<16xf32>
        %xor3A_346 = arith.constant 1 : i32
        %xor3A_347 = vector.broadcast %xor3A_346 : i32 to vector<16xi32>
        %xor3A_348 = arith.xori %iota3A, %xor3A_347 : vector<16xi32>
        %broadcast_in_dim3A_349 = vector.shape_cast %xor3A_348 : vector<16xi32> to vector<16x1xi32>
        %gather3A_350 = vector.shape_cast %broadcast_in_dim3A_349 : vector<16x1xi32> to vector<16xi32>
        %gather3A_351 = tpu.dynamic_gather %add3A_345[%gather3A_350] in [0] : vector<16xf32>, vector<16xi32> -> vector<16xf32>
        %add3A_352 = arith.addf %add3A_345, %gather3A_351 : vector<16xf32>
        %exp3A_353 = math.exp %add3A_352 : vector<16xf32>
        %mul3A_354 = arith.mulf %get3A_310, %exp3A_353 : vector<16xf32>
        %swap3A_355 = arith.index_cast %scan3A_111 : i32 to index
        %swap3A_356 = arith.constant 32 : index
        %swap3A_357 = tpu.vector_load %arg17[%swap3A_355, %swap3A_356] {strides = array<i32>} : memref<64x128xf32, #tpu.memory_space<vmem>>, vector<16xf32>,
        tpu.vector_store %arg17[%swap3A_355, %swap3A_356], %mul3A_354 {strides = array<i32>} : memref<64x128xf32, #tpu.memory_space<vmem>>, vector<16xf32>,
        %eq3A_358 = arith.constant 2 : i32
        %eq3A_359 = vector.broadcast %eq3A_358 : i32 to vector<16xi32>
        %eq3A_360 = arith.cmpi eq, %iota3A, %eq3A_359 : vector<16xi32>
        %select_n3A_361 = arith.select %eq3A_360, %exp3A_353, %select_n3A_280 : vector<16xi1>, vector<16xf32>
        %get3A_362 = arith.constant 0 : i32
        %get3A_363 = arith.index_cast %get3A_362 : i32 to index
        %get3A_364 = arith.constant 48 : index
        %get3A_365 = tpu.vector_load %arg19[%get3A_363, %get3A_364] {strides = array<i32>} : memref<4x128xf32, #tpu.memory_space<vmem>>, vector<16xf32>,
        %mul3A_366 = vector.broadcast %squeeze3A : f32 to vector<16xf32>
        %mul3A_367 = arith.mulf %mul3A_366, %get3A_365 : vector<16xf32>
        %get3A_368 = arith.constant 1 : i32
        %get3A_369 = arith.index_cast %get3A_368 : i32 to index
        %get3A_370 = arith.constant 48 : index
        %get3A_371 = tpu.vector_load %arg19[%get3A_369, %get3A_370] {strides = array<i32>} : memref<4x128xf32, #tpu.memory_space<vmem>>, vector<16xf32>,
        %mul3A_372 = vector.broadcast %squeeze3A_118 : f32 to vector<16xf32>
        %mul3A_373 = arith.mulf %mul3A_372, %get3A_371 : vector<16xf32>
        %add3A_374 = arith.addf %mul3A_367, %mul3A_373 : vector<16xf32>
        %get3A_375 = arith.constant 2 : i32
        %get3A_376 = arith.index_cast %get3A_375 : i32 to index
        %get3A_377 = arith.constant 48 : index
        %get3A_378 = tpu.vector_load %arg19[%get3A_376, %get3A_377] {strides = array<i32>} : memref<4x128xf32, #tpu.memory_space<vmem>>, vector<16xf32>,
        %mul3A_379 = vector.broadcast %squeeze3A_120 : f32 to vector<16xf32>
        %mul3A_380 = arith.mulf %mul3A_379, %get3A_378 : vector<16xf32>
        %add3A_381 = arith.addf %add3A_374, %mul3A_380 : vector<16xf32>
        %get3A_382 = arith.constant 3 : i32
        %get3A_383 = arith.index_cast %get3A_382 : i32 to index
        %get3A_384 = arith.constant 48 : index
        %get3A_385 = tpu.vector_load %arg19[%get3A_383, %get3A_384] {strides = array<i32>} : memref<4x128xf32, #tpu.memory_space<vmem>>, vector<16xf32>,
        %mul3A_386 = vector.broadcast %squeeze3A_122 : f32 to vector<16xf32>
        %mul3A_387 = arith.mulf %mul3A_386, %get3A_385 : vector<16xf32>
        %add3A_388 = arith.addf %add3A_381, %mul3A_387 : vector<16xf32>
        %get3A_389 = arith.index_cast %scan3A_111 : i32 to index
        %get3A_390 = arith.constant 48 : index
        %get3A_391 = tpu.vector_load %arg15[%get3A_389, %get3A_390] {strides = array<i32>} : memref<64x128xf32, #tpu.memory_space<vmem>>, vector<16xf32>,
        %get3A_392 = arith.index_cast %scan3A_111 : i32 to index
        %get3A_393 = arith.constant 48 : index
        %get3A_394 = tpu.vector_load %arg16[%get3A_392, %get3A_393] {strides = array<i32>} : memref<64x128xf32, #tpu.memory_space<vmem>>, vector<16xf32>,
        %add3A_395 = arith.addf %get3A_391, %get3A_394 : vector<16xf32>
        %add3A_396 = arith.addf %add3A_395, %add3A_388 : vector<16xf32>
        %mul3A_397 = arith.constant 2.000000e-01 : f32
        %mul3A_398 = vector.broadcast %mul3A_397 : f32 to vector<16xf32>
        %mul3A_399 = arith.mulf %mul3A_398, %add3A_396 : vector<16xf32>
        %max3A_400 = arith.maximumf %add3A_396, %mul3A_399 : vector<16xf32>
        %get3A_401 = arith.constant 3 : i32
        %get3A_402 = arith.index_cast %get3A_401 : i32 to index
        %get3A_403 = arith.constant 0 : index
        %get3A_404 = tpu.vector_load %arg20[%get3A_402, %get3A_403] {strides = array<i32>} : memref<8x16xf32, #tpu.memory_space<vmem>>, vector<16xf32>,
        %mul3A_405 = arith.mulf %max3A_400, %get3A_404 : vector<16xf32>
        %xor3A_406 = arith.constant 8 : i32
        %xor3A_407 = vector.broadcast %xor3A_406 : i32 to vector<16xi32>
        %xor3A_408 = arith.xori %iota3A, %xor3A_407 : vector<16xi32>
        %broadcast_in_dim3A_409 = vector.shape_cast %xor3A_408 : vector<16xi32> to vector<16x1xi32>
        %gather3A_410 = vector.shape_cast %broadcast_in_dim3A_409 : vector<16x1xi32> to vector<16xi32>
        %gather3A_411 = tpu.dynamic_gather %mul3A_405[%gather3A_410] in [0] : vector<16xf32>, vector<16xi32> -> vector<16xf32>
        %add3A_412 = arith.addf %mul3A_405, %gather3A_411 : vector<16xf32>
        %xor3A_413 = arith.constant 4 : i32
        %xor3A_414 = vector.broadcast %xor3A_413 : i32 to vector<16xi32>
        %xor3A_415 = arith.xori %iota3A, %xor3A_414 : vector<16xi32>
        %broadcast_in_dim3A_416 = vector.shape_cast %xor3A_415 : vector<16xi32> to vector<16x1xi32>
        %gather3A_417 = vector.shape_cast %broadcast_in_dim3A_416 : vector<16x1xi32> to vector<16xi32>
        %gather3A_418 = tpu.dynamic_gather %add3A_412[%gather3A_417] in [0] : vector<16xf32>, vector<16xi32> -> vector<16xf32>
        %add3A_419 = arith.addf %add3A_412, %gather3A_418 : vector<16xf32>
        %xor3A_420 = arith.constant 2 : i32
        %xor3A_421 = vector.broadcast %xor3A_420 : i32 to vector<16xi32>
        %xor3A_422 = arith.xori %iota3A, %xor3A_421 : vector<16xi32>
        %broadcast_in_dim3A_423 = vector.shape_cast %xor3A_422 : vector<16xi32> to vector<16x1xi32>
        %gather3A_424 = vector.shape_cast %broadcast_in_dim3A_423 : vector<16x1xi32> to vector<16xi32>
        %gather3A_425 = tpu.dynamic_gather %add3A_419[%gather3A_424] in [0] : vector<16xf32>, vector<16xi32> -> vector<16xf32>
        %add3A_426 = arith.addf %add3A_419, %gather3A_425 : vector<16xf32>
        %xor3A_427 = arith.constant 1 : i32
        %xor3A_428 = vector.broadcast %xor3A_427 : i32 to vector<16xi32>
        %xor3A_429 = arith.xori %iota3A, %xor3A_428 : vector<16xi32>
        %broadcast_in_dim3A_430 = vector.shape_cast %xor3A_429 : vector<16xi32> to vector<16x1xi32>
        %gather3A_431 = vector.shape_cast %broadcast_in_dim3A_430 : vector<16x1xi32> to vector<16xi32>
        %gather3A_432 = tpu.dynamic_gather %add3A_426[%gather3A_431] in [0] : vector<16xf32>, vector<16xi32> -> vector<16xf32>
        %add3A_433 = arith.addf %add3A_426, %gather3A_432 : vector<16xf32>
        %exp3A_434 = math.exp %add3A_433 : vector<16xf32>
        %mul3A_435 = arith.mulf %get3A_391, %exp3A_434 : vector<16xf32>
        %swap3A_436 = arith.index_cast %scan3A_111 : i32 to index
        %swap3A_437 = arith.constant 48 : index
        %swap3A_438 = tpu.vector_load %arg17[%swap3A_436, %swap3A_437] {strides = array<i32>} : memref<64x128xf32, #tpu.memory_space<vmem>>, vector<16xf32>,
        tpu.vector_store %arg17[%swap3A_436, %swap3A_437], %mul3A_435 {strides = array<i32>} : memref<64x128xf32, #tpu.memory_space<vmem>>, vector<16xf32>,
        %eq3A_439 = arith.constant 3 : i32
        %eq3A_440 = vector.broadcast %eq3A_439 : i32 to vector<16xi32>
        %eq3A_441 = arith.cmpi eq, %iota3A, %eq3A_440 : vector<16xi32>
        %select_n3A_442 = arith.select %eq3A_441, %exp3A_434, %select_n3A_361 : vector<16xi1>, vector<16xf32>
        %get3A_443 = arith.constant 0 : i32
        %get3A_444 = arith.index_cast %get3A_443 : i32 to index
        %get3A_445 = arith.constant 64 : index
        %get3A_446 = tpu.vector_load %arg19[%get3A_444, %get3A_445] {strides = array<i32>} : memref<4x128xf32, #tpu.memory_space<vmem>>, vector<16xf32>,
        %mul3A_447 = vector.broadcast %squeeze3A : f32 to vector<16xf32>
        %mul3A_448 = arith.mulf %mul3A_447, %get3A_446 : vector<16xf32>
        %get3A_449 = arith.constant 1 : i32
        %get3A_450 = arith.index_cast %get3A_449 : i32 to index
        %get3A_451 = arith.constant 64 : index
        %get3A_452 = tpu.vector_load %arg19[%get3A_450, %get3A_451] {strides = array<i32>} : memref<4x128xf32, #tpu.memory_space<vmem>>, vector<16xf32>,
        %mul3A_453 = vector.broadcast %squeeze3A_118 : f32 to vector<16xf32>
        %mul3A_454 = arith.mulf %mul3A_453, %get3A_452 : vector<16xf32>
        %add3A_455 = arith.addf %mul3A_448, %mul3A_454 : vector<16xf32>
        %get3A_456 = arith.constant 2 : i32
        %get3A_457 = arith.index_cast %get3A_456 : i32 to index
        %get3A_458 = arith.constant 64 : index
        %get3A_459 = tpu.vector_load %arg19[%get3A_457, %get3A_458] {strides = array<i32>} : memref<4x128xf32, #tpu.memory_space<vmem>>, vector<16xf32>,
        %mul3A_460 = vector.broadcast %squeeze3A_120 : f32 to vector<16xf32>
        %mul3A_461 = arith.mulf %mul3A_460, %get3A_459 : vector<16xf32>
        %add3A_462 = arith.addf %add3A_455, %mul3A_461 : vector<16xf32>
        %get3A_463 = arith.constant 3 : i32
        %get3A_464 = arith.index_cast %get3A_463 : i32 to index
        %get3A_465 = arith.constant 64 : index
        %get3A_466 = tpu.vector_load %arg19[%get3A_464, %get3A_465] {strides = array<i32>} : memref<4x128xf32, #tpu.memory_space<vmem>>, vector<16xf32>,
        %mul3A_467 = vector.broadcast %squeeze3A_122 : f32 to vector<16xf32>
        %mul3A_468 = arith.mulf %mul3A_467, %get3A_466 : vector<16xf32>
        %add3A_469 = arith.addf %add3A_462, %mul3A_468 : vector<16xf32>
        %get3A_470 = arith.index_cast %scan3A_111 : i32 to index
        %get3A_471 = arith.constant 64 : index
        %get3A_472 = tpu.vector_load %arg15[%get3A_470, %get3A_471] {strides = array<i32>} : memref<64x128xf32, #tpu.memory_space<vmem>>, vector<16xf32>,
        %get3A_473 = arith.index_cast %scan3A_111 : i32 to index
        %get3A_474 = arith.constant 64 : index
        %get3A_475 = tpu.vector_load %arg16[%get3A_473, %get3A_474] {strides = array<i32>} : memref<64x128xf32, #tpu.memory_space<vmem>>, vector<16xf32>,
        %add3A_476 = arith.addf %get3A_472, %get3A_475 : vector<16xf32>
        %add3A_477 = arith.addf %add3A_476, %add3A_469 : vector<16xf32>
        %mul3A_478 = arith.constant 2.000000e-01 : f32
        %mul3A_479 = vector.broadcast %mul3A_478 : f32 to vector<16xf32>
        %mul3A_480 = arith.mulf %mul3A_479, %add3A_477 : vector<16xf32>
        %max3A_481 = arith.maximumf %add3A_477, %mul3A_480 : vector<16xf32>
        %get3A_482 = arith.constant 4 : i32
        %get3A_483 = arith.index_cast %get3A_482 : i32 to index
        %get3A_484 = arith.constant 0 : index
        %get3A_485 = tpu.vector_load %arg20[%get3A_483, %get3A_484] {strides = array<i32>} : memref<8x16xf32, #tpu.memory_space<vmem>>, vector<16xf32>,
        %mul3A_486 = arith.mulf %max3A_481, %get3A_485 : vector<16xf32>
        %xor3A_487 = arith.constant 8 : i32
        %xor3A_488 = vector.broadcast %xor3A_487 : i32 to vector<16xi32>
        %xor3A_489 = arith.xori %iota3A, %xor3A_488 : vector<16xi32>
        %broadcast_in_dim3A_490 = vector.shape_cast %xor3A_489 : vector<16xi32> to vector<16x1xi32>
        %gather3A_491 = vector.shape_cast %broadcast_in_dim3A_490 : vector<16x1xi32> to vector<16xi32>
        %gather3A_492 = tpu.dynamic_gather %mul3A_486[%gather3A_491] in [0] : vector<16xf32>, vector<16xi32> -> vector<16xf32>
        %add3A_493 = arith.addf %mul3A_486, %gather3A_492 : vector<16xf32>
        %xor3A_494 = arith.constant 4 : i32
        %xor3A_495 = vector.broadcast %xor3A_494 : i32 to vector<16xi32>
        %xor3A_496 = arith.xori %iota3A, %xor3A_495 : vector<16xi32>
        %broadcast_in_dim3A_497 = vector.shape_cast %xor3A_496 : vector<16xi32> to vector<16x1xi32>
        %gather3A_498 = vector.shape_cast %broadcast_in_dim3A_497 : vector<16x1xi32> to vector<16xi32>
        %gather3A_499 = tpu.dynamic_gather %add3A_493[%gather3A_498] in [0] : vector<16xf32>, vector<16xi32> -> vector<16xf32>
        %add3A_500 = arith.addf %add3A_493, %gather3A_499 : vector<16xf32>
        %xor3A_501 = arith.constant 2 : i32
        %xor3A_502 = vector.broadcast %xor3A_501 : i32 to vector<16xi32>
        %xor3A_503 = arith.xori %iota3A, %xor3A_502 : vector<16xi32>
        %broadcast_in_dim3A_504 = vector.shape_cast %xor3A_503 : vector<16xi32> to vector<16x1xi32>
        %gather3A_505 = vector.shape_cast %broadcast_in_dim3A_504 : vector<16x1xi32> to vector<16xi32>
        %gather3A_506 = tpu.dynamic_gather %add3A_500[%gather3A_505] in [0] : vector<16xf32>, vector<16xi32> -> vector<16xf32>
        %add3A_507 = arith.addf %add3A_500, %gather3A_506 : vector<16xf32>
        %xor3A_508 = arith.constant 1 : i32
        %xor3A_509 = vector.broadcast %xor3A_508 : i32 to vector<16xi32>
        %xor3A_510 = arith.xori %iota3A, %xor3A_509 : vector<16xi32>
        %broadcast_in_dim3A_511 = vector.shape_cast %xor3A_510 : vector<16xi32> to vector<16x1xi32>
        %gather3A_512 = vector.shape_cast %broadcast_in_dim3A_511 : vector<16x1xi32> to vector<16xi32>
        %gather3A_513 = tpu.dynamic_gather %add3A_507[%gather3A_512] in [0] : vector<16xf32>, vector<16xi32> -> vector<16xf32>
        %add3A_514 = arith.addf %add3A_507, %gather3A_513 : vector<16xf32>
        %exp3A_515 = math.exp %add3A_514 : vector<16xf32>
        %mul3A_516 = arith.mulf %get3A_472, %exp3A_515 : vector<16xf32>
        %swap3A_517 = arith.index_cast %scan3A_111 : i32 to index
        %swap3A_518 = arith.constant 64 : index
        %swap3A_519 = tpu.vector_load %arg17[%swap3A_517, %swap3A_518] {strides = array<i32>} : memref<64x128xf32, #tpu.memory_space<vmem>>, vector<16xf32>,
        tpu.vector_store %arg17[%swap3A_517, %swap3A_518], %mul3A_516 {strides = array<i32>} : memref<64x128xf32, #tpu.memory_space<vmem>>, vector<16xf32>,
        %eq3A_520 = arith.constant 4 : i32
        %eq3A_521 = vector.broadcast %eq3A_520 : i32 to vector<16xi32>
        %eq3A_522 = arith.cmpi eq, %iota3A, %eq3A_521 : vector<16xi32>
        %select_n3A_523 = arith.select %eq3A_522, %exp3A_515, %select_n3A_442 : vector<16xi1>, vector<16xf32>
        %get3A_524 = arith.constant 0 : i32
        %get3A_525 = arith.index_cast %get3A_524 : i32 to index
        %get3A_526 = arith.constant 80 : index
        %get3A_527 = tpu.vector_load %arg19[%get3A_525, %get3A_526] {strides = array<i32>} : memref<4x128xf32, #tpu.memory_space<vmem>>, vector<16xf32>,
        %mul3A_528 = vector.broadcast %squeeze3A : f32 to vector<16xf32>
        %mul3A_529 = arith.mulf %mul3A_528, %get3A_527 : vector<16xf32>
        %get3A_530 = arith.constant 1 : i32
        %get3A_531 = arith.index_cast %get3A_530 : i32 to index
        %get3A_532 = arith.constant 80 : index
        %get3A_533 = tpu.vector_load %arg19[%get3A_531, %get3A_532] {strides = array<i32>} : memref<4x128xf32, #tpu.memory_space<vmem>>, vector<16xf32>,
        %mul3A_534 = vector.broadcast %squeeze3A_118 : f32 to vector<16xf32>
        %mul3A_535 = arith.mulf %mul3A_534, %get3A_533 : vector<16xf32>
        %add3A_536 = arith.addf %mul3A_529, %mul3A_535 : vector<16xf32>
        %get3A_537 = arith.constant 2 : i32
        %get3A_538 = arith.index_cast %get3A_537 : i32 to index
        %get3A_539 = arith.constant 80 : index
        %get3A_540 = tpu.vector_load %arg19[%get3A_538, %get3A_539] {strides = array<i32>} : memref<4x128xf32, #tpu.memory_space<vmem>>, vector<16xf32>,
        %mul3A_541 = vector.broadcast %squeeze3A_120 : f32 to vector<16xf32>
        %mul3A_542 = arith.mulf %mul3A_541, %get3A_540 : vector<16xf32>
        %add3A_543 = arith.addf %add3A_536, %mul3A_542 : vector<16xf32>
        %get3A_544 = arith.constant 3 : i32
        %get3A_545 = arith.index_cast %get3A_544 : i32 to index
        %get3A_546 = arith.constant 80 : index
        %get3A_547 = tpu.vector_load %arg19[%get3A_545, %get3A_546] {strides = array<i32>} : memref<4x128xf32, #tpu.memory_space<vmem>>, vector<16xf32>,
        %mul3A_548 = vector.broadcast %squeeze3A_122 : f32 to vector<16xf32>
        %mul3A_549 = arith.mulf %mul3A_548, %get3A_547 : vector<16xf32>
        %add3A_550 = arith.addf %add3A_543, %mul3A_549 : vector<16xf32>
        %get3A_551 = arith.index_cast %scan3A_111 : i32 to index
        %get3A_552 = arith.constant 80 : index
        %get3A_553 = tpu.vector_load %arg15[%get3A_551, %get3A_552] {strides = array<i32>} : memref<64x128xf32, #tpu.memory_space<vmem>>, vector<16xf32>,
        %get3A_554 = arith.index_cast %scan3A_111 : i32 to index
        %get3A_555 = arith.constant 80 : index
        %get3A_556 = tpu.vector_load %arg16[%get3A_554, %get3A_555] {strides = array<i32>} : memref<64x128xf32, #tpu.memory_space<vmem>>, vector<16xf32>,
        %add3A_557 = arith.addf %get3A_553, %get3A_556 : vector<16xf32>
        %add3A_558 = arith.addf %add3A_557, %add3A_550 : vector<16xf32>
        %mul3A_559 = arith.constant 2.000000e-01 : f32
        %mul3A_560 = vector.broadcast %mul3A_559 : f32 to vector<16xf32>
        %mul3A_561 = arith.mulf %mul3A_560, %add3A_558 : vector<16xf32>
        %max3A_562 = arith.maximumf %add3A_558, %mul3A_561 : vector<16xf32>
        %get3A_563 = arith.constant 5 : i32
        %get3A_564 = arith.index_cast %get3A_563 : i32 to index
        %get3A_565 = arith.constant 0 : index
        %get3A_566 = tpu.vector_load %arg20[%get3A_564, %get3A_565] {strides = array<i32>} : memref<8x16xf32, #tpu.memory_space<vmem>>, vector<16xf32>,
        %mul3A_567 = arith.mulf %max3A_562, %get3A_566 : vector<16xf32>
        %xor3A_568 = arith.constant 8 : i32
        %xor3A_569 = vector.broadcast %xor3A_568 : i32 to vector<16xi32>
        %xor3A_570 = arith.xori %iota3A, %xor3A_569 : vector<16xi32>
        %broadcast_in_dim3A_571 = vector.shape_cast %xor3A_570 : vector<16xi32> to vector<16x1xi32>
        %gather3A_572 = vector.shape_cast %broadcast_in_dim3A_571 : vector<16x1xi32> to vector<16xi32>
        %gather3A_573 = tpu.dynamic_gather %mul3A_567[%gather3A_572] in [0] : vector<16xf32>, vector<16xi32> -> vector<16xf32>
        %add3A_574 = arith.addf %mul3A_567, %gather3A_573 : vector<16xf32>
        %xor3A_575 = arith.constant 4 : i32
        %xor3A_576 = vector.broadcast %xor3A_575 : i32 to vector<16xi32>
        %xor3A_577 = arith.xori %iota3A, %xor3A_576 : vector<16xi32>
        %broadcast_in_dim3A_578 = vector.shape_cast %xor3A_577 : vector<16xi32> to vector<16x1xi32>
        %gather3A_579 = vector.shape_cast %broadcast_in_dim3A_578 : vector<16x1xi32> to vector<16xi32>
        %gather3A_580 = tpu.dynamic_gather %add3A_574[%gather3A_579] in [0] : vector<16xf32>, vector<16xi32> -> vector<16xf32>
        %add3A_581 = arith.addf %add3A_574, %gather3A_580 : vector<16xf32>
        %xor3A_582 = arith.constant 2 : i32
        %xor3A_583 = vector.broadcast %xor3A_582 : i32 to vector<16xi32>
        %xor3A_584 = arith.xori %iota3A, %xor3A_583 : vector<16xi32>
        %broadcast_in_dim3A_585 = vector.shape_cast %xor3A_584 : vector<16xi32> to vector<16x1xi32>
        %gather3A_586 = vector.shape_cast %broadcast_in_dim3A_585 : vector<16x1xi32> to vector<16xi32>
        %gather3A_587 = tpu.dynamic_gather %add3A_581[%gather3A_586] in [0] : vector<16xf32>, vector<16xi32> -> vector<16xf32>
        %add3A_588 = arith.addf %add3A_581, %gather3A_587 : vector<16xf32>
        %xor3A_589 = arith.constant 1 : i32
        %xor3A_590 = vector.broadcast %xor3A_589 : i32 to vector<16xi32>
        %xor3A_591 = arith.xori %iota3A, %xor3A_590 : vector<16xi32>
        %broadcast_in_dim3A_592 = vector.shape_cast %xor3A_591 : vector<16xi32> to vector<16x1xi32>
        %gather3A_593 = vector.shape_cast %broadcast_in_dim3A_592 : vector<16x1xi32> to vector<16xi32>
        %gather3A_594 = tpu.dynamic_gather %add3A_588[%gather3A_593] in [0] : vector<16xf32>, vector<16xi32> -> vector<16xf32>
        %add3A_595 = arith.addf %add3A_588, %gather3A_594 : vector<16xf32>
        %exp3A_596 = math.exp %add3A_595 : vector<16xf32>
        %mul3A_597 = arith.mulf %get3A_553, %exp3A_596 : vector<16xf32>
        %swap3A_598 = arith.index_cast %scan3A_111 : i32 to index
        %swap3A_599 = arith.constant 80 : index
        %swap3A_600 = tpu.vector_load %arg17[%swap3A_598, %swap3A_599] {strides = array<i32>} : memref<64x128xf32, #tpu.memory_space<vmem>>, vector<16xf32>,
        tpu.vector_store %arg17[%swap3A_598, %swap3A_599], %mul3A_597 {strides = array<i32>} : memref<64x128xf32, #tpu.memory_space<vmem>>, vector<16xf32>,
        %eq3A_601 = arith.constant 5 : i32
        %eq3A_602 = vector.broadcast %eq3A_601 : i32 to vector<16xi32>
        %eq3A_603 = arith.cmpi eq, %iota3A, %eq3A_602 : vector<16xi32>
        %select_n3A_604 = arith.select %eq3A_603, %exp3A_596, %select_n3A_523 : vector<16xi1>, vector<16xf32>
        %get3A_605 = arith.constant 0 : i32
        %get3A_606 = arith.index_cast %get3A_605 : i32 to index
        %get3A_607 = arith.constant 96 : index
        %get3A_608 = tpu.vector_load %arg19[%get3A_606, %get3A_607] {strides = array<i32>} : memref<4x128xf32, #tpu.memory_space<vmem>>, vector<16xf32>,
        %mul3A_609 = vector.broadcast %squeeze3A : f32 to vector<16xf32>
        %mul3A_610 = arith.mulf %mul3A_609, %get3A_608 : vector<16xf32>
        %get3A_611 = arith.constant 1 : i32
        %get3A_612 = arith.index_cast %get3A_611 : i32 to index
        %get3A_613 = arith.constant 96 : index
        %get3A_614 = tpu.vector_load %arg19[%get3A_612, %get3A_613] {strides = array<i32>} : memref<4x128xf32, #tpu.memory_space<vmem>>, vector<16xf32>,
        %mul3A_615 = vector.broadcast %squeeze3A_118 : f32 to vector<16xf32>
        %mul3A_616 = arith.mulf %mul3A_615, %get3A_614 : vector<16xf32>
        %add3A_617 = arith.addf %mul3A_610, %mul3A_616 : vector<16xf32>
        %get3A_618 = arith.constant 2 : i32
        %get3A_619 = arith.index_cast %get3A_618 : i32 to index
        %get3A_620 = arith.constant 96 : index
        %get3A_621 = tpu.vector_load %arg19[%get3A_619, %get3A_620] {strides = array<i32>} : memref<4x128xf32, #tpu.memory_space<vmem>>, vector<16xf32>,
        %mul3A_622 = vector.broadcast %squeeze3A_120 : f32 to vector<16xf32>
        %mul3A_623 = arith.mulf %mul3A_622, %get3A_621 : vector<16xf32>
        %add3A_624 = arith.addf %add3A_617, %mul3A_623 : vector<16xf32>
        %get3A_625 = arith.constant 3 : i32
        %get3A_626 = arith.index_cast %get3A_625 : i32 to index
        %get3A_627 = arith.constant 96 : index
        %get3A_628 = tpu.vector_load %arg19[%get3A_626, %get3A_627] {strides = array<i32>} : memref<4x128xf32, #tpu.memory_space<vmem>>, vector<16xf32>,
        %mul3A_629 = vector.broadcast %squeeze3A_122 : f32 to vector<16xf32>
        %mul3A_630 = arith.mulf %mul3A_629, %get3A_628 : vector<16xf32>
        %add3A_631 = arith.addf %add3A_624, %mul3A_630 : vector<16xf32>
        %get3A_632 = arith.index_cast %scan3A_111 : i32 to index
        %get3A_633 = arith.constant 96 : index
        %get3A_634 = tpu.vector_load %arg15[%get3A_632, %get3A_633] {strides = array<i32>} : memref<64x128xf32, #tpu.memory_space<vmem>>, vector<16xf32>,
        %get3A_635 = arith.index_cast %scan3A_111 : i32 to index
        %get3A_636 = arith.constant 96 : index
        %get3A_637 = tpu.vector_load %arg16[%get3A_635, %get3A_636] {strides = array<i32>} : memref<64x128xf32, #tpu.memory_space<vmem>>, vector<16xf32>,
        %add3A_638 = arith.addf %get3A_634, %get3A_637 : vector<16xf32>
        %add3A_639 = arith.addf %add3A_638, %add3A_631 : vector<16xf32>
        %mul3A_640 = arith.constant 2.000000e-01 : f32
        %mul3A_641 = vector.broadcast %mul3A_640 : f32 to vector<16xf32>
        %mul3A_642 = arith.mulf %mul3A_641, %add3A_639 : vector<16xf32>
        %max3A_643 = arith.maximumf %add3A_639, %mul3A_642 : vector<16xf32>
        %get3A_644 = arith.constant 6 : i32
        %get3A_645 = arith.index_cast %get3A_644 : i32 to index
        %get3A_646 = arith.constant 0 : index
        %get3A_647 = tpu.vector_load %arg20[%get3A_645, %get3A_646] {strides = array<i32>} : memref<8x16xf32, #tpu.memory_space<vmem>>, vector<16xf32>,
        %mul3A_648 = arith.mulf %max3A_643, %get3A_647 : vector<16xf32>
        %xor3A_649 = arith.constant 8 : i32
        %xor3A_650 = vector.broadcast %xor3A_649 : i32 to vector<16xi32>
        %xor3A_651 = arith.xori %iota3A, %xor3A_650 : vector<16xi32>
        %broadcast_in_dim3A_652 = vector.shape_cast %xor3A_651 : vector<16xi32> to vector<16x1xi32>
        %gather3A_653 = vector.shape_cast %broadcast_in_dim3A_652 : vector<16x1xi32> to vector<16xi32>
        %gather3A_654 = tpu.dynamic_gather %mul3A_648[%gather3A_653] in [0] : vector<16xf32>, vector<16xi32> -> vector<16xf32>
        %add3A_655 = arith.addf %mul3A_648, %gather3A_654 : vector<16xf32>
        %xor3A_656 = arith.constant 4 : i32
        %xor3A_657 = vector.broadcast %xor3A_656 : i32 to vector<16xi32>
        %xor3A_658 = arith.xori %iota3A, %xor3A_657 : vector<16xi32>
        %broadcast_in_dim3A_659 = vector.shape_cast %xor3A_658 : vector<16xi32> to vector<16x1xi32>
        %gather3A_660 = vector.shape_cast %broadcast_in_dim3A_659 : vector<16x1xi32> to vector<16xi32>
        %gather3A_661 = tpu.dynamic_gather %add3A_655[%gather3A_660] in [0] : vector<16xf32>, vector<16xi32> -> vector<16xf32>
        %add3A_662 = arith.addf %add3A_655, %gather3A_661 : vector<16xf32>
        %xor3A_663 = arith.constant 2 : i32
        %xor3A_664 = vector.broadcast %xor3A_663 : i32 to vector<16xi32>
        %xor3A_665 = arith.xori %iota3A, %xor3A_664 : vector<16xi32>
        %broadcast_in_dim3A_666 = vector.shape_cast %xor3A_665 : vector<16xi32> to vector<16x1xi32>
        %gather3A_667 = vector.shape_cast %broadcast_in_dim3A_666 : vector<16x1xi32> to vector<16xi32>
        %gather3A_668 = tpu.dynamic_gather %add3A_662[%gather3A_667] in [0] : vector<16xf32>, vector<16xi32> -> vector<16xf32>
        %add3A_669 = arith.addf %add3A_662, %gather3A_668 : vector<16xf32>
        %xor3A_670 = arith.constant 1 : i32
        %xor3A_671 = vector.broadcast %xor3A_670 : i32 to vector<16xi32>
        %xor3A_672 = arith.xori %iota3A, %xor3A_671 : vector<16xi32>
        %broadcast_in_dim3A_673 = vector.shape_cast %xor3A_672 : vector<16xi32> to vector<16x1xi32>
        %gather3A_674 = vector.shape_cast %broadcast_in_dim3A_673 : vector<16x1xi32> to vector<16xi32>
        %gather3A_675 = tpu.dynamic_gather %add3A_669[%gather3A_674] in [0] : vector<16xf32>, vector<16xi32> -> vector<16xf32>
        %add3A_676 = arith.addf %add3A_669, %gather3A_675 : vector<16xf32>
        %exp3A_677 = math.exp %add3A_676 : vector<16xf32>
        %mul3A_678 = arith.mulf %get3A_634, %exp3A_677 : vector<16xf32>
        %swap3A_679 = arith.index_cast %scan3A_111 : i32 to index
        %swap3A_680 = arith.constant 96 : index
        %swap3A_681 = tpu.vector_load %arg17[%swap3A_679, %swap3A_680] {strides = array<i32>} : memref<64x128xf32, #tpu.memory_space<vmem>>, vector<16xf32>,
        tpu.vector_store %arg17[%swap3A_679, %swap3A_680], %mul3A_678 {strides = array<i32>} : memref<64x128xf32, #tpu.memory_space<vmem>>, vector<16xf32>,
        %eq3A_682 = arith.constant 6 : i32
        %eq3A_683 = vector.broadcast %eq3A_682 : i32 to vector<16xi32>
        %eq3A_684 = arith.cmpi eq, %iota3A, %eq3A_683 : vector<16xi32>
        %select_n3A_685 = arith.select %eq3A_684, %exp3A_677, %select_n3A_604 : vector<16xi1>, vector<16xf32>
        %get3A_686 = arith.constant 0 : i32
        %get3A_687 = arith.index_cast %get3A_686 : i32 to index
        %get3A_688 = arith.constant 112 : index
        %get3A_689 = tpu.vector_load %arg19[%get3A_687, %get3A_688] {strides = array<i32>} : memref<4x128xf32, #tpu.memory_space<vmem>>, vector<16xf32>,
        %mul3A_690 = vector.broadcast %squeeze3A : f32 to vector<16xf32>
        %mul3A_691 = arith.mulf %mul3A_690, %get3A_689 : vector<16xf32>
        %get3A_692 = arith.constant 1 : i32
        %get3A_693 = arith.index_cast %get3A_692 : i32 to index
        %get3A_694 = arith.constant 112 : index
        %get3A_695 = tpu.vector_load %arg19[%get3A_693, %get3A_694] {strides = array<i32>} : memref<4x128xf32, #tpu.memory_space<vmem>>, vector<16xf32>,
        %mul3A_696 = vector.broadcast %squeeze3A_118 : f32 to vector<16xf32>
        %mul3A_697 = arith.mulf %mul3A_696, %get3A_695 : vector<16xf32>
        %add3A_698 = arith.addf %mul3A_691, %mul3A_697 : vector<16xf32>
        %get3A_699 = arith.constant 2 : i32
        %get3A_700 = arith.index_cast %get3A_699 : i32 to index
        %get3A_701 = arith.constant 112 : index
        %get3A_702 = tpu.vector_load %arg19[%get3A_700, %get3A_701] {strides = array<i32>} : memref<4x128xf32, #tpu.memory_space<vmem>>, vector<16xf32>,
        %mul3A_703 = vector.broadcast %squeeze3A_120 : f32 to vector<16xf32>
        %mul3A_704 = arith.mulf %mul3A_703, %get3A_702 : vector<16xf32>
        %add3A_705 = arith.addf %add3A_698, %mul3A_704 : vector<16xf32>
        %get3A_706 = arith.constant 3 : i32
        %get3A_707 = arith.index_cast %get3A_706 : i32 to index
        %get3A_708 = arith.constant 112 : index
        %get3A_709 = tpu.vector_load %arg19[%get3A_707, %get3A_708] {strides = array<i32>} : memref<4x128xf32, #tpu.memory_space<vmem>>, vector<16xf32>,
        %mul3A_710 = vector.broadcast %squeeze3A_122 : f32 to vector<16xf32>
        %mul3A_711 = arith.mulf %mul3A_710, %get3A_709 : vector<16xf32>
        %add3A_712 = arith.addf %add3A_705, %mul3A_711 : vector<16xf32>
        %get3A_713 = arith.index_cast %scan3A_111 : i32 to index
        %get3A_714 = arith.constant 112 : index
        %get3A_715 = tpu.vector_load %arg15[%get3A_713, %get3A_714] {strides = array<i32>} : memref<64x128xf32, #tpu.memory_space<vmem>>, vector<16xf32>,
        %get3A_716 = arith.index_cast %scan3A_111 : i32 to index
        %get3A_717 = arith.constant 112 : index
        %get3A_718 = tpu.vector_load %arg16[%get3A_716, %get3A_717] {strides = array<i32>} : memref<64x128xf32, #tpu.memory_space<vmem>>, vector<16xf32>,
        %add3A_719 = arith.addf %get3A_715, %get3A_718 : vector<16xf32>
        %add3A_720 = arith.addf %add3A_719, %add3A_712 : vector<16xf32>
        %mul3A_721 = arith.constant 2.000000e-01 : f32
        %mul3A_722 = vector.broadcast %mul3A_721 : f32 to vector<16xf32>
        %mul3A_723 = arith.mulf %mul3A_722, %add3A_720 : vector<16xf32>
        %max3A_724 = arith.maximumf %add3A_720, %mul3A_723 : vector<16xf32>
        %get3A_725 = arith.constant 7 : i32
        %get3A_726 = arith.index_cast %get3A_725 : i32 to index
        %get3A_727 = arith.constant 0 : index
        %get3A_728 = tpu.vector_load %arg20[%get3A_726, %get3A_727] {strides = array<i32>} : memref<8x16xf32, #tpu.memory_space<vmem>>, vector<16xf32>,
        %mul3A_729 = arith.mulf %max3A_724, %get3A_728 : vector<16xf32>
        %xor3A_730 = arith.constant 8 : i32
        %xor3A_731 = vector.broadcast %xor3A_730 : i32 to vector<16xi32>
        %xor3A_732 = arith.xori %iota3A, %xor3A_731 : vector<16xi32>
        %broadcast_in_dim3A_733 = vector.shape_cast %xor3A_732 : vector<16xi32> to vector<16x1xi32>
        %gather3A_734 = vector.shape_cast %broadcast_in_dim3A_733 : vector<16x1xi32> to vector<16xi32>
        %gather3A_735 = tpu.dynamic_gather %mul3A_729[%gather3A_734] in [0] : vector<16xf32>, vector<16xi32> -> vector<16xf32>
        %add3A_736 = arith.addf %mul3A_729, %gather3A_735 : vector<16xf32>
        %xor3A_737 = arith.constant 4 : i32
        %xor3A_738 = vector.broadcast %xor3A_737 : i32 to vector<16xi32>
        %xor3A_739 = arith.xori %iota3A, %xor3A_738 : vector<16xi32>
        %broadcast_in_dim3A_740 = vector.shape_cast %xor3A_739 : vector<16xi32> to vector<16x1xi32>
        %gather3A_741 = vector.shape_cast %broadcast_in_dim3A_740 : vector<16x1xi32> to vector<16xi32>
        %gather3A_742 = tpu.dynamic_gather %add3A_736[%gather3A_741] in [0] : vector<16xf32>, vector<16xi32> -> vector<16xf32>
        %add3A_743 = arith.addf %add3A_736, %gather3A_742 : vector<16xf32>
        %xor3A_744 = arith.constant 2 : i32
        %xor3A_745 = vector.broadcast %xor3A_744 : i32 to vector<16xi32>
        %xor3A_746 = arith.xori %iota3A, %xor3A_745 : vector<16xi32>
        %broadcast_in_dim3A_747 = vector.shape_cast %xor3A_746 : vector<16xi32> to vector<16x1xi32>
        %gather3A_748 = vector.shape_cast %broadcast_in_dim3A_747 : vector<16x1xi32> to vector<16xi32>
        %gather3A_749 = tpu.dynamic_gather %add3A_743[%gather3A_748] in [0] : vector<16xf32>, vector<16xi32> -> vector<16xf32>
        %add3A_750 = arith.addf %add3A_743, %gather3A_749 : vector<16xf32>
        %xor3A_751 = arith.constant 1 : i32
        %xor3A_752 = vector.broadcast %xor3A_751 : i32 to vector<16xi32>
        %xor3A_753 = arith.xori %iota3A, %xor3A_752 : vector<16xi32>
        %broadcast_in_dim3A_754 = vector.shape_cast %xor3A_753 : vector<16xi32> to vector<16x1xi32>
        %gather3A_755 = vector.shape_cast %broadcast_in_dim3A_754 : vector<16x1xi32> to vector<16xi32>
        %gather3A_756 = tpu.dynamic_gather %add3A_750[%gather3A_755] in [0] : vector<16xf32>, vector<16xi32> -> vector<16xf32>
        %add3A_757 = arith.addf %add3A_750, %gather3A_756 : vector<16xf32>
        %exp3A_758 = math.exp %add3A_757 : vector<16xf32>
        %mul3A_759 = arith.mulf %get3A_715, %exp3A_758 : vector<16xf32>
        %swap3A_760 = arith.index_cast %scan3A_111 : i32 to index
        %swap3A_761 = arith.constant 112 : index
        %swap3A_762 = tpu.vector_load %arg17[%swap3A_760, %swap3A_761] {strides = array<i32>} : memref<64x128xf32, #tpu.memory_space<vmem>>, vector<16xf32>,
        tpu.vector_store %arg17[%swap3A_760, %swap3A_761], %mul3A_759 {strides = array<i32>} : memref<64x128xf32, #tpu.memory_space<vmem>>, vector<16xf32>,
        %eq3A_763 = arith.constant 7 : i32
        %eq3A_764 = vector.broadcast %eq3A_763 : i32 to vector<16xi32>
        %eq3A_765 = arith.cmpi eq, %iota3A, %eq3A_764 : vector<16xi32>
        %select_n3A_766 = arith.select %eq3A_765, %exp3A_758, %select_n3A_685 : vector<16xi1>, vector<16xf32>
        %swap3A_767 = arith.index_cast %scan3A_111 : i32 to index
        %swap3A_768 = arith.constant 0 : index
        %swap3A_769 = tpu.vector_load %arg18[%swap3A_767, %swap3A_768] {strides = array<i32>} : memref<64x128xf32, #tpu.memory_space<vmem>>, vector<16xf32>,
        tpu.vector_store %arg18[%swap3A_767, %swap3A_768], %broadcast_in_dim3A_1 {strides = array<i32>} : memref<64x128xf32, #tpu.memory_space<vmem>>, vector<16xf32>,
        %swap3A_770 = arith.index_cast %scan3A_111 : i32 to index
        %swap3A_771 = arith.constant 16 : index
        %swap3A_772 = tpu.vector_load %arg18[%swap3A_770, %swap3A_771] {strides = array<i32>} : memref<64x128xf32, #tpu.memory_space<vmem>>, vector<16xf32>,
        tpu.vector_store %arg18[%swap3A_770, %swap3A_771], %broadcast_in_dim3A_1 {strides = array<i32>} : memref<64x128xf32, #tpu.memory_space<vmem>>, vector<16xf32>,
        %swap3A_773 = arith.index_cast %scan3A_111 : i32 to index
        %swap3A_774 = arith.constant 32 : index
        %swap3A_775 = tpu.vector_load %arg18[%swap3A_773, %swap3A_774] {strides = array<i32>} : memref<64x128xf32, #tpu.memory_space<vmem>>, vector<16xf32>,
        tpu.vector_store %arg18[%swap3A_773, %swap3A_774], %broadcast_in_dim3A_1 {strides = array<i32>} : memref<64x128xf32, #tpu.memory_space<vmem>>, vector<16xf32>,
        %swap3A_776 = arith.index_cast %scan3A_111 : i32 to index
        %swap3A_777 = arith.constant 48 : index
        %swap3A_778 = tpu.vector_load %arg18[%swap3A_776, %swap3A_777] {strides = array<i32>} : memref<64x128xf32, #tpu.memory_space<vmem>>, vector<16xf32>,
        tpu.vector_store %arg18[%swap3A_776, %swap3A_777], %broadcast_in_dim3A_1 {strides = array<i32>} : memref<64x128xf32, #tpu.memory_space<vmem>>, vector<16xf32>,
        %swap3A_779 = arith.index_cast %scan3A_111 : i32 to index
        %swap3A_780 = arith.constant 64 : index
        %swap3A_781 = tpu.vector_load %arg18[%swap3A_779, %swap3A_780] {strides = array<i32>} : memref<64x128xf32, #tpu.memory_space<vmem>>, vector<16xf32>,
        tpu.vector_store %arg18[%swap3A_779, %swap3A_780], %broadcast_in_dim3A_1 {strides = array<i32>} : memref<64x128xf32, #tpu.memory_space<vmem>>, vector<16xf32>,
        %swap3A_782 = arith.index_cast %scan3A_111 : i32 to index
        %swap3A_783 = arith.constant 80 : index
        %swap3A_784 = tpu.vector_load %arg18[%swap3A_782, %swap3A_783] {strides = array<i32>} : memref<64x128xf32, #tpu.memory_space<vmem>>, vector<16xf32>,
        tpu.vector_store %arg18[%swap3A_782, %swap3A_783], %broadcast_in_dim3A_1 {strides = array<i32>} : memref<64x128xf32, #tpu.memory_space<vmem>>, vector<16xf32>,
        %swap3A_785 = arith.index_cast %scan3A_111 : i32 to index
        %swap3A_786 = arith.constant 96 : index
        %swap3A_787 = tpu.vector_load %arg18[%swap3A_785, %swap3A_786] {strides = array<i32>} : memref<64x128xf32, #tpu.memory_space<vmem>>, vector<16xf32>,
        tpu.vector_store %arg18[%swap3A_785, %swap3A_786], %broadcast_in_dim3A_1 {strides = array<i32>} : memref<64x128xf32, #tpu.memory_space<vmem>>, vector<16xf32>,
        %swap3A_788 = arith.index_cast %scan3A_111 : i32 to index
        %swap3A_789 = arith.constant 112 : index
        %swap3A_790 = tpu.vector_load %arg18[%swap3A_788, %swap3A_789] {strides = array<i32>} : memref<64x128xf32, #tpu.memory_space<vmem>>, vector<16xf32>,
        tpu.vector_store %arg18[%swap3A_788, %swap3A_789], %broadcast_in_dim3A_1 {strides = array<i32>} : memref<64x128xf32, #tpu.memory_space<vmem>>, vector<16xf32>,
        %shift_right_arithmetic3A_791 = arith.constant 4 : i32
        %shift_right_arithmetic3A_792 = arith.shrsi %scan3A_111, %shift_right_arithmetic3A_791 : i32
        %shift_left3A = arith.constant 4 : i32
        %shift_left3A_793 = arith.shli %shift_right_arithmetic3A_792, %shift_left3A : i32
        %get3A_794 = arith.index_cast %shift_left3A_793 : i32 to index
        %get3A_795 = tpu.vector_load %arg12[%get3A_794] {strides = array<i32>} : memref<64xi32, #tpu.memory_space<vmem>>, vector<16xi32>,
        %sub3A_796 = arith.subi %scan3A_111, %shift_left3A_793 : i32
        %broadcast_in_dim3A_797 = vector.broadcast %sub3A_796 : i32 to vector<16xi32>
        %broadcast_in_dim3A_798 = vector.shape_cast %broadcast_in_dim3A_797 : vector<16xi32> to vector<16x1xi32>
        %gather3A_799 = vector.shape_cast %broadcast_in_dim3A_798 : vector<16x1xi32> to vector<16xi32>
        %gather3A_800 = tpu.dynamic_gather %get3A_795[%gather3A_799] in [0] : vector<16xi32>, vector<16xi32> -> vector<16xi32>
        %slice3A_801 = vector.extract_strided_slice %gather3A_800 {offsets = [0], sizes = [1], strides = [1]} : vector<16xi32> to vector<1xi32>
        %squeeze3A_802 = vector.extract %slice3A_801[0] : i32 from vector<1xi32>
        %and3A = arith.constant 15 : i32
        %and3A_803 = arith.andi %squeeze3A_802, %and3A : i32
        %shift_left3A_804 = arith.constant 3 : i32
        %shift_left3A_805 = arith.shli %and3A_803, %shift_left3A_804 : i32
        %and3A_806 = arith.constant 15 : i32
        %and3A_807 = arith.andi %shift_left3A_805, %and3A_806 : i32
        %sub3A_808 = vector.broadcast %and3A_807 : i32 to vector<16xi32>
        %sub3A_809 = arith.subi %iota3A, %sub3A_808 : vector<16xi32>
        %ge3A = arith.constant 0 : i32
        %ge3A_810 = vector.broadcast %ge3A : i32 to vector<16xi32>
        %ge3A_811 = arith.cmpi sge, %sub3A_809, %ge3A_810 : vector<16xi32>
        %lt3A = arith.constant 8 : i32
        %lt3A_812 = vector.broadcast %lt3A : i32 to vector<16xi32>
        %lt3A_813 = arith.cmpi slt, %sub3A_809, %lt3A_812 : vector<16xi32>
        %and3A_814 = arith.andi %ge3A_811, %lt3A_813 : vector<16xi1>
        %and3A_815 = arith.constant 15 : i32
        %and3A_816 = vector.broadcast %and3A_815 : i32 to vector<16xi32>
        %and3A_817 = arith.andi %sub3A_809, %and3A_816 : vector<16xi32>
        %broadcast_in_dim3A_818 = vector.shape_cast %and3A_817 : vector<16xi32> to vector<16x1xi32>
        %gather3A_819 = vector.shape_cast %broadcast_in_dim3A_818 : vector<16x1xi32> to vector<16xi32>
        %gather3A_820 = tpu.dynamic_gather %select_n3A_766[%gather3A_819] in [0] : vector<16xf32>, vector<16xi32> -> vector<16xf32>
        %jit3A = arith.constant 0.000000e+00 : f32
        %broadcast_in_dim3A_821 = vector.broadcast %jit3A : f32 to vector<16xf32>
        %select_n3A_822 = arith.select %and3A_814, %gather3A_820, %broadcast_in_dim3A_821 : vector<16xi1>, vector<16xf32>
        %shift_right_arithmetic3A_823 = arith.constant 4 : i32
        %shift_right_arithmetic3A_824 = arith.shrsi %shift_left3A_805, %shift_right_arithmetic3A_823 : i32
        %shift_left3A_825 = arith.constant 4 : i32
        %shift_left3A_826 = arith.shli %shift_right_arithmetic3A_824, %shift_left3A_825 : i32
        %swap3A_827 = arith.index_cast %scan3A_111 : i32 to index
        %swap3A_828 = arith.index_cast %shift_left3A_826 : i32 to index
        %swap3A_829 = tpu.vector_load %arg18[%swap3A_827, %swap3A_828] {strides = array<i32>} : memref<64x128xf32, #tpu.memory_space<vmem>>, vector<16xf32>,
        tpu.vector_store %arg18[%swap3A_827, %swap3A_828], %select_n3A_822 {strides = array<i32>} : memref<64x128xf32, #tpu.memory_space<vmem>>, vector<16xf32>,
        %scan3A_830 = arith.constant 0 : i32
        scf.yield %scan3A_830 : i32
      }
      %scan3A_109 = arith.constant 64 : i32
      "tpu.region"() ({
        %run_scoped3A = tpu.sem_alloc : memref<!tpu.dma_semaphore, #tpu.memory_space<semaphore_mem>>
        %dma_start3A_111 = arith.constant 0 : i32
        %dma_start3A_112 = arith.constant 0 : i32
        %dma_start3A_113 = tpu.memref_slice %arg21[%dma_start3A_111, %dma_start3A_112] : memref<10880x128xf32, #tpu.memory_space<vmem_shared>> -> memref<10880x128xf32, #tpu.memory_space<vmem_shared>>
        tpu.enqueue_indirect_dma source(%arg17 : memref<64x128xf32, #tpu.memory_space<vmem>>) target(%dma_start3A_113 : memref<10880x128xf32, #tpu.memory_space<vmem_shared>>) offsets(%arg12 : memref<64xi32, #tpu.memory_space<vmem>>) semaphore(%run_scoped3A : memref<!tpu.dma_semaphore, #tpu.memory_space<semaphore_mem>>) {add = true}
        %dma_wait3A_114 = arith.constant 0 : i32
        %dma_wait3A_115 = arith.constant 0 : i32
        %dma_wait3A_116 = tpu.memref_slice %arg21[%dma_wait3A_114, %dma_wait3A_115] : memref<10880x128xf32, #tpu.memory_space<vmem_shared>> -> memref<10880x128xf32, #tpu.memory_space<vmem_shared>>
        tpu.wait_indirect_dma semaphore(%run_scoped3A : memref<!tpu.dma_semaphore, #tpu.memory_space<semaphore_mem>>) src(%arg17 : memref<64x128xf32, #tpu.memory_space<vmem>>) dst(%dma_wait3A_116 : memref<10880x128xf32, #tpu.memory_space<vmem_shared>>)
        tpu.yield
      }) : () -> ()
      "tpu.region"() ({
        %run_scoped3A = tpu.sem_alloc : memref<!tpu.dma_semaphore, #tpu.memory_space<semaphore_mem>>
        %dma_start3A_111 = arith.constant 0 : i32
        %dma_start3A_112 = arith.constant 0 : i32
        %dma_start3A_113 = tpu.memref_slice %arg21[%dma_start3A_111, %dma_start3A_112] : memref<10880x128xf32, #tpu.memory_space<vmem_shared>> -> memref<10880x128xf32, #tpu.memory_space<vmem_shared>>
        tpu.enqueue_indirect_dma source(%arg18 : memref<64x128xf32, #tpu.memory_space<vmem>>) target(%dma_start3A_113 : memref<10880x128xf32, #tpu.memory_space<vmem_shared>>) offsets(%arg13 : memref<64xi32, #tpu.memory_space<vmem>>) semaphore(%run_scoped3A : memref<!tpu.dma_semaphore, #tpu.memory_space<semaphore_mem>>) {add = true}
        %dma_wait3A_114 = arith.constant 0 : i32
        %dma_wait3A_115 = arith.constant 0 : i32
        %dma_wait3A_116 = tpu.memref_slice %arg21[%dma_wait3A_114, %dma_wait3A_115] : memref<10880x128xf32, #tpu.memory_space<vmem_shared>> -> memref<10880x128xf32, #tpu.memory_space<vmem_shared>>
        tpu.wait_indirect_dma semaphore(%run_scoped3A : memref<!tpu.dma_semaphore, #tpu.memory_space<semaphore_mem>>) src(%arg18 : memref<64x128xf32, #tpu.memory_space<vmem>>) dst(%dma_wait3A_116 : memref<10880x128xf32, #tpu.memory_space<vmem_shared>>)
        tpu.yield
      }) : () -> ()
      %scan3A_110 = arith.constant 0 : i32
      scf.yield %scan3A_110 : i32
    }
    %scan3A_39 = arith.constant 162 : i32
    %barrier3A_40 = arith.constant 0 : index
    tpu.barrier barrier_id(%barrier3A_40)
    %mul3A_41 = arith.constant 640 : i32
    %mul3A_42 = arith.muli %arg1, %mul3A_41 : i32
    %mul3A_43 = arith.constant 640 : i32
    %mul3A_44 = arith.muli %arg1, %mul3A_43 : i32
    "tpu.region"() ({
      %run_scoped3A = tpu.sem_alloc : memref<!tpu.dma_semaphore, #tpu.memory_space<semaphore_mem>>
      %dma_start3A = arith.constant 0 : i32
      %dma_start3A_51 = tpu.memref_slice %arg9[%arg0, %mul3A_44, %dma_start3A] : memref<2x10240x128xf32, #tpu.memory_space<hbm>> -> memref<1x640x128xf32, #tpu.memory_space<hbm>>
      %dma_start3A_52 = tpu.memref_squeeze %dma_start3A_51 : memref<1x640x128xf32, #tpu.memory_space<hbm>> -> memref<640x128xf32, #tpu.memory_space<hbm>>
      %dma_start3A_53 = arith.constant 0 : i32
      %dma_start3A_54 = tpu.memref_slice %arg21[%mul3A_42, %dma_start3A_53] : memref<10880x128xf32, #tpu.memory_space<vmem_shared>> -> memref<640x128xf32, #tpu.memory_space<vmem_shared>>
      tpu.enqueue_dma source(%dma_start3A_54 : memref<640x128xf32, #tpu.memory_space<vmem_shared>>) target(%dma_start3A_52 : memref<640x128xf32, #tpu.memory_space<hbm>>) target_semaphore(%run_scoped3A : memref<!tpu.dma_semaphore, #tpu.memory_space<semaphore_mem>>)
      %dma_wait3A = arith.constant 0 : i32
      %dma_wait3A_55 = tpu.memref_slice %arg9[%arg0, %mul3A_44, %dma_wait3A] : memref<2x10240x128xf32, #tpu.memory_space<hbm>> -> memref<1x640x128xf32, #tpu.memory_space<hbm>>
      %dma_wait3A_56 = tpu.memref_squeeze %dma_wait3A_55 : memref<1x640x128xf32, #tpu.memory_space<hbm>> -> memref<640x128xf32, #tpu.memory_space<hbm>>
      %dma_wait3A_57 = arith.constant 0 : i32
      %dma_wait3A_58 = tpu.memref_slice %arg21[%mul3A_42, %dma_wait3A_57] : memref<10880x128xf32, #tpu.memory_space<vmem_shared>> -> memref<640x128xf32, #tpu.memory_space<vmem_shared>>
      tpu.wait_dma2 semaphore(%run_scoped3A : memref<!tpu.dma_semaphore, #tpu.memory_space<semaphore_mem>>) src(%dma_wait3A_58 : memref<640x128xf32, #tpu.memory_space<vmem_shared>>) dst(%dma_wait3A_56 : memref<640x128xf32, #tpu.memory_space<hbm>>)
      tpu.yield
    }) : () -> ()
    %mul3A_45 = arith.constant 40 : i32
    %mul3A_46 = arith.muli %arg1, %mul3A_45 : i32
    %add3A_47 = arith.constant 10240 : i32
    %add3A_48 = arith.addi %add3A_47, %mul3A_46 : i32
    %mul3A_49 = arith.constant 40 : i32
    %mul3A_50 = arith.muli %arg1, %mul3A_49 : i32
    "tpu.region"() ({
      %run_scoped3A = tpu.sem_alloc : memref<!tpu.dma_semaphore, #tpu.memory_space<semaphore_mem>>
      %dma_start3A = arith.constant 0 : i32
      %dma_start3A_51 = tpu.memref_slice %arg10[%arg0, %mul3A_50, %dma_start3A] : memref<2x640x128xf32, #tpu.memory_space<hbm>> -> memref<1x40x128xf32, #tpu.memory_space<hbm>>
      %dma_start3A_52 = tpu.memref_squeeze %dma_start3A_51 : memref<1x40x128xf32, #tpu.memory_space<hbm>> -> memref<40x128xf32, #tpu.memory_space<hbm>>
      %dma_start3A_53 = arith.constant 0 : i32
      %dma_start3A_54 = tpu.memref_slice %arg21[%add3A_48, %dma_start3A_53] : memref<10880x128xf32, #tpu.memory_space<vmem_shared>> -> memref<40x128xf32, #tpu.memory_space<vmem_shared>>
      tpu.enqueue_dma source(%dma_start3A_54 : memref<40x128xf32, #tpu.memory_space<vmem_shared>>) target(%dma_start3A_52 : memref<40x128xf32, #tpu.memory_space<hbm>>) target_semaphore(%run_scoped3A : memref<!tpu.dma_semaphore, #tpu.memory_space<semaphore_mem>>)
      %dma_wait3A = arith.constant 0 : i32
      %dma_wait3A_55 = tpu.memref_slice %arg10[%arg0, %mul3A_50, %dma_wait3A] : memref<2x640x128xf32, #tpu.memory_space<hbm>> -> memref<1x40x128xf32, #tpu.memory_space<hbm>>
      %dma_wait3A_56 = tpu.memref_squeeze %dma_wait3A_55 : memref<1x40x128xf32, #tpu.memory_space<hbm>> -> memref<40x128xf32, #tpu.memory_space<hbm>>
      %dma_wait3A_57 = arith.constant 0 : i32
      %dma_wait3A_58 = tpu.memref_slice %arg21[%add3A_48, %dma_wait3A_57] : memref<10880x128xf32, #tpu.memory_space<vmem_shared>> -> memref<40x128xf32, #tpu.memory_space<vmem_shared>>
      tpu.wait_dma2 semaphore(%run_scoped3A : memref<!tpu.dma_semaphore, #tpu.memory_space<semaphore_mem>>) src(%dma_wait3A_58 : memref<40x128xf32, #tpu.memory_space<vmem_shared>>) dst(%dma_wait3A_56 : memref<40x128xf32, #tpu.memory_space<hbm>>)
      tpu.yield
    }) : () -> ()
    return
  }
}

#map = affine_map<(d0, d1) -> (0, 0)>
#map1 = affine_map<(d0, d1) -> (0, 0, 0)>
module attributes {stable_mosaic.version = 14 : i64} {
  func.func @_sc_edge_pass(%arg0: i32, %arg1: i32, %arg2: memref<10240x128xf32, #tpu.memory_space<hbm>>, %arg3: memref<10240x128xf32, #tpu.memory_space<hbm>>, %arg4: memref<5184x64xi32, #tpu.memory_space<hbm>>, %arg5: memref<5184x64xi32, #tpu.memory_space<hbm>>, %arg6: memref<5184x256xf32, #tpu.memory_space<hbm>>, %arg7: memref<4x128xf32, #tpu.memory_space<hbm>>, %arg8: memref<8x16xf32, #tpu.memory_space<hbm>>, %arg9: memref<2x10240x128xf32, #tpu.memory_space<hbm>>, %arg10: memref<2x640x128xf32, #tpu.memory_space<hbm>>, %arg11: memref<64xi32, #tpu.memory_space<vmem>>, %arg12: memref<64xi32, #tpu.memory_space<vmem>>, %arg13: memref<64xi32, #tpu.memory_space<vmem>>, %arg14: memref<272xf32, #tpu.memory_space<vmem>>, %arg15: memref<64x128xf32, #tpu.memory_space<vmem>>, %arg16: memref<64x128xf32, #tpu.memory_space<vmem>>, %arg17: memref<64x128xf32, #tpu.memory_space<vmem>>, %arg18: memref<64x128xf32, #tpu.memory_space<vmem>>, %arg19: memref<4x128xf32, #tpu.memory_space<vmem>>, %arg20: memref<8x16xf32, #tpu.memory_space<vmem>>, %arg21: memref<10880x128xf32, #tpu.memory_space<vmem_shared>>, %arg22: memref<!tpu.dma_semaphore, #tpu.memory_space<semaphore_mem>>, %arg23: memref<!tpu.dma_semaphore, #tpu.memory_space<semaphore_mem>>) attributes {dimension_semantics = [#tpu.dimension_semantics<core_parallel>, #tpu.dimension_semantics<subcore_parallel>], iteration_bounds = array<i64: 2, 16>, scalar_prefetch = 0 : i64, scratch_operands = 13 : i64, tpu.core_type = #tpu.core_type<sc_vector_subcore>, window_params = [{transform_indices = #map}, {transform_indices = #map}, {transform_indices = #map}, {transform_indices = #map}, {transform_indices = #map}, {transform_indices = #map}, {transform_indices = #map}, {transform_indices = #map1}, {transform_indices = #map1}]} {
    %mul3A = arith.constant 16 : i32
    %mul3A_0 = arith.muli %arg0, %mul3A : i32
    %add3A = arith.addi %mul3A_0, %arg1 : i32
    "tpu.region"() ({
      %run_scoped3A = tpu.sem_alloc : memref<!tpu.dma_semaphore, #tpu.memory_space<semaphore_mem>>
      tpu.enqueue_dma source(%arg7 : memref<4x128xf32, #tpu.memory_space<hbm>>) target(%arg19 : memref<4x128xf32, #tpu.memory_space<vmem>>) target_semaphore(%run_scoped3A : memref<!tpu.dma_semaphore, #tpu.memory_space<semaphore_mem>>)
      tpu.wait_dma2 semaphore(%run_scoped3A : memref<!tpu.dma_semaphore, #tpu.memory_space<semaphore_mem>>) src(%arg7 : memref<4x128xf32, #tpu.memory_space<hbm>>) dst(%arg19 : memref<4x128xf32, #tpu.memory_space<vmem>>)
      tpu.yield
    }) : () -> ()
    "tpu.region"() ({
      %run_scoped3A = tpu.sem_alloc : memref<!tpu.dma_semaphore, #tpu.memory_space<semaphore_mem>>
      tpu.enqueue_dma source(%arg8 : memref<8x16xf32, #tpu.memory_space<hbm>>) target(%arg20 : memref<8x16xf32, #tpu.memory_space<vmem>>) target_semaphore(%run_scoped3A : memref<!tpu.dma_semaphore, #tpu.memory_space<semaphore_mem>>)
      tpu.wait_dma2 semaphore(%run_scoped3A : memref<!tpu.dma_semaphore, #tpu.memory_space<semaphore_mem>>) src(%arg8 : memref<8x16xf32, #tpu.memory_space<hbm>>) dst(%arg20 : memref<8x16xf32, #tpu.memory_space<vmem>>)
      tpu.yield
    }) : () -> ()
    %broadcast_in_dim3A = arith.constant 0.000000e+00 : f32
    %broadcast_in_dim3A_1 = vector.broadcast %broadcast_in_dim3A : f32 to vector<16xf32>
    %scan3A = arith.constant 0 : i32
    %scan3A_2 = arith.constant 0 : i32
    %scan3A_3 = arith.constant 64 : i32
    %scan3A_4 = arith.addi %scan3A_2, %scan3A_3 : i32
    %scan3A_5 = arith.constant 1 : i32
    %scan3A_6 = scf.for %scan3A_51 = %scan3A_2 to %scan3A_4 step %scan3A_5 iter_args(%scan3A_52 = %scan3A) -> (i32)  : i32 {
      %swap3A = arith.index_cast %scan3A_51 : i32 to index
      %swap3A_53 = arith.constant 0 : index
      %swap3A_54 = tpu.vector_load %arg17[%swap3A, %swap3A_53] {strides = array<i32>} : memref<64x128xf32, #tpu.memory_space<vmem>>, vector<16xf32>,
      tpu.vector_store %arg17[%swap3A, %swap3A_53], %broadcast_in_dim3A_1 {strides = array<i32>} : memref<64x128xf32, #tpu.memory_space<vmem>>, vector<16xf32>,
      %swap3A_55 = arith.index_cast %scan3A_51 : i32 to index
      %swap3A_56 = arith.constant 16 : index
      %swap3A_57 = tpu.vector_load %arg17[%swap3A_55, %swap3A_56] {strides = array<i32>} : memref<64x128xf32, #tpu.memory_space<vmem>>, vector<16xf32>,
      tpu.vector_store %arg17[%swap3A_55, %swap3A_56], %broadcast_in_dim3A_1 {strides = array<i32>} : memref<64x128xf32, #tpu.memory_space<vmem>>, vector<16xf32>,
      %swap3A_58 = arith.index_cast %scan3A_51 : i32 to index
      %swap3A_59 = arith.constant 32 : index
      %swap3A_60 = tpu.vector_load %arg17[%swap3A_58, %swap3A_59] {strides = array<i32>} : memref<64x128xf32, #tpu.memory_space<vmem>>, vector<16xf32>,
      tpu.vector_store %arg17[%swap3A_58, %swap3A_59], %broadcast_in_dim3A_1 {strides = array<i32>} : memref<64x128xf32, #tpu.memory_space<vmem>>, vector<16xf32>,
      %swap3A_61 = arith.index_cast %scan3A_51 : i32 to index
      %swap3A_62 = arith.constant 48 : index
      %swap3A_63 = tpu.vector_load %arg17[%swap3A_61, %swap3A_62] {strides = array<i32>} : memref<64x128xf32, #tpu.memory_space<vmem>>, vector<16xf32>,
      tpu.vector_store %arg17[%swap3A_61, %swap3A_62], %broadcast_in_dim3A_1 {strides = array<i32>} : memref<64x128xf32, #tpu.memory_space<vmem>>, vector<16xf32>,
      %swap3A_64 = arith.index_cast %scan3A_51 : i32 to index
      %swap3A_65 = arith.constant 64 : index
      %swap3A_66 = tpu.vector_load %arg17[%swap3A_64, %swap3A_65] {strides = array<i32>} : memref<64x128xf32, #tpu.memory_space<vmem>>, vector<16xf32>,
      tpu.vector_store %arg17[%swap3A_64, %swap3A_65], %broadcast_in_dim3A_1 {strides = array<i32>} : memref<64x128xf32, #tpu.memory_space<vmem>>, vector<16xf32>,
      %swap3A_67 = arith.index_cast %scan3A_51 : i32 to index
      %swap3A_68 = arith.constant 80 : index
      %swap3A_69 = tpu.vector_load %arg17[%swap3A_67, %swap3A_68] {strides = array<i32>} : memref<64x128xf32, #tpu.memory_space<vmem>>, vector<16xf32>,
      tpu.vector_store %arg17[%swap3A_67, %swap3A_68], %broadcast_in_dim3A_1 {strides = array<i32>} : memref<64x128xf32, #tpu.memory_space<vmem>>, vector<16xf32>,
      %swap3A_70 = arith.index_cast %scan3A_51 : i32 to index
      %swap3A_71 = arith.constant 96 : index
      %swap3A_72 = tpu.vector_load %arg17[%swap3A_70, %swap3A_71] {strides = array<i32>} : memref<64x128xf32, #tpu.memory_space<vmem>>, vector<16xf32>,
      tpu.vector_store %arg17[%swap3A_70, %swap3A_71], %broadcast_in_dim3A_1 {strides = array<i32>} : memref<64x128xf32, #tpu.memory_space<vmem>>, vector<16xf32>,
      %swap3A_73 = arith.index_cast %scan3A_51 : i32 to index
      %swap3A_74 = arith.constant 112 : index
      %swap3A_75 = tpu.vector_load %arg17[%swap3A_73, %swap3A_74] {strides = array<i32>} : memref<64x128xf32, #tpu.memory_space<vmem>>, vector<16xf32>,
      tpu.vector_store %arg17[%swap3A_73, %swap3A_74], %broadcast_in_dim3A_1 {strides = array<i32>} : memref<64x128xf32, #tpu.memory_space<vmem>>, vector<16xf32>,
      %scan3A_76 = arith.constant 0 : i32
      scf.yield %scan3A_76 : i32
    }
    %scan3A_7 = arith.constant 64 : i32
    %mul3A_8 = arith.constant 680 : i32
    %mul3A_9 = arith.muli %arg1, %mul3A_8 : i32
    %add3A_10 = arith.constant 0 : i32
    %add3A_11 = arith.addi %mul3A_9, %add3A_10 : i32
    "tpu.region"() ({
      %run_scoped3A = tpu.sem_alloc : memref<!tpu.dma_semaphore, #tpu.memory_space<semaphore_mem>>
      %dma_start3A = arith.constant 0 : i32
      %dma_start3A_51 = tpu.memref_slice %arg21[%add3A_11, %dma_start3A] : memref<10880x128xf32, #tpu.memory_space<vmem_shared>> -> memref<64x128xf32, #tpu.memory_space<vmem_shared>>
      %dma_start3A_52 = arith.constant 0 : i32
      %dma_start3A_53 = tpu.memref_slice %arg21[%add3A_11, %dma_start3A_52] : memref<10880x128xf32, #tpu.memory_space<vmem_shared>> -> memref<64x128xf32, #tpu.memory_space<vmem_shared>>
      tpu.enqueue_dma source(%arg17 : memref<64x128xf32, #tpu.memory_space<vmem>>) target(%dma_start3A_53 : memref<64x128xf32, #tpu.memory_space<vmem_shared>>) target_semaphore(%run_scoped3A : memref<!tpu.dma_semaphore, #tpu.memory_space<semaphore_mem>>)
      %dma_wait3A = arith.constant 0 : i32
      %dma_wait3A_54 = tpu.memref_slice %arg21[%add3A_11, %dma_wait3A] : memref<10880x128xf32, #tpu.memory_space<vmem_shared>> -> memref<64x128xf32, #tpu.memory_space<vmem_shared>>
      %dma_wait3A_55 = arith.constant 0 : i32
      %dma_wait3A_56 = tpu.memref_slice %arg21[%add3A_11, %dma_wait3A_55] : memref<10880x128xf32, #tpu.memory_space<vmem_shared>> -> memref<64x128xf32, #tpu.memory_space<vmem_shared>>
      tpu.wait_dma2 semaphore(%run_scoped3A : memref<!tpu.dma_semaphore, #tpu.memory_space<semaphore_mem>>) src(%arg17 : memref<64x128xf32, #tpu.memory_space<vmem>>) dst(%dma_wait3A_56 : memref<64x128xf32, #tpu.memory_space<vmem_shared>>)
      tpu.yield
    }) : () -> ()
    %add3A_12 = arith.constant 64 : i32
    %add3A_13 = arith.addi %mul3A_9, %add3A_12 : i32
    "tpu.region"() ({
      %run_scoped3A = tpu.sem_alloc : memref<!tpu.dma_semaphore, #tpu.memory_space<semaphore_mem>>
      %dma_start3A = arith.constant 0 : i32
      %dma_start3A_51 = tpu.memref_slice %arg21[%add3A_13, %dma_start3A] : memref<10880x128xf32, #tpu.memory_space<vmem_shared>> -> memref<64x128xf32, #tpu.memory_space<vmem_shared>>
      %dma_start3A_52 = arith.constant 0 : i32
      %dma_start3A_53 = tpu.memref_slice %arg21[%add3A_13, %dma_start3A_52] : memref<10880x128xf32, #tpu.memory_space<vmem_shared>> -> memref<64x128xf32, #tpu.memory_space<vmem_shared>>
      tpu.enqueue_dma source(%arg17 : memref<64x128xf32, #tpu.memory_space<vmem>>) target(%dma_start3A_53 : memref<64x128xf32, #tpu.memory_space<vmem_shared>>) target_semaphore(%run_scoped3A : memref<!tpu.dma_semaphore, #tpu.memory_space<semaphore_mem>>)
      %dma_wait3A = arith.constant 0 : i32
      %dma_wait3A_54 = tpu.memref_slice %arg21[%add3A_13, %dma_wait3A] : memref<10880x128xf32, #tpu.memory_space<vmem_shared>> -> memref<64x128xf32, #tpu.memory_space<vmem_shared>>
      %dma_wait3A_55 = arith.constant 0 : i32
      %dma_wait3A_56 = tpu.memref_slice %arg21[%add3A_13, %dma_wait3A_55] : memref<10880x128xf32, #tpu.memory_space<vmem_shared>> -> memref<64x128xf32, #tpu.memory_space<vmem_shared>>
      tpu.wait_dma2 semaphore(%run_scoped3A : memref<!tpu.dma_semaphore, #tpu.memory_space<semaphore_mem>>) src(%arg17 : memref<64x128xf32, #tpu.memory_space<vmem>>) dst(%dma_wait3A_56 : memref<64x128xf32, #tpu.memory_space<vmem_shared>>)
      tpu.yield
    }) : () -> ()
    %add3A_14 = arith.constant 128 : i32
    %add3A_15 = arith.addi %mul3A_9, %add3A_14 : i32
    "tpu.region"() ({
      %run_scoped3A = tpu.sem_alloc : memref<!tpu.dma_semaphore, #tpu.memory_space<semaphore_mem>>
      %dma_start3A = arith.constant 0 : i32
      %dma_start3A_51 = tpu.memref_slice %arg21[%add3A_15, %dma_start3A] : memref<10880x128xf32, #tpu.memory_space<vmem_shared>> -> memref<64x128xf32, #tpu.memory_space<vmem_shared>>
      %dma_start3A_52 = arith.constant 0 : i32
      %dma_start3A_53 = tpu.memref_slice %arg21[%add3A_15, %dma_start3A_52] : memref<10880x128xf32, #tpu.memory_space<vmem_shared>> -> memref<64x128xf32, #tpu.memory_space<vmem_shared>>
      tpu.enqueue_dma source(%arg17 : memref<64x128xf32, #tpu.memory_space<vmem>>) target(%dma_start3A_53 : memref<64x128xf32, #tpu.memory_space<vmem_shared>>) target_semaphore(%run_scoped3A : memref<!tpu.dma_semaphore, #tpu.memory_space<semaphore_mem>>)
      %dma_wait3A = arith.constant 0 : i32
      %dma_wait3A_54 = tpu.memref_slice %arg21[%add3A_15, %dma_wait3A] : memref<10880x128xf32, #tpu.memory_space<vmem_shared>> -> memref<64x128xf32, #tpu.memory_space<vmem_shared>>
      %dma_wait3A_55 = arith.constant 0 : i32
      %dma_wait3A_56 = tpu.memref_slice %arg21[%add3A_15, %dma_wait3A_55] : memref<10880x128xf32, #tpu.memory_space<vmem_shared>> -> memref<64x128xf32, #tpu.memory_space<vmem_shared>>
      tpu.wait_dma2 semaphore(%run_scoped3A : memref<!tpu.dma_semaphore, #tpu.memory_space<semaphore_mem>>) src(%arg17 : memref<64x128xf32, #tpu.memory_space<vmem>>) dst(%dma_wait3A_56 : memref<64x128xf32, #tpu.memory_space<vmem_shared>>)
      tpu.yield
    }) : () -> ()
    %add3A_16 = arith.constant 192 : i32
    %add3A_17 = arith.addi %mul3A_9, %add3A_16 : i32
    "tpu.region"() ({
      %run_scoped3A = tpu.sem_alloc : memref<!tpu.dma_semaphore, #tpu.memory_space<semaphore_mem>>
      %dma_start3A = arith.constant 0 : i32
      %dma_start3A_51 = tpu.memref_slice %arg21[%add3A_17, %dma_start3A] : memref<10880x128xf32, #tpu.memory_space<vmem_shared>> -> memref<64x128xf32, #tpu.memory_space<vmem_shared>>
      %dma_start3A_52 = arith.constant 0 : i32
      %dma_start3A_53 = tpu.memref_slice %arg21[%add3A_17, %dma_start3A_52] : memref<10880x128xf32, #tpu.memory_space<vmem_shared>> -> memref<64x128xf32, #tpu.memory_space<vmem_shared>>
      tpu.enqueue_dma source(%arg17 : memref<64x128xf32, #tpu.memory_space<vmem>>) target(%dma_start3A_53 : memref<64x128xf32, #tpu.memory_space<vmem_shared>>) target_semaphore(%run_scoped3A : memref<!tpu.dma_semaphore, #tpu.memory_space<semaphore_mem>>)
      %dma_wait3A = arith.constant 0 : i32
      %dma_wait3A_54 = tpu.memref_slice %arg21[%add3A_17, %dma_wait3A] : memref<10880x128xf32, #tpu.memory_space<vmem_shared>> -> memref<64x128xf32, #tpu.memory_space<vmem_shared>>
      %dma_wait3A_55 = arith.constant 0 : i32
      %dma_wait3A_56 = tpu.memref_slice %arg21[%add3A_17, %dma_wait3A_55] : memref<10880x128xf32, #tpu.memory_space<vmem_shared>> -> memref<64x128xf32, #tpu.memory_space<vmem_shared>>
      tpu.wait_dma2 semaphore(%run_scoped3A : memref<!tpu.dma_semaphore, #tpu.memory_space<semaphore_mem>>) src(%arg17 : memref<64x128xf32, #tpu.memory_space<vmem>>) dst(%dma_wait3A_56 : memref<64x128xf32, #tpu.memory_space<vmem_shared>>)
      tpu.yield
    }) : () -> ()
    %add3A_18 = arith.constant 256 : i32
    %add3A_19 = arith.addi %mul3A_9, %add3A_18 : i32
    "tpu.region"() ({
      %run_scoped3A = tpu.sem_alloc : memref<!tpu.dma_semaphore, #tpu.memory_space<semaphore_mem>>
      %dma_start3A = arith.constant 0 : i32
      %dma_start3A_51 = tpu.memref_slice %arg21[%add3A_19, %dma_start3A] : memref<10880x128xf32, #tpu.memory_space<vmem_shared>> -> memref<64x128xf32, #tpu.memory_space<vmem_shared>>
      %dma_start3A_52 = arith.constant 0 : i32
      %dma_start3A_53 = tpu.memref_slice %arg21[%add3A_19, %dma_start3A_52] : memref<10880x128xf32, #tpu.memory_space<vmem_shared>> -> memref<64x128xf32, #tpu.memory_space<vmem_shared>>
      tpu.enqueue_dma source(%arg17 : memref<64x128xf32, #tpu.memory_space<vmem>>) target(%dma_start3A_53 : memref<64x128xf32, #tpu.memory_space<vmem_shared>>) target_semaphore(%run_scoped3A : memref<!tpu.dma_semaphore, #tpu.memory_space<semaphore_mem>>)
      %dma_wait3A = arith.constant 0 : i32
      %dma_wait3A_54 = tpu.memref_slice %arg21[%add3A_19, %dma_wait3A] : memref<10880x128xf32, #tpu.memory_space<vmem_shared>> -> memref<64x128xf32, #tpu.memory_space<vmem_shared>>
      %dma_wait3A_55 = arith.constant 0 : i32
      %dma_wait3A_56 = tpu.memref_slice %arg21[%add3A_19, %dma_wait3A_55] : memref<10880x128xf32, #tpu.memory_space<vmem_shared>> -> memref<64x128xf32, #tpu.memory_space<vmem_shared>>
      tpu.wait_dma2 semaphore(%run_scoped3A : memref<!tpu.dma_semaphore, #tpu.memory_space<semaphore_mem>>) src(%arg17 : memref<64x128xf32, #tpu.memory_space<vmem>>) dst(%dma_wait3A_56 : memref<64x128xf32, #tpu.memory_space<vmem_shared>>)
      tpu.yield
    }) : () -> ()
    %add3A_20 = arith.constant 320 : i32
    %add3A_21 = arith.addi %mul3A_9, %add3A_20 : i32
    "tpu.region"() ({
      %run_scoped3A = tpu.sem_alloc : memref<!tpu.dma_semaphore, #tpu.memory_space<semaphore_mem>>
      %dma_start3A = arith.constant 0 : i32
      %dma_start3A_51 = tpu.memref_slice %arg21[%add3A_21, %dma_start3A] : memref<10880x128xf32, #tpu.memory_space<vmem_shared>> -> memref<64x128xf32, #tpu.memory_space<vmem_shared>>
      %dma_start3A_52 = arith.constant 0 : i32
      %dma_start3A_53 = tpu.memref_slice %arg21[%add3A_21, %dma_start3A_52] : memref<10880x128xf32, #tpu.memory_space<vmem_shared>> -> memref<64x128xf32, #tpu.memory_space<vmem_shared>>
      tpu.enqueue_dma source(%arg17 : memref<64x128xf32, #tpu.memory_space<vmem>>) target(%dma_start3A_53 : memref<64x128xf32, #tpu.memory_space<vmem_shared>>) target_semaphore(%run_scoped3A : memref<!tpu.dma_semaphore, #tpu.memory_space<semaphore_mem>>)
      %dma_wait3A = arith.constant 0 : i32
      %dma_wait3A_54 = tpu.memref_slice %arg21[%add3A_21, %dma_wait3A] : memref<10880x128xf32, #tpu.memory_space<vmem_shared>> -> memref<64x128xf32, #tpu.memory_space<vmem_shared>>
      %dma_wait3A_55 = arith.constant 0 : i32
      %dma_wait3A_56 = tpu.memref_slice %arg21[%add3A_21, %dma_wait3A_55] : memref<10880x128xf32, #tpu.memory_space<vmem_shared>> -> memref<64x128xf32, #tpu.memory_space<vmem_shared>>
      tpu.wait_dma2 semaphore(%run_scoped3A : memref<!tpu.dma_semaphore, #tpu.memory_space<semaphore_mem>>) src(%arg17 : memref<64x128xf32, #tpu.memory_space<vmem>>) dst(%dma_wait3A_56 : memref<64x128xf32, #tpu.memory_space<vmem_shared>>)
      tpu.yield
    }) : () -> ()
    %add3A_22 = arith.constant 384 : i32
    %add3A_23 = arith.addi %mul3A_9, %add3A_22 : i32
    "tpu.region"() ({
      %run_scoped3A = tpu.sem_alloc : memref<!tpu.dma_semaphore, #tpu.memory_space<semaphore_mem>>
      %dma_start3A = arith.constant 0 : i32
      %dma_start3A_51 = tpu.memref_slice %arg21[%add3A_23, %dma_start3A] : memref<10880x128xf32, #tpu.memory_space<vmem_shared>> -> memref<64x128xf32, #tpu.memory_space<vmem_shared>>
      %dma_start3A_52 = arith.constant 0 : i32
      %dma_start3A_53 = tpu.memref_slice %arg21[%add3A_23, %dma_start3A_52] : memref<10880x128xf32, #tpu.memory_space<vmem_shared>> -> memref<64x128xf32, #tpu.memory_space<vmem_shared>>
      tpu.enqueue_dma source(%arg17 : memref<64x128xf32, #tpu.memory_space<vmem>>) target(%dma_start3A_53 : memref<64x128xf32, #tpu.memory_space<vmem_shared>>) target_semaphore(%run_scoped3A : memref<!tpu.dma_semaphore, #tpu.memory_space<semaphore_mem>>)
      %dma_wait3A = arith.constant 0 : i32
      %dma_wait3A_54 = tpu.memref_slice %arg21[%add3A_23, %dma_wait3A] : memref<10880x128xf32, #tpu.memory_space<vmem_shared>> -> memref<64x128xf32, #tpu.memory_space<vmem_shared>>
      %dma_wait3A_55 = arith.constant 0 : i32
      %dma_wait3A_56 = tpu.memref_slice %arg21[%add3A_23, %dma_wait3A_55] : memref<10880x128xf32, #tpu.memory_space<vmem_shared>> -> memref<64x128xf32, #tpu.memory_space<vmem_shared>>
      tpu.wait_dma2 semaphore(%run_scoped3A : memref<!tpu.dma_semaphore, #tpu.memory_space<semaphore_mem>>) src(%arg17 : memref<64x128xf32, #tpu.memory_space<vmem>>) dst(%dma_wait3A_56 : memref<64x128xf32, #tpu.memory_space<vmem_shared>>)
      tpu.yield
    }) : () -> ()
    %add3A_24 = arith.constant 448 : i32
    %add3A_25 = arith.addi %mul3A_9, %add3A_24 : i32
    "tpu.region"() ({
      %run_scoped3A = tpu.sem_alloc : memref<!tpu.dma_semaphore, #tpu.memory_space<semaphore_mem>>
      %dma_start3A = arith.constant 0 : i32
      %dma_start3A_51 = tpu.memref_slice %arg21[%add3A_25, %dma_start3A] : memref<10880x128xf32, #tpu.memory_space<vmem_shared>> -> memref<64x128xf32, #tpu.memory_space<vmem_shared>>
      %dma_start3A_52 = arith.constant 0 : i32
      %dma_start3A_53 = tpu.memref_slice %arg21[%add3A_25, %dma_start3A_52] : memref<10880x128xf32, #tpu.memory_space<vmem_shared>> -> memref<64x128xf32, #tpu.memory_space<vmem_shared>>
      tpu.enqueue_dma source(%arg17 : memref<64x128xf32, #tpu.memory_space<vmem>>) target(%dma_start3A_53 : memref<64x128xf32, #tpu.memory_space<vmem_shared>>) target_semaphore(%run_scoped3A : memref<!tpu.dma_semaphore, #tpu.memory_space<semaphore_mem>>)
      %dma_wait3A = arith.constant 0 : i32
      %dma_wait3A_54 = tpu.memref_slice %arg21[%add3A_25, %dma_wait3A] : memref<10880x128xf32, #tpu.memory_space<vmem_shared>> -> memref<64x128xf32, #tpu.memory_space<vmem_shared>>
      %dma_wait3A_55 = arith.constant 0 : i32
      %dma_wait3A_56 = tpu.memref_slice %arg21[%add3A_25, %dma_wait3A_55] : memref<10880x128xf32, #tpu.memory_space<vmem_shared>> -> memref<64x128xf32, #tpu.memory_space<vmem_shared>>
      tpu.wait_dma2 semaphore(%run_scoped3A : memref<!tpu.dma_semaphore, #tpu.memory_space<semaphore_mem>>) src(%arg17 : memref<64x128xf32, #tpu.memory_space<vmem>>) dst(%dma_wait3A_56 : memref<64x128xf32, #tpu.memory_space<vmem_shared>>)
      tpu.yield
    }) : () -> ()
    %add3A_26 = arith.constant 512 : i32
    %add3A_27 = arith.addi %mul3A_9, %add3A_26 : i32
    "tpu.region"() ({
      %run_scoped3A = tpu.sem_alloc : memref<!tpu.dma_semaphore, #tpu.memory_space<semaphore_mem>>
      %dma_start3A = arith.constant 0 : i32
      %dma_start3A_51 = tpu.memref_slice %arg21[%add3A_27, %dma_start3A] : memref<10880x128xf32, #tpu.memory_space<vmem_shared>> -> memref<64x128xf32, #tpu.memory_space<vmem_shared>>
      %dma_start3A_52 = arith.constant 0 : i32
      %dma_start3A_53 = tpu.memref_slice %arg21[%add3A_27, %dma_start3A_52] : memref<10880x128xf32, #tpu.memory_space<vmem_shared>> -> memref<64x128xf32, #tpu.memory_space<vmem_shared>>
      tpu.enqueue_dma source(%arg17 : memref<64x128xf32, #tpu.memory_space<vmem>>) target(%dma_start3A_53 : memref<64x128xf32, #tpu.memory_space<vmem_shared>>) target_semaphore(%run_scoped3A : memref<!tpu.dma_semaphore, #tpu.memory_space<semaphore_mem>>)
      %dma_wait3A = arith.constant 0 : i32
      %dma_wait3A_54 = tpu.memref_slice %arg21[%add3A_27, %dma_wait3A] : memref<10880x128xf32, #tpu.memory_space<vmem_shared>> -> memref<64x128xf32, #tpu.memory_space<vmem_shared>>
      %dma_wait3A_55 = arith.constant 0 : i32
      %dma_wait3A_56 = tpu.memref_slice %arg21[%add3A_27, %dma_wait3A_55] : memref<10880x128xf32, #tpu.memory_space<vmem_shared>> -> memref<64x128xf32, #tpu.memory_space<vmem_shared>>
      tpu.wait_dma2 semaphore(%run_scoped3A : memref<!tpu.dma_semaphore, #tpu.memory_space<semaphore_mem>>) src(%arg17 : memref<64x128xf32, #tpu.memory_space<vmem>>) dst(%dma_wait3A_56 : memref<64x128xf32, #tpu.memory_space<vmem_shared>>)
      tpu.yield
    }) : () -> ()
    %add3A_28 = arith.constant 576 : i32
    %add3A_29 = arith.addi %mul3A_9, %add3A_28 : i32
    "tpu.region"() ({
      %run_scoped3A = tpu.sem_alloc : memref<!tpu.dma_semaphore, #tpu.memory_space<semaphore_mem>>
      %dma_start3A = arith.constant 0 : i32
      %dma_start3A_51 = tpu.memref_slice %arg21[%add3A_29, %dma_start3A] : memref<10880x128xf32, #tpu.memory_space<vmem_shared>> -> memref<64x128xf32, #tpu.memory_space<vmem_shared>>
      %dma_start3A_52 = arith.constant 0 : i32
      %dma_start3A_53 = tpu.memref_slice %arg21[%add3A_29, %dma_start3A_52] : memref<10880x128xf32, #tpu.memory_space<vmem_shared>> -> memref<64x128xf32, #tpu.memory_space<vmem_shared>>
      tpu.enqueue_dma source(%arg17 : memref<64x128xf32, #tpu.memory_space<vmem>>) target(%dma_start3A_53 : memref<64x128xf32, #tpu.memory_space<vmem_shared>>) target_semaphore(%run_scoped3A : memref<!tpu.dma_semaphore, #tpu.memory_space<semaphore_mem>>)
      %dma_wait3A = arith.constant 0 : i32
      %dma_wait3A_54 = tpu.memref_slice %arg21[%add3A_29, %dma_wait3A] : memref<10880x128xf32, #tpu.memory_space<vmem_shared>> -> memref<64x128xf32, #tpu.memory_space<vmem_shared>>
      %dma_wait3A_55 = arith.constant 0 : i32
      %dma_wait3A_56 = tpu.memref_slice %arg21[%add3A_29, %dma_wait3A_55] : memref<10880x128xf32, #tpu.memory_space<vmem_shared>> -> memref<64x128xf32, #tpu.memory_space<vmem_shared>>
      tpu.wait_dma2 semaphore(%run_scoped3A : memref<!tpu.dma_semaphore, #tpu.memory_space<semaphore_mem>>) src(%arg17 : memref<64x128xf32, #tpu.memory_space<vmem>>) dst(%dma_wait3A_56 : memref<64x128xf32, #tpu.memory_space<vmem_shared>>)
      tpu.yield
    }) : () -> ()
    %add3A_30 = arith.constant 680 : i32
    %add3A_31 = arith.addi %mul3A_9, %add3A_30 : i32
    %sub3A = arith.constant 40 : i32
    %sub3A_32 = arith.subi %add3A_31, %sub3A : i32
    "tpu.region"() ({
      %run_scoped3A = tpu.sem_alloc : memref<!tpu.dma_semaphore, #tpu.memory_space<semaphore_mem>>
      %dma_start3A = arith.constant 0 : i32
      %dma_start3A_51 = arith.constant 0 : i32
      %dma_start3A_52 = tpu.memref_slice %arg17[%dma_start3A, %dma_start3A_51] : memref<64x128xf32, #tpu.memory_space<vmem>> -> memref<40x128xf32, #tpu.memory_space<vmem>>
      %dma_start3A_53 = arith.constant 0 : i32
      %dma_start3A_54 = tpu.memref_slice %arg21[%sub3A_32, %dma_start3A_53] : memref<10880x128xf32, #tpu.memory_space<vmem_shared>> -> memref<40x128xf32, #tpu.memory_space<vmem_shared>>
      %dma_start3A_55 = arith.constant 0 : i32
      %dma_start3A_56 = tpu.memref_slice %arg21[%sub3A_32, %dma_start3A_55] : memref<10880x128xf32, #tpu.memory_space<vmem_shared>> -> memref<40x128xf32, #tpu.memory_space<vmem_shared>>
      %dma_start3A_57 = arith.constant 0 : i32
      %dma_start3A_58 = arith.constant 0 : i32
      %dma_start3A_59 = tpu.memref_slice %arg17[%dma_start3A_57, %dma_start3A_58] : memref<64x128xf32, #tpu.memory_space<vmem>> -> memref<40x128xf32, #tpu.memory_space<vmem>>
      tpu.enqueue_dma source(%dma_start3A_59 : memref<40x128xf32, #tpu.memory_space<vmem>>) target(%dma_start3A_56 : memref<40x128xf32, #tpu.memory_space<vmem_shared>>) target_semaphore(%run_scoped3A : memref<!tpu.dma_semaphore, #tpu.memory_space<semaphore_mem>>)
      %dma_wait3A = arith.constant 0 : i32
      %dma_wait3A_60 = arith.constant 0 : i32
      %dma_wait3A_61 = tpu.memref_slice %arg17[%dma_wait3A, %dma_wait3A_60] : memref<64x128xf32, #tpu.memory_space<vmem>> -> memref<40x128xf32, #tpu.memory_space<vmem>>
      %dma_wait3A_62 = arith.constant 0 : i32
      %dma_wait3A_63 = tpu.memref_slice %arg21[%sub3A_32, %dma_wait3A_62] : memref<10880x128xf32, #tpu.memory_space<vmem_shared>> -> memref<40x128xf32, #tpu.memory_space<vmem_shared>>
      %dma_wait3A_64 = arith.constant 0 : i32
      %dma_wait3A_65 = tpu.memref_slice %arg21[%sub3A_32, %dma_wait3A_64] : memref<10880x128xf32, #tpu.memory_space<vmem_shared>> -> memref<40x128xf32, #tpu.memory_space<vmem_shared>>
      %dma_wait3A_66 = arith.constant 0 : i32
      %dma_wait3A_67 = arith.constant 0 : i32
      %dma_wait3A_68 = tpu.memref_slice %arg17[%dma_wait3A_66, %dma_wait3A_67] : memref<64x128xf32, #tpu.memory_space<vmem>> -> memref<40x128xf32, #tpu.memory_space<vmem>>
      tpu.wait_dma2 semaphore(%run_scoped3A : memref<!tpu.dma_semaphore, #tpu.memory_space<semaphore_mem>>) src(%dma_wait3A_68 : memref<40x128xf32, #tpu.memory_space<vmem>>) dst(%dma_wait3A_65 : memref<40x128xf32, #tpu.memory_space<vmem_shared>>)
      tpu.yield
    }) : () -> ()
    %barrier3A = arith.constant 0 : index
    tpu.barrier barrier_id(%barrier3A)
    %iota3A = tpu.iota {dimensions = array<i32: 0>} : vector<16xi32>
    %scan3A_33 = arith.constant 0 : i32
    %scan3A_34 = arith.constant 0 : i32
    %scan3A_35 = arith.constant 162 : i32
    %scan3A_36 = arith.addi %scan3A_34, %scan3A_35 : i32
    %scan3A_37 = arith.constant 1 : i32
    %scan3A_38 = scf.for %scan3A_51 = %scan3A_34 to %scan3A_36 step %scan3A_37 iter_args(%scan3A_52 = %scan3A_33) -> (i32)  : i32 {
      %mul3A_53 = arith.constant 162 : i32
      %mul3A_54 = arith.muli %add3A, %mul3A_53 : i32
      %add3A_55 = arith.addi %mul3A_54, %scan3A_51 : i32
      "tpu.region"() ({
        %run_scoped3A = tpu.sem_alloc : memref<!tpu.dma_semaphore, #tpu.memory_space<semaphore_mem>>
        %dma_start3A_111 = arith.constant 0 : i32
        %dma_start3A_112 = tpu.memref_slice %arg4[%add3A_55, %dma_start3A_111] : memref<5184x64xi32, #tpu.memory_space<hbm>> -> memref<1x64xi32, #tpu.memory_space<hbm>>
        %dma_start3A_113 = tpu.memref_squeeze %dma_start3A_112 : memref<1x64xi32, #tpu.memory_space<hbm>> -> memref<64xi32, #tpu.memory_space<hbm>>
        %dma_start3A_114 = arith.constant 0 : i32
        %dma_start3A_115 = tpu.memref_slice %arg4[%add3A_55, %dma_start3A_114] : memref<5184x64xi32, #tpu.memory_space<hbm>> -> memref<1x64xi32, #tpu.memory_space<hbm>>
        %dma_start3A_116 = tpu.memref_squeeze %dma_start3A_115 : memref<1x64xi32, #tpu.memory_space<hbm>> -> memref<64xi32, #tpu.memory_space<hbm>>
        tpu.enqueue_dma source(%dma_start3A_116 : memref<64xi32, #tpu.memory_space<hbm>>) target(%arg11 : memref<64xi32, #tpu.memory_space<vmem>>) target_semaphore(%run_scoped3A : memref<!tpu.dma_semaphore, #tpu.memory_space<semaphore_mem>>)
        %dma_wait3A_117 = arith.constant 0 : i32
        %dma_wait3A_118 = tpu.memref_slice %arg4[%add3A_55, %dma_wait3A_117] : memref<5184x64xi32, #tpu.memory_space<hbm>> -> memref<1x64xi32, #tpu.memory_space<hbm>>
        %dma_wait3A_119 = tpu.memref_squeeze %dma_wait3A_118 : memref<1x64xi32, #tpu.memory_space<hbm>> -> memref<64xi32, #tpu.memory_space<hbm>>
        %dma_wait3A_120 = arith.constant 0 : i32
        %dma_wait3A_121 = tpu.memref_slice %arg4[%add3A_55, %dma_wait3A_120] : memref<5184x64xi32, #tpu.memory_space<hbm>> -> memref<1x64xi32, #tpu.memory_space<hbm>>
        %dma_wait3A_122 = tpu.memref_squeeze %dma_wait3A_121 : memref<1x64xi32, #tpu.memory_space<hbm>> -> memref<64xi32, #tpu.memory_space<hbm>>
        tpu.wait_dma2 semaphore(%run_scoped3A : memref<!tpu.dma_semaphore, #tpu.memory_space<semaphore_mem>>) src(%dma_wait3A_122 : memref<64xi32, #tpu.memory_space<hbm>>) dst(%arg11 : memref<64xi32, #tpu.memory_space<vmem>>)
        tpu.yield
      }) : () -> ()
      "tpu.region"() ({
        %run_scoped3A = tpu.sem_alloc : memref<!tpu.dma_semaphore, #tpu.memory_space<semaphore_mem>>
        %dma_start3A_111 = arith.constant 0 : i32
        %dma_start3A_112 = tpu.memref_slice %arg5[%add3A_55, %dma_start3A_111] : memref<5184x64xi32, #tpu.memory_space<hbm>> -> memref<1x64xi32, #tpu.memory_space<hbm>>
        %dma_start3A_113 = tpu.memref_squeeze %dma_start3A_112 : memref<1x64xi32, #tpu.memory_space<hbm>> -> memref<64xi32, #tpu.memory_space<hbm>>
        %dma_start3A_114 = arith.constant 0 : i32
        %dma_start3A_115 = tpu.memref_slice %arg5[%add3A_55, %dma_start3A_114] : memref<5184x64xi32, #tpu.memory_space<hbm>> -> memref<1x64xi32, #tpu.memory_space<hbm>>
        %dma_start3A_116 = tpu.memref_squeeze %dma_start3A_115 : memref<1x64xi32, #tpu.memory_space<hbm>> -> memref<64xi32, #tpu.memory_space<hbm>>
        tpu.enqueue_dma source(%dma_start3A_116 : memref<64xi32, #tpu.memory_space<hbm>>) target(%arg12 : memref<64xi32, #tpu.memory_space<vmem>>) target_semaphore(%run_scoped3A : memref<!tpu.dma_semaphore, #tpu.memory_space<semaphore_mem>>)
        %dma_wait3A_117 = arith.constant 0 : i32
        %dma_wait3A_118 = tpu.memref_slice %arg5[%add3A_55, %dma_wait3A_117] : memref<5184x64xi32, #tpu.memory_space<hbm>> -> memref<1x64xi32, #tpu.memory_space<hbm>>
        %dma_wait3A_119 = tpu.memref_squeeze %dma_wait3A_118 : memref<1x64xi32, #tpu.memory_space<hbm>> -> memref<64xi32, #tpu.memory_space<hbm>>
        %dma_wait3A_120 = arith.constant 0 : i32
        %dma_wait3A_121 = tpu.memref_slice %arg5[%add3A_55, %dma_wait3A_120] : memref<5184x64xi32, #tpu.memory_space<hbm>> -> memref<1x64xi32, #tpu.memory_space<hbm>>
        %dma_wait3A_122 = tpu.memref_squeeze %dma_wait3A_121 : memref<1x64xi32, #tpu.memory_space<hbm>> -> memref<64xi32, #tpu.memory_space<hbm>>
        tpu.wait_dma2 semaphore(%run_scoped3A : memref<!tpu.dma_semaphore, #tpu.memory_space<semaphore_mem>>) src(%dma_wait3A_122 : memref<64xi32, #tpu.memory_space<hbm>>) dst(%arg12 : memref<64xi32, #tpu.memory_space<vmem>>)
        tpu.yield
      }) : () -> ()
      "tpu.region"() ({
        %run_scoped3A = tpu.sem_alloc : memref<!tpu.dma_semaphore, #tpu.memory_space<semaphore_mem>>
        %dma_start3A_111 = arith.constant 0 : i32
        %dma_start3A_112 = tpu.memref_slice %arg14[%dma_start3A_111] : memref<272xf32, #tpu.memory_space<vmem>> -> memref<256xf32, #tpu.memory_space<vmem>>
        %dma_start3A_113 = arith.constant 0 : i32
        %dma_start3A_114 = tpu.memref_slice %arg6[%add3A_55, %dma_start3A_113] : memref<5184x256xf32, #tpu.memory_space<hbm>> -> memref<1x256xf32, #tpu.memory_space<hbm>>
        %dma_start3A_115 = tpu.memref_squeeze %dma_start3A_114 : memref<1x256xf32, #tpu.memory_space<hbm>> -> memref<256xf32, #tpu.memory_space<hbm>>
        %dma_start3A_116 = arith.constant 0 : i32
        %dma_start3A_117 = tpu.memref_slice %arg14[%dma_start3A_116] : memref<272xf32, #tpu.memory_space<vmem>> -> memref<256xf32, #tpu.memory_space<vmem>>
        %dma_start3A_118 = arith.constant 0 : i32
        %dma_start3A_119 = tpu.memref_slice %arg6[%add3A_55, %dma_start3A_118] : memref<5184x256xf32, #tpu.memory_space<hbm>> -> memref<1x256xf32, #tpu.memory_space<hbm>>
        %dma_start3A_120 = tpu.memref_squeeze %dma_start3A_119 : memref<1x256xf32, #tpu.memory_space<hbm>> -> memref<256xf32, #tpu.memory_space<hbm>>
        tpu.enqueue_dma source(%dma_start3A_120 : memref<256xf32, #tpu.memory_space<hbm>>) target(%dma_start3A_117 : memref<256xf32, #tpu.memory_space<vmem>>) target_semaphore(%run_scoped3A : memref<!tpu.dma_semaphore, #tpu.memory_space<semaphore_mem>>)
        %dma_wait3A_121 = arith.constant 0 : i32
        %dma_wait3A_122 = tpu.memref_slice %arg14[%dma_wait3A_121] : memref<272xf32, #tpu.memory_space<vmem>> -> memref<256xf32, #tpu.memory_space<vmem>>
        %dma_wait3A_123 = arith.constant 0 : i32
        %dma_wait3A_124 = tpu.memref_slice %arg6[%add3A_55, %dma_wait3A_123] : memref<5184x256xf32, #tpu.memory_space<hbm>> -> memref<1x256xf32, #tpu.memory_space<hbm>>
        %dma_wait3A_125 = tpu.memref_squeeze %dma_wait3A_124 : memref<1x256xf32, #tpu.memory_space<hbm>> -> memref<256xf32, #tpu.memory_space<hbm>>
        %dma_wait3A_126 = arith.constant 0 : i32
        %dma_wait3A_127 = tpu.memref_slice %arg14[%dma_wait3A_126] : memref<272xf32, #tpu.memory_space<vmem>> -> memref<256xf32, #tpu.memory_space<vmem>>
        %dma_wait3A_128 = arith.constant 0 : i32
        %dma_wait3A_129 = tpu.memref_slice %arg6[%add3A_55, %dma_wait3A_128] : memref<5184x256xf32, #tpu.memory_space<hbm>> -> memref<1x256xf32, #tpu.memory_space<hbm>>
        %dma_wait3A_130 = tpu.memref_squeeze %dma_wait3A_129 : memref<1x256xf32, #tpu.memory_space<hbm>> -> memref<256xf32, #tpu.memory_space<hbm>>
        tpu.wait_dma2 semaphore(%run_scoped3A : memref<!tpu.dma_semaphore, #tpu.memory_space<semaphore_mem>>) src(%dma_wait3A_130 : memref<256xf32, #tpu.memory_space<hbm>>) dst(%dma_wait3A_127 : memref<256xf32, #tpu.memory_space<vmem>>)
        tpu.yield
      }) : () -> ()
      %dma_start3A = arith.constant 0 : i32
      %dma_start3A_56 = arith.constant 0 : i32
      %dma_start3A_57 = tpu.memref_slice %arg2[%dma_start3A, %dma_start3A_56] : memref<10240x128xf32, #tpu.memory_space<hbm>> -> memref<10240x128xf32, #tpu.memory_space<hbm>>
      tpu.enqueue_indirect_dma source(%dma_start3A_57 : memref<10240x128xf32, #tpu.memory_space<hbm>>) target(%arg15 : memref<64x128xf32, #tpu.memory_space<vmem>>) offsets(%arg11 : memref<64xi32, #tpu.memory_space<vmem>>) semaphore(%arg22 : memref<!tpu.dma_semaphore, #tpu.memory_space<semaphore_mem>>)
      %dma_start3A_58 = arith.constant 0 : i32
      %dma_start3A_59 = arith.constant 0 : i32
      %dma_start3A_60 = tpu.memref_slice %arg3[%dma_start3A_58, %dma_start3A_59] : memref<10240x128xf32, #tpu.memory_space<hbm>> -> memref<10240x128xf32, #tpu.memory_space<hbm>>
      tpu.enqueue_indirect_dma source(%dma_start3A_60 : memref<10240x128xf32, #tpu.memory_space<hbm>>) target(%arg16 : memref<64x128xf32, #tpu.memory_space<vmem>>) offsets(%arg12 : memref<64xi32, #tpu.memory_space<vmem>>) semaphore(%arg23 : memref<!tpu.dma_semaphore, #tpu.memory_space<semaphore_mem>>)
      %dma_wait3A = arith.constant 0 : i32
      %dma_wait3A_61 = arith.constant 0 : i32
      %dma_wait3A_62 = tpu.memref_slice %arg2[%dma_wait3A, %dma_wait3A_61] : memref<10240x128xf32, #tpu.memory_space<hbm>> -> memref<10240x128xf32, #tpu.memory_space<hbm>>
      tpu.wait_indirect_dma semaphore(%arg22 : memref<!tpu.dma_semaphore, #tpu.memory_space<semaphore_mem>>) src(%dma_wait3A_62 : memref<10240x128xf32, #tpu.memory_space<hbm>>) dst(%arg15 : memref<64x128xf32, #tpu.memory_space<vmem>>)
      %dma_wait3A_63 = arith.constant 0 : i32
      %dma_wait3A_64 = arith.constant 0 : i32
      %dma_wait3A_65 = tpu.memref_slice %arg3[%dma_wait3A_63, %dma_wait3A_64] : memref<10240x128xf32, #tpu.memory_space<hbm>> -> memref<10240x128xf32, #tpu.memory_space<hbm>>
      tpu.wait_indirect_dma semaphore(%arg23 : memref<!tpu.dma_semaphore, #tpu.memory_space<semaphore_mem>>) src(%dma_wait3A_65 : memref<10240x128xf32, #tpu.memory_space<hbm>>) dst(%arg16 : memref<64x128xf32, #tpu.memory_space<vmem>>)
      %get3A = arith.constant 0 : index
      %get3A_66 = tpu.vector_load %arg12[%get3A] {strides = array<i32>} : memref<64xi32, #tpu.memory_space<vmem>>, vector<16xi32>,
      %shift_right_arithmetic3A = arith.constant 4 : i32
      %shift_right_arithmetic3A_67 = vector.broadcast %shift_right_arithmetic3A : i32 to vector<16xi32>
      %shift_right_arithmetic3A_68 = arith.shrsi %get3A_66, %shift_right_arithmetic3A_67 : vector<16xi32>
      %add3A_69 = arith.constant 10240 : i32
      %add3A_70 = vector.broadcast %add3A_69 : i32 to vector<16xi32>
      %add3A_71 = arith.addi %add3A_70, %shift_right_arithmetic3A_68 : vector<16xi32>
      %swap3A = arith.constant 0 : index
      %swap3A_72 = tpu.vector_load %arg13[%swap3A] {strides = array<i32>} : memref<64xi32, #tpu.memory_space<vmem>>, vector<16xi32>,
      tpu.vector_store %arg13[%swap3A], %add3A_71 {strides = array<i32>} : memref<64xi32, #tpu.memory_space<vmem>>, vector<16xi32>,
      %get3A_73 = arith.constant 16 : index
      %get3A_74 = tpu.vector_load %arg12[%get3A_73] {strides = array<i32>} : memref<64xi32, #tpu.memory_space<vmem>>, vector<16xi32>,
      %shift_right_arithmetic3A_75 = arith.constant 4 : i32
      %shift_right_arithmetic3A_76 = vector.broadcast %shift_right_arithmetic3A_75 : i32 to vector<16xi32>
      %shift_right_arithmetic3A_77 = arith.shrsi %get3A_74, %shift_right_arithmetic3A_76 : vector<16xi32>
      %add3A_78 = arith.constant 10240 : i32
      %add3A_79 = vector.broadcast %add3A_78 : i32 to vector<16xi32>
      %add3A_80 = arith.addi %add3A_79, %shift_right_arithmetic3A_77 : vector<16xi32>
      %swap3A_81 = arith.constant 16 : index
      %swap3A_82 = tpu.vector_load %arg13[%swap3A_81] {strides = array<i32>} : memref<64xi32, #tpu.memory_space<vmem>>, vector<16xi32>,
      tpu.vector_store %arg13[%swap3A_81], %add3A_80 {strides = array<i32>} : memref<64xi32, #tpu.memory_space<vmem>>, vector<16xi32>,
      %get3A_83 = arith.constant 32 : index
      %get3A_84 = tpu.vector_load %arg12[%get3A_83] {strides = array<i32>} : memref<64xi32, #tpu.memory_space<vmem>>, vector<16xi32>,
      %shift_right_arithmetic3A_85 = arith.constant 4 : i32
      %shift_right_arithmetic3A_86 = vector.broadcast %shift_right_arithmetic3A_85 : i32 to vector<16xi32>
      %shift_right_arithmetic3A_87 = arith.shrsi %get3A_84, %shift_right_arithmetic3A_86 : vector<16xi32>
      %add3A_88 = arith.constant 10240 : i32
      %add3A_89 = vector.broadcast %add3A_88 : i32 to vector<16xi32>
      %add3A_90 = arith.addi %add3A_89, %shift_right_arithmetic3A_87 : vector<16xi32>
      %swap3A_91 = arith.constant 32 : index
      %swap3A_92 = tpu.vector_load %arg13[%swap3A_91] {strides = array<i32>} : memref<64xi32, #tpu.memory_space<vmem>>, vector<16xi32>,
      tpu.vector_store %arg13[%swap3A_91], %add3A_90 {strides = array<i32>} : memref<64xi32, #tpu.memory_space<vmem>>, vector<16xi32>,
      %get3A_93 = arith.constant 48 : index
      %get3A_94 = tpu.vector_load %arg12[%get3A_93] {strides = array<i32>} : memref<64xi32, #tpu.memory_space<vmem>>, vector<16xi32>,
      %shift_right_arithmetic3A_95 = arith.constant 4 : i32
      %shift_right_arithmetic3A_96 = vector.broadcast %shift_right_arithmetic3A_95 : i32 to vector<16xi32>
      %shift_right_arithmetic3A_97 = arith.shrsi %get3A_94, %shift_right_arithmetic3A_96 : vector<16xi32>
      %add3A_98 = arith.constant 10240 : i32
      %add3A_99 = vector.broadcast %add3A_98 : i32 to vector<16xi32>
      %add3A_100 = arith.addi %add3A_99, %shift_right_arithmetic3A_97 : vector<16xi32>
      %swap3A_101 = arith.constant 48 : index
      %swap3A_102 = tpu.vector_load %arg13[%swap3A_101] {strides = array<i32>} : memref<64xi32, #tpu.memory_space<vmem>>, vector<16xi32>,
      tpu.vector_store %arg13[%swap3A_101], %add3A_100 {strides = array<i32>} : memref<64xi32, #tpu.memory_space<vmem>>, vector<16xi32>,
      %scan3A_103 = arith.constant 0 : i32
      %scan3A_104 = arith.constant 0 : i32
      %scan3A_105 = arith.constant 64 : i32
      %scan3A_106 = arith.addi %scan3A_104, %scan3A_105 : i32
      %scan3A_107 = arith.constant 1 : i32
      %scan3A_108 = scf.for %scan3A_111 = %scan3A_104 to %scan3A_106 step %scan3A_107 iter_args(%scan3A_112 = %scan3A_103) -> (i32)  : i32 {
        %mul3A_113 = arith.constant 4 : i32
        %mul3A_114 = arith.muli %mul3A_113, %scan3A_111 : i32
        %get3A_115 = arith.index_cast %mul3A_114 : i32 to index
        %get3A_116 = tpu.vector_load %arg14[%get3A_115] {strides = array<i32>} : memref<272xf32, #tpu.memory_space<vmem>>, vector<16xf32>,
        %slice3A = vector.extract_strided_slice %get3A_116 {offsets = [0], sizes = [1], strides = [1]} : vector<16xf32> to vector<1xf32>
        %squeeze3A = vector.extract %slice3A[0] : f32 from vector<1xf32>
        %slice3A_117 = vector.extract_strided_slice %get3A_116 {offsets = [1], sizes = [1], strides = [1]} : vector<16xf32> to vector<1xf32>
        %squeeze3A_118 = vector.extract %slice3A_117[0] : f32 from vector<1xf32>
        %slice3A_119 = vector.extract_strided_slice %get3A_116 {offsets = [2], sizes = [1], strides = [1]} : vector<16xf32> to vector<1xf32>
        %squeeze3A_120 = vector.extract %slice3A_119[0] : f32 from vector<1xf32>
        %slice3A_121 = vector.extract_strided_slice %get3A_116 {offsets = [3], sizes = [1], strides = [1]} : vector<16xf32> to vector<1xf32>
        %squeeze3A_122 = vector.extract %slice3A_121[0] : f32 from vector<1xf32>
        %broadcast_in_dim3A_123 = arith.constant 0.000000e+00 : f32
        %broadcast_in_dim3A_124 = vector.broadcast %broadcast_in_dim3A_123 : f32 to vector<16xf32>
        %get3A_125 = arith.constant 0 : i32
        %get3A_126 = arith.index_cast %get3A_125 : i32 to index
        %get3A_127 = arith.constant 0 : index
        %get3A_128 = tpu.vector_load %arg19[%get3A_126, %get3A_127] {strides = array<i32>} : memref<4x128xf32, #tpu.memory_space<vmem>>, vector<16xf32>,
        %mul3A_129 = vector.broadcast %squeeze3A : f32 to vector<16xf32>
        %mul3A_130 = arith.mulf %mul3A_129, %get3A_128 : vector<16xf32>
        %get3A_131 = arith.constant 1 : i32
        %get3A_132 = arith.index_cast %get3A_131 : i32 to index
        %get3A_133 = arith.constant 0 : index
        %get3A_134 = tpu.vector_load %arg19[%get3A_132, %get3A_133] {strides = array<i32>} : memref<4x128xf32, #tpu.memory_space<vmem>>, vector<16xf32>,
        %mul3A_135 = vector.broadcast %squeeze3A_118 : f32 to vector<16xf32>
        %mul3A_136 = arith.mulf %mul3A_135, %get3A_134 : vector<16xf32>
        %add3A_137 = arith.addf %mul3A_130, %mul3A_136 : vector<16xf32>
        %get3A_138 = arith.constant 2 : i32
        %get3A_139 = arith.index_cast %get3A_138 : i32 to index
        %get3A_140 = arith.constant 0 : index
        %get3A_141 = tpu.vector_load %arg19[%get3A_139, %get3A_140] {strides = array<i32>} : memref<4x128xf32, #tpu.memory_space<vmem>>, vector<16xf32>,
        %mul3A_142 = vector.broadcast %squeeze3A_120 : f32 to vector<16xf32>
        %mul3A_143 = arith.mulf %mul3A_142, %get3A_141 : vector<16xf32>
        %add3A_144 = arith.addf %add3A_137, %mul3A_143 : vector<16xf32>
        %get3A_145 = arith.constant 3 : i32
        %get3A_146 = arith.index_cast %get3A_145 : i32 to index
        %get3A_147 = arith.constant 0 : index
        %get3A_148 = tpu.vector_load %arg19[%get3A_146, %get3A_147] {strides = array<i32>} : memref<4x128xf32, #tpu.memory_space<vmem>>, vector<16xf32>,
        %mul3A_149 = vector.broadcast %squeeze3A_122 : f32 to vector<16xf32>
        %mul3A_150 = arith.mulf %mul3A_149, %get3A_148 : vector<16xf32>
        %add3A_151 = arith.addf %add3A_144, %mul3A_150 : vector<16xf32>
        %get3A_152 = arith.index_cast %scan3A_111 : i32 to index
        %get3A_153 = arith.constant 0 : index
        %get3A_154 = tpu.vector_load %arg15[%get3A_152, %get3A_153] {strides = array<i32>} : memref<64x128xf32, #tpu.memory_space<vmem>>, vector<16xf32>,
        %get3A_155 = arith.index_cast %scan3A_111 : i32 to index
        %get3A_156 = arith.constant 0 : index
        %get3A_157 = tpu.vector_load %arg16[%get3A_155, %get3A_156] {strides = array<i32>} : memref<64x128xf32, #tpu.memory_space<vmem>>, vector<16xf32>,
        %add3A_158 = arith.addf %get3A_154, %get3A_157 : vector<16xf32>
        %add3A_159 = arith.addf %add3A_158, %add3A_151 : vector<16xf32>
        %mul3A_160 = arith.constant 2.000000e-01 : f32
        %mul3A_161 = vector.broadcast %mul3A_160 : f32 to vector<16xf32>
        %mul3A_162 = arith.mulf %mul3A_161, %add3A_159 : vector<16xf32>
        %max3A = arith.maximumf %add3A_159, %mul3A_162 : vector<16xf32>
        %get3A_163 = arith.constant 0 : i32
        %get3A_164 = arith.index_cast %get3A_163 : i32 to index
        %get3A_165 = arith.constant 0 : index
        %get3A_166 = tpu.vector_load %arg20[%get3A_164, %get3A_165] {strides = array<i32>} : memref<8x16xf32, #tpu.memory_space<vmem>>, vector<16xf32>,
        %mul3A_167 = arith.mulf %max3A, %get3A_166 : vector<16xf32>
        %xor3A = arith.constant 8 : i32
        %xor3A_168 = vector.broadcast %xor3A : i32 to vector<16xi32>
        %xor3A_169 = arith.xori %iota3A, %xor3A_168 : vector<16xi32>
        %broadcast_in_dim3A_170 = vector.shape_cast %xor3A_169 : vector<16xi32> to vector<16x1xi32>
        %gather3A = vector.shape_cast %broadcast_in_dim3A_170 : vector<16x1xi32> to vector<16xi32>
        %gather3A_171 = tpu.dynamic_gather %mul3A_167[%gather3A] in [0] : vector<16xf32>, vector<16xi32> -> vector<16xf32>
        %add3A_172 = arith.addf %mul3A_167, %gather3A_171 : vector<16xf32>
        %xor3A_173 = arith.constant 4 : i32
        %xor3A_174 = vector.broadcast %xor3A_173 : i32 to vector<16xi32>
        %xor3A_175 = arith.xori %iota3A, %xor3A_174 : vector<16xi32>
        %broadcast_in_dim3A_176 = vector.shape_cast %xor3A_175 : vector<16xi32> to vector<16x1xi32>
        %gather3A_177 = vector.shape_cast %broadcast_in_dim3A_176 : vector<16x1xi32> to vector<16xi32>
        %gather3A_178 = tpu.dynamic_gather %add3A_172[%gather3A_177] in [0] : vector<16xf32>, vector<16xi32> -> vector<16xf32>
        %add3A_179 = arith.addf %add3A_172, %gather3A_178 : vector<16xf32>
        %xor3A_180 = arith.constant 2 : i32
        %xor3A_181 = vector.broadcast %xor3A_180 : i32 to vector<16xi32>
        %xor3A_182 = arith.xori %iota3A, %xor3A_181 : vector<16xi32>
        %broadcast_in_dim3A_183 = vector.shape_cast %xor3A_182 : vector<16xi32> to vector<16x1xi32>
        %gather3A_184 = vector.shape_cast %broadcast_in_dim3A_183 : vector<16x1xi32> to vector<16xi32>
        %gather3A_185 = tpu.dynamic_gather %add3A_179[%gather3A_184] in [0] : vector<16xf32>, vector<16xi32> -> vector<16xf32>
        %add3A_186 = arith.addf %add3A_179, %gather3A_185 : vector<16xf32>
        %xor3A_187 = arith.constant 1 : i32
        %xor3A_188 = vector.broadcast %xor3A_187 : i32 to vector<16xi32>
        %xor3A_189 = arith.xori %iota3A, %xor3A_188 : vector<16xi32>
        %broadcast_in_dim3A_190 = vector.shape_cast %xor3A_189 : vector<16xi32> to vector<16x1xi32>
        %gather3A_191 = vector.shape_cast %broadcast_in_dim3A_190 : vector<16x1xi32> to vector<16xi32>
        %gather3A_192 = tpu.dynamic_gather %add3A_186[%gather3A_191] in [0] : vector<16xf32>, vector<16xi32> -> vector<16xf32>
        %add3A_193 = arith.addf %add3A_186, %gather3A_192 : vector<16xf32>
        %exp3A = math.exp %add3A_193 : vector<16xf32>
        %mul3A_194 = arith.mulf %get3A_154, %exp3A : vector<16xf32>
        %swap3A_195 = arith.index_cast %scan3A_111 : i32 to index
        %swap3A_196 = arith.constant 0 : index
        %swap3A_197 = tpu.vector_load %arg17[%swap3A_195, %swap3A_196] {strides = array<i32>} : memref<64x128xf32, #tpu.memory_space<vmem>>, vector<16xf32>,
        tpu.vector_store %arg17[%swap3A_195, %swap3A_196], %mul3A_194 {strides = array<i32>} : memref<64x128xf32, #tpu.memory_space<vmem>>, vector<16xf32>,
        %eq3A = arith.constant 0 : i32
        %eq3A_198 = vector.broadcast %eq3A : i32 to vector<16xi32>
        %eq3A_199 = arith.cmpi eq, %iota3A, %eq3A_198 : vector<16xi32>
        %select_n3A = arith.select %eq3A_199, %exp3A, %broadcast_in_dim3A_124 : vector<16xi1>, vector<16xf32>
        %get3A_200 = arith.constant 0 : i32
        %get3A_201 = arith.index_cast %get3A_200 : i32 to index
        %get3A_202 = arith.constant 16 : index
        %get3A_203 = tpu.vector_load %arg19[%get3A_201, %get3A_202] {strides = array<i32>} : memref<4x128xf32, #tpu.memory_space<vmem>>, vector<16xf32>,
        %mul3A_204 = vector.broadcast %squeeze3A : f32 to vector<16xf32>
        %mul3A_205 = arith.mulf %mul3A_204, %get3A_203 : vector<16xf32>
        %get3A_206 = arith.constant 1 : i32
        %get3A_207 = arith.index_cast %get3A_206 : i32 to index
        %get3A_208 = arith.constant 16 : index
        %get3A_209 = tpu.vector_load %arg19[%get3A_207, %get3A_208] {strides = array<i32>} : memref<4x128xf32, #tpu.memory_space<vmem>>, vector<16xf32>,
        %mul3A_210 = vector.broadcast %squeeze3A_118 : f32 to vector<16xf32>
        %mul3A_211 = arith.mulf %mul3A_210, %get3A_209 : vector<16xf32>
        %add3A_212 = arith.addf %mul3A_205, %mul3A_211 : vector<16xf32>
        %get3A_213 = arith.constant 2 : i32
        %get3A_214 = arith.index_cast %get3A_213 : i32 to index
        %get3A_215 = arith.constant 16 : index
        %get3A_216 = tpu.vector_load %arg19[%get3A_214, %get3A_215] {strides = array<i32>} : memref<4x128xf32, #tpu.memory_space<vmem>>, vector<16xf32>,
        %mul3A_217 = vector.broadcast %squeeze3A_120 : f32 to vector<16xf32>
        %mul3A_218 = arith.mulf %mul3A_217, %get3A_216 : vector<16xf32>
        %add3A_219 = arith.addf %add3A_212, %mul3A_218 : vector<16xf32>
        %get3A_220 = arith.constant 3 : i32
        %get3A_221 = arith.index_cast %get3A_220 : i32 to index
        %get3A_222 = arith.constant 16 : index
        %get3A_223 = tpu.vector_load %arg19[%get3A_221, %get3A_222] {strides = array<i32>} : memref<4x128xf32, #tpu.memory_space<vmem>>, vector<16xf32>,
        %mul3A_224 = vector.broadcast %squeeze3A_122 : f32 to vector<16xf32>
        %mul3A_225 = arith.mulf %mul3A_224, %get3A_223 : vector<16xf32>
        %add3A_226 = arith.addf %add3A_219, %mul3A_225 : vector<16xf32>
        %get3A_227 = arith.index_cast %scan3A_111 : i32 to index
        %get3A_228 = arith.constant 16 : index
        %get3A_229 = tpu.vector_load %arg15[%get3A_227, %get3A_228] {strides = array<i32>} : memref<64x128xf32, #tpu.memory_space<vmem>>, vector<16xf32>,
        %get3A_230 = arith.index_cast %scan3A_111 : i32 to index
        %get3A_231 = arith.constant 16 : index
        %get3A_232 = tpu.vector_load %arg16[%get3A_230, %get3A_231] {strides = array<i32>} : memref<64x128xf32, #tpu.memory_space<vmem>>, vector<16xf32>,
        %add3A_233 = arith.addf %get3A_229, %get3A_232 : vector<16xf32>
        %add3A_234 = arith.addf %add3A_233, %add3A_226 : vector<16xf32>
        %mul3A_235 = arith.constant 2.000000e-01 : f32
        %mul3A_236 = vector.broadcast %mul3A_235 : f32 to vector<16xf32>
        %mul3A_237 = arith.mulf %mul3A_236, %add3A_234 : vector<16xf32>
        %max3A_238 = arith.maximumf %add3A_234, %mul3A_237 : vector<16xf32>
        %get3A_239 = arith.constant 1 : i32
        %get3A_240 = arith.index_cast %get3A_239 : i32 to index
        %get3A_241 = arith.constant 0 : index
        %get3A_242 = tpu.vector_load %arg20[%get3A_240, %get3A_241] {strides = array<i32>} : memref<8x16xf32, #tpu.memory_space<vmem>>, vector<16xf32>,
        %mul3A_243 = arith.mulf %max3A_238, %get3A_242 : vector<16xf32>
        %xor3A_244 = arith.constant 8 : i32
        %xor3A_245 = vector.broadcast %xor3A_244 : i32 to vector<16xi32>
        %xor3A_246 = arith.xori %iota3A, %xor3A_245 : vector<16xi32>
        %broadcast_in_dim3A_247 = vector.shape_cast %xor3A_246 : vector<16xi32> to vector<16x1xi32>
        %gather3A_248 = vector.shape_cast %broadcast_in_dim3A_247 : vector<16x1xi32> to vector<16xi32>
        %gather3A_249 = tpu.dynamic_gather %mul3A_243[%gather3A_248] in [0] : vector<16xf32>, vector<16xi32> -> vector<16xf32>
        %add3A_250 = arith.addf %mul3A_243, %gather3A_249 : vector<16xf32>
        %xor3A_251 = arith.constant 4 : i32
        %xor3A_252 = vector.broadcast %xor3A_251 : i32 to vector<16xi32>
        %xor3A_253 = arith.xori %iota3A, %xor3A_252 : vector<16xi32>
        %broadcast_in_dim3A_254 = vector.shape_cast %xor3A_253 : vector<16xi32> to vector<16x1xi32>
        %gather3A_255 = vector.shape_cast %broadcast_in_dim3A_254 : vector<16x1xi32> to vector<16xi32>
        %gather3A_256 = tpu.dynamic_gather %add3A_250[%gather3A_255] in [0] : vector<16xf32>, vector<16xi32> -> vector<16xf32>
        %add3A_257 = arith.addf %add3A_250, %gather3A_256 : vector<16xf32>
        %xor3A_258 = arith.constant 2 : i32
        %xor3A_259 = vector.broadcast %xor3A_258 : i32 to vector<16xi32>
        %xor3A_260 = arith.xori %iota3A, %xor3A_259 : vector<16xi32>
        %broadcast_in_dim3A_261 = vector.shape_cast %xor3A_260 : vector<16xi32> to vector<16x1xi32>
        %gather3A_262 = vector.shape_cast %broadcast_in_dim3A_261 : vector<16x1xi32> to vector<16xi32>
        %gather3A_263 = tpu.dynamic_gather %add3A_257[%gather3A_262] in [0] : vector<16xf32>, vector<16xi32> -> vector<16xf32>
        %add3A_264 = arith.addf %add3A_257, %gather3A_263 : vector<16xf32>
        %xor3A_265 = arith.constant 1 : i32
        %xor3A_266 = vector.broadcast %xor3A_265 : i32 to vector<16xi32>
        %xor3A_267 = arith.xori %iota3A, %xor3A_266 : vector<16xi32>
        %broadcast_in_dim3A_268 = vector.shape_cast %xor3A_267 : vector<16xi32> to vector<16x1xi32>
        %gather3A_269 = vector.shape_cast %broadcast_in_dim3A_268 : vector<16x1xi32> to vector<16xi32>
        %gather3A_270 = tpu.dynamic_gather %add3A_264[%gather3A_269] in [0] : vector<16xf32>, vector<16xi32> -> vector<16xf32>
        %add3A_271 = arith.addf %add3A_264, %gather3A_270 : vector<16xf32>
        %exp3A_272 = math.exp %add3A_271 : vector<16xf32>
        %mul3A_273 = arith.mulf %get3A_229, %exp3A_272 : vector<16xf32>
        %swap3A_274 = arith.index_cast %scan3A_111 : i32 to index
        %swap3A_275 = arith.constant 16 : index
        %swap3A_276 = tpu.vector_load %arg17[%swap3A_274, %swap3A_275] {strides = array<i32>} : memref<64x128xf32, #tpu.memory_space<vmem>>, vector<16xf32>,
        tpu.vector_store %arg17[%swap3A_274, %swap3A_275], %mul3A_273 {strides = array<i32>} : memref<64x128xf32, #tpu.memory_space<vmem>>, vector<16xf32>,
        %eq3A_277 = arith.constant 1 : i32
        %eq3A_278 = vector.broadcast %eq3A_277 : i32 to vector<16xi32>
        %eq3A_279 = arith.cmpi eq, %iota3A, %eq3A_278 : vector<16xi32>
        %select_n3A_280 = arith.select %eq3A_279, %exp3A_272, %select_n3A : vector<16xi1>, vector<16xf32>
        %get3A_281 = arith.constant 0 : i32
        %get3A_282 = arith.index_cast %get3A_281 : i32 to index
        %get3A_283 = arith.constant 32 : index
        %get3A_284 = tpu.vector_load %arg19[%get3A_282, %get3A_283] {strides = array<i32>} : memref<4x128xf32, #tpu.memory_space<vmem>>, vector<16xf32>,
        %mul3A_285 = vector.broadcast %squeeze3A : f32 to vector<16xf32>
        %mul3A_286 = arith.mulf %mul3A_285, %get3A_284 : vector<16xf32>
        %get3A_287 = arith.constant 1 : i32
        %get3A_288 = arith.index_cast %get3A_287 : i32 to index
        %get3A_289 = arith.constant 32 : index
        %get3A_290 = tpu.vector_load %arg19[%get3A_288, %get3A_289] {strides = array<i32>} : memref<4x128xf32, #tpu.memory_space<vmem>>, vector<16xf32>,
        %mul3A_291 = vector.broadcast %squeeze3A_118 : f32 to vector<16xf32>
        %mul3A_292 = arith.mulf %mul3A_291, %get3A_290 : vector<16xf32>
        %add3A_293 = arith.addf %mul3A_286, %mul3A_292 : vector<16xf32>
        %get3A_294 = arith.constant 2 : i32
        %get3A_295 = arith.index_cast %get3A_294 : i32 to index
        %get3A_296 = arith.constant 32 : index
        %get3A_297 = tpu.vector_load %arg19[%get3A_295, %get3A_296] {strides = array<i32>} : memref<4x128xf32, #tpu.memory_space<vmem>>, vector<16xf32>,
        %mul3A_298 = vector.broadcast %squeeze3A_120 : f32 to vector<16xf32>
        %mul3A_299 = arith.mulf %mul3A_298, %get3A_297 : vector<16xf32>
        %add3A_300 = arith.addf %add3A_293, %mul3A_299 : vector<16xf32>
        %get3A_301 = arith.constant 3 : i32
        %get3A_302 = arith.index_cast %get3A_301 : i32 to index
        %get3A_303 = arith.constant 32 : index
        %get3A_304 = tpu.vector_load %arg19[%get3A_302, %get3A_303] {strides = array<i32>} : memref<4x128xf32, #tpu.memory_space<vmem>>, vector<16xf32>,
        %mul3A_305 = vector.broadcast %squeeze3A_122 : f32 to vector<16xf32>
        %mul3A_306 = arith.mulf %mul3A_305, %get3A_304 : vector<16xf32>
        %add3A_307 = arith.addf %add3A_300, %mul3A_306 : vector<16xf32>
        %get3A_308 = arith.index_cast %scan3A_111 : i32 to index
        %get3A_309 = arith.constant 32 : index
        %get3A_310 = tpu.vector_load %arg15[%get3A_308, %get3A_309] {strides = array<i32>} : memref<64x128xf32, #tpu.memory_space<vmem>>, vector<16xf32>,
        %get3A_311 = arith.index_cast %scan3A_111 : i32 to index
        %get3A_312 = arith.constant 32 : index
        %get3A_313 = tpu.vector_load %arg16[%get3A_311, %get3A_312] {strides = array<i32>} : memref<64x128xf32, #tpu.memory_space<vmem>>, vector<16xf32>,
        %add3A_314 = arith.addf %get3A_310, %get3A_313 : vector<16xf32>
        %add3A_315 = arith.addf %add3A_314, %add3A_307 : vector<16xf32>
        %mul3A_316 = arith.constant 2.000000e-01 : f32
        %mul3A_317 = vector.broadcast %mul3A_316 : f32 to vector<16xf32>
        %mul3A_318 = arith.mulf %mul3A_317, %add3A_315 : vector<16xf32>
        %max3A_319 = arith.maximumf %add3A_315, %mul3A_318 : vector<16xf32>
        %get3A_320 = arith.constant 2 : i32
        %get3A_321 = arith.index_cast %get3A_320 : i32 to index
        %get3A_322 = arith.constant 0 : index
        %get3A_323 = tpu.vector_load %arg20[%get3A_321, %get3A_322] {strides = array<i32>} : memref<8x16xf32, #tpu.memory_space<vmem>>, vector<16xf32>,
        %mul3A_324 = arith.mulf %max3A_319, %get3A_323 : vector<16xf32>
        %xor3A_325 = arith.constant 8 : i32
        %xor3A_326 = vector.broadcast %xor3A_325 : i32 to vector<16xi32>
        %xor3A_327 = arith.xori %iota3A, %xor3A_326 : vector<16xi32>
        %broadcast_in_dim3A_328 = vector.shape_cast %xor3A_327 : vector<16xi32> to vector<16x1xi32>
        %gather3A_329 = vector.shape_cast %broadcast_in_dim3A_328 : vector<16x1xi32> to vector<16xi32>
        %gather3A_330 = tpu.dynamic_gather %mul3A_324[%gather3A_329] in [0] : vector<16xf32>, vector<16xi32> -> vector<16xf32>
        %add3A_331 = arith.addf %mul3A_324, %gather3A_330 : vector<16xf32>
        %xor3A_332 = arith.constant 4 : i32
        %xor3A_333 = vector.broadcast %xor3A_332 : i32 to vector<16xi32>
        %xor3A_334 = arith.xori %iota3A, %xor3A_333 : vector<16xi32>
        %broadcast_in_dim3A_335 = vector.shape_cast %xor3A_334 : vector<16xi32> to vector<16x1xi32>
        %gather3A_336 = vector.shape_cast %broadcast_in_dim3A_335 : vector<16x1xi32> to vector<16xi32>
        %gather3A_337 = tpu.dynamic_gather %add3A_331[%gather3A_336] in [0] : vector<16xf32>, vector<16xi32> -> vector<16xf32>
        %add3A_338 = arith.addf %add3A_331, %gather3A_337 : vector<16xf32>
        %xor3A_339 = arith.constant 2 : i32
        %xor3A_340 = vector.broadcast %xor3A_339 : i32 to vector<16xi32>
        %xor3A_341 = arith.xori %iota3A, %xor3A_340 : vector<16xi32>
        %broadcast_in_dim3A_342 = vector.shape_cast %xor3A_341 : vector<16xi32> to vector<16x1xi32>
        %gather3A_343 = vector.shape_cast %broadcast_in_dim3A_342 : vector<16x1xi32> to vector<16xi32>
        %gather3A_344 = tpu.dynamic_gather %add3A_338[%gather3A_343] in [0] : vector<16xf32>, vector<16xi32> -> vector<16xf32>
        %add3A_345 = arith.addf %add3A_338, %gather3A_344 : vector<16xf32>
        %xor3A_346 = arith.constant 1 : i32
        %xor3A_347 = vector.broadcast %xor3A_346 : i32 to vector<16xi32>
        %xor3A_348 = arith.xori %iota3A, %xor3A_347 : vector<16xi32>
        %broadcast_in_dim3A_349 = vector.shape_cast %xor3A_348 : vector<16xi32> to vector<16x1xi32>
        %gather3A_350 = vector.shape_cast %broadcast_in_dim3A_349 : vector<16x1xi32> to vector<16xi32>
        %gather3A_351 = tpu.dynamic_gather %add3A_345[%gather3A_350] in [0] : vector<16xf32>, vector<16xi32> -> vector<16xf32>
        %add3A_352 = arith.addf %add3A_345, %gather3A_351 : vector<16xf32>
        %exp3A_353 = math.exp %add3A_352 : vector<16xf32>
        %mul3A_354 = arith.mulf %get3A_310, %exp3A_353 : vector<16xf32>
        %swap3A_355 = arith.index_cast %scan3A_111 : i32 to index
        %swap3A_356 = arith.constant 32 : index
        %swap3A_357 = tpu.vector_load %arg17[%swap3A_355, %swap3A_356] {strides = array<i32>} : memref<64x128xf32, #tpu.memory_space<vmem>>, vector<16xf32>,
        tpu.vector_store %arg17[%swap3A_355, %swap3A_356], %mul3A_354 {strides = array<i32>} : memref<64x128xf32, #tpu.memory_space<vmem>>, vector<16xf32>,
        %eq3A_358 = arith.constant 2 : i32
        %eq3A_359 = vector.broadcast %eq3A_358 : i32 to vector<16xi32>
        %eq3A_360 = arith.cmpi eq, %iota3A, %eq3A_359 : vector<16xi32>
        %select_n3A_361 = arith.select %eq3A_360, %exp3A_353, %select_n3A_280 : vector<16xi1>, vector<16xf32>
        %get3A_362 = arith.constant 0 : i32
        %get3A_363 = arith.index_cast %get3A_362 : i32 to index
        %get3A_364 = arith.constant 48 : index
        %get3A_365 = tpu.vector_load %arg19[%get3A_363, %get3A_364] {strides = array<i32>} : memref<4x128xf32, #tpu.memory_space<vmem>>, vector<16xf32>,
        %mul3A_366 = vector.broadcast %squeeze3A : f32 to vector<16xf32>
        %mul3A_367 = arith.mulf %mul3A_366, %get3A_365 : vector<16xf32>
        %get3A_368 = arith.constant 1 : i32
        %get3A_369 = arith.index_cast %get3A_368 : i32 to index
        %get3A_370 = arith.constant 48 : index
        %get3A_371 = tpu.vector_load %arg19[%get3A_369, %get3A_370] {strides = array<i32>} : memref<4x128xf32, #tpu.memory_space<vmem>>, vector<16xf32>,
        %mul3A_372 = vector.broadcast %squeeze3A_118 : f32 to vector<16xf32>
        %mul3A_373 = arith.mulf %mul3A_372, %get3A_371 : vector<16xf32>
        %add3A_374 = arith.addf %mul3A_367, %mul3A_373 : vector<16xf32>
        %get3A_375 = arith.constant 2 : i32
        %get3A_376 = arith.index_cast %get3A_375 : i32 to index
        %get3A_377 = arith.constant 48 : index
        %get3A_378 = tpu.vector_load %arg19[%get3A_376, %get3A_377] {strides = array<i32>} : memref<4x128xf32, #tpu.memory_space<vmem>>, vector<16xf32>,
        %mul3A_379 = vector.broadcast %squeeze3A_120 : f32 to vector<16xf32>
        %mul3A_380 = arith.mulf %mul3A_379, %get3A_378 : vector<16xf32>
        %add3A_381 = arith.addf %add3A_374, %mul3A_380 : vector<16xf32>
        %get3A_382 = arith.constant 3 : i32
        %get3A_383 = arith.index_cast %get3A_382 : i32 to index
        %get3A_384 = arith.constant 48 : index
        %get3A_385 = tpu.vector_load %arg19[%get3A_383, %get3A_384] {strides = array<i32>} : memref<4x128xf32, #tpu.memory_space<vmem>>, vector<16xf32>,
        %mul3A_386 = vector.broadcast %squeeze3A_122 : f32 to vector<16xf32>
        %mul3A_387 = arith.mulf %mul3A_386, %get3A_385 : vector<16xf32>
        %add3A_388 = arith.addf %add3A_381, %mul3A_387 : vector<16xf32>
        %get3A_389 = arith.index_cast %scan3A_111 : i32 to index
        %get3A_390 = arith.constant 48 : index
        %get3A_391 = tpu.vector_load %arg15[%get3A_389, %get3A_390] {strides = array<i32>} : memref<64x128xf32, #tpu.memory_space<vmem>>, vector<16xf32>,
        %get3A_392 = arith.index_cast %scan3A_111 : i32 to index
        %get3A_393 = arith.constant 48 : index
        %get3A_394 = tpu.vector_load %arg16[%get3A_392, %get3A_393] {strides = array<i32>} : memref<64x128xf32, #tpu.memory_space<vmem>>, vector<16xf32>,
        %add3A_395 = arith.addf %get3A_391, %get3A_394 : vector<16xf32>
        %add3A_396 = arith.addf %add3A_395, %add3A_388 : vector<16xf32>
        %mul3A_397 = arith.constant 2.000000e-01 : f32
        %mul3A_398 = vector.broadcast %mul3A_397 : f32 to vector<16xf32>
        %mul3A_399 = arith.mulf %mul3A_398, %add3A_396 : vector<16xf32>
        %max3A_400 = arith.maximumf %add3A_396, %mul3A_399 : vector<16xf32>
        %get3A_401 = arith.constant 3 : i32
        %get3A_402 = arith.index_cast %get3A_401 : i32 to index
        %get3A_403 = arith.constant 0 : index
        %get3A_404 = tpu.vector_load %arg20[%get3A_402, %get3A_403] {strides = array<i32>} : memref<8x16xf32, #tpu.memory_space<vmem>>, vector<16xf32>,
        %mul3A_405 = arith.mulf %max3A_400, %get3A_404 : vector<16xf32>
        %xor3A_406 = arith.constant 8 : i32
        %xor3A_407 = vector.broadcast %xor3A_406 : i32 to vector<16xi32>
        %xor3A_408 = arith.xori %iota3A, %xor3A_407 : vector<16xi32>
        %broadcast_in_dim3A_409 = vector.shape_cast %xor3A_408 : vector<16xi32> to vector<16x1xi32>
        %gather3A_410 = vector.shape_cast %broadcast_in_dim3A_409 : vector<16x1xi32> to vector<16xi32>
        %gather3A_411 = tpu.dynamic_gather %mul3A_405[%gather3A_410] in [0] : vector<16xf32>, vector<16xi32> -> vector<16xf32>
        %add3A_412 = arith.addf %mul3A_405, %gather3A_411 : vector<16xf32>
        %xor3A_413 = arith.constant 4 : i32
        %xor3A_414 = vector.broadcast %xor3A_413 : i32 to vector<16xi32>
        %xor3A_415 = arith.xori %iota3A, %xor3A_414 : vector<16xi32>
        %broadcast_in_dim3A_416 = vector.shape_cast %xor3A_415 : vector<16xi32> to vector<16x1xi32>
        %gather3A_417 = vector.shape_cast %broadcast_in_dim3A_416 : vector<16x1xi32> to vector<16xi32>
        %gather3A_418 = tpu.dynamic_gather %add3A_412[%gather3A_417] in [0] : vector<16xf32>, vector<16xi32> -> vector<16xf32>
        %add3A_419 = arith.addf %add3A_412, %gather3A_418 : vector<16xf32>
        %xor3A_420 = arith.constant 2 : i32
        %xor3A_421 = vector.broadcast %xor3A_420 : i32 to vector<16xi32>
        %xor3A_422 = arith.xori %iota3A, %xor3A_421 : vector<16xi32>
        %broadcast_in_dim3A_423 = vector.shape_cast %xor3A_422 : vector<16xi32> to vector<16x1xi32>
        %gather3A_424 = vector.shape_cast %broadcast_in_dim3A_423 : vector<16x1xi32> to vector<16xi32>
        %gather3A_425 = tpu.dynamic_gather %add3A_419[%gather3A_424] in [0] : vector<16xf32>, vector<16xi32> -> vector<16xf32>
        %add3A_426 = arith.addf %add3A_419, %gather3A_425 : vector<16xf32>
        %xor3A_427 = arith.constant 1 : i32
        %xor3A_428 = vector.broadcast %xor3A_427 : i32 to vector<16xi32>
        %xor3A_429 = arith.xori %iota3A, %xor3A_428 : vector<16xi32>
        %broadcast_in_dim3A_430 = vector.shape_cast %xor3A_429 : vector<16xi32> to vector<16x1xi32>
        %gather3A_431 = vector.shape_cast %broadcast_in_dim3A_430 : vector<16x1xi32> to vector<16xi32>
        %gather3A_432 = tpu.dynamic_gather %add3A_426[%gather3A_431] in [0] : vector<16xf32>, vector<16xi32> -> vector<16xf32>
        %add3A_433 = arith.addf %add3A_426, %gather3A_432 : vector<16xf32>
        %exp3A_434 = math.exp %add3A_433 : vector<16xf32>
        %mul3A_435 = arith.mulf %get3A_391, %exp3A_434 : vector<16xf32>
        %swap3A_436 = arith.index_cast %scan3A_111 : i32 to index
        %swap3A_437 = arith.constant 48 : index
        %swap3A_438 = tpu.vector_load %arg17[%swap3A_436, %swap3A_437] {strides = array<i32>} : memref<64x128xf32, #tpu.memory_space<vmem>>, vector<16xf32>,
        tpu.vector_store %arg17[%swap3A_436, %swap3A_437], %mul3A_435 {strides = array<i32>} : memref<64x128xf32, #tpu.memory_space<vmem>>, vector<16xf32>,
        %eq3A_439 = arith.constant 3 : i32
        %eq3A_440 = vector.broadcast %eq3A_439 : i32 to vector<16xi32>
        %eq3A_441 = arith.cmpi eq, %iota3A, %eq3A_440 : vector<16xi32>
        %select_n3A_442 = arith.select %eq3A_441, %exp3A_434, %select_n3A_361 : vector<16xi1>, vector<16xf32>
        %get3A_443 = arith.constant 0 : i32
        %get3A_444 = arith.index_cast %get3A_443 : i32 to index
        %get3A_445 = arith.constant 64 : index
        %get3A_446 = tpu.vector_load %arg19[%get3A_444, %get3A_445] {strides = array<i32>} : memref<4x128xf32, #tpu.memory_space<vmem>>, vector<16xf32>,
        %mul3A_447 = vector.broadcast %squeeze3A : f32 to vector<16xf32>
        %mul3A_448 = arith.mulf %mul3A_447, %get3A_446 : vector<16xf32>
        %get3A_449 = arith.constant 1 : i32
        %get3A_450 = arith.index_cast %get3A_449 : i32 to index
        %get3A_451 = arith.constant 64 : index
        %get3A_452 = tpu.vector_load %arg19[%get3A_450, %get3A_451] {strides = array<i32>} : memref<4x128xf32, #tpu.memory_space<vmem>>, vector<16xf32>,
        %mul3A_453 = vector.broadcast %squeeze3A_118 : f32 to vector<16xf32>
        %mul3A_454 = arith.mulf %mul3A_453, %get3A_452 : vector<16xf32>
        %add3A_455 = arith.addf %mul3A_448, %mul3A_454 : vector<16xf32>
        %get3A_456 = arith.constant 2 : i32
        %get3A_457 = arith.index_cast %get3A_456 : i32 to index
        %get3A_458 = arith.constant 64 : index
        %get3A_459 = tpu.vector_load %arg19[%get3A_457, %get3A_458] {strides = array<i32>} : memref<4x128xf32, #tpu.memory_space<vmem>>, vector<16xf32>,
        %mul3A_460 = vector.broadcast %squeeze3A_120 : f32 to vector<16xf32>
        %mul3A_461 = arith.mulf %mul3A_460, %get3A_459 : vector<16xf32>
        %add3A_462 = arith.addf %add3A_455, %mul3A_461 : vector<16xf32>
        %get3A_463 = arith.constant 3 : i32
        %get3A_464 = arith.index_cast %get3A_463 : i32 to index
        %get3A_465 = arith.constant 64 : index
        %get3A_466 = tpu.vector_load %arg19[%get3A_464, %get3A_465] {strides = array<i32>} : memref<4x128xf32, #tpu.memory_space<vmem>>, vector<16xf32>,
        %mul3A_467 = vector.broadcast %squeeze3A_122 : f32 to vector<16xf32>
        %mul3A_468 = arith.mulf %mul3A_467, %get3A_466 : vector<16xf32>
        %add3A_469 = arith.addf %add3A_462, %mul3A_468 : vector<16xf32>
        %get3A_470 = arith.index_cast %scan3A_111 : i32 to index
        %get3A_471 = arith.constant 64 : index
        %get3A_472 = tpu.vector_load %arg15[%get3A_470, %get3A_471] {strides = array<i32>} : memref<64x128xf32, #tpu.memory_space<vmem>>, vector<16xf32>,
        %get3A_473 = arith.index_cast %scan3A_111 : i32 to index
        %get3A_474 = arith.constant 64 : index
        %get3A_475 = tpu.vector_load %arg16[%get3A_473, %get3A_474] {strides = array<i32>} : memref<64x128xf32, #tpu.memory_space<vmem>>, vector<16xf32>,
        %add3A_476 = arith.addf %get3A_472, %get3A_475 : vector<16xf32>
        %add3A_477 = arith.addf %add3A_476, %add3A_469 : vector<16xf32>
        %mul3A_478 = arith.constant 2.000000e-01 : f32
        %mul3A_479 = vector.broadcast %mul3A_478 : f32 to vector<16xf32>
        %mul3A_480 = arith.mulf %mul3A_479, %add3A_477 : vector<16xf32>
        %max3A_481 = arith.maximumf %add3A_477, %mul3A_480 : vector<16xf32>
        %get3A_482 = arith.constant 4 : i32
        %get3A_483 = arith.index_cast %get3A_482 : i32 to index
        %get3A_484 = arith.constant 0 : index
        %get3A_485 = tpu.vector_load %arg20[%get3A_483, %get3A_484] {strides = array<i32>} : memref<8x16xf32, #tpu.memory_space<vmem>>, vector<16xf32>,
        %mul3A_486 = arith.mulf %max3A_481, %get3A_485 : vector<16xf32>
        %xor3A_487 = arith.constant 8 : i32
        %xor3A_488 = vector.broadcast %xor3A_487 : i32 to vector<16xi32>
        %xor3A_489 = arith.xori %iota3A, %xor3A_488 : vector<16xi32>
        %broadcast_in_dim3A_490 = vector.shape_cast %xor3A_489 : vector<16xi32> to vector<16x1xi32>
        %gather3A_491 = vector.shape_cast %broadcast_in_dim3A_490 : vector<16x1xi32> to vector<16xi32>
        %gather3A_492 = tpu.dynamic_gather %mul3A_486[%gather3A_491] in [0] : vector<16xf32>, vector<16xi32> -> vector<16xf32>
        %add3A_493 = arith.addf %mul3A_486, %gather3A_492 : vector<16xf32>
        %xor3A_494 = arith.constant 4 : i32
        %xor3A_495 = vector.broadcast %xor3A_494 : i32 to vector<16xi32>
        %xor3A_496 = arith.xori %iota3A, %xor3A_495 : vector<16xi32>
        %broadcast_in_dim3A_497 = vector.shape_cast %xor3A_496 : vector<16xi32> to vector<16x1xi32>
        %gather3A_498 = vector.shape_cast %broadcast_in_dim3A_497 : vector<16x1xi32> to vector<16xi32>
        %gather3A_499 = tpu.dynamic_gather %add3A_493[%gather3A_498] in [0] : vector<16xf32>, vector<16xi32> -> vector<16xf32>
        %add3A_500 = arith.addf %add3A_493, %gather3A_499 : vector<16xf32>
        %xor3A_501 = arith.constant 2 : i32
        %xor3A_502 = vector.broadcast %xor3A_501 : i32 to vector<16xi32>
        %xor3A_503 = arith.xori %iota3A, %xor3A_502 : vector<16xi32>
        %broadcast_in_dim3A_504 = vector.shape_cast %xor3A_503 : vector<16xi32> to vector<16x1xi32>
        %gather3A_505 = vector.shape_cast %broadcast_in_dim3A_504 : vector<16x1xi32> to vector<16xi32>
        %gather3A_506 = tpu.dynamic_gather %add3A_500[%gather3A_505] in [0] : vector<16xf32>, vector<16xi32> -> vector<16xf32>
        %add3A_507 = arith.addf %add3A_500, %gather3A_506 : vector<16xf32>
        %xor3A_508 = arith.constant 1 : i32
        %xor3A_509 = vector.broadcast %xor3A_508 : i32 to vector<16xi32>
        %xor3A_510 = arith.xori %iota3A, %xor3A_509 : vector<16xi32>
        %broadcast_in_dim3A_511 = vector.shape_cast %xor3A_510 : vector<16xi32> to vector<16x1xi32>
        %gather3A_512 = vector.shape_cast %broadcast_in_dim3A_511 : vector<16x1xi32> to vector<16xi32>
        %gather3A_513 = tpu.dynamic_gather %add3A_507[%gather3A_512] in [0] : vector<16xf32>, vector<16xi32> -> vector<16xf32>
        %add3A_514 = arith.addf %add3A_507, %gather3A_513 : vector<16xf32>
        %exp3A_515 = math.exp %add3A_514 : vector<16xf32>
        %mul3A_516 = arith.mulf %get3A_472, %exp3A_515 : vector<16xf32>
        %swap3A_517 = arith.index_cast %scan3A_111 : i32 to index
        %swap3A_518 = arith.constant 64 : index
        %swap3A_519 = tpu.vector_load %arg17[%swap3A_517, %swap3A_518] {strides = array<i32>} : memref<64x128xf32, #tpu.memory_space<vmem>>, vector<16xf32>,
        tpu.vector_store %arg17[%swap3A_517, %swap3A_518], %mul3A_516 {strides = array<i32>} : memref<64x128xf32, #tpu.memory_space<vmem>>, vector<16xf32>,
        %eq3A_520 = arith.constant 4 : i32
        %eq3A_521 = vector.broadcast %eq3A_520 : i32 to vector<16xi32>
        %eq3A_522 = arith.cmpi eq, %iota3A, %eq3A_521 : vector<16xi32>
        %select_n3A_523 = arith.select %eq3A_522, %exp3A_515, %select_n3A_442 : vector<16xi1>, vector<16xf32>
        %get3A_524 = arith.constant 0 : i32
        %get3A_525 = arith.index_cast %get3A_524 : i32 to index
        %get3A_526 = arith.constant 80 : index
        %get3A_527 = tpu.vector_load %arg19[%get3A_525, %get3A_526] {strides = array<i32>} : memref<4x128xf32, #tpu.memory_space<vmem>>, vector<16xf32>,
        %mul3A_528 = vector.broadcast %squeeze3A : f32 to vector<16xf32>
        %mul3A_529 = arith.mulf %mul3A_528, %get3A_527 : vector<16xf32>
        %get3A_530 = arith.constant 1 : i32
        %get3A_531 = arith.index_cast %get3A_530 : i32 to index
        %get3A_532 = arith.constant 80 : index
        %get3A_533 = tpu.vector_load %arg19[%get3A_531, %get3A_532] {strides = array<i32>} : memref<4x128xf32, #tpu.memory_space<vmem>>, vector<16xf32>,
        %mul3A_534 = vector.broadcast %squeeze3A_118 : f32 to vector<16xf32>
        %mul3A_535 = arith.mulf %mul3A_534, %get3A_533 : vector<16xf32>
        %add3A_536 = arith.addf %mul3A_529, %mul3A_535 : vector<16xf32>
        %get3A_537 = arith.constant 2 : i32
        %get3A_538 = arith.index_cast %get3A_537 : i32 to index
        %get3A_539 = arith.constant 80 : index
        %get3A_540 = tpu.vector_load %arg19[%get3A_538, %get3A_539] {strides = array<i32>} : memref<4x128xf32, #tpu.memory_space<vmem>>, vector<16xf32>,
        %mul3A_541 = vector.broadcast %squeeze3A_120 : f32 to vector<16xf32>
        %mul3A_542 = arith.mulf %mul3A_541, %get3A_540 : vector<16xf32>
        %add3A_543 = arith.addf %add3A_536, %mul3A_542 : vector<16xf32>
        %get3A_544 = arith.constant 3 : i32
        %get3A_545 = arith.index_cast %get3A_544 : i32 to index
        %get3A_546 = arith.constant 80 : index
        %get3A_547 = tpu.vector_load %arg19[%get3A_545, %get3A_546] {strides = array<i32>} : memref<4x128xf32, #tpu.memory_space<vmem>>, vector<16xf32>,
        %mul3A_548 = vector.broadcast %squeeze3A_122 : f32 to vector<16xf32>
        %mul3A_549 = arith.mulf %mul3A_548, %get3A_547 : vector<16xf32>
        %add3A_550 = arith.addf %add3A_543, %mul3A_549 : vector<16xf32>
        %get3A_551 = arith.index_cast %scan3A_111 : i32 to index
        %get3A_552 = arith.constant 80 : index
        %get3A_553 = tpu.vector_load %arg15[%get3A_551, %get3A_552] {strides = array<i32>} : memref<64x128xf32, #tpu.memory_space<vmem>>, vector<16xf32>,
        %get3A_554 = arith.index_cast %scan3A_111 : i32 to index
        %get3A_555 = arith.constant 80 : index
        %get3A_556 = tpu.vector_load %arg16[%get3A_554, %get3A_555] {strides = array<i32>} : memref<64x128xf32, #tpu.memory_space<vmem>>, vector<16xf32>,
        %add3A_557 = arith.addf %get3A_553, %get3A_556 : vector<16xf32>
        %add3A_558 = arith.addf %add3A_557, %add3A_550 : vector<16xf32>
        %mul3A_559 = arith.constant 2.000000e-01 : f32
        %mul3A_560 = vector.broadcast %mul3A_559 : f32 to vector<16xf32>
        %mul3A_561 = arith.mulf %mul3A_560, %add3A_558 : vector<16xf32>
        %max3A_562 = arith.maximumf %add3A_558, %mul3A_561 : vector<16xf32>
        %get3A_563 = arith.constant 5 : i32
        %get3A_564 = arith.index_cast %get3A_563 : i32 to index
        %get3A_565 = arith.constant 0 : index
        %get3A_566 = tpu.vector_load %arg20[%get3A_564, %get3A_565] {strides = array<i32>} : memref<8x16xf32, #tpu.memory_space<vmem>>, vector<16xf32>,
        %mul3A_567 = arith.mulf %max3A_562, %get3A_566 : vector<16xf32>
        %xor3A_568 = arith.constant 8 : i32
        %xor3A_569 = vector.broadcast %xor3A_568 : i32 to vector<16xi32>
        %xor3A_570 = arith.xori %iota3A, %xor3A_569 : vector<16xi32>
        %broadcast_in_dim3A_571 = vector.shape_cast %xor3A_570 : vector<16xi32> to vector<16x1xi32>
        %gather3A_572 = vector.shape_cast %broadcast_in_dim3A_571 : vector<16x1xi32> to vector<16xi32>
        %gather3A_573 = tpu.dynamic_gather %mul3A_567[%gather3A_572] in [0] : vector<16xf32>, vector<16xi32> -> vector<16xf32>
        %add3A_574 = arith.addf %mul3A_567, %gather3A_573 : vector<16xf32>
        %xor3A_575 = arith.constant 4 : i32
        %xor3A_576 = vector.broadcast %xor3A_575 : i32 to vector<16xi32>
        %xor3A_577 = arith.xori %iota3A, %xor3A_576 : vector<16xi32>
        %broadcast_in_dim3A_578 = vector.shape_cast %xor3A_577 : vector<16xi32> to vector<16x1xi32>
        %gather3A_579 = vector.shape_cast %broadcast_in_dim3A_578 : vector<16x1xi32> to vector<16xi32>
        %gather3A_580 = tpu.dynamic_gather %add3A_574[%gather3A_579] in [0] : vector<16xf32>, vector<16xi32> -> vector<16xf32>
        %add3A_581 = arith.addf %add3A_574, %gather3A_580 : vector<16xf32>
        %xor3A_582 = arith.constant 2 : i32
        %xor3A_583 = vector.broadcast %xor3A_582 : i32 to vector<16xi32>
        %xor3A_584 = arith.xori %iota3A, %xor3A_583 : vector<16xi32>
        %broadcast_in_dim3A_585 = vector.shape_cast %xor3A_584 : vector<16xi32> to vector<16x1xi32>
        %gather3A_586 = vector.shape_cast %broadcast_in_dim3A_585 : vector<16x1xi32> to vector<16xi32>
        %gather3A_587 = tpu.dynamic_gather %add3A_581[%gather3A_586] in [0] : vector<16xf32>, vector<16xi32> -> vector<16xf32>
        %add3A_588 = arith.addf %add3A_581, %gather3A_587 : vector<16xf32>
        %xor3A_589 = arith.constant 1 : i32
        %xor3A_590 = vector.broadcast %xor3A_589 : i32 to vector<16xi32>
        %xor3A_591 = arith.xori %iota3A, %xor3A_590 : vector<16xi32>
        %broadcast_in_dim3A_592 = vector.shape_cast %xor3A_591 : vector<16xi32> to vector<16x1xi32>
        %gather3A_593 = vector.shape_cast %broadcast_in_dim3A_592 : vector<16x1xi32> to vector<16xi32>
        %gather3A_594 = tpu.dynamic_gather %add3A_588[%gather3A_593] in [0] : vector<16xf32>, vector<16xi32> -> vector<16xf32>
        %add3A_595 = arith.addf %add3A_588, %gather3A_594 : vector<16xf32>
        %exp3A_596 = math.exp %add3A_595 : vector<16xf32>
        %mul3A_597 = arith.mulf %get3A_553, %exp3A_596 : vector<16xf32>
        %swap3A_598 = arith.index_cast %scan3A_111 : i32 to index
        %swap3A_599 = arith.constant 80 : index
        %swap3A_600 = tpu.vector_load %arg17[%swap3A_598, %swap3A_599] {strides = array<i32>} : memref<64x128xf32, #tpu.memory_space<vmem>>, vector<16xf32>,
        tpu.vector_store %arg17[%swap3A_598, %swap3A_599], %mul3A_597 {strides = array<i32>} : memref<64x128xf32, #tpu.memory_space<vmem>>, vector<16xf32>,
        %eq3A_601 = arith.constant 5 : i32
        %eq3A_602 = vector.broadcast %eq3A_601 : i32 to vector<16xi32>
        %eq3A_603 = arith.cmpi eq, %iota3A, %eq3A_602 : vector<16xi32>
        %select_n3A_604 = arith.select %eq3A_603, %exp3A_596, %select_n3A_523 : vector<16xi1>, vector<16xf32>
        %get3A_605 = arith.constant 0 : i32
        %get3A_606 = arith.index_cast %get3A_605 : i32 to index
        %get3A_607 = arith.constant 96 : index
        %get3A_608 = tpu.vector_load %arg19[%get3A_606, %get3A_607] {strides = array<i32>} : memref<4x128xf32, #tpu.memory_space<vmem>>, vector<16xf32>,
        %mul3A_609 = vector.broadcast %squeeze3A : f32 to vector<16xf32>
        %mul3A_610 = arith.mulf %mul3A_609, %get3A_608 : vector<16xf32>
        %get3A_611 = arith.constant 1 : i32
        %get3A_612 = arith.index_cast %get3A_611 : i32 to index
        %get3A_613 = arith.constant 96 : index
        %get3A_614 = tpu.vector_load %arg19[%get3A_612, %get3A_613] {strides = array<i32>} : memref<4x128xf32, #tpu.memory_space<vmem>>, vector<16xf32>,
        %mul3A_615 = vector.broadcast %squeeze3A_118 : f32 to vector<16xf32>
        %mul3A_616 = arith.mulf %mul3A_615, %get3A_614 : vector<16xf32>
        %add3A_617 = arith.addf %mul3A_610, %mul3A_616 : vector<16xf32>
        %get3A_618 = arith.constant 2 : i32
        %get3A_619 = arith.index_cast %get3A_618 : i32 to index
        %get3A_620 = arith.constant 96 : index
        %get3A_621 = tpu.vector_load %arg19[%get3A_619, %get3A_620] {strides = array<i32>} : memref<4x128xf32, #tpu.memory_space<vmem>>, vector<16xf32>,
        %mul3A_622 = vector.broadcast %squeeze3A_120 : f32 to vector<16xf32>
        %mul3A_623 = arith.mulf %mul3A_622, %get3A_621 : vector<16xf32>
        %add3A_624 = arith.addf %add3A_617, %mul3A_623 : vector<16xf32>
        %get3A_625 = arith.constant 3 : i32
        %get3A_626 = arith.index_cast %get3A_625 : i32 to index
        %get3A_627 = arith.constant 96 : index
        %get3A_628 = tpu.vector_load %arg19[%get3A_626, %get3A_627] {strides = array<i32>} : memref<4x128xf32, #tpu.memory_space<vmem>>, vector<16xf32>,
        %mul3A_629 = vector.broadcast %squeeze3A_122 : f32 to vector<16xf32>
        %mul3A_630 = arith.mulf %mul3A_629, %get3A_628 : vector<16xf32>
        %add3A_631 = arith.addf %add3A_624, %mul3A_630 : vector<16xf32>
        %get3A_632 = arith.index_cast %scan3A_111 : i32 to index
        %get3A_633 = arith.constant 96 : index
        %get3A_634 = tpu.vector_load %arg15[%get3A_632, %get3A_633] {strides = array<i32>} : memref<64x128xf32, #tpu.memory_space<vmem>>, vector<16xf32>,
        %get3A_635 = arith.index_cast %scan3A_111 : i32 to index
        %get3A_636 = arith.constant 96 : index
        %get3A_637 = tpu.vector_load %arg16[%get3A_635, %get3A_636] {strides = array<i32>} : memref<64x128xf32, #tpu.memory_space<vmem>>, vector<16xf32>,
        %add3A_638 = arith.addf %get3A_634, %get3A_637 : vector<16xf32>
        %add3A_639 = arith.addf %add3A_638, %add3A_631 : vector<16xf32>
        %mul3A_640 = arith.constant 2.000000e-01 : f32
        %mul3A_641 = vector.broadcast %mul3A_640 : f32 to vector<16xf32>
        %mul3A_642 = arith.mulf %mul3A_641, %add3A_639 : vector<16xf32>
        %max3A_643 = arith.maximumf %add3A_639, %mul3A_642 : vector<16xf32>
        %get3A_644 = arith.constant 6 : i32
        %get3A_645 = arith.index_cast %get3A_644 : i32 to index
        %get3A_646 = arith.constant 0 : index
        %get3A_647 = tpu.vector_load %arg20[%get3A_645, %get3A_646] {strides = array<i32>} : memref<8x16xf32, #tpu.memory_space<vmem>>, vector<16xf32>,
        %mul3A_648 = arith.mulf %max3A_643, %get3A_647 : vector<16xf32>
        %xor3A_649 = arith.constant 8 : i32
        %xor3A_650 = vector.broadcast %xor3A_649 : i32 to vector<16xi32>
        %xor3A_651 = arith.xori %iota3A, %xor3A_650 : vector<16xi32>
        %broadcast_in_dim3A_652 = vector.shape_cast %xor3A_651 : vector<16xi32> to vector<16x1xi32>
        %gather3A_653 = vector.shape_cast %broadcast_in_dim3A_652 : vector<16x1xi32> to vector<16xi32>
        %gather3A_654 = tpu.dynamic_gather %mul3A_648[%gather3A_653] in [0] : vector<16xf32>, vector<16xi32> -> vector<16xf32>
        %add3A_655 = arith.addf %mul3A_648, %gather3A_654 : vector<16xf32>
        %xor3A_656 = arith.constant 4 : i32
        %xor3A_657 = vector.broadcast %xor3A_656 : i32 to vector<16xi32>
        %xor3A_658 = arith.xori %iota3A, %xor3A_657 : vector<16xi32>
        %broadcast_in_dim3A_659 = vector.shape_cast %xor3A_658 : vector<16xi32> to vector<16x1xi32>
        %gather3A_660 = vector.shape_cast %broadcast_in_dim3A_659 : vector<16x1xi32> to vector<16xi32>
        %gather3A_661 = tpu.dynamic_gather %add3A_655[%gather3A_660] in [0] : vector<16xf32>, vector<16xi32> -> vector<16xf32>
        %add3A_662 = arith.addf %add3A_655, %gather3A_661 : vector<16xf32>
        %xor3A_663 = arith.constant 2 : i32
        %xor3A_664 = vector.broadcast %xor3A_663 : i32 to vector<16xi32>
        %xor3A_665 = arith.xori %iota3A, %xor3A_664 : vector<16xi32>
        %broadcast_in_dim3A_666 = vector.shape_cast %xor3A_665 : vector<16xi32> to vector<16x1xi32>
        %gather3A_667 = vector.shape_cast %broadcast_in_dim3A_666 : vector<16x1xi32> to vector<16xi32>
        %gather3A_668 = tpu.dynamic_gather %add3A_662[%gather3A_667] in [0] : vector<16xf32>, vector<16xi32> -> vector<16xf32>
        %add3A_669 = arith.addf %add3A_662, %gather3A_668 : vector<16xf32>
        %xor3A_670 = arith.constant 1 : i32
        %xor3A_671 = vector.broadcast %xor3A_670 : i32 to vector<16xi32>
        %xor3A_672 = arith.xori %iota3A, %xor3A_671 : vector<16xi32>
        %broadcast_in_dim3A_673 = vector.shape_cast %xor3A_672 : vector<16xi32> to vector<16x1xi32>
        %gather3A_674 = vector.shape_cast %broadcast_in_dim3A_673 : vector<16x1xi32> to vector<16xi32>
        %gather3A_675 = tpu.dynamic_gather %add3A_669[%gather3A_674] in [0] : vector<16xf32>, vector<16xi32> -> vector<16xf32>
        %add3A_676 = arith.addf %add3A_669, %gather3A_675 : vector<16xf32>
        %exp3A_677 = math.exp %add3A_676 : vector<16xf32>
        %mul3A_678 = arith.mulf %get3A_634, %exp3A_677 : vector<16xf32>
        %swap3A_679 = arith.index_cast %scan3A_111 : i32 to index
        %swap3A_680 = arith.constant 96 : index
        %swap3A_681 = tpu.vector_load %arg17[%swap3A_679, %swap3A_680] {strides = array<i32>} : memref<64x128xf32, #tpu.memory_space<vmem>>, vector<16xf32>,
        tpu.vector_store %arg17[%swap3A_679, %swap3A_680], %mul3A_678 {strides = array<i32>} : memref<64x128xf32, #tpu.memory_space<vmem>>, vector<16xf32>,
        %eq3A_682 = arith.constant 6 : i32
        %eq3A_683 = vector.broadcast %eq3A_682 : i32 to vector<16xi32>
        %eq3A_684 = arith.cmpi eq, %iota3A, %eq3A_683 : vector<16xi32>
        %select_n3A_685 = arith.select %eq3A_684, %exp3A_677, %select_n3A_604 : vector<16xi1>, vector<16xf32>
        %get3A_686 = arith.constant 0 : i32
        %get3A_687 = arith.index_cast %get3A_686 : i32 to index
        %get3A_688 = arith.constant 112 : index
        %get3A_689 = tpu.vector_load %arg19[%get3A_687, %get3A_688] {strides = array<i32>} : memref<4x128xf32, #tpu.memory_space<vmem>>, vector<16xf32>,
        %mul3A_690 = vector.broadcast %squeeze3A : f32 to vector<16xf32>
        %mul3A_691 = arith.mulf %mul3A_690, %get3A_689 : vector<16xf32>
        %get3A_692 = arith.constant 1 : i32
        %get3A_693 = arith.index_cast %get3A_692 : i32 to index
        %get3A_694 = arith.constant 112 : index
        %get3A_695 = tpu.vector_load %arg19[%get3A_693, %get3A_694] {strides = array<i32>} : memref<4x128xf32, #tpu.memory_space<vmem>>, vector<16xf32>,
        %mul3A_696 = vector.broadcast %squeeze3A_118 : f32 to vector<16xf32>
        %mul3A_697 = arith.mulf %mul3A_696, %get3A_695 : vector<16xf32>
        %add3A_698 = arith.addf %mul3A_691, %mul3A_697 : vector<16xf32>
        %get3A_699 = arith.constant 2 : i32
        %get3A_700 = arith.index_cast %get3A_699 : i32 to index
        %get3A_701 = arith.constant 112 : index
        %get3A_702 = tpu.vector_load %arg19[%get3A_700, %get3A_701] {strides = array<i32>} : memref<4x128xf32, #tpu.memory_space<vmem>>, vector<16xf32>,
        %mul3A_703 = vector.broadcast %squeeze3A_120 : f32 to vector<16xf32>
        %mul3A_704 = arith.mulf %mul3A_703, %get3A_702 : vector<16xf32>
        %add3A_705 = arith.addf %add3A_698, %mul3A_704 : vector<16xf32>
        %get3A_706 = arith.constant 3 : i32
        %get3A_707 = arith.index_cast %get3A_706 : i32 to index
        %get3A_708 = arith.constant 112 : index
        %get3A_709 = tpu.vector_load %arg19[%get3A_707, %get3A_708] {strides = array<i32>} : memref<4x128xf32, #tpu.memory_space<vmem>>, vector<16xf32>,
        %mul3A_710 = vector.broadcast %squeeze3A_122 : f32 to vector<16xf32>
        %mul3A_711 = arith.mulf %mul3A_710, %get3A_709 : vector<16xf32>
        %add3A_712 = arith.addf %add3A_705, %mul3A_711 : vector<16xf32>
        %get3A_713 = arith.index_cast %scan3A_111 : i32 to index
        %get3A_714 = arith.constant 112 : index
        %get3A_715 = tpu.vector_load %arg15[%get3A_713, %get3A_714] {strides = array<i32>} : memref<64x128xf32, #tpu.memory_space<vmem>>, vector<16xf32>,
        %get3A_716 = arith.index_cast %scan3A_111 : i32 to index
        %get3A_717 = arith.constant 112 : index
        %get3A_718 = tpu.vector_load %arg16[%get3A_716, %get3A_717] {strides = array<i32>} : memref<64x128xf32, #tpu.memory_space<vmem>>, vector<16xf32>,
        %add3A_719 = arith.addf %get3A_715, %get3A_718 : vector<16xf32>
        %add3A_720 = arith.addf %add3A_719, %add3A_712 : vector<16xf32>
        %mul3A_721 = arith.constant 2.000000e-01 : f32
        %mul3A_722 = vector.broadcast %mul3A_721 : f32 to vector<16xf32>
        %mul3A_723 = arith.mulf %mul3A_722, %add3A_720 : vector<16xf32>
        %max3A_724 = arith.maximumf %add3A_720, %mul3A_723 : vector<16xf32>
        %get3A_725 = arith.constant 7 : i32
        %get3A_726 = arith.index_cast %get3A_725 : i32 to index
        %get3A_727 = arith.constant 0 : index
        %get3A_728 = tpu.vector_load %arg20[%get3A_726, %get3A_727] {strides = array<i32>} : memref<8x16xf32, #tpu.memory_space<vmem>>, vector<16xf32>,
        %mul3A_729 = arith.mulf %max3A_724, %get3A_728 : vector<16xf32>
        %xor3A_730 = arith.constant 8 : i32
        %xor3A_731 = vector.broadcast %xor3A_730 : i32 to vector<16xi32>
        %xor3A_732 = arith.xori %iota3A, %xor3A_731 : vector<16xi32>
        %broadcast_in_dim3A_733 = vector.shape_cast %xor3A_732 : vector<16xi32> to vector<16x1xi32>
        %gather3A_734 = vector.shape_cast %broadcast_in_dim3A_733 : vector<16x1xi32> to vector<16xi32>
        %gather3A_735 = tpu.dynamic_gather %mul3A_729[%gather3A_734] in [0] : vector<16xf32>, vector<16xi32> -> vector<16xf32>
        %add3A_736 = arith.addf %mul3A_729, %gather3A_735 : vector<16xf32>
        %xor3A_737 = arith.constant 4 : i32
        %xor3A_738 = vector.broadcast %xor3A_737 : i32 to vector<16xi32>
        %xor3A_739 = arith.xori %iota3A, %xor3A_738 : vector<16xi32>
        %broadcast_in_dim3A_740 = vector.shape_cast %xor3A_739 : vector<16xi32> to vector<16x1xi32>
        %gather3A_741 = vector.shape_cast %broadcast_in_dim3A_740 : vector<16x1xi32> to vector<16xi32>
        %gather3A_742 = tpu.dynamic_gather %add3A_736[%gather3A_741] in [0] : vector<16xf32>, vector<16xi32> -> vector<16xf32>
        %add3A_743 = arith.addf %add3A_736, %gather3A_742 : vector<16xf32>
        %xor3A_744 = arith.constant 2 : i32
        %xor3A_745 = vector.broadcast %xor3A_744 : i32 to vector<16xi32>
        %xor3A_746 = arith.xori %iota3A, %xor3A_745 : vector<16xi32>
        %broadcast_in_dim3A_747 = vector.shape_cast %xor3A_746 : vector<16xi32> to vector<16x1xi32>
        %gather3A_748 = vector.shape_cast %broadcast_in_dim3A_747 : vector<16x1xi32> to vector<16xi32>
        %gather3A_749 = tpu.dynamic_gather %add3A_743[%gather3A_748] in [0] : vector<16xf32>, vector<16xi32> -> vector<16xf32>
        %add3A_750 = arith.addf %add3A_743, %gather3A_749 : vector<16xf32>
        %xor3A_751 = arith.constant 1 : i32
        %xor3A_752 = vector.broadcast %xor3A_751 : i32 to vector<16xi32>
        %xor3A_753 = arith.xori %iota3A, %xor3A_752 : vector<16xi32>
        %broadcast_in_dim3A_754 = vector.shape_cast %xor3A_753 : vector<16xi32> to vector<16x1xi32>
        %gather3A_755 = vector.shape_cast %broadcast_in_dim3A_754 : vector<16x1xi32> to vector<16xi32>
        %gather3A_756 = tpu.dynamic_gather %add3A_750[%gather3A_755] in [0] : vector<16xf32>, vector<16xi32> -> vector<16xf32>
        %add3A_757 = arith.addf %add3A_750, %gather3A_756 : vector<16xf32>
        %exp3A_758 = math.exp %add3A_757 : vector<16xf32>
        %mul3A_759 = arith.mulf %get3A_715, %exp3A_758 : vector<16xf32>
        %swap3A_760 = arith.index_cast %scan3A_111 : i32 to index
        %swap3A_761 = arith.constant 112 : index
        %swap3A_762 = tpu.vector_load %arg17[%swap3A_760, %swap3A_761] {strides = array<i32>} : memref<64x128xf32, #tpu.memory_space<vmem>>, vector<16xf32>,
        tpu.vector_store %arg17[%swap3A_760, %swap3A_761], %mul3A_759 {strides = array<i32>} : memref<64x128xf32, #tpu.memory_space<vmem>>, vector<16xf32>,
        %eq3A_763 = arith.constant 7 : i32
        %eq3A_764 = vector.broadcast %eq3A_763 : i32 to vector<16xi32>
        %eq3A_765 = arith.cmpi eq, %iota3A, %eq3A_764 : vector<16xi32>
        %select_n3A_766 = arith.select %eq3A_765, %exp3A_758, %select_n3A_685 : vector<16xi1>, vector<16xf32>
        %swap3A_767 = arith.index_cast %scan3A_111 : i32 to index
        %swap3A_768 = arith.constant 0 : index
        %swap3A_769 = tpu.vector_load %arg18[%swap3A_767, %swap3A_768] {strides = array<i32>} : memref<64x128xf32, #tpu.memory_space<vmem>>, vector<16xf32>,
        tpu.vector_store %arg18[%swap3A_767, %swap3A_768], %broadcast_in_dim3A_1 {strides = array<i32>} : memref<64x128xf32, #tpu.memory_space<vmem>>, vector<16xf32>,
        %swap3A_770 = arith.index_cast %scan3A_111 : i32 to index
        %swap3A_771 = arith.constant 16 : index
        %swap3A_772 = tpu.vector_load %arg18[%swap3A_770, %swap3A_771] {strides = array<i32>} : memref<64x128xf32, #tpu.memory_space<vmem>>, vector<16xf32>,
        tpu.vector_store %arg18[%swap3A_770, %swap3A_771], %broadcast_in_dim3A_1 {strides = array<i32>} : memref<64x128xf32, #tpu.memory_space<vmem>>, vector<16xf32>,
        %swap3A_773 = arith.index_cast %scan3A_111 : i32 to index
        %swap3A_774 = arith.constant 32 : index
        %swap3A_775 = tpu.vector_load %arg18[%swap3A_773, %swap3A_774] {strides = array<i32>} : memref<64x128xf32, #tpu.memory_space<vmem>>, vector<16xf32>,
        tpu.vector_store %arg18[%swap3A_773, %swap3A_774], %broadcast_in_dim3A_1 {strides = array<i32>} : memref<64x128xf32, #tpu.memory_space<vmem>>, vector<16xf32>,
        %swap3A_776 = arith.index_cast %scan3A_111 : i32 to index
        %swap3A_777 = arith.constant 48 : index
        %swap3A_778 = tpu.vector_load %arg18[%swap3A_776, %swap3A_777] {strides = array<i32>} : memref<64x128xf32, #tpu.memory_space<vmem>>, vector<16xf32>,
        tpu.vector_store %arg18[%swap3A_776, %swap3A_777], %broadcast_in_dim3A_1 {strides = array<i32>} : memref<64x128xf32, #tpu.memory_space<vmem>>, vector<16xf32>,
        %swap3A_779 = arith.index_cast %scan3A_111 : i32 to index
        %swap3A_780 = arith.constant 64 : index
        %swap3A_781 = tpu.vector_load %arg18[%swap3A_779, %swap3A_780] {strides = array<i32>} : memref<64x128xf32, #tpu.memory_space<vmem>>, vector<16xf32>,
        tpu.vector_store %arg18[%swap3A_779, %swap3A_780], %broadcast_in_dim3A_1 {strides = array<i32>} : memref<64x128xf32, #tpu.memory_space<vmem>>, vector<16xf32>,
        %swap3A_782 = arith.index_cast %scan3A_111 : i32 to index
        %swap3A_783 = arith.constant 80 : index
        %swap3A_784 = tpu.vector_load %arg18[%swap3A_782, %swap3A_783] {strides = array<i32>} : memref<64x128xf32, #tpu.memory_space<vmem>>, vector<16xf32>,
        tpu.vector_store %arg18[%swap3A_782, %swap3A_783], %broadcast_in_dim3A_1 {strides = array<i32>} : memref<64x128xf32, #tpu.memory_space<vmem>>, vector<16xf32>,
        %swap3A_785 = arith.index_cast %scan3A_111 : i32 to index
        %swap3A_786 = arith.constant 96 : index
        %swap3A_787 = tpu.vector_load %arg18[%swap3A_785, %swap3A_786] {strides = array<i32>} : memref<64x128xf32, #tpu.memory_space<vmem>>, vector<16xf32>,
        tpu.vector_store %arg18[%swap3A_785, %swap3A_786], %broadcast_in_dim3A_1 {strides = array<i32>} : memref<64x128xf32, #tpu.memory_space<vmem>>, vector<16xf32>,
        %swap3A_788 = arith.index_cast %scan3A_111 : i32 to index
        %swap3A_789 = arith.constant 112 : index
        %swap3A_790 = tpu.vector_load %arg18[%swap3A_788, %swap3A_789] {strides = array<i32>} : memref<64x128xf32, #tpu.memory_space<vmem>>, vector<16xf32>,
        tpu.vector_store %arg18[%swap3A_788, %swap3A_789], %broadcast_in_dim3A_1 {strides = array<i32>} : memref<64x128xf32, #tpu.memory_space<vmem>>, vector<16xf32>,
        %shift_right_arithmetic3A_791 = arith.constant 4 : i32
        %shift_right_arithmetic3A_792 = arith.shrsi %scan3A_111, %shift_right_arithmetic3A_791 : i32
        %shift_left3A = arith.constant 4 : i32
        %shift_left3A_793 = arith.shli %shift_right_arithmetic3A_792, %shift_left3A : i32
        %get3A_794 = arith.index_cast %shift_left3A_793 : i32 to index
        %get3A_795 = tpu.vector_load %arg12[%get3A_794] {strides = array<i32>} : memref<64xi32, #tpu.memory_space<vmem>>, vector<16xi32>,
        %sub3A_796 = arith.subi %scan3A_111, %shift_left3A_793 : i32
        %broadcast_in_dim3A_797 = vector.broadcast %sub3A_796 : i32 to vector<16xi32>
        %broadcast_in_dim3A_798 = vector.shape_cast %broadcast_in_dim3A_797 : vector<16xi32> to vector<16x1xi32>
        %gather3A_799 = vector.shape_cast %broadcast_in_dim3A_798 : vector<16x1xi32> to vector<16xi32>
        %gather3A_800 = tpu.dynamic_gather %get3A_795[%gather3A_799] in [0] : vector<16xi32>, vector<16xi32> -> vector<16xi32>
        %slice3A_801 = vector.extract_strided_slice %gather3A_800 {offsets = [0], sizes = [1], strides = [1]} : vector<16xi32> to vector<1xi32>
        %squeeze3A_802 = vector.extract %slice3A_801[0] : i32 from vector<1xi32>
        %and3A = arith.constant 15 : i32
        %and3A_803 = arith.andi %squeeze3A_802, %and3A : i32
        %shift_left3A_804 = arith.constant 3 : i32
        %shift_left3A_805 = arith.shli %and3A_803, %shift_left3A_804 : i32
        %and3A_806 = arith.constant 15 : i32
        %and3A_807 = arith.andi %shift_left3A_805, %and3A_806 : i32
        %sub3A_808 = vector.broadcast %and3A_807 : i32 to vector<16xi32>
        %sub3A_809 = arith.subi %iota3A, %sub3A_808 : vector<16xi32>
        %ge3A = arith.constant 0 : i32
        %ge3A_810 = vector.broadcast %ge3A : i32 to vector<16xi32>
        %ge3A_811 = arith.cmpi sge, %sub3A_809, %ge3A_810 : vector<16xi32>
        %lt3A = arith.constant 8 : i32
        %lt3A_812 = vector.broadcast %lt3A : i32 to vector<16xi32>
        %lt3A_813 = arith.cmpi slt, %sub3A_809, %lt3A_812 : vector<16xi32>
        %and3A_814 = arith.andi %ge3A_811, %lt3A_813 : vector<16xi1>
        %and3A_815 = arith.constant 15 : i32
        %and3A_816 = vector.broadcast %and3A_815 : i32 to vector<16xi32>
        %and3A_817 = arith.andi %sub3A_809, %and3A_816 : vector<16xi32>
        %broadcast_in_dim3A_818 = vector.shape_cast %and3A_817 : vector<16xi32> to vector<16x1xi32>
        %gather3A_819 = vector.shape_cast %broadcast_in_dim3A_818 : vector<16x1xi32> to vector<16xi32>
        %gather3A_820 = tpu.dynamic_gather %select_n3A_766[%gather3A_819] in [0] : vector<16xf32>, vector<16xi32> -> vector<16xf32>
        %jit3A = arith.constant 0.000000e+00 : f32
        %broadcast_in_dim3A_821 = vector.broadcast %jit3A : f32 to vector<16xf32>
        %select_n3A_822 = arith.select %and3A_814, %gather3A_820, %broadcast_in_dim3A_821 : vector<16xi1>, vector<16xf32>
        %shift_right_arithmetic3A_823 = arith.constant 4 : i32
        %shift_right_arithmetic3A_824 = arith.shrsi %shift_left3A_805, %shift_right_arithmetic3A_823 : i32
        %shift_left3A_825 = arith.constant 4 : i32
        %shift_left3A_826 = arith.shli %shift_right_arithmetic3A_824, %shift_left3A_825 : i32
        %swap3A_827 = arith.index_cast %scan3A_111 : i32 to index
        %swap3A_828 = arith.index_cast %shift_left3A_826 : i32 to index
        %swap3A_829 = tpu.vector_load %arg18[%swap3A_827, %swap3A_828] {strides = array<i32>} : memref<64x128xf32, #tpu.memory_space<vmem>>, vector<16xf32>,
        tpu.vector_store %arg18[%swap3A_827, %swap3A_828], %select_n3A_822 {strides = array<i32>} : memref<64x128xf32, #tpu.memory_space<vmem>>, vector<16xf32>,
        %scan3A_830 = arith.constant 0 : i32
        scf.yield %scan3A_830 : i32
      }
      %scan3A_109 = arith.constant 64 : i32
      "tpu.region"() ({
        %run_scoped3A = tpu.sem_alloc : memref<!tpu.dma_semaphore, #tpu.memory_space<semaphore_mem>>
        %dma_start3A_111 = arith.constant 0 : i32
        %dma_start3A_112 = arith.constant 0 : i32
        %dma_start3A_113 = tpu.memref_slice %arg21[%dma_start3A_111, %dma_start3A_112] : memref<10880x128xf32, #tpu.memory_space<vmem_shared>> -> memref<10880x128xf32, #tpu.memory_space<vmem_shared>>
        tpu.enqueue_indirect_dma source(%arg17 : memref<64x128xf32, #tpu.memory_space<vmem>>) target(%dma_start3A_113 : memref<10880x128xf32, #tpu.memory_space<vmem_shared>>) offsets(%arg12 : memref<64xi32, #tpu.memory_space<vmem>>) semaphore(%run_scoped3A : memref<!tpu.dma_semaphore, #tpu.memory_space<semaphore_mem>>) {add = true}
        %dma_wait3A_114 = arith.constant 0 : i32
        %dma_wait3A_115 = arith.constant 0 : i32
        %dma_wait3A_116 = tpu.memref_slice %arg21[%dma_wait3A_114, %dma_wait3A_115] : memref<10880x128xf32, #tpu.memory_space<vmem_shared>> -> memref<10880x128xf32, #tpu.memory_space<vmem_shared>>
        tpu.wait_indirect_dma semaphore(%run_scoped3A : memref<!tpu.dma_semaphore, #tpu.memory_space<semaphore_mem>>) src(%arg17 : memref<64x128xf32, #tpu.memory_space<vmem>>) dst(%dma_wait3A_116 : memref<10880x128xf32, #tpu.memory_space<vmem_shared>>)
        tpu.yield
      }) : () -> ()
      "tpu.region"() ({
        %run_scoped3A = tpu.sem_alloc : memref<!tpu.dma_semaphore, #tpu.memory_space<semaphore_mem>>
        %dma_start3A_111 = arith.constant 0 : i32
        %dma_start3A_112 = arith.constant 0 : i32
        %dma_start3A_113 = tpu.memref_slice %arg21[%dma_start3A_111, %dma_start3A_112] : memref<10880x128xf32, #tpu.memory_space<vmem_shared>> -> memref<10880x128xf32, #tpu.memory_space<vmem_shared>>
        tpu.enqueue_indirect_dma source(%arg18 : memref<64x128xf32, #tpu.memory_space<vmem>>) target(%dma_start3A_113 : memref<10880x128xf32, #tpu.memory_space<vmem_shared>>) offsets(%arg13 : memref<64xi32, #tpu.memory_space<vmem>>) semaphore(%run_scoped3A : memref<!tpu.dma_semaphore, #tpu.memory_space<semaphore_mem>>) {add = true}
        %dma_wait3A_114 = arith.constant 0 : i32
        %dma_wait3A_115 = arith.constant 0 : i32
        %dma_wait3A_116 = tpu.memref_slice %arg21[%dma_wait3A_114, %dma_wait3A_115] : memref<10880x128xf32, #tpu.memory_space<vmem_shared>> -> memref<10880x128xf32, #tpu.memory_space<vmem_shared>>
        tpu.wait_indirect_dma semaphore(%run_scoped3A : memref<!tpu.dma_semaphore, #tpu.memory_space<semaphore_mem>>) src(%arg18 : memref<64x128xf32, #tpu.memory_space<vmem>>) dst(%dma_wait3A_116 : memref<10880x128xf32, #tpu.memory_space<vmem_shared>>)
        tpu.yield
      }) : () -> ()
      %scan3A_110 = arith.constant 0 : i32
      scf.yield %scan3A_110 : i32
    }
    %scan3A_39 = arith.constant 162 : i32
    %barrier3A_40 = arith.constant 0 : index
    tpu.barrier barrier_id(%barrier3A_40)
    %mul3A_41 = arith.constant 640 : i32
    %mul3A_42 = arith.muli %arg1, %mul3A_41 : i32
    %mul3A_43 = arith.constant 640 : i32
    %mul3A_44 = arith.muli %arg1, %mul3A_43 : i32
    "tpu.region"() ({
      %run_scoped3A = tpu.sem_alloc : memref<!tpu.dma_semaphore, #tpu.memory_space<semaphore_mem>>
      %dma_start3A = arith.constant 0 : i32
      %dma_start3A_51 = tpu.memref_slice %arg9[%arg0, %mul3A_44, %dma_start3A] : memref<2x10240x128xf32, #tpu.memory_space<hbm>> -> memref<1x640x128xf32, #tpu.memory_space<hbm>>
      %dma_start3A_52 = tpu.memref_squeeze %dma_start3A_51 : memref<1x640x128xf32, #tpu.memory_space<hbm>> -> memref<640x128xf32, #tpu.memory_space<hbm>>
      %dma_start3A_53 = arith.constant 0 : i32
      %dma_start3A_54 = tpu.memref_slice %arg21[%mul3A_42, %dma_start3A_53] : memref<10880x128xf32, #tpu.memory_space<vmem_shared>> -> memref<640x128xf32, #tpu.memory_space<vmem_shared>>
      tpu.enqueue_dma source(%dma_start3A_54 : memref<640x128xf32, #tpu.memory_space<vmem_shared>>) target(%dma_start3A_52 : memref<640x128xf32, #tpu.memory_space<hbm>>) target_semaphore(%run_scoped3A : memref<!tpu.dma_semaphore, #tpu.memory_space<semaphore_mem>>)
      %dma_wait3A = arith.constant 0 : i32
      %dma_wait3A_55 = tpu.memref_slice %arg9[%arg0, %mul3A_44, %dma_wait3A] : memref<2x10240x128xf32, #tpu.memory_space<hbm>> -> memref<1x640x128xf32, #tpu.memory_space<hbm>>
      %dma_wait3A_56 = tpu.memref_squeeze %dma_wait3A_55 : memref<1x640x128xf32, #tpu.memory_space<hbm>> -> memref<640x128xf32, #tpu.memory_space<hbm>>
      %dma_wait3A_57 = arith.constant 0 : i32
      %dma_wait3A_58 = tpu.memref_slice %arg21[%mul3A_42, %dma_wait3A_57] : memref<10880x128xf32, #tpu.memory_space<vmem_shared>> -> memref<640x128xf32, #tpu.memory_space<vmem_shared>>
      tpu.wait_dma2 semaphore(%run_scoped3A : memref<!tpu.dma_semaphore, #tpu.memory_space<semaphore_mem>>) src(%dma_wait3A_58 : memref<640x128xf32, #tpu.memory_space<vmem_shared>>) dst(%dma_wait3A_56 : memref<640x128xf32, #tpu.memory_space<hbm>>)
      tpu.yield
    }) : () -> ()
    %mul3A_45 = arith.constant 40 : i32
    %mul3A_46 = arith.muli %arg1, %mul3A_45 : i32
    %add3A_47 = arith.constant 10240 : i32
    %add3A_48 = arith.addi %add3A_47, %mul3A_46 : i32
    %mul3A_49 = arith.constant 40 : i32
    %mul3A_50 = arith.muli %arg1, %mul3A_49 : i32
    "tpu.region"() ({
      %run_scoped3A = tpu.sem_alloc : memref<!tpu.dma_semaphore, #tpu.memory_space<semaphore_mem>>
      %dma_start3A = arith.constant 0 : i32
      %dma_start3A_51 = tpu.memref_slice %arg10[%arg0, %mul3A_50, %dma_start3A] : memref<2x640x128xf32, #tpu.memory_space<hbm>> -> memref<1x40x128xf32, #tpu.memory_space<hbm>>
      %dma_start3A_52 = tpu.memref_squeeze %dma_start3A_51 : memref<1x40x128xf32, #tpu.memory_space<hbm>> -> memref<40x128xf32, #tpu.memory_space<hbm>>
      %dma_start3A_53 = arith.constant 0 : i32
      %dma_start3A_54 = tpu.memref_slice %arg21[%add3A_48, %dma_start3A_53] : memref<10880x128xf32, #tpu.memory_space<vmem_shared>> -> memref<40x128xf32, #tpu.memory_space<vmem_shared>>
      tpu.enqueue_dma source(%dma_start3A_54 : memref<40x128xf32, #tpu.memory_space<vmem_shared>>) target(%dma_start3A_52 : memref<40x128xf32, #tpu.memory_space<hbm>>) target_semaphore(%run_scoped3A : memref<!tpu.dma_semaphore, #tpu.memory_space<semaphore_mem>>)
      %dma_wait3A = arith.constant 0 : i32
      %dma_wait3A_55 = tpu.memref_slice %arg10[%arg0, %mul3A_50, %dma_wait3A] : memref<2x640x128xf32, #tpu.memory_space<hbm>> -> memref<1x40x128xf32, #tpu.memory_space<hbm>>
      %dma_wait3A_56 = tpu.memref_squeeze %dma_wait3A_55 : memref<1x40x128xf32, #tpu.memory_space<hbm>> -> memref<40x128xf32, #tpu.memory_space<hbm>>
      %dma_wait3A_57 = arith.constant 0 : i32
      %dma_wait3A_58 = tpu.memref_slice %arg21[%add3A_48, %dma_wait3A_57] : memref<10880x128xf32, #tpu.memory_space<vmem_shared>> -> memref<40x128xf32, #tpu.memory_space<vmem_shared>>
      tpu.wait_dma2 semaphore(%run_scoped3A : memref<!tpu.dma_semaphore, #tpu.memory_space<semaphore_mem>>) src(%dma_wait3A_58 : memref<40x128xf32, #tpu.memory_space<vmem_shared>>) dst(%dma_wait3A_56 : memref<40x128xf32, #tpu.memory_space<hbm>>)
      tpu.yield
    }) : () -> ()
    return
  }
}

#map = affine_map<(d0, d1) -> (0, 0)>
#map1 = affine_map<(d0, d1) -> (0, 0, 0)>
module attributes {stable_mosaic.version = 14 : i64} {
  func.func @_sc_edge_pass(%arg0: i32, %arg1: i32, %arg2: memref<10240x128xf32, #tpu.memory_space<hbm>>, %arg3: memref<10240x128xf32, #tpu.memory_space<hbm>>, %arg4: memref<5184x64xi32, #tpu.memory_space<hbm>>, %arg5: memref<5184x64xi32, #tpu.memory_space<hbm>>, %arg6: memref<5184x256xf32, #tpu.memory_space<hbm>>, %arg7: memref<4x128xf32, #tpu.memory_space<hbm>>, %arg8: memref<8x16xf32, #tpu.memory_space<hbm>>, %arg9: memref<2x10240x128xf32, #tpu.memory_space<hbm>>, %arg10: memref<2x640x128xf32, #tpu.memory_space<hbm>>, %arg11: memref<64xi32, #tpu.memory_space<vmem>>, %arg12: memref<64xi32, #tpu.memory_space<vmem>>, %arg13: memref<64xi32, #tpu.memory_space<vmem>>, %arg14: memref<272xf32, #tpu.memory_space<vmem>>, %arg15: memref<64x128xf32, #tpu.memory_space<vmem>>, %arg16: memref<64x128xf32, #tpu.memory_space<vmem>>, %arg17: memref<64x128xf32, #tpu.memory_space<vmem>>, %arg18: memref<64x128xf32, #tpu.memory_space<vmem>>, %arg19: memref<4x128xf32, #tpu.memory_space<vmem>>, %arg20: memref<8x16xf32, #tpu.memory_space<vmem>>, %arg21: memref<10880x128xf32, #tpu.memory_space<vmem_shared>>, %arg22: memref<!tpu.dma_semaphore, #tpu.memory_space<semaphore_mem>>, %arg23: memref<!tpu.dma_semaphore, #tpu.memory_space<semaphore_mem>>) attributes {dimension_semantics = [#tpu.dimension_semantics<core_parallel>, #tpu.dimension_semantics<subcore_parallel>], iteration_bounds = array<i64: 2, 16>, scalar_prefetch = 0 : i64, scratch_operands = 13 : i64, tpu.core_type = #tpu.core_type<sc_vector_subcore>, window_params = [{transform_indices = #map}, {transform_indices = #map}, {transform_indices = #map}, {transform_indices = #map}, {transform_indices = #map}, {transform_indices = #map}, {transform_indices = #map}, {transform_indices = #map1}, {transform_indices = #map1}]} {
    %mul3A = arith.constant 16 : i32
    %mul3A_0 = arith.muli %arg0, %mul3A : i32
    %add3A = arith.addi %mul3A_0, %arg1 : i32
    "tpu.region"() ({
      %run_scoped3A = tpu.sem_alloc : memref<!tpu.dma_semaphore, #tpu.memory_space<semaphore_mem>>
      tpu.enqueue_dma source(%arg7 : memref<4x128xf32, #tpu.memory_space<hbm>>) target(%arg19 : memref<4x128xf32, #tpu.memory_space<vmem>>) target_semaphore(%run_scoped3A : memref<!tpu.dma_semaphore, #tpu.memory_space<semaphore_mem>>)
      tpu.wait_dma2 semaphore(%run_scoped3A : memref<!tpu.dma_semaphore, #tpu.memory_space<semaphore_mem>>) src(%arg7 : memref<4x128xf32, #tpu.memory_space<hbm>>) dst(%arg19 : memref<4x128xf32, #tpu.memory_space<vmem>>)
      tpu.yield
    }) : () -> ()
    "tpu.region"() ({
      %run_scoped3A = tpu.sem_alloc : memref<!tpu.dma_semaphore, #tpu.memory_space<semaphore_mem>>
      tpu.enqueue_dma source(%arg8 : memref<8x16xf32, #tpu.memory_space<hbm>>) target(%arg20 : memref<8x16xf32, #tpu.memory_space<vmem>>) target_semaphore(%run_scoped3A : memref<!tpu.dma_semaphore, #tpu.memory_space<semaphore_mem>>)
      tpu.wait_dma2 semaphore(%run_scoped3A : memref<!tpu.dma_semaphore, #tpu.memory_space<semaphore_mem>>) src(%arg8 : memref<8x16xf32, #tpu.memory_space<hbm>>) dst(%arg20 : memref<8x16xf32, #tpu.memory_space<vmem>>)
      tpu.yield
    }) : () -> ()
    %broadcast_in_dim3A = arith.constant 0.000000e+00 : f32
    %broadcast_in_dim3A_1 = vector.broadcast %broadcast_in_dim3A : f32 to vector<16xf32>
    %scan3A = arith.constant 0 : i32
    %scan3A_2 = arith.constant 0 : i32
    %scan3A_3 = arith.constant 64 : i32
    %scan3A_4 = arith.addi %scan3A_2, %scan3A_3 : i32
    %scan3A_5 = arith.constant 1 : i32
    %scan3A_6 = scf.for %scan3A_51 = %scan3A_2 to %scan3A_4 step %scan3A_5 iter_args(%scan3A_52 = %scan3A) -> (i32)  : i32 {
      %swap3A = arith.index_cast %scan3A_51 : i32 to index
      %swap3A_53 = arith.constant 0 : index
      %swap3A_54 = tpu.vector_load %arg17[%swap3A, %swap3A_53] {strides = array<i32>} : memref<64x128xf32, #tpu.memory_space<vmem>>, vector<16xf32>,
      tpu.vector_store %arg17[%swap3A, %swap3A_53], %broadcast_in_dim3A_1 {strides = array<i32>} : memref<64x128xf32, #tpu.memory_space<vmem>>, vector<16xf32>,
      %swap3A_55 = arith.index_cast %scan3A_51 : i32 to index
      %swap3A_56 = arith.constant 16 : index
      %swap3A_57 = tpu.vector_load %arg17[%swap3A_55, %swap3A_56] {strides = array<i32>} : memref<64x128xf32, #tpu.memory_space<vmem>>, vector<16xf32>,
      tpu.vector_store %arg17[%swap3A_55, %swap3A_56], %broadcast_in_dim3A_1 {strides = array<i32>} : memref<64x128xf32, #tpu.memory_space<vmem>>, vector<16xf32>,
      %swap3A_58 = arith.index_cast %scan3A_51 : i32 to index
      %swap3A_59 = arith.constant 32 : index
      %swap3A_60 = tpu.vector_load %arg17[%swap3A_58, %swap3A_59] {strides = array<i32>} : memref<64x128xf32, #tpu.memory_space<vmem>>, vector<16xf32>,
      tpu.vector_store %arg17[%swap3A_58, %swap3A_59], %broadcast_in_dim3A_1 {strides = array<i32>} : memref<64x128xf32, #tpu.memory_space<vmem>>, vector<16xf32>,
      %swap3A_61 = arith.index_cast %scan3A_51 : i32 to index
      %swap3A_62 = arith.constant 48 : index
      %swap3A_63 = tpu.vector_load %arg17[%swap3A_61, %swap3A_62] {strides = array<i32>} : memref<64x128xf32, #tpu.memory_space<vmem>>, vector<16xf32>,
      tpu.vector_store %arg17[%swap3A_61, %swap3A_62], %broadcast_in_dim3A_1 {strides = array<i32>} : memref<64x128xf32, #tpu.memory_space<vmem>>, vector<16xf32>,
      %swap3A_64 = arith.index_cast %scan3A_51 : i32 to index
      %swap3A_65 = arith.constant 64 : index
      %swap3A_66 = tpu.vector_load %arg17[%swap3A_64, %swap3A_65] {strides = array<i32>} : memref<64x128xf32, #tpu.memory_space<vmem>>, vector<16xf32>,
      tpu.vector_store %arg17[%swap3A_64, %swap3A_65], %broadcast_in_dim3A_1 {strides = array<i32>} : memref<64x128xf32, #tpu.memory_space<vmem>>, vector<16xf32>,
      %swap3A_67 = arith.index_cast %scan3A_51 : i32 to index
      %swap3A_68 = arith.constant 80 : index
      %swap3A_69 = tpu.vector_load %arg17[%swap3A_67, %swap3A_68] {strides = array<i32>} : memref<64x128xf32, #tpu.memory_space<vmem>>, vector<16xf32>,
      tpu.vector_store %arg17[%swap3A_67, %swap3A_68], %broadcast_in_dim3A_1 {strides = array<i32>} : memref<64x128xf32, #tpu.memory_space<vmem>>, vector<16xf32>,
      %swap3A_70 = arith.index_cast %scan3A_51 : i32 to index
      %swap3A_71 = arith.constant 96 : index
      %swap3A_72 = tpu.vector_load %arg17[%swap3A_70, %swap3A_71] {strides = array<i32>} : memref<64x128xf32, #tpu.memory_space<vmem>>, vector<16xf32>,
      tpu.vector_store %arg17[%swap3A_70, %swap3A_71], %broadcast_in_dim3A_1 {strides = array<i32>} : memref<64x128xf32, #tpu.memory_space<vmem>>, vector<16xf32>,
      %swap3A_73 = arith.index_cast %scan3A_51 : i32 to index
      %swap3A_74 = arith.constant 112 : index
      %swap3A_75 = tpu.vector_load %arg17[%swap3A_73, %swap3A_74] {strides = array<i32>} : memref<64x128xf32, #tpu.memory_space<vmem>>, vector<16xf32>,
      tpu.vector_store %arg17[%swap3A_73, %swap3A_74], %broadcast_in_dim3A_1 {strides = array<i32>} : memref<64x128xf32, #tpu.memory_space<vmem>>, vector<16xf32>,
      %scan3A_76 = arith.constant 0 : i32
      scf.yield %scan3A_76 : i32
    }
    %scan3A_7 = arith.constant 64 : i32
    %mul3A_8 = arith.constant 680 : i32
    %mul3A_9 = arith.muli %arg1, %mul3A_8 : i32
    %add3A_10 = arith.constant 0 : i32
    %add3A_11 = arith.addi %mul3A_9, %add3A_10 : i32
    "tpu.region"() ({
      %run_scoped3A = tpu.sem_alloc : memref<!tpu.dma_semaphore, #tpu.memory_space<semaphore_mem>>
      %dma_start3A = arith.constant 0 : i32
      %dma_start3A_51 = tpu.memref_slice %arg21[%add3A_11, %dma_start3A] : memref<10880x128xf32, #tpu.memory_space<vmem_shared>> -> memref<64x128xf32, #tpu.memory_space<vmem_shared>>
      %dma_start3A_52 = arith.constant 0 : i32
      %dma_start3A_53 = tpu.memref_slice %arg21[%add3A_11, %dma_start3A_52] : memref<10880x128xf32, #tpu.memory_space<vmem_shared>> -> memref<64x128xf32, #tpu.memory_space<vmem_shared>>
      tpu.enqueue_dma source(%arg17 : memref<64x128xf32, #tpu.memory_space<vmem>>) target(%dma_start3A_53 : memref<64x128xf32, #tpu.memory_space<vmem_shared>>) target_semaphore(%run_scoped3A : memref<!tpu.dma_semaphore, #tpu.memory_space<semaphore_mem>>)
      %dma_wait3A = arith.constant 0 : i32
      %dma_wait3A_54 = tpu.memref_slice %arg21[%add3A_11, %dma_wait3A] : memref<10880x128xf32, #tpu.memory_space<vmem_shared>> -> memref<64x128xf32, #tpu.memory_space<vmem_shared>>
      %dma_wait3A_55 = arith.constant 0 : i32
      %dma_wait3A_56 = tpu.memref_slice %arg21[%add3A_11, %dma_wait3A_55] : memref<10880x128xf32, #tpu.memory_space<vmem_shared>> -> memref<64x128xf32, #tpu.memory_space<vmem_shared>>
      tpu.wait_dma2 semaphore(%run_scoped3A : memref<!tpu.dma_semaphore, #tpu.memory_space<semaphore_mem>>) src(%arg17 : memref<64x128xf32, #tpu.memory_space<vmem>>) dst(%dma_wait3A_56 : memref<64x128xf32, #tpu.memory_space<vmem_shared>>)
      tpu.yield
    }) : () -> ()
    %add3A_12 = arith.constant 64 : i32
    %add3A_13 = arith.addi %mul3A_9, %add3A_12 : i32
    "tpu.region"() ({
      %run_scoped3A = tpu.sem_alloc : memref<!tpu.dma_semaphore, #tpu.memory_space<semaphore_mem>>
      %dma_start3A = arith.constant 0 : i32
      %dma_start3A_51 = tpu.memref_slice %arg21[%add3A_13, %dma_start3A] : memref<10880x128xf32, #tpu.memory_space<vmem_shared>> -> memref<64x128xf32, #tpu.memory_space<vmem_shared>>
      %dma_start3A_52 = arith.constant 0 : i32
      %dma_start3A_53 = tpu.memref_slice %arg21[%add3A_13, %dma_start3A_52] : memref<10880x128xf32, #tpu.memory_space<vmem_shared>> -> memref<64x128xf32, #tpu.memory_space<vmem_shared>>
      tpu.enqueue_dma source(%arg17 : memref<64x128xf32, #tpu.memory_space<vmem>>) target(%dma_start3A_53 : memref<64x128xf32, #tpu.memory_space<vmem_shared>>) target_semaphore(%run_scoped3A : memref<!tpu.dma_semaphore, #tpu.memory_space<semaphore_mem>>)
      %dma_wait3A = arith.constant 0 : i32
      %dma_wait3A_54 = tpu.memref_slice %arg21[%add3A_13, %dma_wait3A] : memref<10880x128xf32, #tpu.memory_space<vmem_shared>> -> memref<64x128xf32, #tpu.memory_space<vmem_shared>>
      %dma_wait3A_55 = arith.constant 0 : i32
      %dma_wait3A_56 = tpu.memref_slice %arg21[%add3A_13, %dma_wait3A_55] : memref<10880x128xf32, #tpu.memory_space<vmem_shared>> -> memref<64x128xf32, #tpu.memory_space<vmem_shared>>
      tpu.wait_dma2 semaphore(%run_scoped3A : memref<!tpu.dma_semaphore, #tpu.memory_space<semaphore_mem>>) src(%arg17 : memref<64x128xf32, #tpu.memory_space<vmem>>) dst(%dma_wait3A_56 : memref<64x128xf32, #tpu.memory_space<vmem_shared>>)
      tpu.yield
    }) : () -> ()
    %add3A_14 = arith.constant 128 : i32
    %add3A_15 = arith.addi %mul3A_9, %add3A_14 : i32
    "tpu.region"() ({
      %run_scoped3A = tpu.sem_alloc : memref<!tpu.dma_semaphore, #tpu.memory_space<semaphore_mem>>
      %dma_start3A = arith.constant 0 : i32
      %dma_start3A_51 = tpu.memref_slice %arg21[%add3A_15, %dma_start3A] : memref<10880x128xf32, #tpu.memory_space<vmem_shared>> -> memref<64x128xf32, #tpu.memory_space<vmem_shared>>
      %dma_start3A_52 = arith.constant 0 : i32
      %dma_start3A_53 = tpu.memref_slice %arg21[%add3A_15, %dma_start3A_52] : memref<10880x128xf32, #tpu.memory_space<vmem_shared>> -> memref<64x128xf32, #tpu.memory_space<vmem_shared>>
      tpu.enqueue_dma source(%arg17 : memref<64x128xf32, #tpu.memory_space<vmem>>) target(%dma_start3A_53 : memref<64x128xf32, #tpu.memory_space<vmem_shared>>) target_semaphore(%run_scoped3A : memref<!tpu.dma_semaphore, #tpu.memory_space<semaphore_mem>>)
      %dma_wait3A = arith.constant 0 : i32
      %dma_wait3A_54 = tpu.memref_slice %arg21[%add3A_15, %dma_wait3A] : memref<10880x128xf32, #tpu.memory_space<vmem_shared>> -> memref<64x128xf32, #tpu.memory_space<vmem_shared>>
      %dma_wait3A_55 = arith.constant 0 : i32
      %dma_wait3A_56 = tpu.memref_slice %arg21[%add3A_15, %dma_wait3A_55] : memref<10880x128xf32, #tpu.memory_space<vmem_shared>> -> memref<64x128xf32, #tpu.memory_space<vmem_shared>>
      tpu.wait_dma2 semaphore(%run_scoped3A : memref<!tpu.dma_semaphore, #tpu.memory_space<semaphore_mem>>) src(%arg17 : memref<64x128xf32, #tpu.memory_space<vmem>>) dst(%dma_wait3A_56 : memref<64x128xf32, #tpu.memory_space<vmem_shared>>)
      tpu.yield
    }) : () -> ()
    %add3A_16 = arith.constant 192 : i32
    %add3A_17 = arith.addi %mul3A_9, %add3A_16 : i32
    "tpu.region"() ({
      %run_scoped3A = tpu.sem_alloc : memref<!tpu.dma_semaphore, #tpu.memory_space<semaphore_mem>>
      %dma_start3A = arith.constant 0 : i32
      %dma_start3A_51 = tpu.memref_slice %arg21[%add3A_17, %dma_start3A] : memref<10880x128xf32, #tpu.memory_space<vmem_shared>> -> memref<64x128xf32, #tpu.memory_space<vmem_shared>>
      %dma_start3A_52 = arith.constant 0 : i32
      %dma_start3A_53 = tpu.memref_slice %arg21[%add3A_17, %dma_start3A_52] : memref<10880x128xf32, #tpu.memory_space<vmem_shared>> -> memref<64x128xf32, #tpu.memory_space<vmem_shared>>
      tpu.enqueue_dma source(%arg17 : memref<64x128xf32, #tpu.memory_space<vmem>>) target(%dma_start3A_53 : memref<64x128xf32, #tpu.memory_space<vmem_shared>>) target_semaphore(%run_scoped3A : memref<!tpu.dma_semaphore, #tpu.memory_space<semaphore_mem>>)
      %dma_wait3A = arith.constant 0 : i32
      %dma_wait3A_54 = tpu.memref_slice %arg21[%add3A_17, %dma_wait3A] : memref<10880x128xf32, #tpu.memory_space<vmem_shared>> -> memref<64x128xf32, #tpu.memory_space<vmem_shared>>
      %dma_wait3A_55 = arith.constant 0 : i32
      %dma_wait3A_56 = tpu.memref_slice %arg21[%add3A_17, %dma_wait3A_55] : memref<10880x128xf32, #tpu.memory_space<vmem_shared>> -> memref<64x128xf32, #tpu.memory_space<vmem_shared>>
      tpu.wait_dma2 semaphore(%run_scoped3A : memref<!tpu.dma_semaphore, #tpu.memory_space<semaphore_mem>>) src(%arg17 : memref<64x128xf32, #tpu.memory_space<vmem>>) dst(%dma_wait3A_56 : memref<64x128xf32, #tpu.memory_space<vmem_shared>>)
      tpu.yield
    }) : () -> ()
    %add3A_18 = arith.constant 256 : i32
    %add3A_19 = arith.addi %mul3A_9, %add3A_18 : i32
    "tpu.region"() ({
      %run_scoped3A = tpu.sem_alloc : memref<!tpu.dma_semaphore, #tpu.memory_space<semaphore_mem>>
      %dma_start3A = arith.constant 0 : i32
      %dma_start3A_51 = tpu.memref_slice %arg21[%add3A_19, %dma_start3A] : memref<10880x128xf32, #tpu.memory_space<vmem_shared>> -> memref<64x128xf32, #tpu.memory_space<vmem_shared>>
      %dma_start3A_52 = arith.constant 0 : i32
      %dma_start3A_53 = tpu.memref_slice %arg21[%add3A_19, %dma_start3A_52] : memref<10880x128xf32, #tpu.memory_space<vmem_shared>> -> memref<64x128xf32, #tpu.memory_space<vmem_shared>>
      tpu.enqueue_dma source(%arg17 : memref<64x128xf32, #tpu.memory_space<vmem>>) target(%dma_start3A_53 : memref<64x128xf32, #tpu.memory_space<vmem_shared>>) target_semaphore(%run_scoped3A : memref<!tpu.dma_semaphore, #tpu.memory_space<semaphore_mem>>)
      %dma_wait3A = arith.constant 0 : i32
      %dma_wait3A_54 = tpu.memref_slice %arg21[%add3A_19, %dma_wait3A] : memref<10880x128xf32, #tpu.memory_space<vmem_shared>> -> memref<64x128xf32, #tpu.memory_space<vmem_shared>>
      %dma_wait3A_55 = arith.constant 0 : i32
      %dma_wait3A_56 = tpu.memref_slice %arg21[%add3A_19, %dma_wait3A_55] : memref<10880x128xf32, #tpu.memory_space<vmem_shared>> -> memref<64x128xf32, #tpu.memory_space<vmem_shared>>
      tpu.wait_dma2 semaphore(%run_scoped3A : memref<!tpu.dma_semaphore, #tpu.memory_space<semaphore_mem>>) src(%arg17 : memref<64x128xf32, #tpu.memory_space<vmem>>) dst(%dma_wait3A_56 : memref<64x128xf32, #tpu.memory_space<vmem_shared>>)
      tpu.yield
    }) : () -> ()
    %add3A_20 = arith.constant 320 : i32
    %add3A_21 = arith.addi %mul3A_9, %add3A_20 : i32
    "tpu.region"() ({
      %run_scoped3A = tpu.sem_alloc : memref<!tpu.dma_semaphore, #tpu.memory_space<semaphore_mem>>
      %dma_start3A = arith.constant 0 : i32
      %dma_start3A_51 = tpu.memref_slice %arg21[%add3A_21, %dma_start3A] : memref<10880x128xf32, #tpu.memory_space<vmem_shared>> -> memref<64x128xf32, #tpu.memory_space<vmem_shared>>
      %dma_start3A_52 = arith.constant 0 : i32
      %dma_start3A_53 = tpu.memref_slice %arg21[%add3A_21, %dma_start3A_52] : memref<10880x128xf32, #tpu.memory_space<vmem_shared>> -> memref<64x128xf32, #tpu.memory_space<vmem_shared>>
      tpu.enqueue_dma source(%arg17 : memref<64x128xf32, #tpu.memory_space<vmem>>) target(%dma_start3A_53 : memref<64x128xf32, #tpu.memory_space<vmem_shared>>) target_semaphore(%run_scoped3A : memref<!tpu.dma_semaphore, #tpu.memory_space<semaphore_mem>>)
      %dma_wait3A = arith.constant 0 : i32
      %dma_wait3A_54 = tpu.memref_slice %arg21[%add3A_21, %dma_wait3A] : memref<10880x128xf32, #tpu.memory_space<vmem_shared>> -> memref<64x128xf32, #tpu.memory_space<vmem_shared>>
      %dma_wait3A_55 = arith.constant 0 : i32
      %dma_wait3A_56 = tpu.memref_slice %arg21[%add3A_21, %dma_wait3A_55] : memref<10880x128xf32, #tpu.memory_space<vmem_shared>> -> memref<64x128xf32, #tpu.memory_space<vmem_shared>>
      tpu.wait_dma2 semaphore(%run_scoped3A : memref<!tpu.dma_semaphore, #tpu.memory_space<semaphore_mem>>) src(%arg17 : memref<64x128xf32, #tpu.memory_space<vmem>>) dst(%dma_wait3A_56 : memref<64x128xf32, #tpu.memory_space<vmem_shared>>)
      tpu.yield
    }) : () -> ()
    %add3A_22 = arith.constant 384 : i32
    %add3A_23 = arith.addi %mul3A_9, %add3A_22 : i32
    "tpu.region"() ({
      %run_scoped3A = tpu.sem_alloc : memref<!tpu.dma_semaphore, #tpu.memory_space<semaphore_mem>>
      %dma_start3A = arith.constant 0 : i32
      %dma_start3A_51 = tpu.memref_slice %arg21[%add3A_23, %dma_start3A] : memref<10880x128xf32, #tpu.memory_space<vmem_shared>> -> memref<64x128xf32, #tpu.memory_space<vmem_shared>>
      %dma_start3A_52 = arith.constant 0 : i32
      %dma_start3A_53 = tpu.memref_slice %arg21[%add3A_23, %dma_start3A_52] : memref<10880x128xf32, #tpu.memory_space<vmem_shared>> -> memref<64x128xf32, #tpu.memory_space<vmem_shared>>
      tpu.enqueue_dma source(%arg17 : memref<64x128xf32, #tpu.memory_space<vmem>>) target(%dma_start3A_53 : memref<64x128xf32, #tpu.memory_space<vmem_shared>>) target_semaphore(%run_scoped3A : memref<!tpu.dma_semaphore, #tpu.memory_space<semaphore_mem>>)
      %dma_wait3A = arith.constant 0 : i32
      %dma_wait3A_54 = tpu.memref_slice %arg21[%add3A_23, %dma_wait3A] : memref<10880x128xf32, #tpu.memory_space<vmem_shared>> -> memref<64x128xf32, #tpu.memory_space<vmem_shared>>
      %dma_wait3A_55 = arith.constant 0 : i32
      %dma_wait3A_56 = tpu.memref_slice %arg21[%add3A_23, %dma_wait3A_55] : memref<10880x128xf32, #tpu.memory_space<vmem_shared>> -> memref<64x128xf32, #tpu.memory_space<vmem_shared>>
      tpu.wait_dma2 semaphore(%run_scoped3A : memref<!tpu.dma_semaphore, #tpu.memory_space<semaphore_mem>>) src(%arg17 : memref<64x128xf32, #tpu.memory_space<vmem>>) dst(%dma_wait3A_56 : memref<64x128xf32, #tpu.memory_space<vmem_shared>>)
      tpu.yield
    }) : () -> ()
    %add3A_24 = arith.constant 448 : i32
    %add3A_25 = arith.addi %mul3A_9, %add3A_24 : i32
    "tpu.region"() ({
      %run_scoped3A = tpu.sem_alloc : memref<!tpu.dma_semaphore, #tpu.memory_space<semaphore_mem>>
      %dma_start3A = arith.constant 0 : i32
      %dma_start3A_51 = tpu.memref_slice %arg21[%add3A_25, %dma_start3A] : memref<10880x128xf32, #tpu.memory_space<vmem_shared>> -> memref<64x128xf32, #tpu.memory_space<vmem_shared>>
      %dma_start3A_52 = arith.constant 0 : i32
      %dma_start3A_53 = tpu.memref_slice %arg21[%add3A_25, %dma_start3A_52] : memref<10880x128xf32, #tpu.memory_space<vmem_shared>> -> memref<64x128xf32, #tpu.memory_space<vmem_shared>>
      tpu.enqueue_dma source(%arg17 : memref<64x128xf32, #tpu.memory_space<vmem>>) target(%dma_start3A_53 : memref<64x128xf32, #tpu.memory_space<vmem_shared>>) target_semaphore(%run_scoped3A : memref<!tpu.dma_semaphore, #tpu.memory_space<semaphore_mem>>)
      %dma_wait3A = arith.constant 0 : i32
      %dma_wait3A_54 = tpu.memref_slice %arg21[%add3A_25, %dma_wait3A] : memref<10880x128xf32, #tpu.memory_space<vmem_shared>> -> memref<64x128xf32, #tpu.memory_space<vmem_shared>>
      %dma_wait3A_55 = arith.constant 0 : i32
      %dma_wait3A_56 = tpu.memref_slice %arg21[%add3A_25, %dma_wait3A_55] : memref<10880x128xf32, #tpu.memory_space<vmem_shared>> -> memref<64x128xf32, #tpu.memory_space<vmem_shared>>
      tpu.wait_dma2 semaphore(%run_scoped3A : memref<!tpu.dma_semaphore, #tpu.memory_space<semaphore_mem>>) src(%arg17 : memref<64x128xf32, #tpu.memory_space<vmem>>) dst(%dma_wait3A_56 : memref<64x128xf32, #tpu.memory_space<vmem_shared>>)
      tpu.yield
    }) : () -> ()
    %add3A_26 = arith.constant 512 : i32
    %add3A_27 = arith.addi %mul3A_9, %add3A_26 : i32
    "tpu.region"() ({
      %run_scoped3A = tpu.sem_alloc : memref<!tpu.dma_semaphore, #tpu.memory_space<semaphore_mem>>
      %dma_start3A = arith.constant 0 : i32
      %dma_start3A_51 = tpu.memref_slice %arg21[%add3A_27, %dma_start3A] : memref<10880x128xf32, #tpu.memory_space<vmem_shared>> -> memref<64x128xf32, #tpu.memory_space<vmem_shared>>
      %dma_start3A_52 = arith.constant 0 : i32
      %dma_start3A_53 = tpu.memref_slice %arg21[%add3A_27, %dma_start3A_52] : memref<10880x128xf32, #tpu.memory_space<vmem_shared>> -> memref<64x128xf32, #tpu.memory_space<vmem_shared>>
      tpu.enqueue_dma source(%arg17 : memref<64x128xf32, #tpu.memory_space<vmem>>) target(%dma_start3A_53 : memref<64x128xf32, #tpu.memory_space<vmem_shared>>) target_semaphore(%run_scoped3A : memref<!tpu.dma_semaphore, #tpu.memory_space<semaphore_mem>>)
      %dma_wait3A = arith.constant 0 : i32
      %dma_wait3A_54 = tpu.memref_slice %arg21[%add3A_27, %dma_wait3A] : memref<10880x128xf32, #tpu.memory_space<vmem_shared>> -> memref<64x128xf32, #tpu.memory_space<vmem_shared>>
      %dma_wait3A_55 = arith.constant 0 : i32
      %dma_wait3A_56 = tpu.memref_slice %arg21[%add3A_27, %dma_wait3A_55] : memref<10880x128xf32, #tpu.memory_space<vmem_shared>> -> memref<64x128xf32, #tpu.memory_space<vmem_shared>>
      tpu.wait_dma2 semaphore(%run_scoped3A : memref<!tpu.dma_semaphore, #tpu.memory_space<semaphore_mem>>) src(%arg17 : memref<64x128xf32, #tpu.memory_space<vmem>>) dst(%dma_wait3A_56 : memref<64x128xf32, #tpu.memory_space<vmem_shared>>)
      tpu.yield
    }) : () -> ()
    %add3A_28 = arith.constant 576 : i32
    %add3A_29 = arith.addi %mul3A_9, %add3A_28 : i32
    "tpu.region"() ({
      %run_scoped3A = tpu.sem_alloc : memref<!tpu.dma_semaphore, #tpu.memory_space<semaphore_mem>>
      %dma_start3A = arith.constant 0 : i32
      %dma_start3A_51 = tpu.memref_slice %arg21[%add3A_29, %dma_start3A] : memref<10880x128xf32, #tpu.memory_space<vmem_shared>> -> memref<64x128xf32, #tpu.memory_space<vmem_shared>>
      %dma_start3A_52 = arith.constant 0 : i32
      %dma_start3A_53 = tpu.memref_slice %arg21[%add3A_29, %dma_start3A_52] : memref<10880x128xf32, #tpu.memory_space<vmem_shared>> -> memref<64x128xf32, #tpu.memory_space<vmem_shared>>
      tpu.enqueue_dma source(%arg17 : memref<64x128xf32, #tpu.memory_space<vmem>>) target(%dma_start3A_53 : memref<64x128xf32, #tpu.memory_space<vmem_shared>>) target_semaphore(%run_scoped3A : memref<!tpu.dma_semaphore, #tpu.memory_space<semaphore_mem>>)
      %dma_wait3A = arith.constant 0 : i32
      %dma_wait3A_54 = tpu.memref_slice %arg21[%add3A_29, %dma_wait3A] : memref<10880x128xf32, #tpu.memory_space<vmem_shared>> -> memref<64x128xf32, #tpu.memory_space<vmem_shared>>
      %dma_wait3A_55 = arith.constant 0 : i32
      %dma_wait3A_56 = tpu.memref_slice %arg21[%add3A_29, %dma_wait3A_55] : memref<10880x128xf32, #tpu.memory_space<vmem_shared>> -> memref<64x128xf32, #tpu.memory_space<vmem_shared>>
      tpu.wait_dma2 semaphore(%run_scoped3A : memref<!tpu.dma_semaphore, #tpu.memory_space<semaphore_mem>>) src(%arg17 : memref<64x128xf32, #tpu.memory_space<vmem>>) dst(%dma_wait3A_56 : memref<64x128xf32, #tpu.memory_space<vmem_shared>>)
      tpu.yield
    }) : () -> ()
    %add3A_30 = arith.constant 680 : i32
    %add3A_31 = arith.addi %mul3A_9, %add3A_30 : i32
    %sub3A = arith.constant 40 : i32
    %sub3A_32 = arith.subi %add3A_31, %sub3A : i32
    "tpu.region"() ({
      %run_scoped3A = tpu.sem_alloc : memref<!tpu.dma_semaphore, #tpu.memory_space<semaphore_mem>>
      %dma_start3A = arith.constant 0 : i32
      %dma_start3A_51 = arith.constant 0 : i32
      %dma_start3A_52 = tpu.memref_slice %arg17[%dma_start3A, %dma_start3A_51] : memref<64x128xf32, #tpu.memory_space<vmem>> -> memref<40x128xf32, #tpu.memory_space<vmem>>
      %dma_start3A_53 = arith.constant 0 : i32
      %dma_start3A_54 = tpu.memref_slice %arg21[%sub3A_32, %dma_start3A_53] : memref<10880x128xf32, #tpu.memory_space<vmem_shared>> -> memref<40x128xf32, #tpu.memory_space<vmem_shared>>
      %dma_start3A_55 = arith.constant 0 : i32
      %dma_start3A_56 = tpu.memref_slice %arg21[%sub3A_32, %dma_start3A_55] : memref<10880x128xf32, #tpu.memory_space<vmem_shared>> -> memref<40x128xf32, #tpu.memory_space<vmem_shared>>
      %dma_start3A_57 = arith.constant 0 : i32
      %dma_start3A_58 = arith.constant 0 : i32
      %dma_start3A_59 = tpu.memref_slice %arg17[%dma_start3A_57, %dma_start3A_58] : memref<64x128xf32, #tpu.memory_space<vmem>> -> memref<40x128xf32, #tpu.memory_space<vmem>>
      tpu.enqueue_dma source(%dma_start3A_59 : memref<40x128xf32, #tpu.memory_space<vmem>>) target(%dma_start3A_56 : memref<40x128xf32, #tpu.memory_space<vmem_shared>>) target_semaphore(%run_scoped3A : memref<!tpu.dma_semaphore, #tpu.memory_space<semaphore_mem>>)
      %dma_wait3A = arith.constant 0 : i32
      %dma_wait3A_60 = arith.constant 0 : i32
      %dma_wait3A_61 = tpu.memref_slice %arg17[%dma_wait3A, %dma_wait3A_60] : memref<64x128xf32, #tpu.memory_space<vmem>> -> memref<40x128xf32, #tpu.memory_space<vmem>>
      %dma_wait3A_62 = arith.constant 0 : i32
      %dma_wait3A_63 = tpu.memref_slice %arg21[%sub3A_32, %dma_wait3A_62] : memref<10880x128xf32, #tpu.memory_space<vmem_shared>> -> memref<40x128xf32, #tpu.memory_space<vmem_shared>>
      %dma_wait3A_64 = arith.constant 0 : i32
      %dma_wait3A_65 = tpu.memref_slice %arg21[%sub3A_32, %dma_wait3A_64] : memref<10880x128xf32, #tpu.memory_space<vmem_shared>> -> memref<40x128xf32, #tpu.memory_space<vmem_shared>>
      %dma_wait3A_66 = arith.constant 0 : i32
      %dma_wait3A_67 = arith.constant 0 : i32
      %dma_wait3A_68 = tpu.memref_slice %arg17[%dma_wait3A_66, %dma_wait3A_67] : memref<64x128xf32, #tpu.memory_space<vmem>> -> memref<40x128xf32, #tpu.memory_space<vmem>>
      tpu.wait_dma2 semaphore(%run_scoped3A : memref<!tpu.dma_semaphore, #tpu.memory_space<semaphore_mem>>) src(%dma_wait3A_68 : memref<40x128xf32, #tpu.memory_space<vmem>>) dst(%dma_wait3A_65 : memref<40x128xf32, #tpu.memory_space<vmem_shared>>)
      tpu.yield
    }) : () -> ()
    %barrier3A = arith.constant 0 : index
    tpu.barrier barrier_id(%barrier3A)
    %iota3A = tpu.iota {dimensions = array<i32: 0>} : vector<16xi32>
    %scan3A_33 = arith.constant 0 : i32
    %scan3A_34 = arith.constant 0 : i32
    %scan3A_35 = arith.constant 162 : i32
    %scan3A_36 = arith.addi %scan3A_34, %scan3A_35 : i32
    %scan3A_37 = arith.constant 1 : i32
    %scan3A_38 = scf.for %scan3A_51 = %scan3A_34 to %scan3A_36 step %scan3A_37 iter_args(%scan3A_52 = %scan3A_33) -> (i32)  : i32 {
      %mul3A_53 = arith.constant 162 : i32
      %mul3A_54 = arith.muli %add3A, %mul3A_53 : i32
      %add3A_55 = arith.addi %mul3A_54, %scan3A_51 : i32
      "tpu.region"() ({
        %run_scoped3A = tpu.sem_alloc : memref<!tpu.dma_semaphore, #tpu.memory_space<semaphore_mem>>
        %dma_start3A_111 = arith.constant 0 : i32
        %dma_start3A_112 = tpu.memref_slice %arg4[%add3A_55, %dma_start3A_111] : memref<5184x64xi32, #tpu.memory_space<hbm>> -> memref<1x64xi32, #tpu.memory_space<hbm>>
        %dma_start3A_113 = tpu.memref_squeeze %dma_start3A_112 : memref<1x64xi32, #tpu.memory_space<hbm>> -> memref<64xi32, #tpu.memory_space<hbm>>
        %dma_start3A_114 = arith.constant 0 : i32
        %dma_start3A_115 = tpu.memref_slice %arg4[%add3A_55, %dma_start3A_114] : memref<5184x64xi32, #tpu.memory_space<hbm>> -> memref<1x64xi32, #tpu.memory_space<hbm>>
        %dma_start3A_116 = tpu.memref_squeeze %dma_start3A_115 : memref<1x64xi32, #tpu.memory_space<hbm>> -> memref<64xi32, #tpu.memory_space<hbm>>
        tpu.enqueue_dma source(%dma_start3A_116 : memref<64xi32, #tpu.memory_space<hbm>>) target(%arg11 : memref<64xi32, #tpu.memory_space<vmem>>) target_semaphore(%run_scoped3A : memref<!tpu.dma_semaphore, #tpu.memory_space<semaphore_mem>>)
        %dma_wait3A_117 = arith.constant 0 : i32
        %dma_wait3A_118 = tpu.memref_slice %arg4[%add3A_55, %dma_wait3A_117] : memref<5184x64xi32, #tpu.memory_space<hbm>> -> memref<1x64xi32, #tpu.memory_space<hbm>>
        %dma_wait3A_119 = tpu.memref_squeeze %dma_wait3A_118 : memref<1x64xi32, #tpu.memory_space<hbm>> -> memref<64xi32, #tpu.memory_space<hbm>>
        %dma_wait3A_120 = arith.constant 0 : i32
        %dma_wait3A_121 = tpu.memref_slice %arg4[%add3A_55, %dma_wait3A_120] : memref<5184x64xi32, #tpu.memory_space<hbm>> -> memref<1x64xi32, #tpu.memory_space<hbm>>
        %dma_wait3A_122 = tpu.memref_squeeze %dma_wait3A_121 : memref<1x64xi32, #tpu.memory_space<hbm>> -> memref<64xi32, #tpu.memory_space<hbm>>
        tpu.wait_dma2 semaphore(%run_scoped3A : memref<!tpu.dma_semaphore, #tpu.memory_space<semaphore_mem>>) src(%dma_wait3A_122 : memref<64xi32, #tpu.memory_space<hbm>>) dst(%arg11 : memref<64xi32, #tpu.memory_space<vmem>>)
        tpu.yield
      }) : () -> ()
      "tpu.region"() ({
        %run_scoped3A = tpu.sem_alloc : memref<!tpu.dma_semaphore, #tpu.memory_space<semaphore_mem>>
        %dma_start3A_111 = arith.constant 0 : i32
        %dma_start3A_112 = tpu.memref_slice %arg5[%add3A_55, %dma_start3A_111] : memref<5184x64xi32, #tpu.memory_space<hbm>> -> memref<1x64xi32, #tpu.memory_space<hbm>>
        %dma_start3A_113 = tpu.memref_squeeze %dma_start3A_112 : memref<1x64xi32, #tpu.memory_space<hbm>> -> memref<64xi32, #tpu.memory_space<hbm>>
        %dma_start3A_114 = arith.constant 0 : i32
        %dma_start3A_115 = tpu.memref_slice %arg5[%add3A_55, %dma_start3A_114] : memref<5184x64xi32, #tpu.memory_space<hbm>> -> memref<1x64xi32, #tpu.memory_space<hbm>>
        %dma_start3A_116 = tpu.memref_squeeze %dma_start3A_115 : memref<1x64xi32, #tpu.memory_space<hbm>> -> memref<64xi32, #tpu.memory_space<hbm>>
        tpu.enqueue_dma source(%dma_start3A_116 : memref<64xi32, #tpu.memory_space<hbm>>) target(%arg12 : memref<64xi32, #tpu.memory_space<vmem>>) target_semaphore(%run_scoped3A : memref<!tpu.dma_semaphore, #tpu.memory_space<semaphore_mem>>)
        %dma_wait3A_117 = arith.constant 0 : i32
        %dma_wait3A_118 = tpu.memref_slice %arg5[%add3A_55, %dma_wait3A_117] : memref<5184x64xi32, #tpu.memory_space<hbm>> -> memref<1x64xi32, #tpu.memory_space<hbm>>
        %dma_wait3A_119 = tpu.memref_squeeze %dma_wait3A_118 : memref<1x64xi32, #tpu.memory_space<hbm>> -> memref<64xi32, #tpu.memory_space<hbm>>
        %dma_wait3A_120 = arith.constant 0 : i32
        %dma_wait3A_121 = tpu.memref_slice %arg5[%add3A_55, %dma_wait3A_120] : memref<5184x64xi32, #tpu.memory_space<hbm>> -> memref<1x64xi32, #tpu.memory_space<hbm>>
        %dma_wait3A_122 = tpu.memref_squeeze %dma_wait3A_121 : memref<1x64xi32, #tpu.memory_space<hbm>> -> memref<64xi32, #tpu.memory_space<hbm>>
        tpu.wait_dma2 semaphore(%run_scoped3A : memref<!tpu.dma_semaphore, #tpu.memory_space<semaphore_mem>>) src(%dma_wait3A_122 : memref<64xi32, #tpu.memory_space<hbm>>) dst(%arg12 : memref<64xi32, #tpu.memory_space<vmem>>)
        tpu.yield
      }) : () -> ()
      "tpu.region"() ({
        %run_scoped3A = tpu.sem_alloc : memref<!tpu.dma_semaphore, #tpu.memory_space<semaphore_mem>>
        %dma_start3A_111 = arith.constant 0 : i32
        %dma_start3A_112 = tpu.memref_slice %arg14[%dma_start3A_111] : memref<272xf32, #tpu.memory_space<vmem>> -> memref<256xf32, #tpu.memory_space<vmem>>
        %dma_start3A_113 = arith.constant 0 : i32
        %dma_start3A_114 = tpu.memref_slice %arg6[%add3A_55, %dma_start3A_113] : memref<5184x256xf32, #tpu.memory_space<hbm>> -> memref<1x256xf32, #tpu.memory_space<hbm>>
        %dma_start3A_115 = tpu.memref_squeeze %dma_start3A_114 : memref<1x256xf32, #tpu.memory_space<hbm>> -> memref<256xf32, #tpu.memory_space<hbm>>
        %dma_start3A_116 = arith.constant 0 : i32
        %dma_start3A_117 = tpu.memref_slice %arg14[%dma_start3A_116] : memref<272xf32, #tpu.memory_space<vmem>> -> memref<256xf32, #tpu.memory_space<vmem>>
        %dma_start3A_118 = arith.constant 0 : i32
        %dma_start3A_119 = tpu.memref_slice %arg6[%add3A_55, %dma_start3A_118] : memref<5184x256xf32, #tpu.memory_space<hbm>> -> memref<1x256xf32, #tpu.memory_space<hbm>>
        %dma_start3A_120 = tpu.memref_squeeze %dma_start3A_119 : memref<1x256xf32, #tpu.memory_space<hbm>> -> memref<256xf32, #tpu.memory_space<hbm>>
        tpu.enqueue_dma source(%dma_start3A_120 : memref<256xf32, #tpu.memory_space<hbm>>) target(%dma_start3A_117 : memref<256xf32, #tpu.memory_space<vmem>>) target_semaphore(%run_scoped3A : memref<!tpu.dma_semaphore, #tpu.memory_space<semaphore_mem>>)
        %dma_wait3A_121 = arith.constant 0 : i32
        %dma_wait3A_122 = tpu.memref_slice %arg14[%dma_wait3A_121] : memref<272xf32, #tpu.memory_space<vmem>> -> memref<256xf32, #tpu.memory_space<vmem>>
        %dma_wait3A_123 = arith.constant 0 : i32
        %dma_wait3A_124 = tpu.memref_slice %arg6[%add3A_55, %dma_wait3A_123] : memref<5184x256xf32, #tpu.memory_space<hbm>> -> memref<1x256xf32, #tpu.memory_space<hbm>>
        %dma_wait3A_125 = tpu.memref_squeeze %dma_wait3A_124 : memref<1x256xf32, #tpu.memory_space<hbm>> -> memref<256xf32, #tpu.memory_space<hbm>>
        %dma_wait3A_126 = arith.constant 0 : i32
        %dma_wait3A_127 = tpu.memref_slice %arg14[%dma_wait3A_126] : memref<272xf32, #tpu.memory_space<vmem>> -> memref<256xf32, #tpu.memory_space<vmem>>
        %dma_wait3A_128 = arith.constant 0 : i32
        %dma_wait3A_129 = tpu.memref_slice %arg6[%add3A_55, %dma_wait3A_128] : memref<5184x256xf32, #tpu.memory_space<hbm>> -> memref<1x256xf32, #tpu.memory_space<hbm>>
        %dma_wait3A_130 = tpu.memref_squeeze %dma_wait3A_129 : memref<1x256xf32, #tpu.memory_space<hbm>> -> memref<256xf32, #tpu.memory_space<hbm>>
        tpu.wait_dma2 semaphore(%run_scoped3A : memref<!tpu.dma_semaphore, #tpu.memory_space<semaphore_mem>>) src(%dma_wait3A_130 : memref<256xf32, #tpu.memory_space<hbm>>) dst(%dma_wait3A_127 : memref<256xf32, #tpu.memory_space<vmem>>)
        tpu.yield
      }) : () -> ()
      %dma_start3A = arith.constant 0 : i32
      %dma_start3A_56 = arith.constant 0 : i32
      %dma_start3A_57 = tpu.memref_slice %arg2[%dma_start3A, %dma_start3A_56] : memref<10240x128xf32, #tpu.memory_space<hbm>> -> memref<10240x128xf32, #tpu.memory_space<hbm>>
      tpu.enqueue_indirect_dma source(%dma_start3A_57 : memref<10240x128xf32, #tpu.memory_space<hbm>>) target(%arg15 : memref<64x128xf32, #tpu.memory_space<vmem>>) offsets(%arg11 : memref<64xi32, #tpu.memory_space<vmem>>) semaphore(%arg22 : memref<!tpu.dma_semaphore, #tpu.memory_space<semaphore_mem>>)
      %dma_start3A_58 = arith.constant 0 : i32
      %dma_start3A_59 = arith.constant 0 : i32
      %dma_start3A_60 = tpu.memref_slice %arg3[%dma_start3A_58, %dma_start3A_59] : memref<10240x128xf32, #tpu.memory_space<hbm>> -> memref<10240x128xf32, #tpu.memory_space<hbm>>
      tpu.enqueue_indirect_dma source(%dma_start3A_60 : memref<10240x128xf32, #tpu.memory_space<hbm>>) target(%arg16 : memref<64x128xf32, #tpu.memory_space<vmem>>) offsets(%arg12 : memref<64xi32, #tpu.memory_space<vmem>>) semaphore(%arg23 : memref<!tpu.dma_semaphore, #tpu.memory_space<semaphore_mem>>)
      %dma_wait3A = arith.constant 0 : i32
      %dma_wait3A_61 = arith.constant 0 : i32
      %dma_wait3A_62 = tpu.memref_slice %arg2[%dma_wait3A, %dma_wait3A_61] : memref<10240x128xf32, #tpu.memory_space<hbm>> -> memref<10240x128xf32, #tpu.memory_space<hbm>>
      tpu.wait_indirect_dma semaphore(%arg22 : memref<!tpu.dma_semaphore, #tpu.memory_space<semaphore_mem>>) src(%dma_wait3A_62 : memref<10240x128xf32, #tpu.memory_space<hbm>>) dst(%arg15 : memref<64x128xf32, #tpu.memory_space<vmem>>)
      %dma_wait3A_63 = arith.constant 0 : i32
      %dma_wait3A_64 = arith.constant 0 : i32
      %dma_wait3A_65 = tpu.memref_slice %arg3[%dma_wait3A_63, %dma_wait3A_64] : memref<10240x128xf32, #tpu.memory_space<hbm>> -> memref<10240x128xf32, #tpu.memory_space<hbm>>
      tpu.wait_indirect_dma semaphore(%arg23 : memref<!tpu.dma_semaphore, #tpu.memory_space<semaphore_mem>>) src(%dma_wait3A_65 : memref<10240x128xf32, #tpu.memory_space<hbm>>) dst(%arg16 : memref<64x128xf32, #tpu.memory_space<vmem>>)
      %get3A = arith.constant 0 : index
      %get3A_66 = tpu.vector_load %arg12[%get3A] {strides = array<i32>} : memref<64xi32, #tpu.memory_space<vmem>>, vector<16xi32>,
      %shift_right_arithmetic3A = arith.constant 4 : i32
      %shift_right_arithmetic3A_67 = vector.broadcast %shift_right_arithmetic3A : i32 to vector<16xi32>
      %shift_right_arithmetic3A_68 = arith.shrsi %get3A_66, %shift_right_arithmetic3A_67 : vector<16xi32>
      %add3A_69 = arith.constant 10240 : i32
      %add3A_70 = vector.broadcast %add3A_69 : i32 to vector<16xi32>
      %add3A_71 = arith.addi %add3A_70, %shift_right_arithmetic3A_68 : vector<16xi32>
      %swap3A = arith.constant 0 : index
      %swap3A_72 = tpu.vector_load %arg13[%swap3A] {strides = array<i32>} : memref<64xi32, #tpu.memory_space<vmem>>, vector<16xi32>,
      tpu.vector_store %arg13[%swap3A], %add3A_71 {strides = array<i32>} : memref<64xi32, #tpu.memory_space<vmem>>, vector<16xi32>,
      %get3A_73 = arith.constant 16 : index
      %get3A_74 = tpu.vector_load %arg12[%get3A_73] {strides = array<i32>} : memref<64xi32, #tpu.memory_space<vmem>>, vector<16xi32>,
      %shift_right_arithmetic3A_75 = arith.constant 4 : i32
      %shift_right_arithmetic3A_76 = vector.broadcast %shift_right_arithmetic3A_75 : i32 to vector<16xi32>
      %shift_right_arithmetic3A_77 = arith.shrsi %get3A_74, %shift_right_arithmetic3A_76 : vector<16xi32>
      %add3A_78 = arith.constant 10240 : i32
      %add3A_79 = vector.broadcast %add3A_78 : i32 to vector<16xi32>
      %add3A_80 = arith.addi %add3A_79, %shift_right_arithmetic3A_77 : vector<16xi32>
      %swap3A_81 = arith.constant 16 : index
      %swap3A_82 = tpu.vector_load %arg13[%swap3A_81] {strides = array<i32>} : memref<64xi32, #tpu.memory_space<vmem>>, vector<16xi32>,
      tpu.vector_store %arg13[%swap3A_81], %add3A_80 {strides = array<i32>} : memref<64xi32, #tpu.memory_space<vmem>>, vector<16xi32>,
      %get3A_83 = arith.constant 32 : index
      %get3A_84 = tpu.vector_load %arg12[%get3A_83] {strides = array<i32>} : memref<64xi32, #tpu.memory_space<vmem>>, vector<16xi32>,
      %shift_right_arithmetic3A_85 = arith.constant 4 : i32
      %shift_right_arithmetic3A_86 = vector.broadcast %shift_right_arithmetic3A_85 : i32 to vector<16xi32>
      %shift_right_arithmetic3A_87 = arith.shrsi %get3A_84, %shift_right_arithmetic3A_86 : vector<16xi32>
      %add3A_88 = arith.constant 10240 : i32
      %add3A_89 = vector.broadcast %add3A_88 : i32 to vector<16xi32>
      %add3A_90 = arith.addi %add3A_89, %shift_right_arithmetic3A_87 : vector<16xi32>
      %swap3A_91 = arith.constant 32 : index
      %swap3A_92 = tpu.vector_load %arg13[%swap3A_91] {strides = array<i32>} : memref<64xi32, #tpu.memory_space<vmem>>, vector<16xi32>,
      tpu.vector_store %arg13[%swap3A_91], %add3A_90 {strides = array<i32>} : memref<64xi32, #tpu.memory_space<vmem>>, vector<16xi32>,
      %get3A_93 = arith.constant 48 : index
      %get3A_94 = tpu.vector_load %arg12[%get3A_93] {strides = array<i32>} : memref<64xi32, #tpu.memory_space<vmem>>, vector<16xi32>,
      %shift_right_arithmetic3A_95 = arith.constant 4 : i32
      %shift_right_arithmetic3A_96 = vector.broadcast %shift_right_arithmetic3A_95 : i32 to vector<16xi32>
      %shift_right_arithmetic3A_97 = arith.shrsi %get3A_94, %shift_right_arithmetic3A_96 : vector<16xi32>
      %add3A_98 = arith.constant 10240 : i32
      %add3A_99 = vector.broadcast %add3A_98 : i32 to vector<16xi32>
      %add3A_100 = arith.addi %add3A_99, %shift_right_arithmetic3A_97 : vector<16xi32>
      %swap3A_101 = arith.constant 48 : index
      %swap3A_102 = tpu.vector_load %arg13[%swap3A_101] {strides = array<i32>} : memref<64xi32, #tpu.memory_space<vmem>>, vector<16xi32>,
      tpu.vector_store %arg13[%swap3A_101], %add3A_100 {strides = array<i32>} : memref<64xi32, #tpu.memory_space<vmem>>, vector<16xi32>,
      %scan3A_103 = arith.constant 0 : i32
      %scan3A_104 = arith.constant 0 : i32
      %scan3A_105 = arith.constant 64 : i32
      %scan3A_106 = arith.addi %scan3A_104, %scan3A_105 : i32
      %scan3A_107 = arith.constant 1 : i32
      %scan3A_108 = scf.for %scan3A_111 = %scan3A_104 to %scan3A_106 step %scan3A_107 iter_args(%scan3A_112 = %scan3A_103) -> (i32)  : i32 {
        %mul3A_113 = arith.constant 4 : i32
        %mul3A_114 = arith.muli %mul3A_113, %scan3A_111 : i32
        %get3A_115 = arith.index_cast %mul3A_114 : i32 to index
        %get3A_116 = tpu.vector_load %arg14[%get3A_115] {strides = array<i32>} : memref<272xf32, #tpu.memory_space<vmem>>, vector<16xf32>,
        %slice3A = vector.extract_strided_slice %get3A_116 {offsets = [0], sizes = [1], strides = [1]} : vector<16xf32> to vector<1xf32>
        %squeeze3A = vector.extract %slice3A[0] : f32 from vector<1xf32>
        %slice3A_117 = vector.extract_strided_slice %get3A_116 {offsets = [1], sizes = [1], strides = [1]} : vector<16xf32> to vector<1xf32>
        %squeeze3A_118 = vector.extract %slice3A_117[0] : f32 from vector<1xf32>
        %slice3A_119 = vector.extract_strided_slice %get3A_116 {offsets = [2], sizes = [1], strides = [1]} : vector<16xf32> to vector<1xf32>
        %squeeze3A_120 = vector.extract %slice3A_119[0] : f32 from vector<1xf32>
        %slice3A_121 = vector.extract_strided_slice %get3A_116 {offsets = [3], sizes = [1], strides = [1]} : vector<16xf32> to vector<1xf32>
        %squeeze3A_122 = vector.extract %slice3A_121[0] : f32 from vector<1xf32>
        %broadcast_in_dim3A_123 = arith.constant 0.000000e+00 : f32
        %broadcast_in_dim3A_124 = vector.broadcast %broadcast_in_dim3A_123 : f32 to vector<16xf32>
        %get3A_125 = arith.constant 0 : i32
        %get3A_126 = arith.index_cast %get3A_125 : i32 to index
        %get3A_127 = arith.constant 0 : index
        %get3A_128 = tpu.vector_load %arg19[%get3A_126, %get3A_127] {strides = array<i32>} : memref<4x128xf32, #tpu.memory_space<vmem>>, vector<16xf32>,
        %mul3A_129 = vector.broadcast %squeeze3A : f32 to vector<16xf32>
        %mul3A_130 = arith.mulf %mul3A_129, %get3A_128 : vector<16xf32>
        %get3A_131 = arith.constant 1 : i32
        %get3A_132 = arith.index_cast %get3A_131 : i32 to index
        %get3A_133 = arith.constant 0 : index
        %get3A_134 = tpu.vector_load %arg19[%get3A_132, %get3A_133] {strides = array<i32>} : memref<4x128xf32, #tpu.memory_space<vmem>>, vector<16xf32>,
        %mul3A_135 = vector.broadcast %squeeze3A_118 : f32 to vector<16xf32>
        %mul3A_136 = arith.mulf %mul3A_135, %get3A_134 : vector<16xf32>
        %add3A_137 = arith.addf %mul3A_130, %mul3A_136 : vector<16xf32>
        %get3A_138 = arith.constant 2 : i32
        %get3A_139 = arith.index_cast %get3A_138 : i32 to index
        %get3A_140 = arith.constant 0 : index
        %get3A_141 = tpu.vector_load %arg19[%get3A_139, %get3A_140] {strides = array<i32>} : memref<4x128xf32, #tpu.memory_space<vmem>>, vector<16xf32>,
        %mul3A_142 = vector.broadcast %squeeze3A_120 : f32 to vector<16xf32>
        %mul3A_143 = arith.mulf %mul3A_142, %get3A_141 : vector<16xf32>
        %add3A_144 = arith.addf %add3A_137, %mul3A_143 : vector<16xf32>
        %get3A_145 = arith.constant 3 : i32
        %get3A_146 = arith.index_cast %get3A_145 : i32 to index
        %get3A_147 = arith.constant 0 : index
        %get3A_148 = tpu.vector_load %arg19[%get3A_146, %get3A_147] {strides = array<i32>} : memref<4x128xf32, #tpu.memory_space<vmem>>, vector<16xf32>,
        %mul3A_149 = vector.broadcast %squeeze3A_122 : f32 to vector<16xf32>
        %mul3A_150 = arith.mulf %mul3A_149, %get3A_148 : vector<16xf32>
        %add3A_151 = arith.addf %add3A_144, %mul3A_150 : vector<16xf32>
        %get3A_152 = arith.index_cast %scan3A_111 : i32 to index
        %get3A_153 = arith.constant 0 : index
        %get3A_154 = tpu.vector_load %arg15[%get3A_152, %get3A_153] {strides = array<i32>} : memref<64x128xf32, #tpu.memory_space<vmem>>, vector<16xf32>,
        %get3A_155 = arith.index_cast %scan3A_111 : i32 to index
        %get3A_156 = arith.constant 0 : index
        %get3A_157 = tpu.vector_load %arg16[%get3A_155, %get3A_156] {strides = array<i32>} : memref<64x128xf32, #tpu.memory_space<vmem>>, vector<16xf32>,
        %add3A_158 = arith.addf %get3A_154, %get3A_157 : vector<16xf32>
        %add3A_159 = arith.addf %add3A_158, %add3A_151 : vector<16xf32>
        %mul3A_160 = arith.constant 2.000000e-01 : f32
        %mul3A_161 = vector.broadcast %mul3A_160 : f32 to vector<16xf32>
        %mul3A_162 = arith.mulf %mul3A_161, %add3A_159 : vector<16xf32>
        %max3A = arith.maximumf %add3A_159, %mul3A_162 : vector<16xf32>
        %get3A_163 = arith.constant 0 : i32
        %get3A_164 = arith.index_cast %get3A_163 : i32 to index
        %get3A_165 = arith.constant 0 : index
        %get3A_166 = tpu.vector_load %arg20[%get3A_164, %get3A_165] {strides = array<i32>} : memref<8x16xf32, #tpu.memory_space<vmem>>, vector<16xf32>,
        %mul3A_167 = arith.mulf %max3A, %get3A_166 : vector<16xf32>
        %xor3A = arith.constant 8 : i32
        %xor3A_168 = vector.broadcast %xor3A : i32 to vector<16xi32>
        %xor3A_169 = arith.xori %iota3A, %xor3A_168 : vector<16xi32>
        %broadcast_in_dim3A_170 = vector.shape_cast %xor3A_169 : vector<16xi32> to vector<16x1xi32>
        %gather3A = vector.shape_cast %broadcast_in_dim3A_170 : vector<16x1xi32> to vector<16xi32>
        %gather3A_171 = tpu.dynamic_gather %mul3A_167[%gather3A] in [0] : vector<16xf32>, vector<16xi32> -> vector<16xf32>
        %add3A_172 = arith.addf %mul3A_167, %gather3A_171 : vector<16xf32>
        %xor3A_173 = arith.constant 4 : i32
        %xor3A_174 = vector.broadcast %xor3A_173 : i32 to vector<16xi32>
        %xor3A_175 = arith.xori %iota3A, %xor3A_174 : vector<16xi32>
        %broadcast_in_dim3A_176 = vector.shape_cast %xor3A_175 : vector<16xi32> to vector<16x1xi32>
        %gather3A_177 = vector.shape_cast %broadcast_in_dim3A_176 : vector<16x1xi32> to vector<16xi32>
        %gather3A_178 = tpu.dynamic_gather %add3A_172[%gather3A_177] in [0] : vector<16xf32>, vector<16xi32> -> vector<16xf32>
        %add3A_179 = arith.addf %add3A_172, %gather3A_178 : vector<16xf32>
        %xor3A_180 = arith.constant 2 : i32
        %xor3A_181 = vector.broadcast %xor3A_180 : i32 to vector<16xi32>
        %xor3A_182 = arith.xori %iota3A, %xor3A_181 : vector<16xi32>
        %broadcast_in_dim3A_183 = vector.shape_cast %xor3A_182 : vector<16xi32> to vector<16x1xi32>
        %gather3A_184 = vector.shape_cast %broadcast_in_dim3A_183 : vector<16x1xi32> to vector<16xi32>
        %gather3A_185 = tpu.dynamic_gather %add3A_179[%gather3A_184] in [0] : vector<16xf32>, vector<16xi32> -> vector<16xf32>
        %add3A_186 = arith.addf %add3A_179, %gather3A_185 : vector<16xf32>
        %xor3A_187 = arith.constant 1 : i32
        %xor3A_188 = vector.broadcast %xor3A_187 : i32 to vector<16xi32>
        %xor3A_189 = arith.xori %iota3A, %xor3A_188 : vector<16xi32>
        %broadcast_in_dim3A_190 = vector.shape_cast %xor3A_189 : vector<16xi32> to vector<16x1xi32>
        %gather3A_191 = vector.shape_cast %broadcast_in_dim3A_190 : vector<16x1xi32> to vector<16xi32>
        %gather3A_192 = tpu.dynamic_gather %add3A_186[%gather3A_191] in [0] : vector<16xf32>, vector<16xi32> -> vector<16xf32>
        %add3A_193 = arith.addf %add3A_186, %gather3A_192 : vector<16xf32>
        %exp3A = math.exp %add3A_193 : vector<16xf32>
        %mul3A_194 = arith.mulf %get3A_154, %exp3A : vector<16xf32>
        %swap3A_195 = arith.index_cast %scan3A_111 : i32 to index
        %swap3A_196 = arith.constant 0 : index
        %swap3A_197 = tpu.vector_load %arg17[%swap3A_195, %swap3A_196] {strides = array<i32>} : memref<64x128xf32, #tpu.memory_space<vmem>>, vector<16xf32>,
        tpu.vector_store %arg17[%swap3A_195, %swap3A_196], %mul3A_194 {strides = array<i32>} : memref<64x128xf32, #tpu.memory_space<vmem>>, vector<16xf32>,
        %eq3A = arith.constant 0 : i32
        %eq3A_198 = vector.broadcast %eq3A : i32 to vector<16xi32>
        %eq3A_199 = arith.cmpi eq, %iota3A, %eq3A_198 : vector<16xi32>
        %select_n3A = arith.select %eq3A_199, %exp3A, %broadcast_in_dim3A_124 : vector<16xi1>, vector<16xf32>
        %get3A_200 = arith.constant 0 : i32
        %get3A_201 = arith.index_cast %get3A_200 : i32 to index
        %get3A_202 = arith.constant 16 : index
        %get3A_203 = tpu.vector_load %arg19[%get3A_201, %get3A_202] {strides = array<i32>} : memref<4x128xf32, #tpu.memory_space<vmem>>, vector<16xf32>,
        %mul3A_204 = vector.broadcast %squeeze3A : f32 to vector<16xf32>
        %mul3A_205 = arith.mulf %mul3A_204, %get3A_203 : vector<16xf32>
        %get3A_206 = arith.constant 1 : i32
        %get3A_207 = arith.index_cast %get3A_206 : i32 to index
        %get3A_208 = arith.constant 16 : index
        %get3A_209 = tpu.vector_load %arg19[%get3A_207, %get3A_208] {strides = array<i32>} : memref<4x128xf32, #tpu.memory_space<vmem>>, vector<16xf32>,
        %mul3A_210 = vector.broadcast %squeeze3A_118 : f32 to vector<16xf32>
        %mul3A_211 = arith.mulf %mul3A_210, %get3A_209 : vector<16xf32>
        %add3A_212 = arith.addf %mul3A_205, %mul3A_211 : vector<16xf32>
        %get3A_213 = arith.constant 2 : i32
        %get3A_214 = arith.index_cast %get3A_213 : i32 to index
        %get3A_215 = arith.constant 16 : index
        %get3A_216 = tpu.vector_load %arg19[%get3A_214, %get3A_215] {strides = array<i32>} : memref<4x128xf32, #tpu.memory_space<vmem>>, vector<16xf32>,
        %mul3A_217 = vector.broadcast %squeeze3A_120 : f32 to vector<16xf32>
        %mul3A_218 = arith.mulf %mul3A_217, %get3A_216 : vector<16xf32>
        %add3A_219 = arith.addf %add3A_212, %mul3A_218 : vector<16xf32>
        %get3A_220 = arith.constant 3 : i32
        %get3A_221 = arith.index_cast %get3A_220 : i32 to index
        %get3A_222 = arith.constant 16 : index
        %get3A_223 = tpu.vector_load %arg19[%get3A_221, %get3A_222] {strides = array<i32>} : memref<4x128xf32, #tpu.memory_space<vmem>>, vector<16xf32>,
        %mul3A_224 = vector.broadcast %squeeze3A_122 : f32 to vector<16xf32>
        %mul3A_225 = arith.mulf %mul3A_224, %get3A_223 : vector<16xf32>
        %add3A_226 = arith.addf %add3A_219, %mul3A_225 : vector<16xf32>
        %get3A_227 = arith.index_cast %scan3A_111 : i32 to index
        %get3A_228 = arith.constant 16 : index
        %get3A_229 = tpu.vector_load %arg15[%get3A_227, %get3A_228] {strides = array<i32>} : memref<64x128xf32, #tpu.memory_space<vmem>>, vector<16xf32>,
        %get3A_230 = arith.index_cast %scan3A_111 : i32 to index
        %get3A_231 = arith.constant 16 : index
        %get3A_232 = tpu.vector_load %arg16[%get3A_230, %get3A_231] {strides = array<i32>} : memref<64x128xf32, #tpu.memory_space<vmem>>, vector<16xf32>,
        %add3A_233 = arith.addf %get3A_229, %get3A_232 : vector<16xf32>
        %add3A_234 = arith.addf %add3A_233, %add3A_226 : vector<16xf32>
        %mul3A_235 = arith.constant 2.000000e-01 : f32
        %mul3A_236 = vector.broadcast %mul3A_235 : f32 to vector<16xf32>
        %mul3A_237 = arith.mulf %mul3A_236, %add3A_234 : vector<16xf32>
        %max3A_238 = arith.maximumf %add3A_234, %mul3A_237 : vector<16xf32>
        %get3A_239 = arith.constant 1 : i32
        %get3A_240 = arith.index_cast %get3A_239 : i32 to index
        %get3A_241 = arith.constant 0 : index
        %get3A_242 = tpu.vector_load %arg20[%get3A_240, %get3A_241] {strides = array<i32>} : memref<8x16xf32, #tpu.memory_space<vmem>>, vector<16xf32>,
        %mul3A_243 = arith.mulf %max3A_238, %get3A_242 : vector<16xf32>
        %xor3A_244 = arith.constant 8 : i32
        %xor3A_245 = vector.broadcast %xor3A_244 : i32 to vector<16xi32>
        %xor3A_246 = arith.xori %iota3A, %xor3A_245 : vector<16xi32>
        %broadcast_in_dim3A_247 = vector.shape_cast %xor3A_246 : vector<16xi32> to vector<16x1xi32>
        %gather3A_248 = vector.shape_cast %broadcast_in_dim3A_247 : vector<16x1xi32> to vector<16xi32>
        %gather3A_249 = tpu.dynamic_gather %mul3A_243[%gather3A_248] in [0] : vector<16xf32>, vector<16xi32> -> vector<16xf32>
        %add3A_250 = arith.addf %mul3A_243, %gather3A_249 : vector<16xf32>
        %xor3A_251 = arith.constant 4 : i32
        %xor3A_252 = vector.broadcast %xor3A_251 : i32 to vector<16xi32>
        %xor3A_253 = arith.xori %iota3A, %xor3A_252 : vector<16xi32>
        %broadcast_in_dim3A_254 = vector.shape_cast %xor3A_253 : vector<16xi32> to vector<16x1xi32>
        %gather3A_255 = vector.shape_cast %broadcast_in_dim3A_254 : vector<16x1xi32> to vector<16xi32>
        %gather3A_256 = tpu.dynamic_gather %add3A_250[%gather3A_255] in [0] : vector<16xf32>, vector<16xi32> -> vector<16xf32>
        %add3A_257 = arith.addf %add3A_250, %gather3A_256 : vector<16xf32>
        %xor3A_258 = arith.constant 2 : i32
        %xor3A_259 = vector.broadcast %xor3A_258 : i32 to vector<16xi32>
        %xor3A_260 = arith.xori %iota3A, %xor3A_259 : vector<16xi32>
        %broadcast_in_dim3A_261 = vector.shape_cast %xor3A_260 : vector<16xi32> to vector<16x1xi32>
        %gather3A_262 = vector.shape_cast %broadcast_in_dim3A_261 : vector<16x1xi32> to vector<16xi32>
        %gather3A_263 = tpu.dynamic_gather %add3A_257[%gather3A_262] in [0] : vector<16xf32>, vector<16xi32> -> vector<16xf32>
        %add3A_264 = arith.addf %add3A_257, %gather3A_263 : vector<16xf32>
        %xor3A_265 = arith.constant 1 : i32
        %xor3A_266 = vector.broadcast %xor3A_265 : i32 to vector<16xi32>
        %xor3A_267 = arith.xori %iota3A, %xor3A_266 : vector<16xi32>
        %broadcast_in_dim3A_268 = vector.shape_cast %xor3A_267 : vector<16xi32> to vector<16x1xi32>
        %gather3A_269 = vector.shape_cast %broadcast_in_dim3A_268 : vector<16x1xi32> to vector<16xi32>
        %gather3A_270 = tpu.dynamic_gather %add3A_264[%gather3A_269] in [0] : vector<16xf32>, vector<16xi32> -> vector<16xf32>
        %add3A_271 = arith.addf %add3A_264, %gather3A_270 : vector<16xf32>
        %exp3A_272 = math.exp %add3A_271 : vector<16xf32>
        %mul3A_273 = arith.mulf %get3A_229, %exp3A_272 : vector<16xf32>
        %swap3A_274 = arith.index_cast %scan3A_111 : i32 to index
        %swap3A_275 = arith.constant 16 : index
        %swap3A_276 = tpu.vector_load %arg17[%swap3A_274, %swap3A_275] {strides = array<i32>} : memref<64x128xf32, #tpu.memory_space<vmem>>, vector<16xf32>,
        tpu.vector_store %arg17[%swap3A_274, %swap3A_275], %mul3A_273 {strides = array<i32>} : memref<64x128xf32, #tpu.memory_space<vmem>>, vector<16xf32>,
        %eq3A_277 = arith.constant 1 : i32
        %eq3A_278 = vector.broadcast %eq3A_277 : i32 to vector<16xi32>
        %eq3A_279 = arith.cmpi eq, %iota3A, %eq3A_278 : vector<16xi32>
        %select_n3A_280 = arith.select %eq3A_279, %exp3A_272, %select_n3A : vector<16xi1>, vector<16xf32>
        %get3A_281 = arith.constant 0 : i32
        %get3A_282 = arith.index_cast %get3A_281 : i32 to index
        %get3A_283 = arith.constant 32 : index
        %get3A_284 = tpu.vector_load %arg19[%get3A_282, %get3A_283] {strides = array<i32>} : memref<4x128xf32, #tpu.memory_space<vmem>>, vector<16xf32>,
        %mul3A_285 = vector.broadcast %squeeze3A : f32 to vector<16xf32>
        %mul3A_286 = arith.mulf %mul3A_285, %get3A_284 : vector<16xf32>
        %get3A_287 = arith.constant 1 : i32
        %get3A_288 = arith.index_cast %get3A_287 : i32 to index
        %get3A_289 = arith.constant 32 : index
        %get3A_290 = tpu.vector_load %arg19[%get3A_288, %get3A_289] {strides = array<i32>} : memref<4x128xf32, #tpu.memory_space<vmem>>, vector<16xf32>,
        %mul3A_291 = vector.broadcast %squeeze3A_118 : f32 to vector<16xf32>
        %mul3A_292 = arith.mulf %mul3A_291, %get3A_290 : vector<16xf32>
        %add3A_293 = arith.addf %mul3A_286, %mul3A_292 : vector<16xf32>
        %get3A_294 = arith.constant 2 : i32
        %get3A_295 = arith.index_cast %get3A_294 : i32 to index
        %get3A_296 = arith.constant 32 : index
        %get3A_297 = tpu.vector_load %arg19[%get3A_295, %get3A_296] {strides = array<i32>} : memref<4x128xf32, #tpu.memory_space<vmem>>, vector<16xf32>,
        %mul3A_298 = vector.broadcast %squeeze3A_120 : f32 to vector<16xf32>
        %mul3A_299 = arith.mulf %mul3A_298, %get3A_297 : vector<16xf32>
        %add3A_300 = arith.addf %add3A_293, %mul3A_299 : vector<16xf32>
        %get3A_301 = arith.constant 3 : i32
        %get3A_302 = arith.index_cast %get3A_301 : i32 to index
        %get3A_303 = arith.constant 32 : index
        %get3A_304 = tpu.vector_load %arg19[%get3A_302, %get3A_303] {strides = array<i32>} : memref<4x128xf32, #tpu.memory_space<vmem>>, vector<16xf32>,
        %mul3A_305 = vector.broadcast %squeeze3A_122 : f32 to vector<16xf32>
        %mul3A_306 = arith.mulf %mul3A_305, %get3A_304 : vector<16xf32>
        %add3A_307 = arith.addf %add3A_300, %mul3A_306 : vector<16xf32>
        %get3A_308 = arith.index_cast %scan3A_111 : i32 to index
        %get3A_309 = arith.constant 32 : index
        %get3A_310 = tpu.vector_load %arg15[%get3A_308, %get3A_309] {strides = array<i32>} : memref<64x128xf32, #tpu.memory_space<vmem>>, vector<16xf32>,
        %get3A_311 = arith.index_cast %scan3A_111 : i32 to index
        %get3A_312 = arith.constant 32 : index
        %get3A_313 = tpu.vector_load %arg16[%get3A_311, %get3A_312] {strides = array<i32>} : memref<64x128xf32, #tpu.memory_space<vmem>>, vector<16xf32>,
        %add3A_314 = arith.addf %get3A_310, %get3A_313 : vector<16xf32>
        %add3A_315 = arith.addf %add3A_314, %add3A_307 : vector<16xf32>
        %mul3A_316 = arith.constant 2.000000e-01 : f32
        %mul3A_317 = vector.broadcast %mul3A_316 : f32 to vector<16xf32>
        %mul3A_318 = arith.mulf %mul3A_317, %add3A_315 : vector<16xf32>
        %max3A_319 = arith.maximumf %add3A_315, %mul3A_318 : vector<16xf32>
        %get3A_320 = arith.constant 2 : i32
        %get3A_321 = arith.index_cast %get3A_320 : i32 to index
        %get3A_322 = arith.constant 0 : index
        %get3A_323 = tpu.vector_load %arg20[%get3A_321, %get3A_322] {strides = array<i32>} : memref<8x16xf32, #tpu.memory_space<vmem>>, vector<16xf32>,
        %mul3A_324 = arith.mulf %max3A_319, %get3A_323 : vector<16xf32>
        %xor3A_325 = arith.constant 8 : i32
        %xor3A_326 = vector.broadcast %xor3A_325 : i32 to vector<16xi32>
        %xor3A_327 = arith.xori %iota3A, %xor3A_326 : vector<16xi32>
        %broadcast_in_dim3A_328 = vector.shape_cast %xor3A_327 : vector<16xi32> to vector<16x1xi32>
        %gather3A_329 = vector.shape_cast %broadcast_in_dim3A_328 : vector<16x1xi32> to vector<16xi32>
        %gather3A_330 = tpu.dynamic_gather %mul3A_324[%gather3A_329] in [0] : vector<16xf32>, vector<16xi32> -> vector<16xf32>
        %add3A_331 = arith.addf %mul3A_324, %gather3A_330 : vector<16xf32>
        %xor3A_332 = arith.constant 4 : i32
        %xor3A_333 = vector.broadcast %xor3A_332 : i32 to vector<16xi32>
        %xor3A_334 = arith.xori %iota3A, %xor3A_333 : vector<16xi32>
        %broadcast_in_dim3A_335 = vector.shape_cast %xor3A_334 : vector<16xi32> to vector<16x1xi32>
        %gather3A_336 = vector.shape_cast %broadcast_in_dim3A_335 : vector<16x1xi32> to vector<16xi32>
        %gather3A_337 = tpu.dynamic_gather %add3A_331[%gather3A_336] in [0] : vector<16xf32>, vector<16xi32> -> vector<16xf32>
        %add3A_338 = arith.addf %add3A_331, %gather3A_337 : vector<16xf32>
        %xor3A_339 = arith.constant 2 : i32
        %xor3A_340 = vector.broadcast %xor3A_339 : i32 to vector<16xi32>
        %xor3A_341 = arith.xori %iota3A, %xor3A_340 : vector<16xi32>
        %broadcast_in_dim3A_342 = vector.shape_cast %xor3A_341 : vector<16xi32> to vector<16x1xi32>
        %gather3A_343 = vector.shape_cast %broadcast_in_dim3A_342 : vector<16x1xi32> to vector<16xi32>
        %gather3A_344 = tpu.dynamic_gather %add3A_338[%gather3A_343] in [0] : vector<16xf32>, vector<16xi32> -> vector<16xf32>
        %add3A_345 = arith.addf %add3A_338, %gather3A_344 : vector<16xf32>
        %xor3A_346 = arith.constant 1 : i32
        %xor3A_347 = vector.broadcast %xor3A_346 : i32 to vector<16xi32>
        %xor3A_348 = arith.xori %iota3A, %xor3A_347 : vector<16xi32>
        %broadcast_in_dim3A_349 = vector.shape_cast %xor3A_348 : vector<16xi32> to vector<16x1xi32>
        %gather3A_350 = vector.shape_cast %broadcast_in_dim3A_349 : vector<16x1xi32> to vector<16xi32>
        %gather3A_351 = tpu.dynamic_gather %add3A_345[%gather3A_350] in [0] : vector<16xf32>, vector<16xi32> -> vector<16xf32>
        %add3A_352 = arith.addf %add3A_345, %gather3A_351 : vector<16xf32>
        %exp3A_353 = math.exp %add3A_352 : vector<16xf32>
        %mul3A_354 = arith.mulf %get3A_310, %exp3A_353 : vector<16xf32>
        %swap3A_355 = arith.index_cast %scan3A_111 : i32 to index
        %swap3A_356 = arith.constant 32 : index
        %swap3A_357 = tpu.vector_load %arg17[%swap3A_355, %swap3A_356] {strides = array<i32>} : memref<64x128xf32, #tpu.memory_space<vmem>>, vector<16xf32>,
        tpu.vector_store %arg17[%swap3A_355, %swap3A_356], %mul3A_354 {strides = array<i32>} : memref<64x128xf32, #tpu.memory_space<vmem>>, vector<16xf32>,
        %eq3A_358 = arith.constant 2 : i32
        %eq3A_359 = vector.broadcast %eq3A_358 : i32 to vector<16xi32>
        %eq3A_360 = arith.cmpi eq, %iota3A, %eq3A_359 : vector<16xi32>
        %select_n3A_361 = arith.select %eq3A_360, %exp3A_353, %select_n3A_280 : vector<16xi1>, vector<16xf32>
        %get3A_362 = arith.constant 0 : i32
        %get3A_363 = arith.index_cast %get3A_362 : i32 to index
        %get3A_364 = arith.constant 48 : index
        %get3A_365 = tpu.vector_load %arg19[%get3A_363, %get3A_364] {strides = array<i32>} : memref<4x128xf32, #tpu.memory_space<vmem>>, vector<16xf32>,
        %mul3A_366 = vector.broadcast %squeeze3A : f32 to vector<16xf32>
        %mul3A_367 = arith.mulf %mul3A_366, %get3A_365 : vector<16xf32>
        %get3A_368 = arith.constant 1 : i32
        %get3A_369 = arith.index_cast %get3A_368 : i32 to index
        %get3A_370 = arith.constant 48 : index
        %get3A_371 = tpu.vector_load %arg19[%get3A_369, %get3A_370] {strides = array<i32>} : memref<4x128xf32, #tpu.memory_space<vmem>>, vector<16xf32>,
        %mul3A_372 = vector.broadcast %squeeze3A_118 : f32 to vector<16xf32>
        %mul3A_373 = arith.mulf %mul3A_372, %get3A_371 : vector<16xf32>
        %add3A_374 = arith.addf %mul3A_367, %mul3A_373 : vector<16xf32>
        %get3A_375 = arith.constant 2 : i32
        %get3A_376 = arith.index_cast %get3A_375 : i32 to index
        %get3A_377 = arith.constant 48 : index
        %get3A_378 = tpu.vector_load %arg19[%get3A_376, %get3A_377] {strides = array<i32>} : memref<4x128xf32, #tpu.memory_space<vmem>>, vector<16xf32>,
        %mul3A_379 = vector.broadcast %squeeze3A_120 : f32 to vector<16xf32>
        %mul3A_380 = arith.mulf %mul3A_379, %get3A_378 : vector<16xf32>
        %add3A_381 = arith.addf %add3A_374, %mul3A_380 : vector<16xf32>
        %get3A_382 = arith.constant 3 : i32
        %get3A_383 = arith.index_cast %get3A_382 : i32 to index
        %get3A_384 = arith.constant 48 : index
        %get3A_385 = tpu.vector_load %arg19[%get3A_383, %get3A_384] {strides = array<i32>} : memref<4x128xf32, #tpu.memory_space<vmem>>, vector<16xf32>,
        %mul3A_386 = vector.broadcast %squeeze3A_122 : f32 to vector<16xf32>
        %mul3A_387 = arith.mulf %mul3A_386, %get3A_385 : vector<16xf32>
        %add3A_388 = arith.addf %add3A_381, %mul3A_387 : vector<16xf32>
        %get3A_389 = arith.index_cast %scan3A_111 : i32 to index
        %get3A_390 = arith.constant 48 : index
        %get3A_391 = tpu.vector_load %arg15[%get3A_389, %get3A_390] {strides = array<i32>} : memref<64x128xf32, #tpu.memory_space<vmem>>, vector<16xf32>,
        %get3A_392 = arith.index_cast %scan3A_111 : i32 to index
        %get3A_393 = arith.constant 48 : index
        %get3A_394 = tpu.vector_load %arg16[%get3A_392, %get3A_393] {strides = array<i32>} : memref<64x128xf32, #tpu.memory_space<vmem>>, vector<16xf32>,
        %add3A_395 = arith.addf %get3A_391, %get3A_394 : vector<16xf32>
        %add3A_396 = arith.addf %add3A_395, %add3A_388 : vector<16xf32>
        %mul3A_397 = arith.constant 2.000000e-01 : f32
        %mul3A_398 = vector.broadcast %mul3A_397 : f32 to vector<16xf32>
        %mul3A_399 = arith.mulf %mul3A_398, %add3A_396 : vector<16xf32>
        %max3A_400 = arith.maximumf %add3A_396, %mul3A_399 : vector<16xf32>
        %get3A_401 = arith.constant 3 : i32
        %get3A_402 = arith.index_cast %get3A_401 : i32 to index
        %get3A_403 = arith.constant 0 : index
        %get3A_404 = tpu.vector_load %arg20[%get3A_402, %get3A_403] {strides = array<i32>} : memref<8x16xf32, #tpu.memory_space<vmem>>, vector<16xf32>,
        %mul3A_405 = arith.mulf %max3A_400, %get3A_404 : vector<16xf32>
        %xor3A_406 = arith.constant 8 : i32
        %xor3A_407 = vector.broadcast %xor3A_406 : i32 to vector<16xi32>
        %xor3A_408 = arith.xori %iota3A, %xor3A_407 : vector<16xi32>
        %broadcast_in_dim3A_409 = vector.shape_cast %xor3A_408 : vector<16xi32> to vector<16x1xi32>
        %gather3A_410 = vector.shape_cast %broadcast_in_dim3A_409 : vector<16x1xi32> to vector<16xi32>
        %gather3A_411 = tpu.dynamic_gather %mul3A_405[%gather3A_410] in [0] : vector<16xf32>, vector<16xi32> -> vector<16xf32>
        %add3A_412 = arith.addf %mul3A_405, %gather3A_411 : vector<16xf32>
        %xor3A_413 = arith.constant 4 : i32
        %xor3A_414 = vector.broadcast %xor3A_413 : i32 to vector<16xi32>
        %xor3A_415 = arith.xori %iota3A, %xor3A_414 : vector<16xi32>
        %broadcast_in_dim3A_416 = vector.shape_cast %xor3A_415 : vector<16xi32> to vector<16x1xi32>
        %gather3A_417 = vector.shape_cast %broadcast_in_dim3A_416 : vector<16x1xi32> to vector<16xi32>
        %gather3A_418 = tpu.dynamic_gather %add3A_412[%gather3A_417] in [0] : vector<16xf32>, vector<16xi32> -> vector<16xf32>
        %add3A_419 = arith.addf %add3A_412, %gather3A_418 : vector<16xf32>
        %xor3A_420 = arith.constant 2 : i32
        %xor3A_421 = vector.broadcast %xor3A_420 : i32 to vector<16xi32>
        %xor3A_422 = arith.xori %iota3A, %xor3A_421 : vector<16xi32>
        %broadcast_in_dim3A_423 = vector.shape_cast %xor3A_422 : vector<16xi32> to vector<16x1xi32>
        %gather3A_424 = vector.shape_cast %broadcast_in_dim3A_423 : vector<16x1xi32> to vector<16xi32>
        %gather3A_425 = tpu.dynamic_gather %add3A_419[%gather3A_424] in [0] : vector<16xf32>, vector<16xi32> -> vector<16xf32>
        %add3A_426 = arith.addf %add3A_419, %gather3A_425 : vector<16xf32>
        %xor3A_427 = arith.constant 1 : i32
        %xor3A_428 = vector.broadcast %xor3A_427 : i32 to vector<16xi32>
        %xor3A_429 = arith.xori %iota3A, %xor3A_428 : vector<16xi32>
        %broadcast_in_dim3A_430 = vector.shape_cast %xor3A_429 : vector<16xi32> to vector<16x1xi32>
        %gather3A_431 = vector.shape_cast %broadcast_in_dim3A_430 : vector<16x1xi32> to vector<16xi32>
        %gather3A_432 = tpu.dynamic_gather %add3A_426[%gather3A_431] in [0] : vector<16xf32>, vector<16xi32> -> vector<16xf32>
        %add3A_433 = arith.addf %add3A_426, %gather3A_432 : vector<16xf32>
        %exp3A_434 = math.exp %add3A_433 : vector<16xf32>
        %mul3A_435 = arith.mulf %get3A_391, %exp3A_434 : vector<16xf32>
        %swap3A_436 = arith.index_cast %scan3A_111 : i32 to index
        %swap3A_437 = arith.constant 48 : index
        %swap3A_438 = tpu.vector_load %arg17[%swap3A_436, %swap3A_437] {strides = array<i32>} : memref<64x128xf32, #tpu.memory_space<vmem>>, vector<16xf32>,
        tpu.vector_store %arg17[%swap3A_436, %swap3A_437], %mul3A_435 {strides = array<i32>} : memref<64x128xf32, #tpu.memory_space<vmem>>, vector<16xf32>,
        %eq3A_439 = arith.constant 3 : i32
        %eq3A_440 = vector.broadcast %eq3A_439 : i32 to vector<16xi32>
        %eq3A_441 = arith.cmpi eq, %iota3A, %eq3A_440 : vector<16xi32>
        %select_n3A_442 = arith.select %eq3A_441, %exp3A_434, %select_n3A_361 : vector<16xi1>, vector<16xf32>
        %get3A_443 = arith.constant 0 : i32
        %get3A_444 = arith.index_cast %get3A_443 : i32 to index
        %get3A_445 = arith.constant 64 : index
        %get3A_446 = tpu.vector_load %arg19[%get3A_444, %get3A_445] {strides = array<i32>} : memref<4x128xf32, #tpu.memory_space<vmem>>, vector<16xf32>,
        %mul3A_447 = vector.broadcast %squeeze3A : f32 to vector<16xf32>
        %mul3A_448 = arith.mulf %mul3A_447, %get3A_446 : vector<16xf32>
        %get3A_449 = arith.constant 1 : i32
        %get3A_450 = arith.index_cast %get3A_449 : i32 to index
        %get3A_451 = arith.constant 64 : index
        %get3A_452 = tpu.vector_load %arg19[%get3A_450, %get3A_451] {strides = array<i32>} : memref<4x128xf32, #tpu.memory_space<vmem>>, vector<16xf32>,
        %mul3A_453 = vector.broadcast %squeeze3A_118 : f32 to vector<16xf32>
        %mul3A_454 = arith.mulf %mul3A_453, %get3A_452 : vector<16xf32>
        %add3A_455 = arith.addf %mul3A_448, %mul3A_454 : vector<16xf32>
        %get3A_456 = arith.constant 2 : i32
        %get3A_457 = arith.index_cast %get3A_456 : i32 to index
        %get3A_458 = arith.constant 64 : index
        %get3A_459 = tpu.vector_load %arg19[%get3A_457, %get3A_458] {strides = array<i32>} : memref<4x128xf32, #tpu.memory_space<vmem>>, vector<16xf32>,
        %mul3A_460 = vector.broadcast %squeeze3A_120 : f32 to vector<16xf32>
        %mul3A_461 = arith.mulf %mul3A_460, %get3A_459 : vector<16xf32>
        %add3A_462 = arith.addf %add3A_455, %mul3A_461 : vector<16xf32>
        %get3A_463 = arith.constant 3 : i32
        %get3A_464 = arith.index_cast %get3A_463 : i32 to index
        %get3A_465 = arith.constant 64 : index
        %get3A_466 = tpu.vector_load %arg19[%get3A_464, %get3A_465] {strides = array<i32>} : memref<4x128xf32, #tpu.memory_space<vmem>>, vector<16xf32>,
        %mul3A_467 = vector.broadcast %squeeze3A_122 : f32 to vector<16xf32>
        %mul3A_468 = arith.mulf %mul3A_467, %get3A_466 : vector<16xf32>
        %add3A_469 = arith.addf %add3A_462, %mul3A_468 : vector<16xf32>
        %get3A_470 = arith.index_cast %scan3A_111 : i32 to index
        %get3A_471 = arith.constant 64 : index
        %get3A_472 = tpu.vector_load %arg15[%get3A_470, %get3A_471] {strides = array<i32>} : memref<64x128xf32, #tpu.memory_space<vmem>>, vector<16xf32>,
        %get3A_473 = arith.index_cast %scan3A_111 : i32 to index
        %get3A_474 = arith.constant 64 : index
        %get3A_475 = tpu.vector_load %arg16[%get3A_473, %get3A_474] {strides = array<i32>} : memref<64x128xf32, #tpu.memory_space<vmem>>, vector<16xf32>,
        %add3A_476 = arith.addf %get3A_472, %get3A_475 : vector<16xf32>
        %add3A_477 = arith.addf %add3A_476, %add3A_469 : vector<16xf32>
        %mul3A_478 = arith.constant 2.000000e-01 : f32
        %mul3A_479 = vector.broadcast %mul3A_478 : f32 to vector<16xf32>
        %mul3A_480 = arith.mulf %mul3A_479, %add3A_477 : vector<16xf32>
        %max3A_481 = arith.maximumf %add3A_477, %mul3A_480 : vector<16xf32>
        %get3A_482 = arith.constant 4 : i32
        %get3A_483 = arith.index_cast %get3A_482 : i32 to index
        %get3A_484 = arith.constant 0 : index
        %get3A_485 = tpu.vector_load %arg20[%get3A_483, %get3A_484] {strides = array<i32>} : memref<8x16xf32, #tpu.memory_space<vmem>>, vector<16xf32>,
        %mul3A_486 = arith.mulf %max3A_481, %get3A_485 : vector<16xf32>
        %xor3A_487 = arith.constant 8 : i32
        %xor3A_488 = vector.broadcast %xor3A_487 : i32 to vector<16xi32>
        %xor3A_489 = arith.xori %iota3A, %xor3A_488 : vector<16xi32>
        %broadcast_in_dim3A_490 = vector.shape_cast %xor3A_489 : vector<16xi32> to vector<16x1xi32>
        %gather3A_491 = vector.shape_cast %broadcast_in_dim3A_490 : vector<16x1xi32> to vector<16xi32>
        %gather3A_492 = tpu.dynamic_gather %mul3A_486[%gather3A_491] in [0] : vector<16xf32>, vector<16xi32> -> vector<16xf32>
        %add3A_493 = arith.addf %mul3A_486, %gather3A_492 : vector<16xf32>
        %xor3A_494 = arith.constant 4 : i32
        %xor3A_495 = vector.broadcast %xor3A_494 : i32 to vector<16xi32>
        %xor3A_496 = arith.xori %iota3A, %xor3A_495 : vector<16xi32>
        %broadcast_in_dim3A_497 = vector.shape_cast %xor3A_496 : vector<16xi32> to vector<16x1xi32>
        %gather3A_498 = vector.shape_cast %broadcast_in_dim3A_497 : vector<16x1xi32> to vector<16xi32>
        %gather3A_499 = tpu.dynamic_gather %add3A_493[%gather3A_498] in [0] : vector<16xf32>, vector<16xi32> -> vector<16xf32>
        %add3A_500 = arith.addf %add3A_493, %gather3A_499 : vector<16xf32>
        %xor3A_501 = arith.constant 2 : i32
        %xor3A_502 = vector.broadcast %xor3A_501 : i32 to vector<16xi32>
        %xor3A_503 = arith.xori %iota3A, %xor3A_502 : vector<16xi32>
        %broadcast_in_dim3A_504 = vector.shape_cast %xor3A_503 : vector<16xi32> to vector<16x1xi32>
        %gather3A_505 = vector.shape_cast %broadcast_in_dim3A_504 : vector<16x1xi32> to vector<16xi32>
        %gather3A_506 = tpu.dynamic_gather %add3A_500[%gather3A_505] in [0] : vector<16xf32>, vector<16xi32> -> vector<16xf32>
        %add3A_507 = arith.addf %add3A_500, %gather3A_506 : vector<16xf32>
        %xor3A_508 = arith.constant 1 : i32
        %xor3A_509 = vector.broadcast %xor3A_508 : i32 to vector<16xi32>
        %xor3A_510 = arith.xori %iota3A, %xor3A_509 : vector<16xi32>
        %broadcast_in_dim3A_511 = vector.shape_cast %xor3A_510 : vector<16xi32> to vector<16x1xi32>
        %gather3A_512 = vector.shape_cast %broadcast_in_dim3A_511 : vector<16x1xi32> to vector<16xi32>
        %gather3A_513 = tpu.dynamic_gather %add3A_507[%gather3A_512] in [0] : vector<16xf32>, vector<16xi32> -> vector<16xf32>
        %add3A_514 = arith.addf %add3A_507, %gather3A_513 : vector<16xf32>
        %exp3A_515 = math.exp %add3A_514 : vector<16xf32>
        %mul3A_516 = arith.mulf %get3A_472, %exp3A_515 : vector<16xf32>
        %swap3A_517 = arith.index_cast %scan3A_111 : i32 to index
        %swap3A_518 = arith.constant 64 : index
        %swap3A_519 = tpu.vector_load %arg17[%swap3A_517, %swap3A_518] {strides = array<i32>} : memref<64x128xf32, #tpu.memory_space<vmem>>, vector<16xf32>,
        tpu.vector_store %arg17[%swap3A_517, %swap3A_518], %mul3A_516 {strides = array<i32>} : memref<64x128xf32, #tpu.memory_space<vmem>>, vector<16xf32>,
        %eq3A_520 = arith.constant 4 : i32
        %eq3A_521 = vector.broadcast %eq3A_520 : i32 to vector<16xi32>
        %eq3A_522 = arith.cmpi eq, %iota3A, %eq3A_521 : vector<16xi32>
        %select_n3A_523 = arith.select %eq3A_522, %exp3A_515, %select_n3A_442 : vector<16xi1>, vector<16xf32>
        %get3A_524 = arith.constant 0 : i32
        %get3A_525 = arith.index_cast %get3A_524 : i32 to index
        %get3A_526 = arith.constant 80 : index
        %get3A_527 = tpu.vector_load %arg19[%get3A_525, %get3A_526] {strides = array<i32>} : memref<4x128xf32, #tpu.memory_space<vmem>>, vector<16xf32>,
        %mul3A_528 = vector.broadcast %squeeze3A : f32 to vector<16xf32>
        %mul3A_529 = arith.mulf %mul3A_528, %get3A_527 : vector<16xf32>
        %get3A_530 = arith.constant 1 : i32
        %get3A_531 = arith.index_cast %get3A_530 : i32 to index
        %get3A_532 = arith.constant 80 : index
        %get3A_533 = tpu.vector_load %arg19[%get3A_531, %get3A_532] {strides = array<i32>} : memref<4x128xf32, #tpu.memory_space<vmem>>, vector<16xf32>,
        %mul3A_534 = vector.broadcast %squeeze3A_118 : f32 to vector<16xf32>
        %mul3A_535 = arith.mulf %mul3A_534, %get3A_533 : vector<16xf32>
        %add3A_536 = arith.addf %mul3A_529, %mul3A_535 : vector<16xf32>
        %get3A_537 = arith.constant 2 : i32
        %get3A_538 = arith.index_cast %get3A_537 : i32 to index
        %get3A_539 = arith.constant 80 : index
        %get3A_540 = tpu.vector_load %arg19[%get3A_538, %get3A_539] {strides = array<i32>} : memref<4x128xf32, #tpu.memory_space<vmem>>, vector<16xf32>,
        %mul3A_541 = vector.broadcast %squeeze3A_120 : f32 to vector<16xf32>
        %mul3A_542 = arith.mulf %mul3A_541, %get3A_540 : vector<16xf32>
        %add3A_543 = arith.addf %add3A_536, %mul3A_542 : vector<16xf32>
        %get3A_544 = arith.constant 3 : i32
        %get3A_545 = arith.index_cast %get3A_544 : i32 to index
        %get3A_546 = arith.constant 80 : index
        %get3A_547 = tpu.vector_load %arg19[%get3A_545, %get3A_546] {strides = array<i32>} : memref<4x128xf32, #tpu.memory_space<vmem>>, vector<16xf32>,
        %mul3A_548 = vector.broadcast %squeeze3A_122 : f32 to vector<16xf32>
        %mul3A_549 = arith.mulf %mul3A_548, %get3A_547 : vector<16xf32>
        %add3A_550 = arith.addf %add3A_543, %mul3A_549 : vector<16xf32>
        %get3A_551 = arith.index_cast %scan3A_111 : i32 to index
        %get3A_552 = arith.constant 80 : index
        %get3A_553 = tpu.vector_load %arg15[%get3A_551, %get3A_552] {strides = array<i32>} : memref<64x128xf32, #tpu.memory_space<vmem>>, vector<16xf32>,
        %get3A_554 = arith.index_cast %scan3A_111 : i32 to index
        %get3A_555 = arith.constant 80 : index
        %get3A_556 = tpu.vector_load %arg16[%get3A_554, %get3A_555] {strides = array<i32>} : memref<64x128xf32, #tpu.memory_space<vmem>>, vector<16xf32>,
        %add3A_557 = arith.addf %get3A_553, %get3A_556 : vector<16xf32>
        %add3A_558 = arith.addf %add3A_557, %add3A_550 : vector<16xf32>
        %mul3A_559 = arith.constant 2.000000e-01 : f32
        %mul3A_560 = vector.broadcast %mul3A_559 : f32 to vector<16xf32>
        %mul3A_561 = arith.mulf %mul3A_560, %add3A_558 : vector<16xf32>
        %max3A_562 = arith.maximumf %add3A_558, %mul3A_561 : vector<16xf32>
        %get3A_563 = arith.constant 5 : i32
        %get3A_564 = arith.index_cast %get3A_563 : i32 to index
        %get3A_565 = arith.constant 0 : index
        %get3A_566 = tpu.vector_load %arg20[%get3A_564, %get3A_565] {strides = array<i32>} : memref<8x16xf32, #tpu.memory_space<vmem>>, vector<16xf32>,
        %mul3A_567 = arith.mulf %max3A_562, %get3A_566 : vector<16xf32>
        %xor3A_568 = arith.constant 8 : i32
        %xor3A_569 = vector.broadcast %xor3A_568 : i32 to vector<16xi32>
        %xor3A_570 = arith.xori %iota3A, %xor3A_569 : vector<16xi32>
        %broadcast_in_dim3A_571 = vector.shape_cast %xor3A_570 : vector<16xi32> to vector<16x1xi32>
        %gather3A_572 = vector.shape_cast %broadcast_in_dim3A_571 : vector<16x1xi32> to vector<16xi32>
        %gather3A_573 = tpu.dynamic_gather %mul3A_567[%gather3A_572] in [0] : vector<16xf32>, vector<16xi32> -> vector<16xf32>
        %add3A_574 = arith.addf %mul3A_567, %gather3A_573 : vector<16xf32>
        %xor3A_575 = arith.constant 4 : i32
        %xor3A_576 = vector.broadcast %xor3A_575 : i32 to vector<16xi32>
        %xor3A_577 = arith.xori %iota3A, %xor3A_576 : vector<16xi32>
        %broadcast_in_dim3A_578 = vector.shape_cast %xor3A_577 : vector<16xi32> to vector<16x1xi32>
        %gather3A_579 = vector.shape_cast %broadcast_in_dim3A_578 : vector<16x1xi32> to vector<16xi32>
        %gather3A_580 = tpu.dynamic_gather %add3A_574[%gather3A_579] in [0] : vector<16xf32>, vector<16xi32> -> vector<16xf32>
        %add3A_581 = arith.addf %add3A_574, %gather3A_580 : vector<16xf32>
        %xor3A_582 = arith.constant 2 : i32
        %xor3A_583 = vector.broadcast %xor3A_582 : i32 to vector<16xi32>
        %xor3A_584 = arith.xori %iota3A, %xor3A_583 : vector<16xi32>
        %broadcast_in_dim3A_585 = vector.shape_cast %xor3A_584 : vector<16xi32> to vector<16x1xi32>
        %gather3A_586 = vector.shape_cast %broadcast_in_dim3A_585 : vector<16x1xi32> to vector<16xi32>
        %gather3A_587 = tpu.dynamic_gather %add3A_581[%gather3A_586] in [0] : vector<16xf32>, vector<16xi32> -> vector<16xf32>
        %add3A_588 = arith.addf %add3A_581, %gather3A_587 : vector<16xf32>
        %xor3A_589 = arith.constant 1 : i32
        %xor3A_590 = vector.broadcast %xor3A_589 : i32 to vector<16xi32>
        %xor3A_591 = arith.xori %iota3A, %xor3A_590 : vector<16xi32>
        %broadcast_in_dim3A_592 = vector.shape_cast %xor3A_591 : vector<16xi32> to vector<16x1xi32>
        %gather3A_593 = vector.shape_cast %broadcast_in_dim3A_592 : vector<16x1xi32> to vector<16xi32>
        %gather3A_594 = tpu.dynamic_gather %add3A_588[%gather3A_593] in [0] : vector<16xf32>, vector<16xi32> -> vector<16xf32>
        %add3A_595 = arith.addf %add3A_588, %gather3A_594 : vector<16xf32>
        %exp3A_596 = math.exp %add3A_595 : vector<16xf32>
        %mul3A_597 = arith.mulf %get3A_553, %exp3A_596 : vector<16xf32>
        %swap3A_598 = arith.index_cast %scan3A_111 : i32 to index
        %swap3A_599 = arith.constant 80 : index
        %swap3A_600 = tpu.vector_load %arg17[%swap3A_598, %swap3A_599] {strides = array<i32>} : memref<64x128xf32, #tpu.memory_space<vmem>>, vector<16xf32>,
        tpu.vector_store %arg17[%swap3A_598, %swap3A_599], %mul3A_597 {strides = array<i32>} : memref<64x128xf32, #tpu.memory_space<vmem>>, vector<16xf32>,
        %eq3A_601 = arith.constant 5 : i32
        %eq3A_602 = vector.broadcast %eq3A_601 : i32 to vector<16xi32>
        %eq3A_603 = arith.cmpi eq, %iota3A, %eq3A_602 : vector<16xi32>
        %select_n3A_604 = arith.select %eq3A_603, %exp3A_596, %select_n3A_523 : vector<16xi1>, vector<16xf32>
        %get3A_605 = arith.constant 0 : i32
        %get3A_606 = arith.index_cast %get3A_605 : i32 to index
        %get3A_607 = arith.constant 96 : index
        %get3A_608 = tpu.vector_load %arg19[%get3A_606, %get3A_607] {strides = array<i32>} : memref<4x128xf32, #tpu.memory_space<vmem>>, vector<16xf32>,
        %mul3A_609 = vector.broadcast %squeeze3A : f32 to vector<16xf32>
        %mul3A_610 = arith.mulf %mul3A_609, %get3A_608 : vector<16xf32>
        %get3A_611 = arith.constant 1 : i32
        %get3A_612 = arith.index_cast %get3A_611 : i32 to index
        %get3A_613 = arith.constant 96 : index
        %get3A_614 = tpu.vector_load %arg19[%get3A_612, %get3A_613] {strides = array<i32>} : memref<4x128xf32, #tpu.memory_space<vmem>>, vector<16xf32>,
        %mul3A_615 = vector.broadcast %squeeze3A_118 : f32 to vector<16xf32>
        %mul3A_616 = arith.mulf %mul3A_615, %get3A_614 : vector<16xf32>
        %add3A_617 = arith.addf %mul3A_610, %mul3A_616 : vector<16xf32>
        %get3A_618 = arith.constant 2 : i32
        %get3A_619 = arith.index_cast %get3A_618 : i32 to index
        %get3A_620 = arith.constant 96 : index
        %get3A_621 = tpu.vector_load %arg19[%get3A_619, %get3A_620] {strides = array<i32>} : memref<4x128xf32, #tpu.memory_space<vmem>>, vector<16xf32>,
        %mul3A_622 = vector.broadcast %squeeze3A_120 : f32 to vector<16xf32>
        %mul3A_623 = arith.mulf %mul3A_622, %get3A_621 : vector<16xf32>
        %add3A_624 = arith.addf %add3A_617, %mul3A_623 : vector<16xf32>
        %get3A_625 = arith.constant 3 : i32
        %get3A_626 = arith.index_cast %get3A_625 : i32 to index
        %get3A_627 = arith.constant 96 : index
        %get3A_628 = tpu.vector_load %arg19[%get3A_626, %get3A_627] {strides = array<i32>} : memref<4x128xf32, #tpu.memory_space<vmem>>, vector<16xf32>,
        %mul3A_629 = vector.broadcast %squeeze3A_122 : f32 to vector<16xf32>
        %mul3A_630 = arith.mulf %mul3A_629, %get3A_628 : vector<16xf32>
        %add3A_631 = arith.addf %add3A_624, %mul3A_630 : vector<16xf32>
        %get3A_632 = arith.index_cast %scan3A_111 : i32 to index
        %get3A_633 = arith.constant 96 : index
        %get3A_634 = tpu.vector_load %arg15[%get3A_632, %get3A_633] {strides = array<i32>} : memref<64x128xf32, #tpu.memory_space<vmem>>, vector<16xf32>,
        %get3A_635 = arith.index_cast %scan3A_111 : i32 to index
        %get3A_636 = arith.constant 96 : index
        %get3A_637 = tpu.vector_load %arg16[%get3A_635, %get3A_636] {strides = array<i32>} : memref<64x128xf32, #tpu.memory_space<vmem>>, vector<16xf32>,
        %add3A_638 = arith.addf %get3A_634, %get3A_637 : vector<16xf32>
        %add3A_639 = arith.addf %add3A_638, %add3A_631 : vector<16xf32>
        %mul3A_640 = arith.constant 2.000000e-01 : f32
        %mul3A_641 = vector.broadcast %mul3A_640 : f32 to vector<16xf32>
        %mul3A_642 = arith.mulf %mul3A_641, %add3A_639 : vector<16xf32>
        %max3A_643 = arith.maximumf %add3A_639, %mul3A_642 : vector<16xf32>
        %get3A_644 = arith.constant 6 : i32
        %get3A_645 = arith.index_cast %get3A_644 : i32 to index
        %get3A_646 = arith.constant 0 : index
        %get3A_647 = tpu.vector_load %arg20[%get3A_645, %get3A_646] {strides = array<i32>} : memref<8x16xf32, #tpu.memory_space<vmem>>, vector<16xf32>,
        %mul3A_648 = arith.mulf %max3A_643, %get3A_647 : vector<16xf32>
        %xor3A_649 = arith.constant 8 : i32
        %xor3A_650 = vector.broadcast %xor3A_649 : i32 to vector<16xi32>
        %xor3A_651 = arith.xori %iota3A, %xor3A_650 : vector<16xi32>
        %broadcast_in_dim3A_652 = vector.shape_cast %xor3A_651 : vector<16xi32> to vector<16x1xi32>
        %gather3A_653 = vector.shape_cast %broadcast_in_dim3A_652 : vector<16x1xi32> to vector<16xi32>
        %gather3A_654 = tpu.dynamic_gather %mul3A_648[%gather3A_653] in [0] : vector<16xf32>, vector<16xi32> -> vector<16xf32>
        %add3A_655 = arith.addf %mul3A_648, %gather3A_654 : vector<16xf32>
        %xor3A_656 = arith.constant 4 : i32
        %xor3A_657 = vector.broadcast %xor3A_656 : i32 to vector<16xi32>
        %xor3A_658 = arith.xori %iota3A, %xor3A_657 : vector<16xi32>
        %broadcast_in_dim3A_659 = vector.shape_cast %xor3A_658 : vector<16xi32> to vector<16x1xi32>
        %gather3A_660 = vector.shape_cast %broadcast_in_dim3A_659 : vector<16x1xi32> to vector<16xi32>
        %gather3A_661 = tpu.dynamic_gather %add3A_655[%gather3A_660] in [0] : vector<16xf32>, vector<16xi32> -> vector<16xf32>
        %add3A_662 = arith.addf %add3A_655, %gather3A_661 : vector<16xf32>
        %xor3A_663 = arith.constant 2 : i32
        %xor3A_664 = vector.broadcast %xor3A_663 : i32 to vector<16xi32>
        %xor3A_665 = arith.xori %iota3A, %xor3A_664 : vector<16xi32>
        %broadcast_in_dim3A_666 = vector.shape_cast %xor3A_665 : vector<16xi32> to vector<16x1xi32>
        %gather3A_667 = vector.shape_cast %broadcast_in_dim3A_666 : vector<16x1xi32> to vector<16xi32>
        %gather3A_668 = tpu.dynamic_gather %add3A_662[%gather3A_667] in [0] : vector<16xf32>, vector<16xi32> -> vector<16xf32>
        %add3A_669 = arith.addf %add3A_662, %gather3A_668 : vector<16xf32>
        %xor3A_670 = arith.constant 1 : i32
        %xor3A_671 = vector.broadcast %xor3A_670 : i32 to vector<16xi32>
        %xor3A_672 = arith.xori %iota3A, %xor3A_671 : vector<16xi32>
        %broadcast_in_dim3A_673 = vector.shape_cast %xor3A_672 : vector<16xi32> to vector<16x1xi32>
        %gather3A_674 = vector.shape_cast %broadcast_in_dim3A_673 : vector<16x1xi32> to vector<16xi32>
        %gather3A_675 = tpu.dynamic_gather %add3A_669[%gather3A_674] in [0] : vector<16xf32>, vector<16xi32> -> vector<16xf32>
        %add3A_676 = arith.addf %add3A_669, %gather3A_675 : vector<16xf32>
        %exp3A_677 = math.exp %add3A_676 : vector<16xf32>
        %mul3A_678 = arith.mulf %get3A_634, %exp3A_677 : vector<16xf32>
        %swap3A_679 = arith.index_cast %scan3A_111 : i32 to index
        %swap3A_680 = arith.constant 96 : index
        %swap3A_681 = tpu.vector_load %arg17[%swap3A_679, %swap3A_680] {strides = array<i32>} : memref<64x128xf32, #tpu.memory_space<vmem>>, vector<16xf32>,
        tpu.vector_store %arg17[%swap3A_679, %swap3A_680], %mul3A_678 {strides = array<i32>} : memref<64x128xf32, #tpu.memory_space<vmem>>, vector<16xf32>,
        %eq3A_682 = arith.constant 6 : i32
        %eq3A_683 = vector.broadcast %eq3A_682 : i32 to vector<16xi32>
        %eq3A_684 = arith.cmpi eq, %iota3A, %eq3A_683 : vector<16xi32>
        %select_n3A_685 = arith.select %eq3A_684, %exp3A_677, %select_n3A_604 : vector<16xi1>, vector<16xf32>
        %get3A_686 = arith.constant 0 : i32
        %get3A_687 = arith.index_cast %get3A_686 : i32 to index
        %get3A_688 = arith.constant 112 : index
        %get3A_689 = tpu.vector_load %arg19[%get3A_687, %get3A_688] {strides = array<i32>} : memref<4x128xf32, #tpu.memory_space<vmem>>, vector<16xf32>,
        %mul3A_690 = vector.broadcast %squeeze3A : f32 to vector<16xf32>
        %mul3A_691 = arith.mulf %mul3A_690, %get3A_689 : vector<16xf32>
        %get3A_692 = arith.constant 1 : i32
        %get3A_693 = arith.index_cast %get3A_692 : i32 to index
        %get3A_694 = arith.constant 112 : index
        %get3A_695 = tpu.vector_load %arg19[%get3A_693, %get3A_694] {strides = array<i32>} : memref<4x128xf32, #tpu.memory_space<vmem>>, vector<16xf32>,
        %mul3A_696 = vector.broadcast %squeeze3A_118 : f32 to vector<16xf32>
        %mul3A_697 = arith.mulf %mul3A_696, %get3A_695 : vector<16xf32>
        %add3A_698 = arith.addf %mul3A_691, %mul3A_697 : vector<16xf32>
        %get3A_699 = arith.constant 2 : i32
        %get3A_700 = arith.index_cast %get3A_699 : i32 to index
        %get3A_701 = arith.constant 112 : index
        %get3A_702 = tpu.vector_load %arg19[%get3A_700, %get3A_701] {strides = array<i32>} : memref<4x128xf32, #tpu.memory_space<vmem>>, vector<16xf32>,
        %mul3A_703 = vector.broadcast %squeeze3A_120 : f32 to vector<16xf32>
        %mul3A_704 = arith.mulf %mul3A_703, %get3A_702 : vector<16xf32>
        %add3A_705 = arith.addf %add3A_698, %mul3A_704 : vector<16xf32>
        %get3A_706 = arith.constant 3 : i32
        %get3A_707 = arith.index_cast %get3A_706 : i32 to index
        %get3A_708 = arith.constant 112 : index
        %get3A_709 = tpu.vector_load %arg19[%get3A_707, %get3A_708] {strides = array<i32>} : memref<4x128xf32, #tpu.memory_space<vmem>>, vector<16xf32>,
        %mul3A_710 = vector.broadcast %squeeze3A_122 : f32 to vector<16xf32>
        %mul3A_711 = arith.mulf %mul3A_710, %get3A_709 : vector<16xf32>
        %add3A_712 = arith.addf %add3A_705, %mul3A_711 : vector<16xf32>
        %get3A_713 = arith.index_cast %scan3A_111 : i32 to index
        %get3A_714 = arith.constant 112 : index
        %get3A_715 = tpu.vector_load %arg15[%get3A_713, %get3A_714] {strides = array<i32>} : memref<64x128xf32, #tpu.memory_space<vmem>>, vector<16xf32>,
        %get3A_716 = arith.index_cast %scan3A_111 : i32 to index
        %get3A_717 = arith.constant 112 : index
        %get3A_718 = tpu.vector_load %arg16[%get3A_716, %get3A_717] {strides = array<i32>} : memref<64x128xf32, #tpu.memory_space<vmem>>, vector<16xf32>,
        %add3A_719 = arith.addf %get3A_715, %get3A_718 : vector<16xf32>
        %add3A_720 = arith.addf %add3A_719, %add3A_712 : vector<16xf32>
        %mul3A_721 = arith.constant 2.000000e-01 : f32
        %mul3A_722 = vector.broadcast %mul3A_721 : f32 to vector<16xf32>
        %mul3A_723 = arith.mulf %mul3A_722, %add3A_720 : vector<16xf32>
        %max3A_724 = arith.maximumf %add3A_720, %mul3A_723 : vector<16xf32>
        %get3A_725 = arith.constant 7 : i32
        %get3A_726 = arith.index_cast %get3A_725 : i32 to index
        %get3A_727 = arith.constant 0 : index
        %get3A_728 = tpu.vector_load %arg20[%get3A_726, %get3A_727] {strides = array<i32>} : memref<8x16xf32, #tpu.memory_space<vmem>>, vector<16xf32>,
        %mul3A_729 = arith.mulf %max3A_724, %get3A_728 : vector<16xf32>
        %xor3A_730 = arith.constant 8 : i32
        %xor3A_731 = vector.broadcast %xor3A_730 : i32 to vector<16xi32>
        %xor3A_732 = arith.xori %iota3A, %xor3A_731 : vector<16xi32>
        %broadcast_in_dim3A_733 = vector.shape_cast %xor3A_732 : vector<16xi32> to vector<16x1xi32>
        %gather3A_734 = vector.shape_cast %broadcast_in_dim3A_733 : vector<16x1xi32> to vector<16xi32>
        %gather3A_735 = tpu.dynamic_gather %mul3A_729[%gather3A_734] in [0] : vector<16xf32>, vector<16xi32> -> vector<16xf32>
        %add3A_736 = arith.addf %mul3A_729, %gather3A_735 : vector<16xf32>
        %xor3A_737 = arith.constant 4 : i32
        %xor3A_738 = vector.broadcast %xor3A_737 : i32 to vector<16xi32>
        %xor3A_739 = arith.xori %iota3A, %xor3A_738 : vector<16xi32>
        %broadcast_in_dim3A_740 = vector.shape_cast %xor3A_739 : vector<16xi32> to vector<16x1xi32>
        %gather3A_741 = vector.shape_cast %broadcast_in_dim3A_740 : vector<16x1xi32> to vector<16xi32>
        %gather3A_742 = tpu.dynamic_gather %add3A_736[%gather3A_741] in [0] : vector<16xf32>, vector<16xi32> -> vector<16xf32>
        %add3A_743 = arith.addf %add3A_736, %gather3A_742 : vector<16xf32>
        %xor3A_744 = arith.constant 2 : i32
        %xor3A_745 = vector.broadcast %xor3A_744 : i32 to vector<16xi32>
        %xor3A_746 = arith.xori %iota3A, %xor3A_745 : vector<16xi32>
        %broadcast_in_dim3A_747 = vector.shape_cast %xor3A_746 : vector<16xi32> to vector<16x1xi32>
        %gather3A_748 = vector.shape_cast %broadcast_in_dim3A_747 : vector<16x1xi32> to vector<16xi32>
        %gather3A_749 = tpu.dynamic_gather %add3A_743[%gather3A_748] in [0] : vector<16xf32>, vector<16xi32> -> vector<16xf32>
        %add3A_750 = arith.addf %add3A_743, %gather3A_749 : vector<16xf32>
        %xor3A_751 = arith.constant 1 : i32
        %xor3A_752 = vector.broadcast %xor3A_751 : i32 to vector<16xi32>
        %xor3A_753 = arith.xori %iota3A, %xor3A_752 : vector<16xi32>
        %broadcast_in_dim3A_754 = vector.shape_cast %xor3A_753 : vector<16xi32> to vector<16x1xi32>
        %gather3A_755 = vector.shape_cast %broadcast_in_dim3A_754 : vector<16x1xi32> to vector<16xi32>
        %gather3A_756 = tpu.dynamic_gather %add3A_750[%gather3A_755] in [0] : vector<16xf32>, vector<16xi32> -> vector<16xf32>
        %add3A_757 = arith.addf %add3A_750, %gather3A_756 : vector<16xf32>
        %exp3A_758 = math.exp %add3A_757 : vector<16xf32>
        %mul3A_759 = arith.mulf %get3A_715, %exp3A_758 : vector<16xf32>
        %swap3A_760 = arith.index_cast %scan3A_111 : i32 to index
        %swap3A_761 = arith.constant 112 : index
        %swap3A_762 = tpu.vector_load %arg17[%swap3A_760, %swap3A_761] {strides = array<i32>} : memref<64x128xf32, #tpu.memory_space<vmem>>, vector<16xf32>,
        tpu.vector_store %arg17[%swap3A_760, %swap3A_761], %mul3A_759 {strides = array<i32>} : memref<64x128xf32, #tpu.memory_space<vmem>>, vector<16xf32>,
        %eq3A_763 = arith.constant 7 : i32
        %eq3A_764 = vector.broadcast %eq3A_763 : i32 to vector<16xi32>
        %eq3A_765 = arith.cmpi eq, %iota3A, %eq3A_764 : vector<16xi32>
        %select_n3A_766 = arith.select %eq3A_765, %exp3A_758, %select_n3A_685 : vector<16xi1>, vector<16xf32>
        %swap3A_767 = arith.index_cast %scan3A_111 : i32 to index
        %swap3A_768 = arith.constant 0 : index
        %swap3A_769 = tpu.vector_load %arg18[%swap3A_767, %swap3A_768] {strides = array<i32>} : memref<64x128xf32, #tpu.memory_space<vmem>>, vector<16xf32>,
        tpu.vector_store %arg18[%swap3A_767, %swap3A_768], %broadcast_in_dim3A_1 {strides = array<i32>} : memref<64x128xf32, #tpu.memory_space<vmem>>, vector<16xf32>,
        %swap3A_770 = arith.index_cast %scan3A_111 : i32 to index
        %swap3A_771 = arith.constant 16 : index
        %swap3A_772 = tpu.vector_load %arg18[%swap3A_770, %swap3A_771] {strides = array<i32>} : memref<64x128xf32, #tpu.memory_space<vmem>>, vector<16xf32>,
        tpu.vector_store %arg18[%swap3A_770, %swap3A_771], %broadcast_in_dim3A_1 {strides = array<i32>} : memref<64x128xf32, #tpu.memory_space<vmem>>, vector<16xf32>,
        %swap3A_773 = arith.index_cast %scan3A_111 : i32 to index
        %swap3A_774 = arith.constant 32 : index
        %swap3A_775 = tpu.vector_load %arg18[%swap3A_773, %swap3A_774] {strides = array<i32>} : memref<64x128xf32, #tpu.memory_space<vmem>>, vector<16xf32>,
        tpu.vector_store %arg18[%swap3A_773, %swap3A_774], %broadcast_in_dim3A_1 {strides = array<i32>} : memref<64x128xf32, #tpu.memory_space<vmem>>, vector<16xf32>,
        %swap3A_776 = arith.index_cast %scan3A_111 : i32 to index
        %swap3A_777 = arith.constant 48 : index
        %swap3A_778 = tpu.vector_load %arg18[%swap3A_776, %swap3A_777] {strides = array<i32>} : memref<64x128xf32, #tpu.memory_space<vmem>>, vector<16xf32>,
        tpu.vector_store %arg18[%swap3A_776, %swap3A_777], %broadcast_in_dim3A_1 {strides = array<i32>} : memref<64x128xf32, #tpu.memory_space<vmem>>, vector<16xf32>,
        %swap3A_779 = arith.index_cast %scan3A_111 : i32 to index
        %swap3A_780 = arith.constant 64 : index
        %swap3A_781 = tpu.vector_load %arg18[%swap3A_779, %swap3A_780] {strides = array<i32>} : memref<64x128xf32, #tpu.memory_space<vmem>>, vector<16xf32>,
        tpu.vector_store %arg18[%swap3A_779, %swap3A_780], %broadcast_in_dim3A_1 {strides = array<i32>} : memref<64x128xf32, #tpu.memory_space<vmem>>, vector<16xf32>,
        %swap3A_782 = arith.index_cast %scan3A_111 : i32 to index
        %swap3A_783 = arith.constant 80 : index
        %swap3A_784 = tpu.vector_load %arg18[%swap3A_782, %swap3A_783] {strides = array<i32>} : memref<64x128xf32, #tpu.memory_space<vmem>>, vector<16xf32>,
        tpu.vector_store %arg18[%swap3A_782, %swap3A_783], %broadcast_in_dim3A_1 {strides = array<i32>} : memref<64x128xf32, #tpu.memory_space<vmem>>, vector<16xf32>,
        %swap3A_785 = arith.index_cast %scan3A_111 : i32 to index
        %swap3A_786 = arith.constant 96 : index
        %swap3A_787 = tpu.vector_load %arg18[%swap3A_785, %swap3A_786] {strides = array<i32>} : memref<64x128xf32, #tpu.memory_space<vmem>>, vector<16xf32>,
        tpu.vector_store %arg18[%swap3A_785, %swap3A_786], %broadcast_in_dim3A_1 {strides = array<i32>} : memref<64x128xf32, #tpu.memory_space<vmem>>, vector<16xf32>,
        %swap3A_788 = arith.index_cast %scan3A_111 : i32 to index
        %swap3A_789 = arith.constant 112 : index
        %swap3A_790 = tpu.vector_load %arg18[%swap3A_788, %swap3A_789] {strides = array<i32>} : memref<64x128xf32, #tpu.memory_space<vmem>>, vector<16xf32>,
        tpu.vector_store %arg18[%swap3A_788, %swap3A_789], %broadcast_in_dim3A_1 {strides = array<i32>} : memref<64x128xf32, #tpu.memory_space<vmem>>, vector<16xf32>,
        %shift_right_arithmetic3A_791 = arith.constant 4 : i32
        %shift_right_arithmetic3A_792 = arith.shrsi %scan3A_111, %shift_right_arithmetic3A_791 : i32
        %shift_left3A = arith.constant 4 : i32
        %shift_left3A_793 = arith.shli %shift_right_arithmetic3A_792, %shift_left3A : i32
        %get3A_794 = arith.index_cast %shift_left3A_793 : i32 to index
        %get3A_795 = tpu.vector_load %arg12[%get3A_794] {strides = array<i32>} : memref<64xi32, #tpu.memory_space<vmem>>, vector<16xi32>,
        %sub3A_796 = arith.subi %scan3A_111, %shift_left3A_793 : i32
        %broadcast_in_dim3A_797 = vector.broadcast %sub3A_796 : i32 to vector<16xi32>
        %broadcast_in_dim3A_798 = vector.shape_cast %broadcast_in_dim3A_797 : vector<16xi32> to vector<16x1xi32>
        %gather3A_799 = vector.shape_cast %broadcast_in_dim3A_798 : vector<16x1xi32> to vector<16xi32>
        %gather3A_800 = tpu.dynamic_gather %get3A_795[%gather3A_799] in [0] : vector<16xi32>, vector<16xi32> -> vector<16xi32>
        %slice3A_801 = vector.extract_strided_slice %gather3A_800 {offsets = [0], sizes = [1], strides = [1]} : vector<16xi32> to vector<1xi32>
        %squeeze3A_802 = vector.extract %slice3A_801[0] : i32 from vector<1xi32>
        %and3A = arith.constant 15 : i32
        %and3A_803 = arith.andi %squeeze3A_802, %and3A : i32
        %shift_left3A_804 = arith.constant 3 : i32
        %shift_left3A_805 = arith.shli %and3A_803, %shift_left3A_804 : i32
        %and3A_806 = arith.constant 15 : i32
        %and3A_807 = arith.andi %shift_left3A_805, %and3A_806 : i32
        %sub3A_808 = vector.broadcast %and3A_807 : i32 to vector<16xi32>
        %sub3A_809 = arith.subi %iota3A, %sub3A_808 : vector<16xi32>
        %ge3A = arith.constant 0 : i32
        %ge3A_810 = vector.broadcast %ge3A : i32 to vector<16xi32>
        %ge3A_811 = arith.cmpi sge, %sub3A_809, %ge3A_810 : vector<16xi32>
        %lt3A = arith.constant 8 : i32
        %lt3A_812 = vector.broadcast %lt3A : i32 to vector<16xi32>
        %lt3A_813 = arith.cmpi slt, %sub3A_809, %lt3A_812 : vector<16xi32>
        %and3A_814 = arith.andi %ge3A_811, %lt3A_813 : vector<16xi1>
        %and3A_815 = arith.constant 15 : i32
        %and3A_816 = vector.broadcast %and3A_815 : i32 to vector<16xi32>
        %and3A_817 = arith.andi %sub3A_809, %and3A_816 : vector<16xi32>
        %broadcast_in_dim3A_818 = vector.shape_cast %and3A_817 : vector<16xi32> to vector<16x1xi32>
        %gather3A_819 = vector.shape_cast %broadcast_in_dim3A_818 : vector<16x1xi32> to vector<16xi32>
        %gather3A_820 = tpu.dynamic_gather %select_n3A_766[%gather3A_819] in [0] : vector<16xf32>, vector<16xi32> -> vector<16xf32>
        %jit3A = arith.constant 0.000000e+00 : f32
        %broadcast_in_dim3A_821 = vector.broadcast %jit3A : f32 to vector<16xf32>
        %select_n3A_822 = arith.select %and3A_814, %gather3A_820, %broadcast_in_dim3A_821 : vector<16xi1>, vector<16xf32>
        %shift_right_arithmetic3A_823 = arith.constant 4 : i32
        %shift_right_arithmetic3A_824 = arith.shrsi %shift_left3A_805, %shift_right_arithmetic3A_823 : i32
        %shift_left3A_825 = arith.constant 4 : i32
        %shift_left3A_826 = arith.shli %shift_right_arithmetic3A_824, %shift_left3A_825 : i32
        %swap3A_827 = arith.index_cast %scan3A_111 : i32 to index
        %swap3A_828 = arith.index_cast %shift_left3A_826 : i32 to index
        %swap3A_829 = tpu.vector_load %arg18[%swap3A_827, %swap3A_828] {strides = array<i32>} : memref<64x128xf32, #tpu.memory_space<vmem>>, vector<16xf32>,
        tpu.vector_store %arg18[%swap3A_827, %swap3A_828], %select_n3A_822 {strides = array<i32>} : memref<64x128xf32, #tpu.memory_space<vmem>>, vector<16xf32>,
        %scan3A_830 = arith.constant 0 : i32
        scf.yield %scan3A_830 : i32
      }
      %scan3A_109 = arith.constant 64 : i32
      "tpu.region"() ({
        %run_scoped3A = tpu.sem_alloc : memref<!tpu.dma_semaphore, #tpu.memory_space<semaphore_mem>>
        %dma_start3A_111 = arith.constant 0 : i32
        %dma_start3A_112 = arith.constant 0 : i32
        %dma_start3A_113 = tpu.memref_slice %arg21[%dma_start3A_111, %dma_start3A_112] : memref<10880x128xf32, #tpu.memory_space<vmem_shared>> -> memref<10880x128xf32, #tpu.memory_space<vmem_shared>>
        tpu.enqueue_indirect_dma source(%arg17 : memref<64x128xf32, #tpu.memory_space<vmem>>) target(%dma_start3A_113 : memref<10880x128xf32, #tpu.memory_space<vmem_shared>>) offsets(%arg12 : memref<64xi32, #tpu.memory_space<vmem>>) semaphore(%run_scoped3A : memref<!tpu.dma_semaphore, #tpu.memory_space<semaphore_mem>>) {add = true}
        %dma_wait3A_114 = arith.constant 0 : i32
        %dma_wait3A_115 = arith.constant 0 : i32
        %dma_wait3A_116 = tpu.memref_slice %arg21[%dma_wait3A_114, %dma_wait3A_115] : memref<10880x128xf32, #tpu.memory_space<vmem_shared>> -> memref<10880x128xf32, #tpu.memory_space<vmem_shared>>
        tpu.wait_indirect_dma semaphore(%run_scoped3A : memref<!tpu.dma_semaphore, #tpu.memory_space<semaphore_mem>>) src(%arg17 : memref<64x128xf32, #tpu.memory_space<vmem>>) dst(%dma_wait3A_116 : memref<10880x128xf32, #tpu.memory_space<vmem_shared>>)
        tpu.yield
      }) : () -> ()
      "tpu.region"() ({
        %run_scoped3A = tpu.sem_alloc : memref<!tpu.dma_semaphore, #tpu.memory_space<semaphore_mem>>
        %dma_start3A_111 = arith.constant 0 : i32
        %dma_start3A_112 = arith.constant 0 : i32
        %dma_start3A_113 = tpu.memref_slice %arg21[%dma_start3A_111, %dma_start3A_112] : memref<10880x128xf32, #tpu.memory_space<vmem_shared>> -> memref<10880x128xf32, #tpu.memory_space<vmem_shared>>
        tpu.enqueue_indirect_dma source(%arg18 : memref<64x128xf32, #tpu.memory_space<vmem>>) target(%dma_start3A_113 : memref<10880x128xf32, #tpu.memory_space<vmem_shared>>) offsets(%arg13 : memref<64xi32, #tpu.memory_space<vmem>>) semaphore(%run_scoped3A : memref<!tpu.dma_semaphore, #tpu.memory_space<semaphore_mem>>) {add = true}
        %dma_wait3A_114 = arith.constant 0 : i32
        %dma_wait3A_115 = arith.constant 0 : i32
        %dma_wait3A_116 = tpu.memref_slice %arg21[%dma_wait3A_114, %dma_wait3A_115] : memref<10880x128xf32, #tpu.memory_space<vmem_shared>> -> memref<10880x128xf32, #tpu.memory_space<vmem_shared>>
        tpu.wait_indirect_dma semaphore(%run_scoped3A : memref<!tpu.dma_semaphore, #tpu.memory_space<semaphore_mem>>) src(%arg18 : memref<64x128xf32, #tpu.memory_space<vmem>>) dst(%dma_wait3A_116 : memref<10880x128xf32, #tpu.memory_space<vmem_shared>>)
        tpu.yield
      }) : () -> ()
      %scan3A_110 = arith.constant 0 : i32
      scf.yield %scan3A_110 : i32
    }
    %scan3A_39 = arith.constant 162 : i32
    %barrier3A_40 = arith.constant 0 : index
    tpu.barrier barrier_id(%barrier3A_40)
    %mul3A_41 = arith.constant 640 : i32
    %mul3A_42 = arith.muli %arg1, %mul3A_41 : i32
    %mul3A_43 = arith.constant 640 : i32
    %mul3A_44 = arith.muli %arg1, %mul3A_43 : i32
    "tpu.region"() ({
      %run_scoped3A = tpu.sem_alloc : memref<!tpu.dma_semaphore, #tpu.memory_space<semaphore_mem>>
      %dma_start3A = arith.constant 0 : i32
      %dma_start3A_51 = tpu.memref_slice %arg9[%arg0, %mul3A_44, %dma_start3A] : memref<2x10240x128xf32, #tpu.memory_space<hbm>> -> memref<1x640x128xf32, #tpu.memory_space<hbm>>
      %dma_start3A_52 = tpu.memref_squeeze %dma_start3A_51 : memref<1x640x128xf32, #tpu.memory_space<hbm>> -> memref<640x128xf32, #tpu.memory_space<hbm>>
      %dma_start3A_53 = arith.constant 0 : i32
      %dma_start3A_54 = tpu.memref_slice %arg21[%mul3A_42, %dma_start3A_53] : memref<10880x128xf32, #tpu.memory_space<vmem_shared>> -> memref<640x128xf32, #tpu.memory_space<vmem_shared>>
      tpu.enqueue_dma source(%dma_start3A_54 : memref<640x128xf32, #tpu.memory_space<vmem_shared>>) target(%dma_start3A_52 : memref<640x128xf32, #tpu.memory_space<hbm>>) target_semaphore(%run_scoped3A : memref<!tpu.dma_semaphore, #tpu.memory_space<semaphore_mem>>)
      %dma_wait3A = arith.constant 0 : i32
      %dma_wait3A_55 = tpu.memref_slice %arg9[%arg0, %mul3A_44, %dma_wait3A] : memref<2x10240x128xf32, #tpu.memory_space<hbm>> -> memref<1x640x128xf32, #tpu.memory_space<hbm>>
      %dma_wait3A_56 = tpu.memref_squeeze %dma_wait3A_55 : memref<1x640x128xf32, #tpu.memory_space<hbm>> -> memref<640x128xf32, #tpu.memory_space<hbm>>
      %dma_wait3A_57 = arith.constant 0 : i32
      %dma_wait3A_58 = tpu.memref_slice %arg21[%mul3A_42, %dma_wait3A_57] : memref<10880x128xf32, #tpu.memory_space<vmem_shared>> -> memref<640x128xf32, #tpu.memory_space<vmem_shared>>
      tpu.wait_dma2 semaphore(%run_scoped3A : memref<!tpu.dma_semaphore, #tpu.memory_space<semaphore_mem>>) src(%dma_wait3A_58 : memref<640x128xf32, #tpu.memory_space<vmem_shared>>) dst(%dma_wait3A_56 : memref<640x128xf32, #tpu.memory_space<hbm>>)
      tpu.yield
    }) : () -> ()
    %mul3A_45 = arith.constant 40 : i32
    %mul3A_46 = arith.muli %arg1, %mul3A_45 : i32
    %add3A_47 = arith.constant 10240 : i32
    %add3A_48 = arith.addi %add3A_47, %mul3A_46 : i32
    %mul3A_49 = arith.constant 40 : i32
    %mul3A_50 = arith.muli %arg1, %mul3A_49 : i32
    "tpu.region"() ({
      %run_scoped3A = tpu.sem_alloc : memref<!tpu.dma_semaphore, #tpu.memory_space<semaphore_mem>>
      %dma_start3A = arith.constant 0 : i32
      %dma_start3A_51 = tpu.memref_slice %arg10[%arg0, %mul3A_50, %dma_start3A] : memref<2x640x128xf32, #tpu.memory_space<hbm>> -> memref<1x40x128xf32, #tpu.memory_space<hbm>>
      %dma_start3A_52 = tpu.memref_squeeze %dma_start3A_51 : memref<1x40x128xf32, #tpu.memory_space<hbm>> -> memref<40x128xf32, #tpu.memory_space<hbm>>
      %dma_start3A_53 = arith.constant 0 : i32
      %dma_start3A_54 = tpu.memref_slice %arg21[%add3A_48, %dma_start3A_53] : memref<10880x128xf32, #tpu.memory_space<vmem_shared>> -> memref<40x128xf32, #tpu.memory_space<vmem_shared>>
      tpu.enqueue_dma source(%dma_start3A_54 : memref<40x128xf32, #tpu.memory_space<vmem_shared>>) target(%dma_start3A_52 : memref<40x128xf32, #tpu.memory_space<hbm>>) target_semaphore(%run_scoped3A : memref<!tpu.dma_semaphore, #tpu.memory_space<semaphore_mem>>)
      %dma_wait3A = arith.constant 0 : i32
      %dma_wait3A_55 = tpu.memref_slice %arg10[%arg0, %mul3A_50, %dma_wait3A] : memref<2x640x128xf32, #tpu.memory_space<hbm>> -> memref<1x40x128xf32, #tpu.memory_space<hbm>>
      %dma_wait3A_56 = tpu.memref_squeeze %dma_wait3A_55 : memref<1x40x128xf32, #tpu.memory_space<hbm>> -> memref<40x128xf32, #tpu.memory_space<hbm>>
      %dma_wait3A_57 = arith.constant 0 : i32
      %dma_wait3A_58 = tpu.memref_slice %arg21[%add3A_48, %dma_wait3A_57] : memref<10880x128xf32, #tpu.memory_space<vmem_shared>> -> memref<40x128xf32, #tpu.memory_space<vmem_shared>>
      tpu.wait_dma2 semaphore(%run_scoped3A : memref<!tpu.dma_semaphore, #tpu.memory_space<semaphore_mem>>) src(%dma_wait3A_58 : memref<40x128xf32, #tpu.memory_space<vmem_shared>>) dst(%dma_wait3A_56 : memref<40x128xf32, #tpu.memory_space<hbm>>)
      tpu.yield
    }) : () -> ()
    return
  }
}

module attributes {stable_mosaic.version = 14 : i64} {
  func.func @_mm_fill_body(%arg0: i32, %arg1: memref<512x128xf32, #tpu.memory_space<vmem>>, %arg2: memref<512x128xf32, #tpu.memory_space<vmem>>, %arg3: memref<128x128xf32, #tpu.memory_space<vmem>>, %arg4: memref<1x128xf32, #tpu.memory_space<vmem>>, %arg5: memref<128x128xf32, #tpu.memory_space<vmem>>, %arg6: memref<1x128xf32, #tpu.memory_space<vmem>>, %arg7: memref<512x128xf32, #tpu.memory_space<vmem>>, %arg8: memref<512x128xf32, #tpu.memory_space<vmem>>, %arg9: memref<8x128xf32, #tpu.memory_space<vmem>>) attributes {dimension_semantics = [#tpu.dimension_semantics<arbitrary>], iteration_bounds = array<i64: 20>, scalar_prefetch = 0 : i64, scratch_operands = 0 : i64, tpu.core_type = #tpu.core_type<tc>, window_params = [{transform_indices = @transform_0, window_bounds = array<i64: 512, 128>}, {transform_indices = @transform_1, window_bounds = array<i64: 512, 128>}, {pipeline_mode = #tpu.pipeline_mode<synchronous>, transform_indices = @transform_2, window_bounds = array<i64: 128, 128>}, {pipeline_mode = #tpu.pipeline_mode<synchronous>, transform_indices = @transform_3, window_bounds = array<i64: 1, 128>}, {pipeline_mode = #tpu.pipeline_mode<synchronous>, transform_indices = @transform_4, window_bounds = array<i64: 128, 128>}, {pipeline_mode = #tpu.pipeline_mode<synchronous>, transform_indices = @transform_5, window_bounds = array<i64: 1, 128>}, {transform_indices = @transform_6, window_bounds = array<i64: 512, 128>}, {transform_indices = @transform_7, window_bounds = array<i64: 512, 128>}, {pipeline_mode = #tpu.pipeline_mode<synchronous>, transform_indices = @transform_8, window_bounds = array<i64: 8, 128>}]} {
    %get3A = arith.constant 0 : index
    %get3A_0 = arith.constant 0 : index
    %get3A_1 = vector.load %arg1[%get3A, %get3A_0] : memref<512x128xf32, #tpu.memory_space<vmem>>, vector<512x128xf32>
    %get3A_2 = arith.constant 0 : index
    %get3A_3 = arith.constant 0 : index
    %get3A_4 = vector.load %arg3[%get3A_2, %get3A_3] : memref<128x128xf32, #tpu.memory_space<vmem>>, vector<128x128xf32>
    %dot_general3A = arith.constant dense<0.000000e+00> : vector<512x128xf32>
    %dot_general3A_5 = tpu.matmul %get3A_1, %get3A_4, %dot_general3A {dimension_numbers = #tpu.dot_dimension_numbers<[1], [0], [0], [1], [0, 0, 1, 1], [], []>, transpose_lhs_hint = false} : vector<512x128xf32>, vector<128x128xf32>, vector<512x128xf32> -> vector<512x128xf32>
    %get3A_6 = arith.constant 0 : index
    %get3A_7 = arith.constant 0 : index
    %get3A_8 = vector.load %arg4[%get3A_6, %get3A_7] : memref<1x128xf32, #tpu.memory_space<vmem>>, vector<1x128xf32>
    %add3A = vector.broadcast %get3A_8 : vector<1x128xf32> to vector<512x128xf32>
    %add3A_9 = arith.addf %dot_general3A_5, %add3A : vector<512x128xf32>
    %swap3A = arith.constant 0 : index
    %swap3A_10 = arith.constant 0 : index
    %swap3A_11 = vector.load %arg7[%swap3A, %swap3A_10] : memref<512x128xf32, #tpu.memory_space<vmem>>, vector<512x128xf32>
    tpu.vector_store %arg7[%swap3A, %swap3A_10], %add3A_9 {strides = array<i32>} : memref<512x128xf32, #tpu.memory_space<vmem>>, vector<512x128xf32>,
    %get3A_12 = arith.constant 0 : index
    %get3A_13 = arith.constant 0 : index
    %get3A_14 = vector.load %arg5[%get3A_12, %get3A_13] : memref<128x128xf32, #tpu.memory_space<vmem>>, vector<128x128xf32>
    %dot_general3A_15 = arith.constant dense<0.000000e+00> : vector<512x128xf32>
    %dot_general3A_16 = tpu.matmul %get3A_1, %get3A_14, %dot_general3A_15 {dimension_numbers = #tpu.dot_dimension_numbers<[1], [0], [0], [1], [0, 0, 1, 1], [], []>, transpose_lhs_hint = false} : vector<512x128xf32>, vector<128x128xf32>, vector<512x128xf32> -> vector<512x128xf32>
    %get3A_17 = arith.constant 0 : index
    %get3A_18 = arith.constant 0 : index
    %get3A_19 = vector.load %arg6[%get3A_17, %get3A_18] : memref<1x128xf32, #tpu.memory_space<vmem>>, vector<1x128xf32>
    %add3A_20 = vector.broadcast %get3A_19 : vector<1x128xf32> to vector<512x128xf32>
    %add3A_21 = arith.addf %dot_general3A_16, %add3A_20 : vector<512x128xf32>
    %swap3A_22 = arith.constant 0 : index
    %swap3A_23 = arith.constant 0 : index
    %swap3A_24 = vector.load %arg8[%swap3A_22, %swap3A_23] : memref<512x128xf32, #tpu.memory_space<vmem>>, vector<512x128xf32>
    tpu.vector_store %arg8[%swap3A_22, %swap3A_23], %add3A_21 {strides = array<i32>} : memref<512x128xf32, #tpu.memory_space<vmem>>, vector<512x128xf32>,
    %eq3A = arith.constant 0 : i32
    %eq3A_25 = arith.cmpi eq, %arg0, %eq3A : i32
    %convert_element_type3A = arith.extui %eq3A_25 : i1 to i32
    %cond3A = arith.constant 0 : i32
    %cond3A_26 = arith.cmpi ne, %convert_element_type3A, %cond3A : i32
    scf.if %cond3A_26 {
      %broadcast_in_dim3A_45 = arith.constant 0.000000e+00 : f32
      %broadcast_in_dim3A_46 = vector.broadcast %broadcast_in_dim3A_45 : f32 to vector<8x128xf32>
      %swap3A_47 = arith.constant 0 : index
      %swap3A_48 = arith.constant 0 : index
      %swap3A_49 = vector.load %arg9[%swap3A_47, %swap3A_48] : memref<8x128xf32, #tpu.memory_space<vmem>>, vector<8x128xf32>
      tpu.vector_store %arg9[%swap3A_47, %swap3A_48], %broadcast_in_dim3A_46 {strides = array<i32>} : memref<8x128xf32, #tpu.memory_space<vmem>>, vector<8x128xf32>,
    } else {
    }
    %get3A_27 = arith.constant 0 : index
    %get3A_28 = arith.constant 0 : index
    %get3A_29 = vector.load %arg2[%get3A_27, %get3A_28] : memref<512x128xf32, #tpu.memory_space<vmem>>, vector<512x128xf32>
    %reduce_sum3A = arith.constant dense<0.000000e+00> : vector<128xf32>
    %reduce_sum3A_30 = vector.multi_reduction <add>, %get3A_29, %reduce_sum3A [0] : vector<512x128xf32> to vector<128xf32>
    %broadcast_in_dim3A = vector.shape_cast %reduce_sum3A_30 : vector<128xf32> to vector<1x128xf32>
    %get3A_31 = arith.constant 0 : index
    %get3A_32 = arith.constant 0 : index
    %get3A_33 = vector.load %arg9[%get3A_31, %get3A_32] : memref<8x128xf32, #tpu.memory_space<vmem>>, vector<8x128xf32>
    %broadcast_in_dim3A_34 = vector.shape_cast %broadcast_in_dim3A : vector<1x128xf32> to vector<1x128xf32>
    %broadcast_in_dim3A_35 = vector.broadcast %broadcast_in_dim3A_34 : vector<1x128xf32> to vector<8x128xf32>
    %add3A_36 = arith.addf %get3A_33, %broadcast_in_dim3A_35 : vector<8x128xf32>
    %swap3A_37 = arith.constant 0 : index
    %swap3A_38 = arith.constant 0 : index
    %swap3A_39 = vector.load %arg9[%swap3A_37, %swap3A_38] : memref<8x128xf32, #tpu.memory_space<vmem>>, vector<8x128xf32>
    tpu.vector_store %arg9[%swap3A_37, %swap3A_38], %add3A_36 {strides = array<i32>} : memref<8x128xf32, #tpu.memory_space<vmem>>, vector<8x128xf32>,
    %eq3A_40 = arith.constant 19 : i32
    %eq3A_41 = arith.cmpi eq, %arg0, %eq3A_40 : i32
    %convert_element_type3A_42 = arith.extui %eq3A_41 : i1 to i32
    %cond3A_43 = arith.constant 0 : i32
    %cond3A_44 = arith.cmpi ne, %convert_element_type3A_42, %cond3A_43 : i32
    scf.if %cond3A_44 {
      %get3A_45 = arith.constant 0 : index
      %get3A_46 = arith.constant 0 : index
      %get3A_47 = vector.load %arg9[%get3A_45, %get3A_46] : memref<8x128xf32, #tpu.memory_space<vmem>>, vector<1x128xf32>
      %iota3A = tpu.iota {dimensions = array<i32: 0>} : vector<128x4xi32>
      %jit3A = arith.constant 4 : i32
      %eq3A_48 = arith.constant 0 : i32
      %eq3A_49 = arith.cmpi eq, %jit3A, %eq3A_48 : i32
      %jit3A_50 = arith.constant 1 : i32
      %select_n3A = arith.select %eq3A_49, %jit3A_50, %jit3A : i32
      %rem3A = vector.broadcast %select_n3A : i32 to vector<128x4xi32>
      %rem3A_51 = arith.remsi %iota3A, %rem3A : vector<128x4xi32>
      %ne3A = arith.constant 0 : i32
      %ne3A_52 = vector.broadcast %ne3A : i32 to vector<128x4xi32>
      %ne3A_53 = arith.cmpi ne, %rem3A_51, %ne3A_52 : vector<128x4xi32>
      %lt3A = arith.constant 0 : i32
      %lt3A_54 = vector.broadcast %lt3A : i32 to vector<128x4xi32>
      %lt3A_55 = arith.cmpi slt, %rem3A_51, %lt3A_54 : vector<128x4xi32>
      %lt3A_56 = arith.constant 0 : i32
      %lt3A_57 = arith.cmpi slt, %select_n3A, %lt3A_56 : i32
      %ne3A_58 = vector.broadcast %lt3A_57 : i1 to vector<128x4xi1>
      %ne3A_59 = vector.broadcast %ne3A_58 : vector<128x4xi1> to vector<128x4xi1>
      %ne3A_60 = arith.xori %lt3A_55, %ne3A_59 : vector<128x4xi1>
      %and3A = arith.andi %ne3A_60, %ne3A_53 : vector<128x4xi1>
      %add3A_61 = vector.broadcast %select_n3A : i32 to vector<128x4xi32>
      %add3A_62 = arith.addi %rem3A_51, %add3A_61 : vector<128x4xi32>
      %select_n3A_63 = arith.select %and3A, %add3A_62, %rem3A_51 : vector<128x4xi1>, vector<128x4xi32>
      %iota3A_64 = tpu.iota {dimensions = array<i32: 1>} : vector<128x4xi32>
      %eq3A_65 = arith.cmpi eq, %select_n3A_63, %iota3A_64 : vector<128x4xi32>
      %convert_element_type3A_66 = arith.extui %eq3A_65 : vector<128x4xi1> to vector<128x4xi32>
      %convert_element_type3A_67 = arith.sitofp %convert_element_type3A_66 : vector<128x4xi32> to vector<128x4xf32>
      %dot_general3A_68 = arith.constant dense<0.000000e+00> : vector<1x4xf32>
      %dot_general3A_69 = tpu.matmul %get3A_47, %convert_element_type3A_67, %dot_general3A_68 {dimension_numbers = #tpu.dot_dimension_numbers<[1], [0], [0], [1], [0, 0, 1, 1], [], []>, transpose_lhs_hint = false} : vector<1x128xf32>, vector<128x4xf32>, vector<1x4xf32> -> vector<1x4xf32>
      %div3A = arith.constant 3.200000e+05 : f32
      %div3A_70 = vector.broadcast %div3A : f32 to vector<1x4xf32>
      %div3A_71 = arith.divf %dot_general3A_69, %div3A_70 : vector<1x4xf32>
      %broadcast_in_dim3A_72 = vector.shape_cast %div3A_71 : vector<1x4xf32> to vector<1x4xf32>
      %broadcast_in_dim3A_73 = vector.broadcast %broadcast_in_dim3A_72 : vector<1x4xf32> to vector<8x4xf32>
      %broadcast_in_dim3A_74 = arith.constant 0.000000e+00 : f32
      %broadcast_in_dim3A_75 = vector.broadcast %broadcast_in_dim3A_74 : f32 to vector<8x124xf32>
      %concatenate3A = tpu.concatenate %broadcast_in_dim3A_73, %broadcast_in_dim3A_75 in 1 : vector<8x4xf32>, vector<8x124xf32> -> vector<8x128xf32>
      %swap3A_76 = arith.constant 0 : index
      %swap3A_77 = arith.constant 0 : index
      %swap3A_78 = vector.load %arg9[%swap3A_76, %swap3A_77] : memref<8x128xf32, #tpu.memory_space<vmem>>, vector<8x128xf32>
      tpu.vector_store %arg9[%swap3A_76, %swap3A_77], %concatenate3A {strides = array<i32>} : memref<8x128xf32, #tpu.memory_space<vmem>>, vector<8x128xf32>,
    } else {
    }
    return
  }
  func.func @transform_0(%arg0: i32) -> (i32, i32) {
    %c0_i32 = arith.constant 0 : i32
    %c0_i32_0 = arith.constant 0 : i32
    return %arg0, %c0_i32 : i32, i32
  }
  func.func @transform_1(%arg0: i32) -> (i32, i32) {
    %c0_i32 = arith.constant 0 : i32
    %c0_i32_0 = arith.constant 0 : i32
    return %arg0, %c0_i32 : i32, i32
  }
  func.func @transform_2(%arg0: i32) -> (i32, i32) {
    %c0_i32 = arith.constant 0 : i32
    %c0_i32_0 = arith.constant 0 : i32
    %c0_i32_1 = arith.constant 0 : i32
    return %c0_i32, %c0_i32_0 : i32, i32
  }
  func.func @transform_3(%arg0: i32) -> (i32, i32) {
    %c0_i32 = arith.constant 0 : i32
    %c0_i32_0 = arith.constant 0 : i32
    %c0_i32_1 = arith.constant 0 : i32
    return %c0_i32, %c0_i32_0 : i32, i32
  }
  func.func @transform_4(%arg0: i32) -> (i32, i32) {
    %c0_i32 = arith.constant 0 : i32
    %c0_i32_0 = arith.constant 0 : i32
    %c0_i32_1 = arith.constant 0 : i32
    return %c0_i32, %c0_i32_0 : i32, i32
  }
  func.func @transform_5(%arg0: i32) -> (i32, i32) {
    %c0_i32 = arith.constant 0 : i32
    %c0_i32_0 = arith.constant 0 : i32
    %c0_i32_1 = arith.constant 0 : i32
    return %c0_i32, %c0_i32_0 : i32, i32
  }
  func.func @transform_6(%arg0: i32) -> (i32, i32) {
    %c0_i32 = arith.constant 0 : i32
    %c0_i32_0 = arith.constant 0 : i32
    return %arg0, %c0_i32 : i32, i32
  }
  func.func @transform_7(%arg0: i32) -> (i32, i32) {
    %c0_i32 = arith.constant 0 : i32
    %c0_i32_0 = arith.constant 0 : i32
    return %arg0, %c0_i32 : i32, i32
  }
  func.func @transform_8(%arg0: i32) -> (i32, i32) {
    %c0_i32 = arith.constant 0 : i32
    %c0_i32_0 = arith.constant 0 : i32
    %c0_i32_1 = arith.constant 0 : i32
    return %c0_i32, %c0_i32_0 : i32, i32
  }
}

module attributes {stable_mosaic.version = 14 : i64} {
  func.func @_combine_mm_body(%arg0: i32, %arg1: memref<2x512x128xf32, #tpu.memory_space<vmem>>, %arg2: memref<2x512x8xf32, #tpu.memory_space<vmem>>, %arg3: memref<512x128xf32, #tpu.memory_space<vmem>>, %arg4: memref<1x128xf32, #tpu.memory_space<vmem>>, %arg5: memref<1x128xf32, #tpu.memory_space<vmem>>, %arg6: memref<1x128xf32, #tpu.memory_space<vmem>>, %arg7: memref<128x128xf32, #tpu.memory_space<vmem>>, %arg8: memref<1x128xf32, #tpu.memory_space<vmem>>, %arg9: memref<128x128xf32, #tpu.memory_space<vmem>>, %arg10: memref<1x128xf32, #tpu.memory_space<vmem>>, %arg11: memref<512x128xf32, #tpu.memory_space<vmem>>, %arg12: memref<512x128xf32, #tpu.memory_space<vmem>>, %arg13: memref<512x128xf32, #tpu.memory_space<vmem>>) attributes {dimension_semantics = [#tpu.dimension_semantics<arbitrary>], iteration_bounds = array<i64: 20>, scalar_prefetch = 0 : i64, scratch_operands = 0 : i64, tpu.core_type = #tpu.core_type<tc>, window_params = [{transform_indices = @transform_0, window_bounds = array<i64: 2, 512, 128>}, {transform_indices = @transform_1, window_bounds = array<i64: 2, 512, 8>}, {transform_indices = @transform_2, window_bounds = array<i64: 512, 128>}, {pipeline_mode = #tpu.pipeline_mode<synchronous>, transform_indices = @transform_3, window_bounds = array<i64: 1, 128>}, {pipeline_mode = #tpu.pipeline_mode<synchronous>, transform_indices = @transform_4, window_bounds = array<i64: 1, 128>}, {pipeline_mode = #tpu.pipeline_mode<synchronous>, transform_indices = @transform_5, window_bounds = array<i64: 1, 128>}, {pipeline_mode = #tpu.pipeline_mode<synchronous>, transform_indices = @transform_6, window_bounds = array<i64: 128, 128>}, {pipeline_mode = #tpu.pipeline_mode<synchronous>, transform_indices = @transform_7, window_bounds = array<i64: 1, 128>}, {pipeline_mode = #tpu.pipeline_mode<synchronous>, transform_indices = @transform_8, window_bounds = array<i64: 128, 128>}, {pipeline_mode = #tpu.pipeline_mode<synchronous>, transform_indices = @transform_9, window_bounds = array<i64: 1, 128>}, {transform_indices = @transform_10, window_bounds = array<i64: 512, 128>}, {transform_indices = @transform_11, window_bounds = array<i64: 512, 128>}, {transform_indices = @transform_12, window_bounds = array<i64: 512, 128>}]} {
    %get3A = arith.constant 0 : index
    %get3A_0 = arith.constant 0 : index
    %get3A_1 = arith.constant 0 : index
    %get3A_2 = vector.load %arg1[%get3A, %get3A_0, %get3A_1] : memref<2x512x128xf32, #tpu.memory_space<vmem>>, vector<1x512x128xf32>
    %get3A_3 = vector.shape_cast %get3A_2 : vector<1x512x128xf32> to vector<512x128xf32>
    %get3A_4 = arith.constant 1 : index
    %get3A_5 = arith.constant 0 : index
    %get3A_6 = arith.constant 0 : index
    %get3A_7 = vector.load %arg1[%get3A_4, %get3A_5, %get3A_6] : memref<2x512x128xf32, #tpu.memory_space<vmem>>, vector<1x512x128xf32>
    %get3A_8 = vector.shape_cast %get3A_7 : vector<1x512x128xf32> to vector<512x128xf32>
    %add3A = arith.addf %get3A_3, %get3A_8 : vector<512x128xf32>
    %get3A_9 = arith.constant 0 : index
    %get3A_10 = arith.constant 0 : index
    %get3A_11 = arith.constant 0 : index
    %get3A_12 = vector.load %arg2[%get3A_9, %get3A_10, %get3A_11] : memref<2x512x8xf32, #tpu.memory_space<vmem>>, vector<2x512x8xf32>
    %reduce_sum3A = arith.constant dense<0.000000e+00> : vector<512x8xf32>
    %reduce_sum3A_13 = vector.multi_reduction <add>, %get3A_12, %reduce_sum3A [0] : vector<2x512x8xf32> to vector<512x8xf32>
    %iota3A = tpu.iota {dimensions = array<i32: 1>} : vector<8x128xi32>
    %jit3A = arith.constant 16 : i32
    %div3A = vector.broadcast %jit3A : i32 to vector<8x128xi32>
    %div3A_14 = arith.divsi %iota3A, %div3A : vector<8x128xi32>
    %sign3A = arith.constant 0 : i32
    %sign3A_15 = vector.broadcast %sign3A : i32 to vector<8x128xi32>
    %sign3A_16 = arith.cmpi sgt, %iota3A, %sign3A_15 : vector<8x128xi32>
    %sign3A_17 = arith.extui %sign3A_16 : vector<8x128xi1> to vector<8x128xi32>
    %sign3A_18 = arith.constant 0 : i32
    %sign3A_19 = vector.broadcast %sign3A_18 : i32 to vector<8x128xi32>
    %sign3A_20 = arith.cmpi slt, %iota3A, %sign3A_19 : vector<8x128xi32>
    %sign3A_21 = arith.extui %sign3A_20 : vector<8x128xi1> to vector<8x128xi32>
    %sign3A_22 = arith.subi %sign3A_17, %sign3A_21 : vector<8x128xi32>
    %sign3A_23 = arith.constant 0 : i32
    %sign3A_24 = arith.cmpi sgt, %jit3A, %sign3A_23 : i32
    %sign3A_25 = arith.extui %sign3A_24 : i1 to i32
    %sign3A_26 = arith.constant 0 : i32
    %sign3A_27 = arith.cmpi slt, %jit3A, %sign3A_26 : i32
    %sign3A_28 = arith.extui %sign3A_27 : i1 to i32
    %sign3A_29 = arith.subi %sign3A_25, %sign3A_28 : i32
    %ne3A = vector.broadcast %sign3A_29 : i32 to vector<8x128xi32>
    %ne3A_30 = arith.cmpi ne, %sign3A_22, %ne3A : vector<8x128xi32>
    %rem3A = vector.broadcast %jit3A : i32 to vector<8x128xi32>
    %rem3A_31 = arith.remsi %iota3A, %rem3A : vector<8x128xi32>
    %ne3A_32 = arith.constant 0 : i32
    %ne3A_33 = vector.broadcast %ne3A_32 : i32 to vector<8x128xi32>
    %ne3A_34 = arith.cmpi ne, %rem3A_31, %ne3A_33 : vector<8x128xi32>
    %and3A = arith.andi %ne3A_30, %ne3A_34 : vector<8x128xi1>
    %sub3A = arith.constant 1 : i32
    %sub3A_35 = vector.broadcast %sub3A : i32 to vector<8x128xi32>
    %sub3A_36 = arith.subi %div3A_14, %sub3A_35 : vector<8x128xi32>
    %select_n3A = arith.select %and3A, %sub3A_36, %div3A_14 : vector<8x128xi1>, vector<8x128xi32>
    %iota3A_37 = tpu.iota {dimensions = array<i32: 0>} : vector<8x128xi32>
    %eq3A = arith.cmpi eq, %select_n3A, %iota3A_37 : vector<8x128xi32>
    %convert_element_type3A = arith.extui %eq3A : vector<8x128xi1> to vector<8x128xi32>
    %convert_element_type3A_38 = arith.sitofp %convert_element_type3A : vector<8x128xi32> to vector<8x128xf32>
    %dot_general3A = arith.constant dense<0.000000e+00> : vector<512x128xf32>
    %dot_general3A_39 = tpu.matmul %reduce_sum3A_13, %convert_element_type3A_38, %dot_general3A {dimension_numbers = #tpu.dot_dimension_numbers<[1], [0], [0], [1], [0, 0, 1, 1], [], []>, transpose_lhs_hint = false} : vector<512x8xf32>, vector<8x128xf32>, vector<512x128xf32> -> vector<512x128xf32>
    %add3A_40 = arith.constant 1.000000e-16 : f32
    %add3A_41 = vector.broadcast %add3A_40 : f32 to vector<512x128xf32>
    %add3A_42 = arith.addf %dot_general3A_39, %add3A_41 : vector<512x128xf32>
    %div3A_43 = arith.divf %add3A, %add3A_42 : vector<512x128xf32>
    %get3A_44 = arith.constant 0 : index
    %get3A_45 = arith.constant 0 : index
    %get3A_46 = vector.load %arg4[%get3A_44, %get3A_45] : memref<1x128xf32, #tpu.memory_space<vmem>>, vector<1x128xf32>
    %add3A_47 = vector.broadcast %get3A_46 : vector<1x128xf32> to vector<512x128xf32>
    %add3A_48 = arith.addf %div3A_43, %add3A_47 : vector<512x128xf32>
    %gt3A = arith.constant 0.000000e+00 : f32
    %gt3A_49 = vector.broadcast %gt3A : f32 to vector<512x128xf32>
    %gt3A_50 = arith.cmpf ogt, %add3A_48, %gt3A_49 : vector<512x128xf32>
    %min3A = arith.constant 0.000000e+00 : f32
    %min3A_51 = vector.broadcast %min3A : f32 to vector<512x128xf32>
    %min3A_52 = arith.minimumf %add3A_48, %min3A_51 : vector<512x128xf32>
    %exp3A = math.exp %min3A_52 : vector<512x128xf32>
    %sub3A_53 = arith.constant 1.000000e+00 : f32
    %sub3A_54 = vector.broadcast %sub3A_53 : f32 to vector<512x128xf32>
    %sub3A_55 = arith.subf %exp3A, %sub3A_54 : vector<512x128xf32>
    %select_n3A_56 = arith.select %gt3A_50, %add3A_48, %sub3A_55 : vector<512x128xi1>, vector<512x128xf32>
    %get3A_57 = arith.constant 0 : index
    %get3A_58 = arith.constant 0 : index
    %get3A_59 = vector.load %arg5[%get3A_57, %get3A_58] : memref<1x128xf32, #tpu.memory_space<vmem>>, vector<1x128xf32>
    %get3A_60 = arith.constant 0 : index
    %get3A_61 = arith.constant 0 : index
    %get3A_62 = vector.load %arg6[%get3A_60, %get3A_61] : memref<1x128xf32, #tpu.memory_space<vmem>>, vector<1x128xf32>
    %reduce_sum3A_63 = arith.constant dense<0.000000e+00> : vector<512xf32>
    %reduce_sum3A_64 = vector.multi_reduction <add>, %select_n3A_56, %reduce_sum3A_63 [1] : vector<512x128xf32> to vector<512xf32>
    %broadcast_in_dim3A = vector.shape_cast %reduce_sum3A_64 : vector<512xf32> to vector<512x1xf32>
    %div3A_65 = arith.constant 1.280000e+02 : f32
    %div3A_66 = vector.broadcast %div3A_65 : f32 to vector<512x1xf32>
    %div3A_67 = arith.divf %broadcast_in_dim3A, %div3A_66 : vector<512x1xf32>
    %jit3A_68 = arith.constant 0 : i32
    %reduce_sum3A_69 = arith.constant dense<0.000000e+00> : vector<512xf32>
    %reduce_sum3A_70 = vector.multi_reduction <add>, %select_n3A_56, %reduce_sum3A_69 [1] : vector<512x128xf32> to vector<512xf32>
    %broadcast_in_dim3A_71 = vector.shape_cast %reduce_sum3A_70 : vector<512xf32> to vector<512x1xf32>
    %div3A_72 = arith.constant 1.280000e+02 : f32
    %div3A_73 = vector.broadcast %div3A_72 : f32 to vector<512x1xf32>
    %div3A_74 = arith.divf %broadcast_in_dim3A_71, %div3A_73 : vector<512x1xf32>
    %sub3A_75 = vector.broadcast %div3A_74 : vector<512x1xf32> to vector<512x128xf32>
    %sub3A_76 = arith.subf %select_n3A_56, %sub3A_75 : vector<512x128xf32>
    %square3A = arith.mulf %sub3A_76, %sub3A_76 : vector<512x128xf32>
    %convert_element_type3A_77 = arith.sitofp %jit3A_68 : i32 to f32
    %sub3A_78 = arith.constant 1.280000e+02 : f32
    %sub3A_79 = arith.subf %sub3A_78, %convert_element_type3A_77 : f32
    %reduce_sum3A_80 = arith.constant dense<0.000000e+00> : vector<512xf32>
    %reduce_sum3A_81 = vector.multi_reduction <add>, %square3A, %reduce_sum3A_80 [1] : vector<512x128xf32> to vector<512xf32>
    %broadcast_in_dim3A_82 = vector.shape_cast %reduce_sum3A_81 : vector<512xf32> to vector<512x1xf32>
    %div3A_83 = vector.broadcast %sub3A_79 : f32 to vector<512x1xf32>
    %div3A_84 = arith.divf %broadcast_in_dim3A_82, %div3A_83 : vector<512x1xf32>
    %gt3A_85 = arith.constant 0.000000e+00 : f32
    %gt3A_86 = arith.cmpf ogt, %sub3A_79, %gt3A_85 : f32
    %jit3A_87 = arith.constant 0x7FC00000 : f32
    %broadcast_in_dim3A_88 = vector.broadcast %jit3A_87 : f32 to vector<512x1xf32>
    %select_n3A_89 = arith.select %gt3A_86, %div3A_84, %broadcast_in_dim3A_88 : vector<512x1xf32>
    %sub3A_90 = vector.broadcast %div3A_67 : vector<512x1xf32> to vector<512x128xf32>
    %sub3A_91 = arith.subf %select_n3A_56, %sub3A_90 : vector<512x128xf32>
    %add3A_92 = arith.constant 9.99999974E-6 : f32
    %add3A_93 = vector.broadcast %add3A_92 : f32 to vector<512x1xf32>
    %add3A_94 = arith.addf %select_n3A_89, %add3A_93 : vector<512x1xf32>
    %sqrt3A = math.sqrt %add3A_94 : vector<512x1xf32>
    %div3A_95 = vector.broadcast %sqrt3A : vector<512x1xf32> to vector<512x128xf32>
    %div3A_96 = arith.divf %sub3A_91, %div3A_95 : vector<512x128xf32>
    %mul3A = vector.broadcast %get3A_59 : vector<1x128xf32> to vector<512x128xf32>
    %mul3A_97 = arith.mulf %div3A_96, %mul3A : vector<512x128xf32>
    %add3A_98 = vector.broadcast %get3A_62 : vector<1x128xf32> to vector<512x128xf32>
    %add3A_99 = arith.addf %mul3A_97, %add3A_98 : vector<512x128xf32>
    %get3A_100 = arith.constant 0 : index
    %get3A_101 = arith.constant 0 : index
    %get3A_102 = vector.load %arg3[%get3A_100, %get3A_101] : memref<512x128xf32, #tpu.memory_space<vmem>>, vector<512x128xf32>
    %add3A_103 = arith.addf %add3A_99, %get3A_102 : vector<512x128xf32>
    %swap3A = arith.constant 0 : index
    %swap3A_104 = arith.constant 0 : index
    %swap3A_105 = vector.load %arg11[%swap3A, %swap3A_104] : memref<512x128xf32, #tpu.memory_space<vmem>>, vector<512x128xf32>
    tpu.vector_store %arg11[%swap3A, %swap3A_104], %add3A_103 {strides = array<i32>} : memref<512x128xf32, #tpu.memory_space<vmem>>, vector<512x128xf32>,
    %get3A_106 = arith.constant 0 : index
    %get3A_107 = arith.constant 0 : index
    %get3A_108 = vector.load %arg7[%get3A_106, %get3A_107] : memref<128x128xf32, #tpu.memory_space<vmem>>, vector<128x128xf32>
    %dot_general3A_109 = arith.constant dense<0.000000e+00> : vector<512x128xf32>
    %dot_general3A_110 = tpu.matmul %add3A_103, %get3A_108, %dot_general3A_109 {dimension_numbers = #tpu.dot_dimension_numbers<[1], [0], [0], [1], [0, 0, 1, 1], [], []>, transpose_lhs_hint = false} : vector<512x128xf32>, vector<128x128xf32>, vector<512x128xf32> -> vector<512x128xf32>
    %get3A_111 = arith.constant 0 : index
    %get3A_112 = arith.constant 0 : index
    %get3A_113 = vector.load %arg8[%get3A_111, %get3A_112] : memref<1x128xf32, #tpu.memory_space<vmem>>, vector<1x128xf32>
    %add3A_114 = vector.broadcast %get3A_113 : vector<1x128xf32> to vector<512x128xf32>
    %add3A_115 = arith.addf %dot_general3A_110, %add3A_114 : vector<512x128xf32>
    %swap3A_116 = arith.constant 0 : index
    %swap3A_117 = arith.constant 0 : index
    %swap3A_118 = vector.load %arg12[%swap3A_116, %swap3A_117] : memref<512x128xf32, #tpu.memory_space<vmem>>, vector<512x128xf32>
    tpu.vector_store %arg12[%swap3A_116, %swap3A_117], %add3A_115 {strides = array<i32>} : memref<512x128xf32, #tpu.memory_space<vmem>>, vector<512x128xf32>,
    %get3A_119 = arith.constant 0 : index
    %get3A_120 = arith.constant 0 : index
    %get3A_121 = vector.load %arg9[%get3A_119, %get3A_120] : memref<128x128xf32, #tpu.memory_space<vmem>>, vector<128x128xf32>
    %dot_general3A_122 = arith.constant dense<0.000000e+00> : vector<512x128xf32>
    %dot_general3A_123 = tpu.matmul %add3A_103, %get3A_121, %dot_general3A_122 {dimension_numbers = #tpu.dot_dimension_numbers<[1], [0], [0], [1], [0, 0, 1, 1], [], []>, transpose_lhs_hint = false} : vector<512x128xf32>, vector<128x128xf32>, vector<512x128xf32> -> vector<512x128xf32>
    %get3A_124 = arith.constant 0 : index
    %get3A_125 = arith.constant 0 : index
    %get3A_126 = vector.load %arg10[%get3A_124, %get3A_125] : memref<1x128xf32, #tpu.memory_space<vmem>>, vector<1x128xf32>
    %add3A_127 = vector.broadcast %get3A_126 : vector<1x128xf32> to vector<512x128xf32>
    %add3A_128 = arith.addf %dot_general3A_123, %add3A_127 : vector<512x128xf32>
    %swap3A_129 = arith.constant 0 : index
    %swap3A_130 = arith.constant 0 : index
    %swap3A_131 = vector.load %arg13[%swap3A_129, %swap3A_130] : memref<512x128xf32, #tpu.memory_space<vmem>>, vector<512x128xf32>
    tpu.vector_store %arg13[%swap3A_129, %swap3A_130], %add3A_128 {strides = array<i32>} : memref<512x128xf32, #tpu.memory_space<vmem>>, vector<512x128xf32>,
    return
  }
  func.func @transform_0(%arg0: i32) -> (i32, i32, i32) {
    %c0_i32 = arith.constant 0 : i32
    %c0_i32_0 = arith.constant 0 : i32
    %c0_i32_1 = arith.constant 0 : i32
    return %c0_i32, %arg0, %c0_i32_0 : i32, i32, i32
  }
  func.func @transform_1(%arg0: i32) -> (i32, i32, i32) {
    %c0_i32 = arith.constant 0 : i32
    %c0_i32_0 = arith.constant 0 : i32
    %c0_i32_1 = arith.constant 0 : i32
    return %c0_i32, %arg0, %c0_i32_0 : i32, i32, i32
  }
  func.func @transform_2(%arg0: i32) -> (i32, i32) {
    %c0_i32 = arith.constant 0 : i32
    %c0_i32_0 = arith.constant 0 : i32
    return %arg0, %c0_i32 : i32, i32
  }
  func.func @transform_3(%arg0: i32) -> (i32, i32) {
    %c0_i32 = arith.constant 0 : i32
    %c0_i32_0 = arith.constant 0 : i32
    %c0_i32_1 = arith.constant 0 : i32
    return %c0_i32, %c0_i32_0 : i32, i32
  }
  func.func @transform_4(%arg0: i32) -> (i32, i32) {
    %c0_i32 = arith.constant 0 : i32
    %c0_i32_0 = arith.constant 0 : i32
    %c0_i32_1 = arith.constant 0 : i32
    return %c0_i32, %c0_i32_0 : i32, i32
  }
  func.func @transform_5(%arg0: i32) -> (i32, i32) {
    %c0_i32 = arith.constant 0 : i32
    %c0_i32_0 = arith.constant 0 : i32
    %c0_i32_1 = arith.constant 0 : i32
    return %c0_i32, %c0_i32_0 : i32, i32
  }
  func.func @transform_6(%arg0: i32) -> (i32, i32) {
    %c0_i32 = arith.constant 0 : i32
    %c0_i32_0 = arith.constant 0 : i32
    %c0_i32_1 = arith.constant 0 : i32
    return %c0_i32, %c0_i32_0 : i32, i32
  }
  func.func @transform_7(%arg0: i32) -> (i32, i32) {
    %c0_i32 = arith.constant 0 : i32
    %c0_i32_0 = arith.constant 0 : i32
    %c0_i32_1 = arith.constant 0 : i32
    return %c0_i32, %c0_i32_0 : i32, i32
  }
  func.func @transform_8(%arg0: i32) -> (i32, i32) {
    %c0_i32 = arith.constant 0 : i32
    %c0_i32_0 = arith.constant 0 : i32
    %c0_i32_1 = arith.constant 0 : i32
    return %c0_i32, %c0_i32_0 : i32, i32
  }
  func.func @transform_9(%arg0: i32) -> (i32, i32) {
    %c0_i32 = arith.constant 0 : i32
    %c0_i32_0 = arith.constant 0 : i32
    %c0_i32_1 = arith.constant 0 : i32
    return %c0_i32, %c0_i32_0 : i32, i32
  }
  func.func @transform_10(%arg0: i32) -> (i32, i32) {
    %c0_i32 = arith.constant 0 : i32
    %c0_i32_0 = arith.constant 0 : i32
    return %arg0, %c0_i32 : i32, i32
  }
  func.func @transform_11(%arg0: i32) -> (i32, i32) {
    %c0_i32 = arith.constant 0 : i32
    %c0_i32_0 = arith.constant 0 : i32
    return %arg0, %c0_i32 : i32, i32
  }
  func.func @transform_12(%arg0: i32) -> (i32, i32) {
    %c0_i32 = arith.constant 0 : i32
    %c0_i32_0 = arith.constant 0 : i32
    return %arg0, %c0_i32 : i32, i32
  }
}

module attributes {stable_mosaic.version = 14 : i64} {
  func.func @_combine_mm_body(%arg0: i32, %arg1: memref<2x512x128xf32, #tpu.memory_space<vmem>>, %arg2: memref<2x512x8xf32, #tpu.memory_space<vmem>>, %arg3: memref<512x128xf32, #tpu.memory_space<vmem>>, %arg4: memref<1x128xf32, #tpu.memory_space<vmem>>, %arg5: memref<1x128xf32, #tpu.memory_space<vmem>>, %arg6: memref<1x128xf32, #tpu.memory_space<vmem>>, %arg7: memref<128x128xf32, #tpu.memory_space<vmem>>, %arg8: memref<1x128xf32, #tpu.memory_space<vmem>>, %arg9: memref<128x128xf32, #tpu.memory_space<vmem>>, %arg10: memref<1x128xf32, #tpu.memory_space<vmem>>, %arg11: memref<512x128xf32, #tpu.memory_space<vmem>>, %arg12: memref<512x128xf32, #tpu.memory_space<vmem>>, %arg13: memref<512x128xf32, #tpu.memory_space<vmem>>) attributes {dimension_semantics = [#tpu.dimension_semantics<arbitrary>], iteration_bounds = array<i64: 20>, scalar_prefetch = 0 : i64, scratch_operands = 0 : i64, tpu.core_type = #tpu.core_type<tc>, window_params = [{transform_indices = @transform_0, window_bounds = array<i64: 2, 512, 128>}, {transform_indices = @transform_1, window_bounds = array<i64: 2, 512, 8>}, {transform_indices = @transform_2, window_bounds = array<i64: 512, 128>}, {pipeline_mode = #tpu.pipeline_mode<synchronous>, transform_indices = @transform_3, window_bounds = array<i64: 1, 128>}, {pipeline_mode = #tpu.pipeline_mode<synchronous>, transform_indices = @transform_4, window_bounds = array<i64: 1, 128>}, {pipeline_mode = #tpu.pipeline_mode<synchronous>, transform_indices = @transform_5, window_bounds = array<i64: 1, 128>}, {pipeline_mode = #tpu.pipeline_mode<synchronous>, transform_indices = @transform_6, window_bounds = array<i64: 128, 128>}, {pipeline_mode = #tpu.pipeline_mode<synchronous>, transform_indices = @transform_7, window_bounds = array<i64: 1, 128>}, {pipeline_mode = #tpu.pipeline_mode<synchronous>, transform_indices = @transform_8, window_bounds = array<i64: 128, 128>}, {pipeline_mode = #tpu.pipeline_mode<synchronous>, transform_indices = @transform_9, window_bounds = array<i64: 1, 128>}, {transform_indices = @transform_10, window_bounds = array<i64: 512, 128>}, {transform_indices = @transform_11, window_bounds = array<i64: 512, 128>}, {transform_indices = @transform_12, window_bounds = array<i64: 512, 128>}]} {
    %get3A = arith.constant 0 : index
    %get3A_0 = arith.constant 0 : index
    %get3A_1 = arith.constant 0 : index
    %get3A_2 = vector.load %arg1[%get3A, %get3A_0, %get3A_1] : memref<2x512x128xf32, #tpu.memory_space<vmem>>, vector<1x512x128xf32>
    %get3A_3 = vector.shape_cast %get3A_2 : vector<1x512x128xf32> to vector<512x128xf32>
    %get3A_4 = arith.constant 1 : index
    %get3A_5 = arith.constant 0 : index
    %get3A_6 = arith.constant 0 : index
    %get3A_7 = vector.load %arg1[%get3A_4, %get3A_5, %get3A_6] : memref<2x512x128xf32, #tpu.memory_space<vmem>>, vector<1x512x128xf32>
    %get3A_8 = vector.shape_cast %get3A_7 : vector<1x512x128xf32> to vector<512x128xf32>
    %add3A = arith.addf %get3A_3, %get3A_8 : vector<512x128xf32>
    %get3A_9 = arith.constant 0 : index
    %get3A_10 = arith.constant 0 : index
    %get3A_11 = arith.constant 0 : index
    %get3A_12 = vector.load %arg2[%get3A_9, %get3A_10, %get3A_11] : memref<2x512x8xf32, #tpu.memory_space<vmem>>, vector<2x512x8xf32>
    %reduce_sum3A = arith.constant dense<0.000000e+00> : vector<512x8xf32>
    %reduce_sum3A_13 = vector.multi_reduction <add>, %get3A_12, %reduce_sum3A [0] : vector<2x512x8xf32> to vector<512x8xf32>
    %iota3A = tpu.iota {dimensions = array<i32: 1>} : vector<8x128xi32>
    %jit3A = arith.constant 16 : i32
    %div3A = vector.broadcast %jit3A : i32 to vector<8x128xi32>
    %div3A_14 = arith.divsi %iota3A, %div3A : vector<8x128xi32>
    %sign3A = arith.constant 0 : i32
    %sign3A_15 = vector.broadcast %sign3A : i32 to vector<8x128xi32>
    %sign3A_16 = arith.cmpi sgt, %iota3A, %sign3A_15 : vector<8x128xi32>
    %sign3A_17 = arith.extui %sign3A_16 : vector<8x128xi1> to vector<8x128xi32>
    %sign3A_18 = arith.constant 0 : i32
    %sign3A_19 = vector.broadcast %sign3A_18 : i32 to vector<8x128xi32>
    %sign3A_20 = arith.cmpi slt, %iota3A, %sign3A_19 : vector<8x128xi32>
    %sign3A_21 = arith.extui %sign3A_20 : vector<8x128xi1> to vector<8x128xi32>
    %sign3A_22 = arith.subi %sign3A_17, %sign3A_21 : vector<8x128xi32>
    %sign3A_23 = arith.constant 0 : i32
    %sign3A_24 = arith.cmpi sgt, %jit3A, %sign3A_23 : i32
    %sign3A_25 = arith.extui %sign3A_24 : i1 to i32
    %sign3A_26 = arith.constant 0 : i32
    %sign3A_27 = arith.cmpi slt, %jit3A, %sign3A_26 : i32
    %sign3A_28 = arith.extui %sign3A_27 : i1 to i32
    %sign3A_29 = arith.subi %sign3A_25, %sign3A_28 : i32
    %ne3A = vector.broadcast %sign3A_29 : i32 to vector<8x128xi32>
    %ne3A_30 = arith.cmpi ne, %sign3A_22, %ne3A : vector<8x128xi32>
    %rem3A = vector.broadcast %jit3A : i32 to vector<8x128xi32>
    %rem3A_31 = arith.remsi %iota3A, %rem3A : vector<8x128xi32>
    %ne3A_32 = arith.constant 0 : i32
    %ne3A_33 = vector.broadcast %ne3A_32 : i32 to vector<8x128xi32>
    %ne3A_34 = arith.cmpi ne, %rem3A_31, %ne3A_33 : vector<8x128xi32>
    %and3A = arith.andi %ne3A_30, %ne3A_34 : vector<8x128xi1>
    %sub3A = arith.constant 1 : i32
    %sub3A_35 = vector.broadcast %sub3A : i32 to vector<8x128xi32>
    %sub3A_36 = arith.subi %div3A_14, %sub3A_35 : vector<8x128xi32>
    %select_n3A = arith.select %and3A, %sub3A_36, %div3A_14 : vector<8x128xi1>, vector<8x128xi32>
    %iota3A_37 = tpu.iota {dimensions = array<i32: 0>} : vector<8x128xi32>
    %eq3A = arith.cmpi eq, %select_n3A, %iota3A_37 : vector<8x128xi32>
    %convert_element_type3A = arith.extui %eq3A : vector<8x128xi1> to vector<8x128xi32>
    %convert_element_type3A_38 = arith.sitofp %convert_element_type3A : vector<8x128xi32> to vector<8x128xf32>
    %dot_general3A = arith.constant dense<0.000000e+00> : vector<512x128xf32>
    %dot_general3A_39 = tpu.matmul %reduce_sum3A_13, %convert_element_type3A_38, %dot_general3A {dimension_numbers = #tpu.dot_dimension_numbers<[1], [0], [0], [1], [0, 0, 1, 1], [], []>, transpose_lhs_hint = false} : vector<512x8xf32>, vector<8x128xf32>, vector<512x128xf32> -> vector<512x128xf32>
    %add3A_40 = arith.constant 1.000000e-16 : f32
    %add3A_41 = vector.broadcast %add3A_40 : f32 to vector<512x128xf32>
    %add3A_42 = arith.addf %dot_general3A_39, %add3A_41 : vector<512x128xf32>
    %div3A_43 = arith.divf %add3A, %add3A_42 : vector<512x128xf32>
    %get3A_44 = arith.constant 0 : index
    %get3A_45 = arith.constant 0 : index
    %get3A_46 = vector.load %arg4[%get3A_44, %get3A_45] : memref<1x128xf32, #tpu.memory_space<vmem>>, vector<1x128xf32>
    %add3A_47 = vector.broadcast %get3A_46 : vector<1x128xf32> to vector<512x128xf32>
    %add3A_48 = arith.addf %div3A_43, %add3A_47 : vector<512x128xf32>
    %gt3A = arith.constant 0.000000e+00 : f32
    %gt3A_49 = vector.broadcast %gt3A : f32 to vector<512x128xf32>
    %gt3A_50 = arith.cmpf ogt, %add3A_48, %gt3A_49 : vector<512x128xf32>
    %min3A = arith.constant 0.000000e+00 : f32
    %min3A_51 = vector.broadcast %min3A : f32 to vector<512x128xf32>
    %min3A_52 = arith.minimumf %add3A_48, %min3A_51 : vector<512x128xf32>
    %exp3A = math.exp %min3A_52 : vector<512x128xf32>
    %sub3A_53 = arith.constant 1.000000e+00 : f32
    %sub3A_54 = vector.broadcast %sub3A_53 : f32 to vector<512x128xf32>
    %sub3A_55 = arith.subf %exp3A, %sub3A_54 : vector<512x128xf32>
    %select_n3A_56 = arith.select %gt3A_50, %add3A_48, %sub3A_55 : vector<512x128xi1>, vector<512x128xf32>
    %get3A_57 = arith.constant 0 : index
    %get3A_58 = arith.constant 0 : index
    %get3A_59 = vector.load %arg5[%get3A_57, %get3A_58] : memref<1x128xf32, #tpu.memory_space<vmem>>, vector<1x128xf32>
    %get3A_60 = arith.constant 0 : index
    %get3A_61 = arith.constant 0 : index
    %get3A_62 = vector.load %arg6[%get3A_60, %get3A_61] : memref<1x128xf32, #tpu.memory_space<vmem>>, vector<1x128xf32>
    %reduce_sum3A_63 = arith.constant dense<0.000000e+00> : vector<512xf32>
    %reduce_sum3A_64 = vector.multi_reduction <add>, %select_n3A_56, %reduce_sum3A_63 [1] : vector<512x128xf32> to vector<512xf32>
    %broadcast_in_dim3A = vector.shape_cast %reduce_sum3A_64 : vector<512xf32> to vector<512x1xf32>
    %div3A_65 = arith.constant 1.280000e+02 : f32
    %div3A_66 = vector.broadcast %div3A_65 : f32 to vector<512x1xf32>
    %div3A_67 = arith.divf %broadcast_in_dim3A, %div3A_66 : vector<512x1xf32>
    %jit3A_68 = arith.constant 0 : i32
    %reduce_sum3A_69 = arith.constant dense<0.000000e+00> : vector<512xf32>
    %reduce_sum3A_70 = vector.multi_reduction <add>, %select_n3A_56, %reduce_sum3A_69 [1] : vector<512x128xf32> to vector<512xf32>
    %broadcast_in_dim3A_71 = vector.shape_cast %reduce_sum3A_70 : vector<512xf32> to vector<512x1xf32>
    %div3A_72 = arith.constant 1.280000e+02 : f32
    %div3A_73 = vector.broadcast %div3A_72 : f32 to vector<512x1xf32>
    %div3A_74 = arith.divf %broadcast_in_dim3A_71, %div3A_73 : vector<512x1xf32>
    %sub3A_75 = vector.broadcast %div3A_74 : vector<512x1xf32> to vector<512x128xf32>
    %sub3A_76 = arith.subf %select_n3A_56, %sub3A_75 : vector<512x128xf32>
    %square3A = arith.mulf %sub3A_76, %sub3A_76 : vector<512x128xf32>
    %convert_element_type3A_77 = arith.sitofp %jit3A_68 : i32 to f32
    %sub3A_78 = arith.constant 1.280000e+02 : f32
    %sub3A_79 = arith.subf %sub3A_78, %convert_element_type3A_77 : f32
    %reduce_sum3A_80 = arith.constant dense<0.000000e+00> : vector<512xf32>
    %reduce_sum3A_81 = vector.multi_reduction <add>, %square3A, %reduce_sum3A_80 [1] : vector<512x128xf32> to vector<512xf32>
    %broadcast_in_dim3A_82 = vector.shape_cast %reduce_sum3A_81 : vector<512xf32> to vector<512x1xf32>
    %div3A_83 = vector.broadcast %sub3A_79 : f32 to vector<512x1xf32>
    %div3A_84 = arith.divf %broadcast_in_dim3A_82, %div3A_83 : vector<512x1xf32>
    %gt3A_85 = arith.constant 0.000000e+00 : f32
    %gt3A_86 = arith.cmpf ogt, %sub3A_79, %gt3A_85 : f32
    %jit3A_87 = arith.constant 0x7FC00000 : f32
    %broadcast_in_dim3A_88 = vector.broadcast %jit3A_87 : f32 to vector<512x1xf32>
    %select_n3A_89 = arith.select %gt3A_86, %div3A_84, %broadcast_in_dim3A_88 : vector<512x1xf32>
    %sub3A_90 = vector.broadcast %div3A_67 : vector<512x1xf32> to vector<512x128xf32>
    %sub3A_91 = arith.subf %select_n3A_56, %sub3A_90 : vector<512x128xf32>
    %add3A_92 = arith.constant 9.99999974E-6 : f32
    %add3A_93 = vector.broadcast %add3A_92 : f32 to vector<512x1xf32>
    %add3A_94 = arith.addf %select_n3A_89, %add3A_93 : vector<512x1xf32>
    %sqrt3A = math.sqrt %add3A_94 : vector<512x1xf32>
    %div3A_95 = vector.broadcast %sqrt3A : vector<512x1xf32> to vector<512x128xf32>
    %div3A_96 = arith.divf %sub3A_91, %div3A_95 : vector<512x128xf32>
    %mul3A = vector.broadcast %get3A_59 : vector<1x128xf32> to vector<512x128xf32>
    %mul3A_97 = arith.mulf %div3A_96, %mul3A : vector<512x128xf32>
    %add3A_98 = vector.broadcast %get3A_62 : vector<1x128xf32> to vector<512x128xf32>
    %add3A_99 = arith.addf %mul3A_97, %add3A_98 : vector<512x128xf32>
    %get3A_100 = arith.constant 0 : index
    %get3A_101 = arith.constant 0 : index
    %get3A_102 = vector.load %arg3[%get3A_100, %get3A_101] : memref<512x128xf32, #tpu.memory_space<vmem>>, vector<512x128xf32>
    %add3A_103 = arith.addf %add3A_99, %get3A_102 : vector<512x128xf32>
    %swap3A = arith.constant 0 : index
    %swap3A_104 = arith.constant 0 : index
    %swap3A_105 = vector.load %arg11[%swap3A, %swap3A_104] : memref<512x128xf32, #tpu.memory_space<vmem>>, vector<512x128xf32>
    tpu.vector_store %arg11[%swap3A, %swap3A_104], %add3A_103 {strides = array<i32>} : memref<512x128xf32, #tpu.memory_space<vmem>>, vector<512x128xf32>,
    %get3A_106 = arith.constant 0 : index
    %get3A_107 = arith.constant 0 : index
    %get3A_108 = vector.load %arg7[%get3A_106, %get3A_107] : memref<128x128xf32, #tpu.memory_space<vmem>>, vector<128x128xf32>
    %dot_general3A_109 = arith.constant dense<0.000000e+00> : vector<512x128xf32>
    %dot_general3A_110 = tpu.matmul %add3A_103, %get3A_108, %dot_general3A_109 {dimension_numbers = #tpu.dot_dimension_numbers<[1], [0], [0], [1], [0, 0, 1, 1], [], []>, transpose_lhs_hint = false} : vector<512x128xf32>, vector<128x128xf32>, vector<512x128xf32> -> vector<512x128xf32>
    %get3A_111 = arith.constant 0 : index
    %get3A_112 = arith.constant 0 : index
    %get3A_113 = vector.load %arg8[%get3A_111, %get3A_112] : memref<1x128xf32, #tpu.memory_space<vmem>>, vector<1x128xf32>
    %add3A_114 = vector.broadcast %get3A_113 : vector<1x128xf32> to vector<512x128xf32>
    %add3A_115 = arith.addf %dot_general3A_110, %add3A_114 : vector<512x128xf32>
    %swap3A_116 = arith.constant 0 : index
    %swap3A_117 = arith.constant 0 : index
    %swap3A_118 = vector.load %arg12[%swap3A_116, %swap3A_117] : memref<512x128xf32, #tpu.memory_space<vmem>>, vector<512x128xf32>
    tpu.vector_store %arg12[%swap3A_116, %swap3A_117], %add3A_115 {strides = array<i32>} : memref<512x128xf32, #tpu.memory_space<vmem>>, vector<512x128xf32>,
    %get3A_119 = arith.constant 0 : index
    %get3A_120 = arith.constant 0 : index
    %get3A_121 = vector.load %arg9[%get3A_119, %get3A_120] : memref<128x128xf32, #tpu.memory_space<vmem>>, vector<128x128xf32>
    %dot_general3A_122 = arith.constant dense<0.000000e+00> : vector<512x128xf32>
    %dot_general3A_123 = tpu.matmul %add3A_103, %get3A_121, %dot_general3A_122 {dimension_numbers = #tpu.dot_dimension_numbers<[1], [0], [0], [1], [0, 0, 1, 1], [], []>, transpose_lhs_hint = false} : vector<512x128xf32>, vector<128x128xf32>, vector<512x128xf32> -> vector<512x128xf32>
    %get3A_124 = arith.constant 0 : index
    %get3A_125 = arith.constant 0 : index
    %get3A_126 = vector.load %arg10[%get3A_124, %get3A_125] : memref<1x128xf32, #tpu.memory_space<vmem>>, vector<1x128xf32>
    %add3A_127 = vector.broadcast %get3A_126 : vector<1x128xf32> to vector<512x128xf32>
    %add3A_128 = arith.addf %dot_general3A_123, %add3A_127 : vector<512x128xf32>
    %swap3A_129 = arith.constant 0 : index
    %swap3A_130 = arith.constant 0 : index
    %swap3A_131 = vector.load %arg13[%swap3A_129, %swap3A_130] : memref<512x128xf32, #tpu.memory_space<vmem>>, vector<512x128xf32>
    tpu.vector_store %arg13[%swap3A_129, %swap3A_130], %add3A_128 {strides = array<i32>} : memref<512x128xf32, #tpu.memory_space<vmem>>, vector<512x128xf32>,
    return
  }
  func.func @transform_0(%arg0: i32) -> (i32, i32, i32) {
    %c0_i32 = arith.constant 0 : i32
    %c0_i32_0 = arith.constant 0 : i32
    %c0_i32_1 = arith.constant 0 : i32
    return %c0_i32, %arg0, %c0_i32_0 : i32, i32, i32
  }
  func.func @transform_1(%arg0: i32) -> (i32, i32, i32) {
    %c0_i32 = arith.constant 0 : i32
    %c0_i32_0 = arith.constant 0 : i32
    %c0_i32_1 = arith.constant 0 : i32
    return %c0_i32, %arg0, %c0_i32_0 : i32, i32, i32
  }
  func.func @transform_2(%arg0: i32) -> (i32, i32) {
    %c0_i32 = arith.constant 0 : i32
    %c0_i32_0 = arith.constant 0 : i32
    return %arg0, %c0_i32 : i32, i32
  }
  func.func @transform_3(%arg0: i32) -> (i32, i32) {
    %c0_i32 = arith.constant 0 : i32
    %c0_i32_0 = arith.constant 0 : i32
    %c0_i32_1 = arith.constant 0 : i32
    return %c0_i32, %c0_i32_0 : i32, i32
  }
  func.func @transform_4(%arg0: i32) -> (i32, i32) {
    %c0_i32 = arith.constant 0 : i32
    %c0_i32_0 = arith.constant 0 : i32
    %c0_i32_1 = arith.constant 0 : i32
    return %c0_i32, %c0_i32_0 : i32, i32
  }
  func.func @transform_5(%arg0: i32) -> (i32, i32) {
    %c0_i32 = arith.constant 0 : i32
    %c0_i32_0 = arith.constant 0 : i32
    %c0_i32_1 = arith.constant 0 : i32
    return %c0_i32, %c0_i32_0 : i32, i32
  }
  func.func @transform_6(%arg0: i32) -> (i32, i32) {
    %c0_i32 = arith.constant 0 : i32
    %c0_i32_0 = arith.constant 0 : i32
    %c0_i32_1 = arith.constant 0 : i32
    return %c0_i32, %c0_i32_0 : i32, i32
  }
  func.func @transform_7(%arg0: i32) -> (i32, i32) {
    %c0_i32 = arith.constant 0 : i32
    %c0_i32_0 = arith.constant 0 : i32
    %c0_i32_1 = arith.constant 0 : i32
    return %c0_i32, %c0_i32_0 : i32, i32
  }
  func.func @transform_8(%arg0: i32) -> (i32, i32) {
    %c0_i32 = arith.constant 0 : i32
    %c0_i32_0 = arith.constant 0 : i32
    %c0_i32_1 = arith.constant 0 : i32
    return %c0_i32, %c0_i32_0 : i32, i32
  }
  func.func @transform_9(%arg0: i32) -> (i32, i32) {
    %c0_i32 = arith.constant 0 : i32
    %c0_i32_0 = arith.constant 0 : i32
    %c0_i32_1 = arith.constant 0 : i32
    return %c0_i32, %c0_i32_0 : i32, i32
  }
  func.func @transform_10(%arg0: i32) -> (i32, i32) {
    %c0_i32 = arith.constant 0 : i32
    %c0_i32_0 = arith.constant 0 : i32
    return %arg0, %c0_i32 : i32, i32
  }
  func.func @transform_11(%arg0: i32) -> (i32, i32) {
    %c0_i32 = arith.constant 0 : i32
    %c0_i32_0 = arith.constant 0 : i32
    return %arg0, %c0_i32 : i32, i32
  }
  func.func @transform_12(%arg0: i32) -> (i32, i32) {
    %c0_i32 = arith.constant 0 : i32
    %c0_i32_0 = arith.constant 0 : i32
    return %arg0, %c0_i32 : i32, i32
  }
}

module attributes {stable_mosaic.version = 14 : i64} {
  func.func @_final_body(%arg0: i32, %arg1: memref<2x512x128xf32, #tpu.memory_space<vmem>>, %arg2: memref<2x512x8xf32, #tpu.memory_space<vmem>>, %arg3: memref<1x16xf32, #tpu.memory_space<vmem>>, %arg4: memref<1x16xf32, #tpu.memory_space<vmem>>, %arg5: memref<1x16xf32, #tpu.memory_space<vmem>>, %arg6: memref<16x128xf32, #tpu.memory_space<vmem>>, %arg7: memref<1x128xf32, #tpu.memory_space<vmem>>, %arg8: memref<512x128xf32, #tpu.memory_space<vmem>>) attributes {dimension_semantics = [#tpu.dimension_semantics<arbitrary>], iteration_bounds = array<i64: 20>, scalar_prefetch = 0 : i64, scratch_operands = 0 : i64, tpu.core_type = #tpu.core_type<tc>, window_params = [{transform_indices = @transform_0, window_bounds = array<i64: 2, 512, 128>}, {transform_indices = @transform_1, window_bounds = array<i64: 2, 512, 8>}, {pipeline_mode = #tpu.pipeline_mode<synchronous>, transform_indices = @transform_2, window_bounds = array<i64: 1, 16>}, {pipeline_mode = #tpu.pipeline_mode<synchronous>, transform_indices = @transform_3, window_bounds = array<i64: 1, 16>}, {pipeline_mode = #tpu.pipeline_mode<synchronous>, transform_indices = @transform_4, window_bounds = array<i64: 1, 16>}, {pipeline_mode = #tpu.pipeline_mode<synchronous>, transform_indices = @transform_5, window_bounds = array<i64: 16, 128>}, {pipeline_mode = #tpu.pipeline_mode<synchronous>, transform_indices = @transform_6, window_bounds = array<i64: 1, 128>}, {transform_indices = @transform_7, window_bounds = array<i64: 512, 128>}]} {
    %get3A = arith.constant 0 : index
    %get3A_0 = arith.constant 0 : index
    %get3A_1 = arith.constant 0 : index
    %get3A_2 = vector.load %arg1[%get3A, %get3A_0, %get3A_1] : memref<2x512x128xf32, #tpu.memory_space<vmem>>, vector<1x512x128xf32>
    %get3A_3 = vector.shape_cast %get3A_2 : vector<1x512x128xf32> to vector<512x128xf32>
    %get3A_4 = arith.constant 1 : index
    %get3A_5 = arith.constant 0 : index
    %get3A_6 = arith.constant 0 : index
    %get3A_7 = vector.load %arg1[%get3A_4, %get3A_5, %get3A_6] : memref<2x512x128xf32, #tpu.memory_space<vmem>>, vector<1x512x128xf32>
    %get3A_8 = vector.shape_cast %get3A_7 : vector<1x512x128xf32> to vector<512x128xf32>
    %add3A = arith.addf %get3A_3, %get3A_8 : vector<512x128xf32>
    %get3A_9 = arith.constant 0 : index
    %get3A_10 = arith.constant 0 : index
    %get3A_11 = arith.constant 0 : index
    %get3A_12 = vector.load %arg2[%get3A_9, %get3A_10, %get3A_11] : memref<2x512x8xf32, #tpu.memory_space<vmem>>, vector<2x512x8xf32>
    %reduce_sum3A = arith.constant dense<0.000000e+00> : vector<512x8xf32>
    %reduce_sum3A_13 = vector.multi_reduction <add>, %get3A_12, %reduce_sum3A [0] : vector<2x512x8xf32> to vector<512x8xf32>
    %iota3A = tpu.iota {dimensions = array<i32: 1>} : vector<8x128xi32>
    %jit3A = arith.constant 16 : i32
    %div3A = vector.broadcast %jit3A : i32 to vector<8x128xi32>
    %div3A_14 = arith.divsi %iota3A, %div3A : vector<8x128xi32>
    %sign3A = arith.constant 0 : i32
    %sign3A_15 = vector.broadcast %sign3A : i32 to vector<8x128xi32>
    %sign3A_16 = arith.cmpi sgt, %iota3A, %sign3A_15 : vector<8x128xi32>
    %sign3A_17 = arith.extui %sign3A_16 : vector<8x128xi1> to vector<8x128xi32>
    %sign3A_18 = arith.constant 0 : i32
    %sign3A_19 = vector.broadcast %sign3A_18 : i32 to vector<8x128xi32>
    %sign3A_20 = arith.cmpi slt, %iota3A, %sign3A_19 : vector<8x128xi32>
    %sign3A_21 = arith.extui %sign3A_20 : vector<8x128xi1> to vector<8x128xi32>
    %sign3A_22 = arith.subi %sign3A_17, %sign3A_21 : vector<8x128xi32>
    %sign3A_23 = arith.constant 0 : i32
    %sign3A_24 = arith.cmpi sgt, %jit3A, %sign3A_23 : i32
    %sign3A_25 = arith.extui %sign3A_24 : i1 to i32
    %sign3A_26 = arith.constant 0 : i32
    %sign3A_27 = arith.cmpi slt, %jit3A, %sign3A_26 : i32
    %sign3A_28 = arith.extui %sign3A_27 : i1 to i32
    %sign3A_29 = arith.subi %sign3A_25, %sign3A_28 : i32
    %ne3A = vector.broadcast %sign3A_29 : i32 to vector<8x128xi32>
    %ne3A_30 = arith.cmpi ne, %sign3A_22, %ne3A : vector<8x128xi32>
    %rem3A = vector.broadcast %jit3A : i32 to vector<8x128xi32>
    %rem3A_31 = arith.remsi %iota3A, %rem3A : vector<8x128xi32>
    %ne3A_32 = arith.constant 0 : i32
    %ne3A_33 = vector.broadcast %ne3A_32 : i32 to vector<8x128xi32>
    %ne3A_34 = arith.cmpi ne, %rem3A_31, %ne3A_33 : vector<8x128xi32>
    %and3A = arith.andi %ne3A_30, %ne3A_34 : vector<8x128xi1>
    %sub3A = arith.constant 1 : i32
    %sub3A_35 = vector.broadcast %sub3A : i32 to vector<8x128xi32>
    %sub3A_36 = arith.subi %div3A_14, %sub3A_35 : vector<8x128xi32>
    %select_n3A = arith.select %and3A, %sub3A_36, %div3A_14 : vector<8x128xi1>, vector<8x128xi32>
    %iota3A_37 = tpu.iota {dimensions = array<i32: 0>} : vector<8x128xi32>
    %eq3A = arith.cmpi eq, %select_n3A, %iota3A_37 : vector<8x128xi32>
    %convert_element_type3A = arith.extui %eq3A : vector<8x128xi1> to vector<8x128xi32>
    %convert_element_type3A_38 = arith.sitofp %convert_element_type3A : vector<8x128xi32> to vector<8x128xf32>
    %dot_general3A = arith.constant dense<0.000000e+00> : vector<512x128xf32>
    %dot_general3A_39 = tpu.matmul %reduce_sum3A_13, %convert_element_type3A_38, %dot_general3A {dimension_numbers = #tpu.dot_dimension_numbers<[1], [0], [0], [1], [0, 0, 1, 1], [], []>, transpose_lhs_hint = false} : vector<512x8xf32>, vector<8x128xf32>, vector<512x128xf32> -> vector<512x128xf32>
    %add3A_40 = arith.constant 1.000000e-16 : f32
    %add3A_41 = vector.broadcast %add3A_40 : f32 to vector<512x128xf32>
    %add3A_42 = arith.addf %dot_general3A_39, %add3A_41 : vector<512x128xf32>
    %div3A_43 = arith.divf %add3A, %add3A_42 : vector<512x128xf32>
    %iota3A_44 = tpu.iota {dimensions = array<i32: 0>} : vector<128x16xi32>
    %jit3A_45 = arith.constant 16 : i32
    %eq3A_46 = arith.constant 0 : i32
    %eq3A_47 = arith.cmpi eq, %jit3A_45, %eq3A_46 : i32
    %jit3A_48 = arith.constant 1 : i32
    %select_n3A_49 = arith.select %eq3A_47, %jit3A_48, %jit3A_45 : i32
    %rem3A_50 = vector.broadcast %select_n3A_49 : i32 to vector<128x16xi32>
    %rem3A_51 = arith.remsi %iota3A_44, %rem3A_50 : vector<128x16xi32>
    %ne3A_52 = arith.constant 0 : i32
    %ne3A_53 = vector.broadcast %ne3A_52 : i32 to vector<128x16xi32>
    %ne3A_54 = arith.cmpi ne, %rem3A_51, %ne3A_53 : vector<128x16xi32>
    %lt3A = arith.constant 0 : i32
    %lt3A_55 = vector.broadcast %lt3A : i32 to vector<128x16xi32>
    %lt3A_56 = arith.cmpi slt, %rem3A_51, %lt3A_55 : vector<128x16xi32>
    %lt3A_57 = arith.constant 0 : i32
    %lt3A_58 = arith.cmpi slt, %select_n3A_49, %lt3A_57 : i32
    %ne3A_59 = vector.broadcast %lt3A_58 : i1 to vector<128x16xi1>
    %ne3A_60 = vector.broadcast %ne3A_59 : vector<128x16xi1> to vector<128x16xi1>
    %ne3A_61 = arith.xori %lt3A_56, %ne3A_60 : vector<128x16xi1>
    %and3A_62 = arith.andi %ne3A_61, %ne3A_54 : vector<128x16xi1>
    %add3A_63 = vector.broadcast %select_n3A_49 : i32 to vector<128x16xi32>
    %add3A_64 = arith.addi %rem3A_51, %add3A_63 : vector<128x16xi32>
    %select_n3A_65 = arith.select %and3A_62, %add3A_64, %rem3A_51 : vector<128x16xi1>, vector<128x16xi32>
    %iota3A_66 = tpu.iota {dimensions = array<i32: 1>} : vector<128x16xi32>
    %eq3A_67 = arith.cmpi eq, %select_n3A_65, %iota3A_66 : vector<128x16xi32>
    %convert_element_type3A_68 = arith.extui %eq3A_67 : vector<128x16xi1> to vector<128x16xi32>
    %convert_element_type3A_69 = arith.sitofp %convert_element_type3A_68 : vector<128x16xi32> to vector<128x16xf32>
    %div3A_70 = arith.constant 8.000000e+00 : f32
    %div3A_71 = vector.broadcast %div3A_70 : f32 to vector<128x16xf32>
    %div3A_72 = arith.divf %convert_element_type3A_69, %div3A_71 : vector<128x16xf32>
    %dot_general3A_73 = arith.constant dense<0.000000e+00> : vector<512x16xf32>
    %dot_general3A_74 = tpu.matmul %div3A_43, %div3A_72, %dot_general3A_73 {dimension_numbers = #tpu.dot_dimension_numbers<[1], [0], [0], [1], [0, 0, 1, 1], [], []>, transpose_lhs_hint = false} : vector<512x128xf32>, vector<128x16xf32>, vector<512x16xf32> -> vector<512x16xf32>
    %get3A_75 = arith.constant 0 : index
    %get3A_76 = arith.constant 0 : index
    %get3A_77 = vector.load %arg3[%get3A_75, %get3A_76] : memref<1x16xf32, #tpu.memory_space<vmem>>, vector<1x16xf32>
    %add3A_78 = vector.broadcast %get3A_77 : vector<1x16xf32> to vector<512x16xf32>
    %add3A_79 = arith.addf %dot_general3A_74, %add3A_78 : vector<512x16xf32>
    %gt3A = arith.constant 0.000000e+00 : f32
    %gt3A_80 = vector.broadcast %gt3A : f32 to vector<512x16xf32>
    %gt3A_81 = arith.cmpf ogt, %add3A_79, %gt3A_80 : vector<512x16xf32>
    %min3A = arith.constant 0.000000e+00 : f32
    %min3A_82 = vector.broadcast %min3A : f32 to vector<512x16xf32>
    %min3A_83 = arith.minimumf %add3A_79, %min3A_82 : vector<512x16xf32>
    %exp3A = math.exp %min3A_83 : vector<512x16xf32>
    %sub3A_84 = arith.constant 1.000000e+00 : f32
    %sub3A_85 = vector.broadcast %sub3A_84 : f32 to vector<512x16xf32>
    %sub3A_86 = arith.subf %exp3A, %sub3A_85 : vector<512x16xf32>
    %select_n3A_87 = arith.select %gt3A_81, %add3A_79, %sub3A_86 : vector<512x16xi1>, vector<512x16xf32>
    %get3A_88 = arith.constant 0 : index
    %get3A_89 = arith.constant 0 : index
    %get3A_90 = vector.load %arg4[%get3A_88, %get3A_89] : memref<1x16xf32, #tpu.memory_space<vmem>>, vector<1x16xf32>
    %get3A_91 = arith.constant 0 : index
    %get3A_92 = arith.constant 0 : index
    %get3A_93 = vector.load %arg5[%get3A_91, %get3A_92] : memref<1x16xf32, #tpu.memory_space<vmem>>, vector<1x16xf32>
    %reduce_sum3A_94 = arith.constant dense<0.000000e+00> : vector<512xf32>
    %reduce_sum3A_95 = vector.multi_reduction <add>, %select_n3A_87, %reduce_sum3A_94 [1] : vector<512x16xf32> to vector<512xf32>
    %broadcast_in_dim3A = vector.shape_cast %reduce_sum3A_95 : vector<512xf32> to vector<512x1xf32>
    %div3A_96 = arith.constant 1.600000e+01 : f32
    %div3A_97 = vector.broadcast %div3A_96 : f32 to vector<512x1xf32>
    %div3A_98 = arith.divf %broadcast_in_dim3A, %div3A_97 : vector<512x1xf32>
    %jit3A_99 = arith.constant 0 : i32
    %reduce_sum3A_100 = arith.constant dense<0.000000e+00> : vector<512xf32>
    %reduce_sum3A_101 = vector.multi_reduction <add>, %select_n3A_87, %reduce_sum3A_100 [1] : vector<512x16xf32> to vector<512xf32>
    %broadcast_in_dim3A_102 = vector.shape_cast %reduce_sum3A_101 : vector<512xf32> to vector<512x1xf32>
    %div3A_103 = arith.constant 1.600000e+01 : f32
    %div3A_104 = vector.broadcast %div3A_103 : f32 to vector<512x1xf32>
    %div3A_105 = arith.divf %broadcast_in_dim3A_102, %div3A_104 : vector<512x1xf32>
    %sub3A_106 = vector.broadcast %div3A_105 : vector<512x1xf32> to vector<512x16xf32>
    %sub3A_107 = arith.subf %select_n3A_87, %sub3A_106 : vector<512x16xf32>
    %square3A = arith.mulf %sub3A_107, %sub3A_107 : vector<512x16xf32>
    %convert_element_type3A_108 = arith.sitofp %jit3A_99 : i32 to f32
    %sub3A_109 = arith.constant 1.600000e+01 : f32
    %sub3A_110 = arith.subf %sub3A_109, %convert_element_type3A_108 : f32
    %reduce_sum3A_111 = arith.constant dense<0.000000e+00> : vector<512xf32>
    %reduce_sum3A_112 = vector.multi_reduction <add>, %square3A, %reduce_sum3A_111 [1] : vector<512x16xf32> to vector<512xf32>
    %broadcast_in_dim3A_113 = vector.shape_cast %reduce_sum3A_112 : vector<512xf32> to vector<512x1xf32>
    %div3A_114 = vector.broadcast %sub3A_110 : f32 to vector<512x1xf32>
    %div3A_115 = arith.divf %broadcast_in_dim3A_113, %div3A_114 : vector<512x1xf32>
    %gt3A_116 = arith.constant 0.000000e+00 : f32
    %gt3A_117 = arith.cmpf ogt, %sub3A_110, %gt3A_116 : f32
    %jit3A_118 = arith.constant 0x7FC00000 : f32
    %broadcast_in_dim3A_119 = vector.broadcast %jit3A_118 : f32 to vector<512x1xf32>
    %select_n3A_120 = arith.select %gt3A_117, %div3A_115, %broadcast_in_dim3A_119 : vector<512x1xf32>
    %sub3A_121 = vector.broadcast %div3A_98 : vector<512x1xf32> to vector<512x16xf32>
    %sub3A_122 = arith.subf %select_n3A_87, %sub3A_121 : vector<512x16xf32>
    %add3A_123 = arith.constant 9.99999974E-6 : f32
    %add3A_124 = vector.broadcast %add3A_123 : f32 to vector<512x1xf32>
    %add3A_125 = arith.addf %select_n3A_120, %add3A_124 : vector<512x1xf32>
    %sqrt3A = math.sqrt %add3A_125 : vector<512x1xf32>
    %div3A_126 = vector.broadcast %sqrt3A : vector<512x1xf32> to vector<512x16xf32>
    %div3A_127 = arith.divf %sub3A_122, %div3A_126 : vector<512x16xf32>
    %mul3A = vector.broadcast %get3A_90 : vector<1x16xf32> to vector<512x16xf32>
    %mul3A_128 = arith.mulf %div3A_127, %mul3A : vector<512x16xf32>
    %add3A_129 = vector.broadcast %get3A_93 : vector<1x16xf32> to vector<512x16xf32>
    %add3A_130 = arith.addf %mul3A_128, %add3A_129 : vector<512x16xf32>
    %get3A_131 = arith.constant 0 : index
    %get3A_132 = arith.constant 0 : index
    %get3A_133 = vector.load %arg6[%get3A_131, %get3A_132] : memref<16x128xf32, #tpu.memory_space<vmem>>, vector<16x128xf32>
    %dot_general3A_134 = arith.constant dense<0.000000e+00> : vector<512x128xf32>
    %dot_general3A_135 = tpu.matmul %add3A_130, %get3A_133, %dot_general3A_134 {dimension_numbers = #tpu.dot_dimension_numbers<[1], [0], [0], [1], [0, 0, 1, 1], [], []>, transpose_lhs_hint = false} : vector<512x16xf32>, vector<16x128xf32>, vector<512x128xf32> -> vector<512x128xf32>
    %get3A_136 = arith.constant 0 : index
    %get3A_137 = arith.constant 0 : index
    %get3A_138 = vector.load %arg7[%get3A_136, %get3A_137] : memref<1x128xf32, #tpu.memory_space<vmem>>, vector<1x128xf32>
    %add3A_139 = vector.broadcast %get3A_138 : vector<1x128xf32> to vector<512x128xf32>
    %add3A_140 = arith.addf %dot_general3A_135, %add3A_139 : vector<512x128xf32>
    %swap3A = arith.constant 0 : index
    %swap3A_141 = arith.constant 0 : index
    %swap3A_142 = vector.load %arg8[%swap3A, %swap3A_141] : memref<512x128xf32, #tpu.memory_space<vmem>>, vector<512x128xf32>
    tpu.vector_store %arg8[%swap3A, %swap3A_141], %add3A_140 {strides = array<i32>} : memref<512x128xf32, #tpu.memory_space<vmem>>, vector<512x128xf32>,
    return
  }
  func.func @transform_0(%arg0: i32) -> (i32, i32, i32) {
    %c0_i32 = arith.constant 0 : i32
    %c0_i32_0 = arith.constant 0 : i32
    %c0_i32_1 = arith.constant 0 : i32
    return %c0_i32, %arg0, %c0_i32_0 : i32, i32, i32
  }
  func.func @transform_1(%arg0: i32) -> (i32, i32, i32) {
    %c0_i32 = arith.constant 0 : i32
    %c0_i32_0 = arith.constant 0 : i32
    %c0_i32_1 = arith.constant 0 : i32
    return %c0_i32, %arg0, %c0_i32_0 : i32, i32, i32
  }
  func.func @transform_2(%arg0: i32) -> (i32, i32) {
    %c0_i32 = arith.constant 0 : i32
    %c0_i32_0 = arith.constant 0 : i32
    %c0_i32_1 = arith.constant 0 : i32
    return %c0_i32, %c0_i32_0 : i32, i32
  }
  func.func @transform_3(%arg0: i32) -> (i32, i32) {
    %c0_i32 = arith.constant 0 : i32
    %c0_i32_0 = arith.constant 0 : i32
    %c0_i32_1 = arith.constant 0 : i32
    return %c0_i32, %c0_i32_0 : i32, i32
  }
  func.func @transform_4(%arg0: i32) -> (i32, i32) {
    %c0_i32 = arith.constant 0 : i32
    %c0_i32_0 = arith.constant 0 : i32
    %c0_i32_1 = arith.constant 0 : i32
    return %c0_i32, %c0_i32_0 : i32, i32
  }
  func.func @transform_5(%arg0: i32) -> (i32, i32) {
    %c0_i32 = arith.constant 0 : i32
    %c0_i32_0 = arith.constant 0 : i32
    %c0_i32_1 = arith.constant 0 : i32
    return %c0_i32, %c0_i32_0 : i32, i32
  }
  func.func @transform_6(%arg0: i32) -> (i32, i32) {
    %c0_i32 = arith.constant 0 : i32
    %c0_i32_0 = arith.constant 0 : i32
    %c0_i32_1 = arith.constant 0 : i32
    return %c0_i32, %c0_i32_0 : i32, i32
  }
  func.func @transform_7(%arg0: i32) -> (i32, i32) {
    %c0_i32 = arith.constant 0 : i32
    %c0_i32_0 = arith.constant 0 : i32
    return %arg0, %c0_i32 : i32, i32
  }
}

</mosaic_0001>

<sc_bundles>
// kernel: kernel.12.cloned.1.call-start
scs
__scs_entry_jumppad:
0x0: {  	(pc) =	sbr.rel $0x88, $3  }
0x1: {  	(tag) =	ssettag $0x0;
	lr =	simm.s32 $0x1  }
0x2: {  	[smem:$0x3F81] =	sst lr;
	_ =	strace $0xD0000000  }
0x3: {  	_ = 	snop  }
0x4: {  	_ = 	snop  }
0x5: {  	_ = 	snop  }
0x6: {  	_ = 	snop  }
0x7: {  	_ = 	snop  }
__scs_overlays_trampoline_lowered:
0x8: {  	[smem:$0x3F90] =	sst s0  }
0x9: {  	[smem:$0x3F91] =	sst s1  }
0xa: {  	[smem:$0x3F92] =	sst s2  }
0xb: {  	[smem:$0x3F93] =	sst s3  }
0xc: {  	[smem:$0x3F94] =	sst s4  }
0xd: {  	[smem:$0x3F95] =	sst s5  }
0xe: {  	[smem:$0x3F96] =	sst s6  }
0xf: {  	[smem:$0x3F97] =	sst s7  }
0x10: {  	[smem:$0x3F98] =	sst s8  }
0x11: {  	[smem:$0x3F99] =	sst s9;
	s0 =	simm.s32 @!p0 $0x0  }
0x12: {  	s1 =	sld [smem:$0x3F7F];
	s0 =	simm.s32 @p0 $0x1  }
0x13: {  	[smem:$0x3F9A] =	sst s0;
	s0 =	simm.s32 @!p1 $0x0  }
0x14: {  	s2 =	sld [smem:$0x3F7E];
	s0 =	simm.s32 @p1 $0x1  }
0x15: {  	[smem:$0x3F9B] =	sst s0;
	s0 =	simm.s32 @!p2 $0x0  }
0x16: {  	s3 =	sld [smem:$0x3FDB];
	s0 =	simm.s32 @p2 $0x1  }
0x17: {  	s4 =	simm.s32 $0x1BF5;
	[smem:$0x3F9D] =	sst s0  }
0x18: {  	s0 =	sld [smem:$0x3F80];
	_ =	swait.ge [sflag:s4], $0x0  }
0x19: {  	s7 =	sld [smem:$0x3F81]  }
0x1a: {  	s8 =	sadd.s32 $0xFFFFE003, lr  }
0x1b: {  	s9 =	sadd.s32 $0xFFFFFEF7, lr;
	s5 =	simm.s32 $0xFFFFFFFF;
	p2 =	slt.u32 s8, $0xFFFFF086  }
0x1c: {  	p1 =	slt.u32 s9, $0xF7A;
	s5 =	simm.s32 @!p2 $0x0  }
0x1d: {  	s5 =	simm.s32 @p1 $0x1;
	p0 =	seq.s32 s7, s2  }
0x1e: {  	s7 =	smul.u32 @!p0 $0xF7A, s2;
	p2 =	seq.s32 @!p0 s5, $0x0  }
0x1f: {  	s9 =	smul.u32 $0xF7A, s1;
	s8 =	simm.s32 @!p0 $0x1BF5;
	p2 =	por !p2, p0  }
0x20: {  	[sflag:s8] =	ssyncset.s32 @!p0 $0xFFFFF086;
	s6 =	sadd.s32 @!p0 s3, s7;
	s7 =	simm.s32 @!p0 $0x108  }
0x21: {  	s3 =	sadd.s32 s3, s9;
	s6 =	sadd.s32 @!p0 $0x88, s6;
	s7 =	simm.s32 @p2 $0x1082  }
0x22: {  	[simem:s7], [sflag:s8] =	dma.local @!p0 [hbm:s6], $0xF7A  }
0x23: {  	s9 =	sor.u32 $0xD0000000, s2;
	s6 =	simm.s32 $0x108;
	_ =	swait.ge @!p0 [sflag:s8], $0x0  }
0x24: {  	s3 =	sadd.s32 $0x88, s3;
	s6 =	simm.s32 @!p1 $0x1082;
	[sflag:s4] =	ssyncset.s32 $0xFFFFF086  }
0x25: {  	[simem:s6], [sflag:s4] =	dma.local [hbm:s3], $0xF7A  }
0x26: {  	[smem:$0x3F81] =	sst s1;
	(tag) =	ssettag s2;
	_ =	strace s9  }
0x27: {  	s1 =	sld [smem:$0x3F91]  }
0x28: {  	s2 =	sld [smem:$0x3F92]  }
0x29: {  	s4 =	sld [smem:$0x3F94]  }
0x2a: {  	p0 =	seq.s32 s5, $0x0;
	s5 =	sld [smem:$0x3F95]  }
0x2b: {  	s6 =	sld [smem:$0x3F96]  }
0x2c: {  	s7 =	sld [smem:$0x3F97]  }
0x2d: {  	s3 =	simm.s32 $0x108;
	s8 =	sld [smem:$0x3F98]  }
0x2e: {  	s3 =	simm.s32 @!p0 $0x1082;
	s9 =	sld [smem:$0x3F99]  }
0x2f: {  	lr =	sadd.s32 s0, s3;
	s0 =	sld [smem:$0x3F90]  }
0x30: {  	s3 =	sld [smem:$0x3F93]  }
0x31: {  	[smem:$0x3F9C] =	sst s10  }
0x32: {  	s10 =	sld [smem:$0x3F9A];
	_ =	sdelay $0x3  }
0x33: {  	p0 =	seq.s32 s10, $0x1;
	s10 =	sld [smem:$0x3F9C];
	_ =	sdelay $0x3  }
0x34: {  	[smem:$0x3F9C] =	sst s10  }
0x35: {  	s10 =	sld [smem:$0x3F9B];
	_ =	sdelay $0x3  }
0x36: {  	p1 =	seq.s32 s10, $0x1;
	s10 =	sld [smem:$0x3F9C];
	_ =	sdelay $0x3  }
0x37: {  	[smem:$0x3F9C] =	sst s10  }
0x38: {  	s10 =	sld [smem:$0x3F9D]  }
0x39: {  	_ = 	snop;
	(pc) =	sbr.ind lr, $3  }
0x3a: {  	_ = 	snop  }
0x3b: {  	_ = 	snop  }
0x3c: {  	p2 =	seq.s32 s10, $0x1;
	s10 =	sld [smem:$0x3F9C]  }
0x3d: {  	_ =	shalt  }
0x3e: {  	_ =	shalt  }
0x3f: {  	_ =	shalt  }
0x40: {  	_ =	shalt  }
0x41: {  	_ =	shalt  }
0x42: {  	_ =	shalt  }
0x43: {  	_ =	shalt  }
0x44: {  	_ =	shalt  }
0x45: {  	_ =	shalt  }
0x46: {  	_ =	shalt  }
0x47: {  	_ =	shalt  }
0x48: {  	_ =	shalt  }
0x49: {  	_ =	shalt  }
0x4a: {  	_ =	shalt  }
0x4b: {  	_ =	shalt  }
0x4c: {  	_ =	shalt  }
0x4d: {  	_ =	shalt  }
0x4e: {  	_ =	shalt  }
0x4f: {  	_ =	shalt  }
0x50: {  	_ =	shalt  }
0x51: {  	_ =	shalt  }
0x52: {  	_ =	shalt  }
0x53: {  	_ =	shalt  }
0x54: {  	_ =	shalt  }
0x55: {  	_ =	shalt  }
0x56: {  	_ =	shalt  }
0x57: {  	_ =	shalt  }
0x58: {  	_ =	shalt  }
0x59: {  	_ =	shalt  }
0x5a: {  	_ =	shalt  }
0x5b: {  	_ =	shalt  }
0x5c: {  	_ =	shalt  }
0x5d: {  	_ =	shalt  }
0x5e: {  	_ =	shalt  }
0x5f: {  	_ =	shalt  }
0x60: {  	_ =	shalt  }
0x61: {  	_ =	shalt  }
0x62: {  	_ =	shalt  }
0x63: {  	_ =	shalt  }
0x64: {  	_ =	shalt  }
0x65: {  	_ =	shalt  }
0x66: {  	_ =	shalt  }
0x67: {  	_ =	shalt  }
0x68: {  	_ =	shalt  }
0x69: {  	_ =	shalt  }
0x6a: {  	_ =	shalt  }
0x6b: {  	_ =	shalt  }
0x6c: {  	_ =	shalt  }
0x6d: {  	_ =	shalt  }
0x6e: {  	_ =	shalt  }
0x6f: {  	_ =	shalt  }
0x70: {  	_ =	shalt  }
0x71: {  	_ =	shalt  }
0x72: {  	_ =	shalt  }
0x73: {  	_ =	shalt  }
0x74: {  	_ =	shalt  }
0x75: {  	_ =	shalt  }
0x76: {  	_ =	shalt  }
0x77: {  	_ =	shalt  }
0x78: {  	_ =	shalt  }
0x79: {  	_ =	shalt  }
0x7a: {  	_ =	shalt  }
0x7b: {  	_ =	shalt  }
0x7c: {  	_ =	shalt  }
0x7d: {  	_ =	shalt  }
0x7e: {  	_ =	shalt  }
0x7f: {  	_ =	shalt  }
0x80: {  	_ =	shalt  }
0x81: {  	_ =	shalt  }
0x82: {  	_ =	shalt  }
0x83: {  	_ =	shalt  }
0x84: {  	_ =	shalt  }
0x85: {  	_ =	shalt  }
0x86: {  	_ =	shalt  }
0x87: {  	_ =	shalt  }
.Lfunc_end0:
.L_simem_size_0:
called_computation.1_lowered:
.L_overlay_start_0:
0x88: {  	s2 =	sld [smem:$0x3FD9]  }
0x89: {  	s3 =	sld [smem:$0x3FFE];
	_ =	sdelay $0x1  }
0x8a: {  	s1 =	srdreg.scid  }
0x8b: {  	s0 =	sand.u32 $0x1, s1  }
0x8c: {  	s17 =	sshll.u32 s0, $0xA;
	s2 =	sadd.s32 s3, s2  }
0x8d: {  	s2 =	sadd.s32 s2, s17  }
0x8e: {  	[smem:$0x3FA8] =	sst s2  }
0x8f: {  	_ = 	snop  }
0x90: {  	s2 =	sld [smem:$0x3FB9]  }
0x91: {  	s18 =	sld [smem:$0x3FB8]  }
0x92: {  	s4 =	sld [smem:$0x3FD0];
	(tm) =	ssettm $0x1  }
0x93: {  	s5 =	sld [smem:$0x3FFB];
	_ =	sdelay $0x3  }
0x94: {  	_ =	strace s5  }
0x95: {  	s5 =	sld [smem:$0x3FFC];
	_ =	sdelay $0x3  }
0x96: {  	_ =	strace s5  }
0x97: {  	s5 =	sld [smem:$0x3FFD];
	_ =	sdelay $0x3  }
0x98: {  	_ =	strace s5  }
0x99: {  	_ =	strace $0x8FFFFFFF  }
0x9a: {  	s19 =	sld [smem:$0x3FDB];
	_ =	sdelay $0x1  }
0x9b: {  	s6 =	simm.s32 $_scs_section_size  }
0x9c: {  	s7 =	simm.s32 $_size__tile_overlayer_lowered;
	s8 =	simm.s32 $_tile_overlayer_lowered  }
0x9d: {  	s22 =	simm.s32 $0x1BFF;
	s21 =	sshll.u32 s8, $0x1;
	s5 =	sadd.s32 s6, s19  }
0x9e: {  	s9 =	simm.s32 $0x0;
	s20 =	sshll.u32 s7, $0x1;
	s7 =	sadd.s32 s21, s5  }
0x9f: {  	[timem:s9], [sflag:s22] =	dma.local [hbm:s7], s20  }
0xa0: {  	_ =	swait.ge [sflag:s22], s20  }
0xa1: {  	s6 =	ssub.s32 $0x0, s20;
	[sflag:s22] =	ssyncset.done $0x0  }
0xa2: {  	[sflag:s22] =	ssyncadd.s32 s6;
	_ =	sdelay $0x1  }
0xa3: {  	s23 =	simm.s32 $0x1B8B  }
0xa4: {  	_ =	swait.ge [sflag:s23], $0x1  }
0xa5: {  	[sflag:s23] =	ssyncset.done $0x0  }
0xa6: {  	s25 =	simm.s32 $0x1B8E;
	s24 =	sld [smem:$0x3FFE];
	[sflag:s23] =	ssyncadd.s32 $0xFFFFFFFF  }
0xa7: {  	s26 =	simm.s32 $execute0_lowered;
	[smem:$0x3FD2] =	sst s25  }
0xa8: {  	s7 =	sshll.u32 s26, $0x1;
	_ =	strace $0x80000049;
	[dreg:$0x1] =	wrdreg $0xFFFFFFFF  }
0xa9: {  	s28 =	simm.s32 $_size_execute0_lowered;
	s5 =	sadd.s32 s5, s7;
	[dreg:$0x0] =	wrdreg $0x0  }
0xaa: {  	s7 =	sshll.u32 s28, $0x1;
	[dreg:$0x2] =	wrdreg s5  }
0xab: {  	[dreg:$0x3] =	wrdreg s7  }
0xac: {  	[dreg:$0x4] =	wrdreg $0xC0  }
0xad: {  	_ =	task [dreg:s9], $0x5FFFF  }
0xae: {  	[dreg:$0x1] =	wrdreg $0xFFFFFFFF  }
0xaf: {  	[dreg:$0x0] =	wrdreg $0x60  }
0xb0: {  	[dreg:$0x2] =	wrdreg s24  }
0xb1: {  	[dreg:$0x3] =	wrdreg s4  }
0xb2: {  	[dreg:$0x4] =	wrdreg s18  }
0xb3: {  	[dreg:$0x5] =	wrdreg s2  }
0xb4: {  	[dreg:$0x6] =	wrdreg $0x89000  }
0xb5: {  	[dreg:$0x7] =	wrdreg $0x9  }
0xb6: {  	_ =	task.clear_ibuf [dreg:s9], $0x8FFFF;
	_ =	strace $0x90000049  }
0xb7: {  	s29 =	simm.s32 $0x9;
	_ =	strace $0x8000004B  }
0xb8: {  	_ =	swait.ge [sflag:s29], $0x1  }
0xb9: {  	[sflag:s29] =	ssyncadd.s32 $0xFFFFFFFF  }
0xba: {  	_ =	strace $0x9000004B  }
0xbb: {  	_ =	sfence  }
0xbc: {  	s30 =	sld [smem:$0x0];
	_ =	sdelay $0x2  }
0xbd: {  	s31 =	sshll.u32 s1, $0xD;
	s1 =	sshrl.u32 s1, $0x2  }
0xbe: {  	s3 =	sand.u32 $0x4000, s31;
	s1 =	sadd.s32 s1, s30  }
0xbf: {  	s0 =	sor.u32 s3, s0;
	s1 =	sshll.u32 s1, $0x11  }
0xc0: {  	s0 =	sor.u32 s1, s0  }
0xc1: {  	s0 =	sadd.s32 $0x8F2B, s0  }
0xc2: {  	[sflag:s0] =	ssyncadd.remote.s32 $0x1  }
0xc3: {  	_ =	sfence.sel $0xFFFF  }
0xc4: {  	[dreg:$0x0] =	wrdreg $0xFFFFFFFF;
	(pc) =	sbr.abs _section_cstart, $3  }
0xc5: {  	[dreg:$0x1] =	wrdreg $0xFFFFFFFF  }
0xc6: {  	_ =	task.clear_ibuf [dreg:s9], $0x2FFFF;
	_ =	strace $0x9FFFFFFF  }
0xc7: {  	(tm) =	ssettm $0x7FFFFFFF  }
tec
execute0_lowered:
.L_overlay_start_1:
0x0: {  	(tag) =	ssettag $0x1  }
0x1: {  	s0 =	rddreg [dreg:$0x0]  }
0x2: {  	s1 =	rddreg [dreg:$0x1];
	s15 =	stileid.u32  }
0x3: {  	s4 =	rddreg [dreg:$0x4];
	s3 =	simm.s32 $0x0;
	s5 =	smul.u32 $0x14000, s15  }
0x4: {  	s2 =	srdreg.scid;
	s30 =	simm.s32 $0x3;
	s6 =	smul.u32 $0x55000, s15  }
0x5: {  	s29 =	simm.s32 $0x40;
	s31 =	simm.s32 $0x300;
	s12 =	smul.u32 $0x1400, s15  }
0x6: {  	[smem:$0x7FF] =	sst s3;
	s2 =	sand.u32 $0x1, s2;
	s26 =	smul.u32 $0x50000, s15  }
0x7: {  	s7 =	sadd.s32 $0x5E00, s0;
	s8 =	sadd.s32 $0x2DE00, s0;
	s17 =	smul.u32 $0x5000, s15  }
0x8: {  	s9 =	sadd.s32 $0x55E00, s0;
	s10 =	sadd.s32 $0x565E00, s0;
	s20 =	smul.u32 $0x140000, s2  }
0x9: {  	_ =	strace $0x8000004A;
	s21 =	smul.u32 $0x14000, s2;
	s22 =	ssub.s32 $0x2, s2  }
0xa: {  	s2 =	sshll.u32 s2, $0x4;
	s6 =	sshrl.u32 s6, $0x2;
	s13 =	sshrl.u32 s22, $0x1  }
0xb: {  	s2 =	sor.u32 s15, s2;
	s15 =	simm.s32 $0x0;
	s3 =	sadd.s32 s5, s20  }
0xc: {  	s11 =	sadd.s32 s6, s4;
	s5 =	sadd.s32 s12, s21;
	s18 =	ssub.s32 s22, s13  }
0xd: {  	v0 =	vimm.s32 $0xFEDCBA98;
	v1 =	vimm.s32 $0x76543210;
	s22 =	sshrl.u32 s26, $0x2;
	s6 =	simm.s32 $0x1;
	s23 =	sadd.s32 $0x2000, s11  }
0xe: {  	v2 =	vimm.s32 $0xBA98FEDC;
	v3 =	vimm.s32 $0x32107654;
	s12 =	simm.s32 $0x2;
	s24 =	sadd.s32 $0x4000, s11;
	[dreg:$0x6] =	wrdreg s23  }
0xf: {  	v4 =	vimm.s32 $0xDCFE98BA;
	v5 =	vimm.s32 $0x54761032;
	s13 =	simm.s32 $0x100;
	s25 =	sadd.s32 $0x6000, s11;
	[dreg:$0x7] =	wrdreg s24  }
0x10: {  	v6 =	vimm.s32 $0xEFCDAB89;
	v7 =	vimm.s32 $0x67452301;
	vm0 =	vmmov $0x1;
	s3 =	sshrl.u32 s3, $0x3;
	s14 =	sadd.s32 $0x8000, s11;
	[dreg:$0x8] =	wrdreg s25  }
0x11: {  	vm1 =	vcmask $0x320;
	vm2 =	vcmask $0x720;
	vm3 =	vcmask $0xB20;
	s5 =	sshrl.u32 s5, $0x3;
	s16 =	sadd.s32 $0xA000, s11;
	[dreg:$0x9] =	wrdreg s14  }
0x12: {  	vm4 =	vcmask $0xF20;
	vm5 =	vcmask $0x1320;
	vm6 =	vcmask $0x1720;
	s19 =	sadd.s32 $0xC000, s11;
	s20 =	sadd.s32 $0xE000, s11;
	[dreg:$0xa] =	wrdreg s16  }
0x13: {  	v0 =	vunpack.c.l.s4.s8 v0;
	v1 =	vunpack.c.l.s4.s8 v1;
	v2 =	vunpack.c.l.s4.s8 v2;
	s21 =	sadd.s32 $0x10000, s11;
	s26 =	smax.u32 s18, $0x1;
	[dreg:$0xb] =	wrdreg s19  }
0x14: {  	v3 =	vunpack.c.l.s4.s8 v3;
	v4 =	vunpack.c.l.s4.s8 v4;
	v5 =	vunpack.c.l.s4.s8 v5;
	s28 =	sadd.s32 $0x14000, s11;
	s3 =	sadd.s32 s3, s0;
	[dreg:$0xc] =	wrdreg s20  }
0x15: {  	v6 =	vunpack.c.l.s4.s8 v6;
	v7 =	vunpack.c.l.s4.s8 v7;
	v0 =	vunpack.c.0.s8.s32 v0;
	s0 =	sadd.s32 s5, s0;
	[dreg:$0xd] =	wrdreg s21;
	s20 =	smul.u32 $0xA2, s2  }
0x16: {  	v2 =	vunpack.c.0.s8.s32 v2;
	v3 =	vunpack.c.0.s8.s32 v3;
	v4 =	vunpack.c.0.s8.s32 v4;
	s23 =	sshrl.u32 s17, $0x2;
	s2 =	sadd.s32 s22, s4;
	[dreg:$0x10] =	wrdreg s26  }
0x17: {  	v5 =	vunpack.c.0.s8.s32 v5;
	v6 =	vunpack.c.0.s8.s32 v6;
	v7 =	vunpack.c.0.s8.s32 v7;
	s26 =	sadd.s32 $0x12000, s11;
	s5 =	simm.s32 $0x2300;
	s3 =	sadd.s32 $0x6F200, s3  }
0x18: {  	vm7 =	vcmask $0x1B20;
	v1 =	vunpack.c.0.s8.s32 v1;
	v2 =	vcombine.low v3, v2;
	s14 =	simm.s32 $0x6300;
	s0 =	sadd.s32 $0x6A200, s0;
	[dreg:$0xe] =	wrdreg s3  }
0x19: {  	v3 =	vcombine.low v5, v4;
	v4 =	vand.u32 $0xF, v0;
	v5 =	vcombine.low v7, v6;
	s24 =	sadd.s32 s23, s4;
	s2 =	sshrl.u32 s2, $0x3;
	[dreg:$0xf] =	wrdreg s0  }
0x1a: {  	v0 =	vimm.f32 $0.0e+00;
	v1 =	vcombine.low v4, v1;
	v2 =	vand.u32 $0xF, v2;
	s25 =	sadd.s32 $0x140000, s24;
	[dreg:$0x11] =	wrdreg s2;
	s0 =	simm.s32 $0x4300  }
0x1b: {  	v3 =	vand.u32 $0xF, v3;
	v4 =	vand.u32 $0xF, v5;
	v5 =	vlaneseq.u32;
	s2 =	simm.s32 $0x80;
	s3 =	simm.s32 $0x400;
	s25 =	sshrl.u32 s25, $0x3  }
.LBB2_1:
0x1c: {  	s16 =	rddreg [dreg:$0x2];
	s17 =	simm.s32 $0x0;
	s18 =	simm.s32 $0x8300  }
0x1d: {  	[tilespmem:s18], [sflag:$0x3] =	stream.linear.gather [hbm4b:s16+s17], $0x200, $0x38;
	[tilespmem:$0x1DD00] =	vst v63  }
0x1e: {  	_ =	swait.ge [sflag:s30], $0x200  }
0x1f: {  	[sflag:s30] =	ssyncset.done $0x0  }
0x20: {  	[sflag:s30] =	ssyncadd.s32 $0xFFFFFE00  }
0x21: {  	s24 =	simm.s32 $0x8500;
	s23 =	rddreg [dreg:$0x3]  }
0x22: {  	[tilespmem:s24], [sflag:$0x3] =	stream.linear.gather [hbm4b:s23+s17], $0x400, $0x38;
	[tilespmem:$0x1DD00] =	vst v63  }
0x23: {  	_ =	swait.ge [sflag:s30], $0x400  }
0x24: {  	[sflag:s30] =	ssyncset.done $0x0  }
0x25: {  	s16 =	simm.s32 $0x0;
	s17 =	simm.s32 $0x200;
	[sflag:s30] =	ssyncadd.s32 $0xFFFFFC00  }
.LBB2_2:
0x26: {  	p0 =	sne.s32 s17, $0x7E00;
	[tilespmem:s16+$0x4370] =	vst v0  }
0x27: {  	[tilespmem:s16+$0x4300] =	vst v0  }
0x28: {  	[tilespmem:s16+$0x4310] =	vst v0  }
.Ltmp0:
0x29: {  	[tilespmem:s16+$0x4320] =	vst v0;
	(pc) =	sbr.rel @p0 .LBB2_2-.Ltmp0, $4  }
0x2a: {  	[tilespmem:s16+$0x4330] =	vst v0  }
0x2b: {  	[tilespmem:s16+$0x4340] =	vst v0  }
0x2c: {  	[tilespmem:s16+$0x4350] =	vst v0  }
0x2d: {  	[tilespmem:s16+$0x4360] =	vst v0;
	s16 =	sshra.s32 s17, $0x2;
	s17 =	sadd.s32 $0x200, s17  }
0x2e: {  	[tilespmem:s16+$0x4370] =	vst v0  }
0x2f: {  	[tilespmem:s16+$0x4300] =	vst v0  }
0x30: {  	[tilespmem:s16+$0x4310] =	vst v0  }
0x31: {  	[tilespmem:s16+$0x4320] =	vst v0  }
0x32: {  	[tilespmem:s16+$0x4330] =	vst v0  }
0x33: {  	[tilespmem:s16+$0x4340] =	vst v0  }
0x34: {  	[tilespmem:s16+$0x4350] =	vst v0  }
0x35: {  	[tilespmem:s16+$0x4360] =	vst v0  }
0x36: {  	[spmem:s11] =	stream.linear.scatter [tilespmem:s0], [sflag:$0x3], $0x2000, $0x38;
	[tilespmem:$0x1DD00] =	vst v63  }
0x37: {  	_ =	swait.ge [sflag:s30], $0x2000  }
0x38: {  	[sflag:s30] =	ssyncset.done $0x0  }
0x39: {  	s24 =	rddreg [dreg:$0x6];
	[sflag:s30] =	ssyncadd.s32 $0xFFFFE000  }
0x3a: {  	[spmem:s24] =	stream.linear.scatter [tilespmem:s0], [sflag:$0x3], $0x2000, $0x38;
	[tilespmem:$0x1DD00] =	vst v63  }
0x3b: {  	_ =	swait.ge [sflag:s30], $0x2000  }
0x3c: {  	[sflag:s30] =	ssyncset.done $0x0  }
0x3d: {  	s17 =	rddreg [dreg:$0x7];
	[sflag:s30] =	ssyncadd.s32 $0xFFFFE000  }
0x3e: {  	[spmem:s17] =	stream.linear.scatter [tilespmem:s0], [sflag:$0x3], $0x2000, $0x38;
	[tilespmem:$0x1DD00] =	vst v63  }
0x3f: {  	_ =	swait.ge [sflag:s30], $0x2000  }
0x40: {  	[sflag:s30] =	ssyncset.done $0x0  }
0x41: {  	s18 =	rddreg [dreg:$0x8];
	[sflag:s30] =	ssyncadd.s32 $0xFFFFE000  }
0x42: {  	[spmem:s18] =	stream.linear.scatter [tilespmem:s0], [sflag:$0x3], $0x2000, $0x38;
	[tilespmem:$0x1DD00] =	vst v63  }
0x43: {  	_ =	swait.ge [sflag:s30], $0x2000  }
0x44: {  	[sflag:s30] =	ssyncset.done $0x0  }
0x45: {  	s19 =	rddreg [dreg:$0x9];
	[sflag:s30] =	ssyncadd.s32 $0xFFFFE000  }
0x46: {  	[spmem:s19] =	stream.linear.scatter [tilespmem:s0], [sflag:$0x3], $0x2000, $0x38;
	[tilespmem:$0x1DD00] =	vst v63  }
0x47: {  	_ =	swait.ge [sflag:s30], $0x2000  }
0x48: {  	[sflag:s30] =	ssyncset.done $0x0  }
0x49: {  	s21 =	rddreg [dreg:$0xa];
	[sflag:s30] =	ssyncadd.s32 $0xFFFFE000  }
0x4a: {  	[spmem:s21] =	stream.linear.scatter [tilespmem:s0], [sflag:$0x3], $0x2000, $0x38;
	[tilespmem:$0x1DD00] =	vst v63  }
0x4b: {  	_ =	swait.ge [sflag:s30], $0x2000  }
0x4c: {  	[sflag:s30] =	ssyncset.done $0x0  }
0x4d: {  	s22 =	rddreg [dreg:$0xb];
	[sflag:s30] =	ssyncadd.s32 $0xFFFFE000  }
0x4e: {  	[spmem:s22] =	stream.linear.scatter [tilespmem:s0], [sflag:$0x3], $0x2000, $0x38;
	[tilespmem:$0x1DD00] =	vst v63  }
0x4f: {  	_ =	swait.ge [sflag:s30], $0x2000  }
0x50: {  	[sflag:s30] =	ssyncset.done $0x0  }
0x51: {  	s23 =	rddreg [dreg:$0xc];
	[sflag:s30] =	ssyncadd.s32 $0xFFFFE000  }
0x52: {  	[spmem:s23] =	stream.linear.scatter [tilespmem:s0], [sflag:$0x3], $0x2000, $0x38;
	[tilespmem:$0x1DD00] =	vst v63  }
0x53: {  	_ =	swait.ge [sflag:s30], $0x2000  }
0x54: {  	[sflag:s30] =	ssyncset.done $0x0  }
0x55: {  	s24 =	rddreg [dreg:$0xd];
	[sflag:s30] =	ssyncadd.s32 $0xFFFFE000  }
0x56: {  	[spmem:s24] =	stream.linear.scatter [tilespmem:s0], [sflag:$0x3], $0x2000, $0x38;
	[tilespmem:$0x1DD00] =	vst v63  }
0x57: {  	_ =	swait.ge [sflag:s30], $0x2000  }
0x58: {  	[sflag:s30] =	ssyncset.done $0x0  }
0x59: {  	[sflag:s30] =	ssyncadd.s32 $0xFFFFE000  }
0x5a: {  	[spmem:s26] =	stream.linear.scatter [tilespmem:s0], [sflag:$0x3], $0x2000, $0x38;
	[tilespmem:$0x1DD00] =	vst v63  }
0x5b: {  	_ =	swait.ge [sflag:s30], $0x2000  }
0x5c: {  	[sflag:s30] =	ssyncset.done $0x0  }
0x5d: {  	[sflag:s30] =	ssyncadd.s32 $0xFFFFE000  }
0x5e: {  	[spmem:s28] =	stream.linear.scatter [tilespmem:s0], [sflag:$0x3], $0x1400, $0x38;
	[tilespmem:$0x1DD00] =	vst v63  }
0x5f: {  	_ =	swait.ge [sflag:s30], $0x1400  }
0x60: {  	[sflag:s30] =	ssyncset.done $0x0  }
0x61: {  	[sflag:s30] =	ssyncadd.s32 $0xFFFFEC00  }
0x62: {  	s16 =	simm.s32 $0x0;
	s17 =	simm.s32 $0x0;
	[bflag:$0x0] =	sbarrier.arrive $0xFFFF  }
.LBB2_4:
0x63: {  	s18 =	sadd.s32 s20, s17  }
0x64: {  	s19 =	sshrl.u32 s18, $0x3;
	s18 =	sshll.u32 s18, $0x7  }
0x65: {  	s18 =	sand.u32 $0x380, s18;
	s21 =	sshll.u32 s19, $0xA  }
0x66: {  	s21 =	sor.u32 s18, s21  }
0x67: {  	s21 =	sshrl.u32 s21, $0x3  }
0x68: {  	s22 =	sadd.s32 s1, s21  }
0x69: {  	[tilespmem:s16], [sflag:$0x3] =	stream.linear.gather [hbm4b:s22+s16], $0x80, $0x38;
	[tilespmem:$0x1DD00] =	vst v63  }
0x6a: {  	_ =	swait.ge [sflag:s30], $0x80  }
0x6b: {  	[sflag:s30] =	ssyncset.done $0x0  }
0x6c: {  	s19 =	sshll.u32 s19, $0xB;
	s21 =	sadd.s32 s9, s21;
	[sflag:s30] =	ssyncadd.s32 $0xFFFFFF80  }
0x6d: {  	[tilespmem:s2], [sflag:$0x3] =	stream.linear.gather [hbm4b:s21+s16], $0x80, $0x38;
	[tilespmem:$0x1DD00] =	vst v63  }
0x6e: {  	s18 =	sor.u32 s18, s19;
	_ =	swait.ge [sflag:s30], $0x80  }
0x6f: {  	s18 =	sshrl.u32 s18, $0x3;
	[sflag:s30] =	ssyncset.done $0x0  }
0x70: {  	s24 =	sadd.s32 s10, s18;
	s18 =	simm.s32 $0x180;
	[sflag:s30] =	ssyncadd.s32 $0xFFFFFF80  }
0x71: {  	[tilespmem:s18], [sflag:$0x3] =	stream.strided.gather [hbm4b:s24+s2], $0x100, s3, s2, $0x38;
	[tilespmem:$0x1DD00] =	vst v63  }
0x72: {  	_ =	swait.ge [sflag:s30], $0x100  }
0x73: {  	[sflag:s30] =	ssyncset.done $0x0  }
0x74: {  	[sflag:s30] =	ssyncadd.s32 $0xFFFFFF00  }
0x75: {  	[tilespmem:s31], [sflag:$0x1] =	stream.indirect.gather [hbm4b:s7+s29], $0x80, s16, s29, $0xb8;
	[tilespmem:$0x1DD00] =	vst v63  }
0x76: {  	_ = 	snop  }
0x77: {  	[tilespmem:s5], [sflag:$0x2] =	stream.indirect.gather [hbm4b:s8+s29], $0x80, s2, s29, $0xb8;
	[tilespmem:$0x1DD00] =	vst v63  }
0x78: {  	_ =	swait.ge [sflag:s6], $0x2000  }
0x79: {  	[sflag:s6] =	ssyncset.done $0x0  }
0x7a: {  	[sflag:s6] =	ssyncadd.s32 $0xFFFFE000  }
0x7b: {  	_ =	swait.ge [sflag:s12], $0x2000  }
0x7c: {  	[sflag:s12] =	ssyncset.done $0x0  }
0x7d: {  	[sflag:s12] =	ssyncadd.s32 $0xFFFFE000  }
0x7e: {  	v6 =	vld [tilespmem:$0x80]  }
0x7f: {  	v7 =	vld [tilespmem:$0x90]  }
0x80: {  	v8 =	vld [tilespmem:$0xA0]  }
0x81: {  	v9 =	vld [tilespmem:$0xB0];
	_ =	sdelay $0x1  }
0x82: {  	v6 =	vshra.s32 v6, $0x4  }
0x83: {  	v7 =	vshra.s32 v7, $0x4;
	v6 =	vadd.s32 $0x2800, v6  }
0x84: {  	[tilespmem:$0x100] =	vst v6;
	v6 =	vadd.s32 $0x2800, v7;
	v7 =	vshra.s32 v8, $0x4  }
0x85: {  	[tilespmem:$0x110] =	vst v6;
	v6 =	vadd.s32 $0x2800, v7;
	v7 =	vshra.s32 v9, $0x4  }
0x86: {  	[tilespmem:$0x120] =	vst v6;
	v6 =	vadd.s32 $0x2800, v7  }
0x87: {  	s19 =	simm.s32 $0x0;
	s21 =	simm.s32 $0x0;
	[tilespmem:$0x130] =	vst v6  }
.LBB2_5:
0x88: {  	v6 =	vld [tilespmem:s18+$0x0];
	_ =	sdelay $0x1  }
0x89: {  	v9 =	vld [tilespmem:$0x8300]  }
0x8a: {  	v10 =	vld [tilespmem:$0x8380];
	_ =	sdelay $0x1  }
0x8b: {  	v11 =	vld [tilespmem:$0x8400];
	v7 =	vbroadcast v6, $0x0  }
0x8c: {  	v8 =	vbroadcast v6, $0x1  }
0x8d: {  	v13 =	vld [tilespmem:$0x8480];
	s22 =	sshra.s32 s19, $0x2;
	v12 =	vmul.f32 v9, v7  }
0x8e: {  	v14 =	vld [tilespmem:s22+$0x300];
	v10 =	vmul.f32 v10, v8;
	v9 =	vbroadcast v6, $0x2  }
0x8f: {  	v15 =	vld [tilespmem:s22+$0x2300]  }
0x90: {  	v12 =	vadd.f32 v10, v12;
	v11 =	vmul.f32 v11, v9;
	v10 =	vbroadcast v6, $0x3;
	_ =	sdelay $0x1  }
0x91: {  	v6 =	vadd.f32 v11, v12;
	v33 =	vmul.f32 v13, v10;
	_ =	sdelay $0x1  }
0x92: {  	v34 =	vadd.f32 v15, v14;
	v6 =	vadd.f32 v33, v6;
	_ =	sdelay $0x1  }
0x93: {  	v35 =	vld [tilespmem:$0x8500];
	v6 =	vadd.f32 v34, v6;
	_ =	sdelay $0x1  }
0x94: {  	v36 =	vmul.f32 $2.000000030e-01, v6;
	_ =	sdelay $0x1  }
0x95: {  	v6 =	vmax.f32 v6, v36  }
0x96: {  	v6 =	vmul.f32 v6, v35;
	_ =	sdelay $0x1  }
0x97: {  	v11 =	vperm.xlane v6, v1;
	_ =	sdelay $0x1  }
0x98: {  	v6 =	vadd.f32 v6, v11;
	_ =	sdelay $0x1  }
0x99: {  	v11 =	vperm.xlane v6, v2;
	_ =	sdelay $0x1  }
0x9a: {  	v6 =	vadd.f32 v6, v11;
	_ =	sdelay $0x1  }
0x9b: {  	v11 =	vperm.xlane v6, v3;
	_ =	sdelay $0x1  }
0x9c: {  	v6 =	vadd.f32 v6, v11;
	_ =	sdelay $0x1  }
0x9d: {  	v11 =	vperm.xlane v6, v4;
	_ =	sdelay $0x1  }
0x9e: {  	v6 =	vadd.f32 v6, v11;
	_ =	sdelay $0x1  }
0x9f: {  	v6 =	vmul.f32 $1.442695020e+00, v6;
	_ =	sdelay $0x1  }
0xa0: {  	(erf) = vpow2.f32 v6;
	_ =	sdelay $0x8  }
0xa1: {  	v6 =	vpop (erf)  }
0xa2: {  	v37 =	vmul.f32 v6, v14;
	_ =	sdelay $0x1  }
0xa3: {  	[tilespmem:s22+$0x4300] =	vst v37  }
0xa4: {  	v11 =	vld [tilespmem:$0x8310]  }
0xa5: {  	v38 =	vld [tilespmem:$0x8390];
	_ =	sdelay $0x1  }
0xa6: {  	v39 =	vld [tilespmem:$0x8410];
	_ =	sdelay $0x1  }
0xa7: {  	v40 =	vld [tilespmem:$0x8490]  }
0xa8: {  	v41 =	vld [tilespmem:s22+$0x310];
	v11 =	vmul.f32 v11, v7;
	v12 =	vmul.f32 v38, v8  }
0xa9: {  	v16 =	vld [tilespmem:s22+$0x2310]  }
0xaa: {  	v42 =	vmul.f32 v39, v9;
	v11 =	vadd.f32 v12, v11;
	_ =	sdelay $0x1  }
0xab: {  	v43 =	vmul.f32 v40, v10;
	v11 =	vadd.f32 v42, v11;
	_ =	sdelay $0x1  }
0xac: {  	v44 =	vadd.f32 v16, v41;
	v11 =	vadd.f32 v43, v11;
	_ =	sdelay $0x1  }
0xad: {  	v45 =	vld [tilespmem:$0x8580];
	v11 =	vadd.f32 v44, v11;
	_ =	sdelay $0x1  }
0xae: {  	v46 =	vmul.f32 $2.000000030e-01, v11;
	_ =	sdelay $0x1  }
0xaf: {  	v11 =	vmax.f32 v11, v46  }
0xb0: {  	v11 =	vmul.f32 v11, v45;
	_ =	sdelay $0x1  }
0xb1: {  	v12 =	vperm.xlane v11, v1;
	_ =	sdelay $0x1  }
0xb2: {  	v11 =	vadd.f32 v11, v12;
	_ =	sdelay $0x1  }
0xb3: {  	v12 =	vperm.xlane v11, v2;
	_ =	sdelay $0x1  }
0xb4: {  	v11 =	vadd.f32 v11, v12;
	_ =	sdelay $0x1  }
0xb5: {  	v12 =	vperm.xlane v11, v3;
	_ =	sdelay $0x1  }
0xb6: {  	v11 =	vadd.f32 v11, v12;
	_ =	sdelay $0x1  }
0xb7: {  	v12 =	vperm.xlane v11, v4;
	_ =	sdelay $0x1  }
0xb8: {  	v11 =	vadd.f32 v11, v12;
	_ =	sdelay $0x1  }
0xb9: {  	v11 =	vmul.f32 $1.442695020e+00, v11;
	_ =	sdelay $0x1  }
0xba: {  	(erf) = vpow2.f32 v11;
	_ =	sdelay $0x8  }
0xbb: {  	v11 =	vpop (erf)  }
0xbc: {  	v47 =	vmul.f32 v11, v41;
	_ =	sdelay $0x1  }
0xbd: {  	[tilespmem:s22+$0x4310] =	vst v47  }
0xbe: {  	v12 =	vld [tilespmem:$0x8320]  }
0xbf: {  	v48 =	vld [tilespmem:$0x83A0];
	_ =	sdelay $0x1  }
0xc0: {  	v49 =	vld [tilespmem:$0x8420];
	_ =	sdelay $0x1  }
0xc1: {  	v50 =	vld [tilespmem:$0x84A0]  }
0xc2: {  	v51 =	vld [tilespmem:s22+$0x320];
	v12 =	vmul.f32 v12, v7;
	v13 =	vmul.f32 v48, v8  }
0xc3: {  	v17 =	vld [tilespmem:s22+$0x2320]  }
0xc4: {  	v52 =	vmul.f32 v49, v9;
	v12 =	vadd.f32 v13, v12;
	_ =	sdelay $0x1  }
0xc5: {  	v53 =	vmul.f32 v50, v10;
	v12 =	vadd.f32 v52, v12;
	_ =	sdelay $0x1  }
0xc6: {  	v54 =	vadd.f32 v17, v51;
	v12 =	vadd.f32 v53, v12;
	_ =	sdelay $0x1  }
0xc7: {  	v55 =	vld [tilespmem:$0x8600];
	v12 =	vadd.f32 v54, v12;
	_ =	sdelay $0x1  }
0xc8: {  	v56 =	vmul.f32 $2.000000030e-01, v12;
	_ =	sdelay $0x1  }
0xc9: {  	v12 =	vmax.f32 v12, v56  }
0xca: {  	v12 =	vmul.f32 v12, v55;
	_ =	sdelay $0x1  }
0xcb: {  	v13 =	vperm.xlane v12, v1;
	_ =	sdelay $0x1  }
0xcc: {  	v12 =	vadd.f32 v12, v13;
	_ =	sdelay $0x1  }
0xcd: {  	v13 =	vperm.xlane v12, v2;
	_ =	sdelay $0x1  }
0xce: {  	v12 =	vadd.f32 v12, v13;
	_ =	sdelay $0x1  }
0xcf: {  	v13 =	vperm.xlane v12, v3;
	_ =	sdelay $0x1  }
0xd0: {  	v12 =	vadd.f32 v12, v13;
	_ =	sdelay $0x1  }
0xd1: {  	v13 =	vperm.xlane v12, v4;
	_ =	sdelay $0x1  }
0xd2: {  	v12 =	vadd.f32 v12, v13;
	_ =	sdelay $0x1  }
0xd3: {  	v12 =	vmul.f32 $1.442695020e+00, v12;
	_ =	sdelay $0x1  }
0xd4: {  	(erf) = vpow2.f32 v12;
	_ =	sdelay $0x8  }
0xd5: {  	v12 =	vpop (erf)  }
0xd6: {  	v57 =	vmul.f32 v12, v51;
	_ =	sdelay $0x1  }
0xd7: {  	[tilespmem:s22+$0x4320] =	vst v57  }
0xd8: {  	v13 =	vld [tilespmem:$0x8330]  }
0xd9: {  	v58 =	vld [tilespmem:$0x83B0];
	_ =	sdelay $0x1  }
0xda: {  	v59 =	vld [tilespmem:$0x8430];
	_ =	sdelay $0x1  }
0xdb: {  	v60 =	vld [tilespmem:$0x84B0]  }
0xdc: {  	v61 =	vld [tilespmem:s22+$0x330];
	v13 =	vmul.f32 v13, v7;
	v14 =	vmul.f32 v58, v8  }
0xdd: {  	v18 =	vld [tilespmem:s22+$0x2330]  }
0xde: {  	v62 =	vmul.f32 v59, v9;
	v13 =	vadd.f32 v14, v13;
	_ =	sdelay $0x1  }
0xdf: {  	v63 =	vmul.f32 v60, v10;
	v13 =	vadd.f32 v62, v13;
	_ =	sdelay $0x1  }
0xe0: {  	v16 =	vadd.f32 v18, v61;
	v13 =	vadd.f32 v63, v13;
	_ =	sdelay $0x1  }
0xe1: {  	v18 =	vld [tilespmem:$0x8680];
	v13 =	vadd.f32 v16, v13;
	_ =	sdelay $0x1  }
0xe2: {  	v19 =	vmul.f32 $2.000000030e-01, v13;
	_ =	sdelay $0x1  }
0xe3: {  	v13 =	vmax.f32 v13, v19  }
0xe4: {  	v13 =	vmul.f32 v13, v18;
	_ =	sdelay $0x1  }
0xe5: {  	v14 =	vperm.xlane v13, v1;
	_ =	sdelay $0x1  }
0xe6: {  	v13 =	vadd.f32 v13, v14;
	_ =	sdelay $0x1  }
0xe7: {  	v14 =	vperm.xlane v13, v2;
	_ =	sdelay $0x1  }
0xe8: {  	v13 =	vadd.f32 v13, v14;
	_ =	sdelay $0x1  }
0xe9: {  	v14 =	vperm.xlane v13, v3;
	_ =	sdelay $0x1  }
0xea: {  	v13 =	vadd.f32 v13, v14;
	_ =	sdelay $0x1  }
0xeb: {  	v14 =	vperm.xlane v13, v4;
	_ =	sdelay $0x1  }
0xec: {  	v13 =	vadd.f32 v13, v14;
	_ =	sdelay $0x1  }
0xed: {  	v13 =	vmul.f32 $1.442695020e+00, v13;
	_ =	sdelay $0x1  }
0xee: {  	(erf) = vpow2.f32 v13;
	_ =	sdelay $0x8  }
0xef: {  	v13 =	vpop (erf)  }
0xf0: {  	v20 =	vmul.f32 v13, v61;
	_ =	sdelay $0x1  }
0xf1: {  	[tilespmem:s22+$0x4330] =	vst v20  }
0xf2: {  	v14 =	vld [tilespmem:$0x8340]  }
0xf3: {  	v21 =	vld [tilespmem:$0x83C0];
	_ =	sdelay $0x1  }
0xf4: {  	v22 =	vld [tilespmem:$0x8440];
	_ =	sdelay $0x1  }
0xf5: {  	v23 =	vld [tilespmem:$0x84C0]  }
0xf6: {  	v24 =	vld [tilespmem:s22+$0x340];
	v14 =	vmul.f32 v14, v7;
	v15 =	vmul.f32 v21, v8  }
0xf7: {  	v19 =	vld [tilespmem:s22+$0x2340]  }
0xf8: {  	v25 =	vmul.f32 v22, v9;
	v14 =	vadd.f32 v15, v14;
	_ =	sdelay $0x1  }
0xf9: {  	v26 =	vmul.f32 v23, v10;
	v14 =	vadd.f32 v25, v14;
	_ =	sdelay $0x1  }
0xfa: {  	v27 =	vadd.f32 v19, v24;
	v14 =	vadd.f32 v26, v14;
	_ =	sdelay $0x1  }
0xfb: {  	v28 =	vld [tilespmem:$0x8700];
	v14 =	vadd.f32 v27, v14;
	_ =	sdelay $0x1  }
0xfc: {  	v29 =	vmul.f32 $2.000000030e-01, v14;
	_ =	sdelay $0x1  }
0xfd: {  	v14 =	vmax.f32 v14, v29  }
0xfe: {  	v14 =	vmul.f32 v14, v28;
	_ =	sdelay $0x1  }
0xff: {  	v15 =	vperm.xlane v14, v1;
	_ =	sdelay $0x1  }
0x100: {  	v14 =	vadd.f32 v14, v15;
	_ =	sdelay $0x1  }
0x101: {  	v15 =	vperm.xlane v14, v2;
	_ =	sdelay $0x1  }
0x102: {  	v14 =	vadd.f32 v14, v15;
	_ =	sdelay $0x1  }
0x103: {  	v15 =	vperm.xlane v14, v3;
	_ =	sdelay $0x1  }
0x104: {  	v14 =	vadd.f32 v14, v15;
	_ =	sdelay $0x1  }
0x105: {  	v15 =	vperm.xlane v14, v4;
	_ =	sdelay $0x1  }
0x106: {  	v14 =	vadd.f32 v14, v15;
	_ =	sdelay $0x1  }
0x107: {  	v14 =	vmul.f32 $1.442695020e+00, v14;
	_ =	sdelay $0x1  }
0x108: {  	(erf) = vpow2.f32 v14;
	_ =	sdelay $0x8  }
0x109: {  	v14 =	vpop (erf)  }
0x10a: {  	v30 =	vmul.f32 v14, v24;
	_ =	sdelay $0x1  }
0x10b: {  	[tilespmem:s22+$0x4340] =	vst v30  }
0x10c: {  	v15 =	vld [tilespmem:$0x8350]  }
0x10d: {  	v31 =	vld [tilespmem:$0x83D0];
	_ =	sdelay $0x1  }
0x10e: {  	v32 =	vld [tilespmem:$0x8450];
	_ =	sdelay $0x1  }
0x10f: {  	v33 =	vld [tilespmem:$0x84D0]  }
0x110: {  	v34 =	vld [tilespmem:s22+$0x350];
	v15 =	vmul.f32 v15, v7;
	v16 =	vmul.f32 v31, v8  }
0x111: {  	v20 =	vld [tilespmem:s22+$0x2350]  }
0x112: {  	v35 =	vmul.f32 v32, v9;
	v15 =	vadd.f32 v16, v15;
	_ =	sdelay $0x1  }
0x113: {  	v36 =	vmul.f32 v33, v10;
	v15 =	vadd.f32 v35, v15;
	_ =	sdelay $0x1  }
0x114: {  	v37 =	vadd.f32 v20, v34;
	v15 =	vadd.f32 v36, v15;
	_ =	sdelay $0x1  }
0x115: {  	v38 =	vld [tilespmem:$0x8780];
	v15 =	vadd.f32 v37, v15;
	_ =	sdelay $0x1  }
0x116: {  	v39 =	vmul.f32 $2.000000030e-01, v15;
	_ =	sdelay $0x1  }
0x117: {  	v15 =	vmax.f32 v15, v39  }
0x118: {  	v15 =	vmul.f32 v15, v38;
	_ =	sdelay $0x1  }
0x119: {  	v16 =	vperm.xlane v15, v1;
	_ =	sdelay $0x1  }
0x11a: {  	v15 =	vadd.f32 v15, v16;
	_ =	sdelay $0x1  }
0x11b: {  	v16 =	vperm.xlane v15, v2;
	_ =	sdelay $0x1  }
0x11c: {  	v15 =	vadd.f32 v15, v16;
	_ =	sdelay $0x1  }
0x11d: {  	v16 =	vperm.xlane v15, v3;
	_ =	sdelay $0x1  }
0x11e: {  	v15 =	vadd.f32 v15, v16;
	_ =	sdelay $0x1  }
0x11f: {  	v16 =	vperm.xlane v15, v4;
	_ =	sdelay $0x1  }
0x120: {  	v15 =	vadd.f32 v15, v16;
	_ =	sdelay $0x1  }
0x121: {  	v15 =	vmul.f32 $1.442695020e+00, v15;
	_ =	sdelay $0x1  }
0x122: {  	(erf) = vpow2.f32 v15;
	_ =	sdelay $0x8  }
0x123: {  	v15 =	vpop (erf)  }
0x124: {  	v40 =	vmul.f32 v15, v34;
	_ =	sdelay $0x1  }
0x125: {  	[tilespmem:s22+$0x4350] =	vst v40  }
0x126: {  	v16 =	vld [tilespmem:$0x8360]  }
0x127: {  	v41 =	vld [tilespmem:$0x83E0];
	_ =	sdelay $0x1  }
0x128: {  	v42 =	vld [tilespmem:$0x8460];
	_ =	sdelay $0x1  }
0x129: {  	v43 =	vld [tilespmem:$0x84E0]  }
0x12a: {  	v44 =	vld [tilespmem:s22+$0x360];
	v16 =	vmul.f32 v16, v7;
	v17 =	vmul.f32 v41, v8  }
0x12b: {  	v21 =	vld [tilespmem:s22+$0x2360]  }
0x12c: {  	v45 =	vmul.f32 v42, v9;
	v16 =	vadd.f32 v17, v16;
	_ =	sdelay $0x1  }
0x12d: {  	v46 =	vmul.f32 v43, v10;
	v16 =	vadd.f32 v45, v16;
	_ =	sdelay $0x1  }
0x12e: {  	v47 =	vadd.f32 v21, v44;
	v16 =	vadd.f32 v46, v16;
	_ =	sdelay $0x1  }
0x12f: {  	v48 =	vld [tilespmem:$0x8800];
	v16 =	vadd.f32 v47, v16;
	_ =	sdelay $0x1  }
0x130: {  	v49 =	vmul.f32 $2.000000030e-01, v16;
	_ =	sdelay $0x1  }
0x131: {  	v16 =	vmax.f32 v16, v49  }
0x132: {  	v16 =	vmul.f32 v16, v48;
	_ =	sdelay $0x1  }
0x133: {  	v17 =	vperm.xlane v16, v1;
	_ =	sdelay $0x1  }
0x134: {  	v16 =	vadd.f32 v16, v17;
	_ =	sdelay $0x1  }
0x135: {  	v17 =	vperm.xlane v16, v2;
	_ =	sdelay $0x1  }
0x136: {  	v16 =	vadd.f32 v16, v17;
	_ =	sdelay $0x1  }
0x137: {  	v17 =	vperm.xlane v16, v3;
	_ =	sdelay $0x1  }
0x138: {  	v16 =	vadd.f32 v16, v17;
	_ =	sdelay $0x1  }
0x139: {  	v17 =	vperm.xlane v16, v4;
	_ =	sdelay $0x1  }
0x13a: {  	v16 =	vadd.f32 v16, v17;
	_ =	sdelay $0x1  }
0x13b: {  	v16 =	vmul.f32 $1.442695020e+00, v16;
	_ =	sdelay $0x1  }
0x13c: {  	(erf) = vpow2.f32 v16;
	_ =	sdelay $0x8  }
0x13d: {  	v16 =	vpop (erf)  }
0x13e: {  	v50 =	vmul.f32 v16, v44;
	_ =	sdelay $0x1  }
0x13f: {  	[tilespmem:s22+$0x4360] =	vst v50  }
0x140: {  	v17 =	vld [tilespmem:$0x8370]  }
0x141: {  	v51 =	vld [tilespmem:$0x83F0];
	_ =	sdelay $0x1  }
0x142: {  	v52 =	vld [tilespmem:$0x8470];
	_ =	sdelay $0x1  }
0x143: {  	v53 =	vld [tilespmem:$0x84F0]  }
0x144: {  	v54 =	vld [tilespmem:s22+$0x370];
	v7 =	vmul.f32 v17, v7;
	v8 =	vmul.f32 v51, v8  }
0x145: {  	v55 =	vld [tilespmem:s22+$0x2370]  }
0x146: {  	v56 =	vmul.f32 v52, v9;
	v7 =	vadd.f32 v8, v7;
	_ =	sdelay $0x1  }
0x147: {  	v57 =	vmul.f32 v53, v10;
	v7 =	vadd.f32 v56, v7;
	_ =	sdelay $0x1  }
0x148: {  	v58 =	vadd.f32 v55, v54;
	v7 =	vadd.f32 v57, v7;
	_ =	sdelay $0x1  }
0x149: {  	v59 =	vld [tilespmem:$0x8880];
	v7 =	vadd.f32 v58, v7;
	_ =	sdelay $0x1  }
0x14a: {  	v60 =	vmul.f32 $2.000000030e-01, v7;
	_ =	sdelay $0x1  }
0x14b: {  	v7 =	vmax.f32 v7, v60  }
0x14c: {  	v7 =	vmul.f32 v7, v59;
	_ =	sdelay $0x1  }
0x14d: {  	v8 =	vperm.xlane v7, v1;
	_ =	sdelay $0x1  }
0x14e: {  	v7 =	vadd.f32 v7, v8;
	_ =	sdelay $0x1  }
0x14f: {  	v8 =	vperm.xlane v7, v2;
	_ =	sdelay $0x1  }
0x150: {  	v7 =	vadd.f32 v7, v8;
	_ =	sdelay $0x1  }
0x151: {  	v8 =	vperm.xlane v7, v3;
	_ =	sdelay $0x1  }
0x152: {  	v7 =	vadd.f32 v7, v8;
	_ =	sdelay $0x1  }
0x153: {  	v8 =	vperm.xlane v7, v4;
	_ =	sdelay $0x1  }
0x154: {  	v7 =	vadd.f32 v7, v8;
	_ =	sdelay $0x1  }
0x155: {  	v7 =	vmul.f32 $1.442695020e+00, v7;
	_ =	sdelay $0x1  }
0x156: {  	(erf) = vpow2.f32 v7;
	_ =	sdelay $0x3  }
0x157: {  	[tilespmem:s22+$0x6300] =	vst v0  }
0x158: {  	[tilespmem:s22+$0x6310] =	vst v0  }
0x159: {  	[tilespmem:s22+$0x6320] =	vst v0  }
0x15a: {  	[tilespmem:s22+$0x6330] =	vst v0  }
0x15b: {  	[tilespmem:s22+$0x6340] =	vst v0  }
0x15c: {  	[tilespmem:s22+$0x6350] =	vst v0;
	v7 =	vpop (erf)  }
0x15d: {  	[tilespmem:s22+$0x6360] =	vst v0;
	v61 =	vmul.f32 v7, v54  }
0x15e: {  	[tilespmem:s22+$0x6370] =	vst v0  }
0x15f: {  	s23 =	sand.u32 $0x30, s21;
	[tilespmem:s22+$0x4370] =	vst v61  }
0x160: {  	v8 =	vld [tilespmem:s23+$0x80];
	_ =	sdelay $0x3  }
0x161: {  	v62 =	vmov s21  }
0x162: {  	v8 =	vperm.xlane v8, v62;
	_ =	sdelay $0x1  }
0x163: {  	(v2sf) =	vpush v8, $0x0;
	_ =	sdelay $0xb  }
0x164: {  	v6 =	vnsel vm0, $0x0, v6  }
0x165: {  	v6 =	vsel vm1, v6, v11  }
0x166: {  	v6 =	vsel vm2, v6, v12  }
0x167: {  	v6 =	vsel vm3, v6, v13;
	s24 =	spop (v2sf)  }
0x168: {  	v6 =	vsel vm4, v6, v14;
	s23 =	sshll.u32 s24, $0x3  }
0x169: {  	v6 =	vsel vm5, v6, v15;
	s24 =	sand.u32 $0x8, s23  }
0x16a: {  	p0 =	sne.s32 s19, $0x7E00;
	v6 =	vsel vm6, v6, v16;
	v63 =	vmov s24  }
.Ltmp1:
0x16b: {  	v6 =	vsel vm7, v6, v7;
	v7 =	vsub.s32 v5, v63;
	(pc) =	sbr.rel @p0 .LBB2_5-.Ltmp1, $4  }
0x16c: {  	v6 =	vperm.xlane v6, v7  }
0x16d: {  	s23 =	sand.u32 $0x70, s23;
	vm8 =	vlt.u32 v7, $0x8  }
0x16e: {  	s22 =	sadd.s32 s22, s23;
	v6 =	vnsel vm8, $0x0, v6  }
0x16f: {  	s18 =	sadd.s32 $0x4, s18;
	s19 =	sadd.s32 $0x200, s19;
	s21 =	sadd.s32 $0x1, s21;
	[tilespmem:s22+$0x6300] =	vst v6  }
0x170: {  	[spmem:s4] =	stream.indirect.scatter.add.f32 [tilespmem:s0], [sflag:$0x3], $0x80, s2, s29, $0xb8;
	[tilespmem:$0x1DD00] =	vst v63  }
0x171: {  	s17 =	sadd.s32 $0x1, s17;
	_ =	swait.ge [sflag:s30], $0x2000  }
0x172: {  	p0 =	sne.s32 s17, $0xA2;
	[sflag:s30] =	ssyncset.done $0x0  }
.Ltmp2:
0x173: {  	[sflag:s30] =	ssyncadd.s32 $0xFFFFE000;
	(pc) =	sbr.rel @p0 .LBB2_4-.Ltmp2, $4  }
0x174: {  	[spmem:s4] =	stream.indirect.scatter.add.f32 [tilespmem:s14], [sflag:$0x3], $0x80, s13, s29, $0xb8;
	[tilespmem:$0x1DD00] =	vst v63  }
0x175: {  	_ =	swait.ge [sflag:s30], $0x2000  }
0x176: {  	[sflag:s30] =	ssyncset.done $0x0  }
0x177: {  	[sflag:s30] =	ssyncadd.s32 $0xFFFFE000  }
0x178: {  	s16 =	stileid.u32;
	[bflag:$0x0] =	sbarrier.arrive $0xFFFF  }
0x179: {  	s16 =	sshll.u32 s16, $0x6;
	s17 =	rddreg [dreg:$0xe]  }
0x17a: {  	s18 =	rddreg [dreg:$0x11];
	s16 =	sor.u32 $0x1C03, s16  }
0x17b: {  	[hbm:s17], [sflag:s16] =	dma.local [spmem:s18], $0x2800  }
0x17c: {  	_ =	swait.ge [sflag:s30], $0x2800  }
0x17d: {  	[sflag:s30] =	ssyncset.done $0x0  }
0x17e: {  	s23 =	rddreg [dreg:$0xf];
	[sflag:s30] =	ssyncadd.s32 $0xFFFFD800  }
0x17f: {  	[hbm:s23], [sflag:s16] =	dma.local [spmem:s25], $0x280  }
0x180: {  	_ =	swait.ge [sflag:s30], $0x280  }
0x181: {  	s15 =	sadd.s32 $0x1, s15;
	s24 =	rddreg [dreg:$0x10]  }
0x182: {  	p0 =	sne.s32 s15, s24  }
.Ltmp3:
0x183: {  	_ = 	snop;
	(pc) =	sbr.rel @p0 .LBB2_1-.Ltmp3, $3  }
0x184: {  	_ =	sdelay $0x1  }
0x185: {  	[sflag:s30] =	ssyncset.done $0x0  }
0x186: {  	[sflag:s30] =	ssyncadd.s32 $0xFFFFFD80  }
0x187: {  	_ =	sfence.sel $0x180000  }
0x188: {  	[bflag:$0x0] =	sbarrier.arrive $0xFFFF  }
0x189: {  	_ =	strace $0x9000004A  }
0x18a: {  	s0 =	stileid.u32;
	[bflag:$0x2] =	sbarrier.arrive $0xFFFF  }
0x18b: {  	p0 =	sne.s32 s0, $0x0;
	s0 =	rddreg [dreg:$0x5]  }
0x18c: {  	s0 =	sadd.s32 @!p0 $0x100000, s0  }
0x18d: {  	[sflag:s0] =	ssyncadd.tile.s32 @!p0 $0x1;
	_ =	shalt  }
.Lfunc_end2:
_tile_overlayer_lowered:
.L_overlay_start_2:
0x18e: {  	(tag) =	ssettag $0x2  }
0x18f: {  	s0 =	rddreg [dreg:$0x0];
	s2 =	stileid.u32  }
0x190: {  	s1 =	rddreg [dreg:$0x1];
	p0 =	sne.s32 s2, $0x0  }
0x191: {  	s3 =	rddreg [dreg:$0x2];
	[bflag:$0x3] =	sbarrier.arrive $0xFFFF;
	s2 =	simm.s32 @!p0 $0x1C03  }
0x192: {  	[timem:s3], [sflag:s2] =	dma.local @!p0 [hbm:s0], s1  }
0x193: {  	s0 =	simm.s32 @!p0 $0x3  }
0x194: {  	_ =	swait.ge @!p0 [sflag:s0], s1  }
0x195: {  	s1 =	ssub.s32 @!p0 $0x0, s1;
	[sflag:s0] =	ssyncset.done @!p0 $0x0  }
0x196: {  	[sflag:s0] =	ssyncadd.s32 @!p0 s1  }
0x197: {  	[bflag:$0x3] =	sbarrier.arrive $0xFFFF  }
0x198: {  	_ =	shalt  }

// kernel: kernel.15.cloned.1.call-start
scs
__scs_entry_jumppad:
0x0: {  	(pc) =	sbr.rel $0x88, $3  }
0x1: {  	(tag) =	ssettag $0x0;
	lr =	simm.s32 $0x1  }
0x2: {  	[smem:$0x3F81] =	sst lr;
	_ =	strace $0xD0000000  }
0x3: {  	_ = 	snop  }
0x4: {  	_ = 	snop  }
0x5: {  	_ = 	snop  }
0x6: {  	_ = 	snop  }
0x7: {  	_ = 	snop  }
__scs_overlays_trampoline_lowered:
0x8: {  	[smem:$0x3F90] =	sst s0  }
0x9: {  	[smem:$0x3F91] =	sst s1  }
0xa: {  	[smem:$0x3F92] =	sst s2  }
0xb: {  	[smem:$0x3F93] =	sst s3  }
0xc: {  	[smem:$0x3F94] =	sst s4  }
0xd: {  	[smem:$0x3F95] =	sst s5  }
0xe: {  	[smem:$0x3F96] =	sst s6  }
0xf: {  	[smem:$0x3F97] =	sst s7  }
0x10: {  	[smem:$0x3F98] =	sst s8  }
0x11: {  	[smem:$0x3F99] =	sst s9;
	s0 =	simm.s32 @!p0 $0x0  }
0x12: {  	s1 =	sld [smem:$0x3F7F];
	s0 =	simm.s32 @p0 $0x1  }
0x13: {  	[smem:$0x3F9A] =	sst s0;
	s0 =	simm.s32 @!p1 $0x0  }
0x14: {  	s2 =	sld [smem:$0x3F7E];
	s0 =	simm.s32 @p1 $0x1  }
0x15: {  	[smem:$0x3F9B] =	sst s0;
	s0 =	simm.s32 @!p2 $0x0  }
0x16: {  	s3 =	sld [smem:$0x3FDB];
	s0 =	simm.s32 @p2 $0x1  }
0x17: {  	s4 =	simm.s32 $0x1BF5;
	[smem:$0x3F9D] =	sst s0  }
0x18: {  	s0 =	sld [smem:$0x3F80];
	_ =	swait.ge [sflag:s4], $0x0  }
0x19: {  	s7 =	sld [smem:$0x3F81]  }
0x1a: {  	s8 =	sadd.s32 $0xFFFFE003, lr  }
0x1b: {  	s9 =	sadd.s32 $0xFFFFFEF7, lr;
	s5 =	simm.s32 $0xFFFFFFFF;
	p2 =	slt.u32 s8, $0xFFFFF086  }
0x1c: {  	p1 =	slt.u32 s9, $0xF7A;
	s5 =	simm.s32 @!p2 $0x0  }
0x1d: {  	s5 =	simm.s32 @p1 $0x1;
	p0 =	seq.s32 s7, s2  }
0x1e: {  	s7 =	smul.u32 @!p0 $0xF7A, s2;
	p2 =	seq.s32 @!p0 s5, $0x0  }
0x1f: {  	s9 =	smul.u32 $0xF7A, s1;
	s8 =	simm.s32 @!p0 $0x1BF5;
	p2 =	por !p2, p0  }
0x20: {  	[sflag:s8] =	ssyncset.s32 @!p0 $0xFFFFF086;
	s6 =	sadd.s32 @!p0 s3, s7;
	s7 =	simm.s32 @!p0 $0x108  }
0x21: {  	s3 =	sadd.s32 s3, s9;
	s6 =	sadd.s32 @!p0 $0x88, s6;
	s7 =	simm.s32 @p2 $0x1082  }
0x22: {  	[simem:s7], [sflag:s8] =	dma.local @!p0 [hbm:s6], $0xF7A  }
0x23: {  	s9 =	sor.u32 $0xD0000000, s2;
	s6 =	simm.s32 $0x108;
	_ =	swait.ge @!p0 [sflag:s8], $0x0  }
0x24: {  	s3 =	sadd.s32 $0x88, s3;
	s6 =	simm.s32 @!p1 $0x1082;
	[sflag:s4] =	ssyncset.s32 $0xFFFFF086  }
0x25: {  	[simem:s6], [sflag:s4] =	dma.local [hbm:s3], $0xF7A  }
0x26: {  	[smem:$0x3F81] =	sst s1;
	(tag) =	ssettag s2;
	_ =	strace s9  }
0x27: {  	s1 =	sld [smem:$0x3F91]  }
0x28: {  	s2 =	sld [smem:$0x3F92]  }
0x29: {  	s4 =	sld [smem:$0x3F94]  }
0x2a: {  	p0 =	seq.s32 s5, $0x0;
	s5 =	sld [smem:$0x3F95]  }
0x2b: {  	s6 =	sld [smem:$0x3F96]  }
0x2c: {  	s7 =	sld [smem:$0x3F97]  }
0x2d: {  	s3 =	simm.s32 $0x108;
	s8 =	sld [smem:$0x3F98]  }
0x2e: {  	s3 =	simm.s32 @!p0 $0x1082;
	s9 =	sld [smem:$0x3F99]  }
0x2f: {  	lr =	sadd.s32 s0, s3;
	s0 =	sld [smem:$0x3F90]  }
0x30: {  	s3 =	sld [smem:$0x3F93]  }
0x31: {  	[smem:$0x3F9C] =	sst s10  }
0x32: {  	s10 =	sld [smem:$0x3F9A];
	_ =	sdelay $0x3  }
0x33: {  	p0 =	seq.s32 s10, $0x1;
	s10 =	sld [smem:$0x3F9C];
	_ =	sdelay $0x3  }
0x34: {  	[smem:$0x3F9C] =	sst s10  }
0x35: {  	s10 =	sld [smem:$0x3F9B];
	_ =	sdelay $0x3  }
0x36: {  	p1 =	seq.s32 s10, $0x1;
	s10 =	sld [smem:$0x3F9C];
	_ =	sdelay $0x3  }
0x37: {  	[smem:$0x3F9C] =	sst s10  }
0x38: {  	s10 =	sld [smem:$0x3F9D]  }
0x39: {  	_ = 	snop;
	(pc) =	sbr.ind lr, $3  }
0x3a: {  	_ = 	snop  }
0x3b: {  	_ = 	snop  }
0x3c: {  	p2 =	seq.s32 s10, $0x1;
	s10 =	sld [smem:$0x3F9C]  }
0x3d: {  	_ =	shalt  }
0x3e: {  	_ =	shalt  }
0x3f: {  	_ =	shalt  }
0x40: {  	_ =	shalt  }
0x41: {  	_ =	shalt  }
0x42: {  	_ =	shalt  }
0x43: {  	_ =	shalt  }
0x44: {  	_ =	shalt  }
0x45: {  	_ =	shalt  }
0x46: {  	_ =	shalt  }
0x47: {  	_ =	shalt  }
0x48: {  	_ =	shalt  }
0x49: {  	_ =	shalt  }
0x4a: {  	_ =	shalt  }
0x4b: {  	_ =	shalt  }
0x4c: {  	_ =	shalt  }
0x4d: {  	_ =	shalt  }
0x4e: {  	_ =	shalt  }
0x4f: {  	_ =	shalt  }
0x50: {  	_ =	shalt  }
0x51: {  	_ =	shalt  }
0x52: {  	_ =	shalt  }
0x53: {  	_ =	shalt  }
0x54: {  	_ =	shalt  }
0x55: {  	_ =	shalt  }
0x56: {  	_ =	shalt  }
0x57: {  	_ =	shalt  }
0x58: {  	_ =	shalt  }
0x59: {  	_ =	shalt  }
0x5a: {  	_ =	shalt  }
0x5b: {  	_ =	shalt  }
0x5c: {  	_ =	shalt  }
0x5d: {  	_ =	shalt  }
0x5e: {  	_ =	shalt  }
0x5f: {  	_ =	shalt  }
0x60: {  	_ =	shalt  }
0x61: {  	_ =	shalt  }
0x62: {  	_ =	shalt  }
0x63: {  	_ =	shalt  }
0x64: {  	_ =	shalt  }
0x65: {  	_ =	shalt  }
0x66: {  	_ =	shalt  }
0x67: {  	_ =	shalt  }
0x68: {  	_ =	shalt  }
0x69: {  	_ =	shalt  }
0x6a: {  	_ =	shalt  }
0x6b: {  	_ =	shalt  }
0x6c: {  	_ =	shalt  }
0x6d: {  	_ =	shalt  }
0x6e: {  	_ =	shalt  }
0x6f: {  	_ =	shalt  }
0x70: {  	_ =	shalt  }
0x71: {  	_ =	shalt  }
0x72: {  	_ =	shalt  }
0x73: {  	_ =	shalt  }
0x74: {  	_ =	shalt  }
0x75: {  	_ =	shalt  }
0x76: {  	_ =	shalt  }
0x77: {  	_ =	shalt  }
0x78: {  	_ =	shalt  }
0x79: {  	_ =	shalt  }
0x7a: {  	_ =	shalt  }
0x7b: {  	_ =	shalt  }
0x7c: {  	_ =	shalt  }
0x7d: {  	_ =	shalt  }
0x7e: {  	_ =	shalt  }
0x7f: {  	_ =	shalt  }
0x80: {  	_ =	shalt  }
0x81: {  	_ =	shalt  }
0x82: {  	_ =	shalt  }
0x83: {  	_ =	shalt  }
0x84: {  	_ =	shalt  }
0x85: {  	_ =	shalt  }
0x86: {  	_ =	shalt  }
0x87: {  	_ =	shalt  }
.Lfunc_end0:
.L_simem_size_0:
called_computation.2_lowered:
.L_overlay_start_0:
0x88: {  	s2 =	sld [smem:$0x3FD9]  }
0x89: {  	s3 =	sld [smem:$0x3FFE];
	_ =	sdelay $0x1  }
0x8a: {  	s1 =	srdreg.scid  }
0x8b: {  	s0 =	sand.u32 $0x1, s1  }
0x8c: {  	s17 =	sshll.u32 s0, $0xA;
	s2 =	sadd.s32 s3, s2  }
0x8d: {  	s2 =	sadd.s32 s2, s17  }
0x8e: {  	[smem:$0x3FA8] =	sst s2  }
0x8f: {  	_ = 	snop  }
0x90: {  	s2 =	sld [smem:$0x3FB0]  }
0x91: {  	s18 =	sld [smem:$0x3FAF]  }
0x92: {  	s4 =	sld [smem:$0x3FD0];
	(tm) =	ssettm $0x1  }
0x93: {  	s5 =	sld [smem:$0x3FFB];
	_ =	sdelay $0x3  }
0x94: {  	_ =	strace s5  }
0x95: {  	s5 =	sld [smem:$0x3FFC];
	_ =	sdelay $0x3  }
0x96: {  	_ =	strace s5  }
0x97: {  	s5 =	sld [smem:$0x3FFD];
	_ =	sdelay $0x3  }
0x98: {  	_ =	strace s5  }
0x99: {  	_ =	strace $0x8FFFFFFF  }
0x9a: {  	s19 =	sld [smem:$0x3FDB];
	_ =	sdelay $0x1  }
0x9b: {  	s6 =	simm.s32 $_scs_section_size  }
0x9c: {  	s7 =	simm.s32 $_size__tile_overlayer_lowered;
	s8 =	simm.s32 $_tile_overlayer_lowered  }
0x9d: {  	s22 =	simm.s32 $0x1BFF;
	s21 =	sshll.u32 s8, $0x1;
	s5 =	sadd.s32 s6, s19  }
0x9e: {  	s9 =	simm.s32 $0x0;
	s20 =	sshll.u32 s7, $0x1;
	s7 =	sadd.s32 s21, s5  }
0x9f: {  	[timem:s9], [sflag:s22] =	dma.local [hbm:s7], s20  }
0xa0: {  	_ =	swait.ge [sflag:s22], s20  }
0xa1: {  	s6 =	ssub.s32 $0x0, s20;
	[sflag:s22] =	ssyncset.done $0x0  }
0xa2: {  	[sflag:s22] =	ssyncadd.s32 s6;
	_ =	sdelay $0x1  }
0xa3: {  	s23 =	simm.s32 $0x1B8B  }
0xa4: {  	_ =	swait.ge [sflag:s23], $0x1  }
0xa5: {  	[sflag:s23] =	ssyncset.done $0x0  }
0xa6: {  	s25 =	simm.s32 $0x1B8E;
	s24 =	sld [smem:$0x3FFE];
	[sflag:s23] =	ssyncadd.s32 $0xFFFFFFFF  }
0xa7: {  	s26 =	simm.s32 $execute0_lowered;
	[smem:$0x3FD2] =	sst s25  }
0xa8: {  	s7 =	sshll.u32 s26, $0x1;
	_ =	strace $0x8000004C;
	[dreg:$0x1] =	wrdreg $0xFFFFFFFF  }
0xa9: {  	s28 =	simm.s32 $_size_execute0_lowered;
	s5 =	sadd.s32 s5, s7;
	[dreg:$0x0] =	wrdreg $0x0  }
0xaa: {  	s7 =	sshll.u32 s28, $0x1;
	[dreg:$0x2] =	wrdreg s5  }
0xab: {  	[dreg:$0x3] =	wrdreg s7  }
0xac: {  	[dreg:$0x4] =	wrdreg $0xC0  }
0xad: {  	_ =	task [dreg:s9], $0x5FFFF  }
0xae: {  	[dreg:$0x1] =	wrdreg $0xFFFFFFFF  }
0xaf: {  	[dreg:$0x0] =	wrdreg $0x60  }
0xb0: {  	[dreg:$0x2] =	wrdreg s24  }
0xb1: {  	[dreg:$0x3] =	wrdreg s4  }
0xb2: {  	[dreg:$0x4] =	wrdreg s18  }
0xb3: {  	[dreg:$0x5] =	wrdreg s2  }
0xb4: {  	[dreg:$0x6] =	wrdreg $0x89000  }
0xb5: {  	[dreg:$0x7] =	wrdreg $0x9  }
0xb6: {  	_ =	task.clear_ibuf [dreg:s9], $0x8FFFF;
	_ =	strace $0x9000004C  }
0xb7: {  	s29 =	simm.s32 $0x9;
	_ =	strace $0x8000004E  }
0xb8: {  	_ =	swait.ge [sflag:s29], $0x1  }
0xb9: {  	[sflag:s29] =	ssyncadd.s32 $0xFFFFFFFF  }
0xba: {  	_ =	strace $0x9000004E  }
0xbb: {  	_ =	sfence  }
0xbc: {  	s30 =	sld [smem:$0x0];
	_ =	sdelay $0x2  }
0xbd: {  	s31 =	sshll.u32 s1, $0xD;
	s1 =	sshrl.u32 s1, $0x2  }
0xbe: {  	s3 =	sand.u32 $0x4000, s31;
	s1 =	sadd.s32 s1, s30  }
0xbf: {  	s0 =	sor.u32 s3, s0;
	s1 =	sshll.u32 s1, $0x11  }
0xc0: {  	s0 =	sor.u32 s1, s0  }
0xc1: {  	s0 =	sadd.s32 $0x8F2B, s0  }
0xc2: {  	[sflag:s0] =	ssyncadd.remote.s32 $0x1  }
0xc3: {  	_ =	sfence.sel $0xFFFF  }
0xc4: {  	[dreg:$0x0] =	wrdreg $0xFFFFFFFF;
	(pc) =	sbr.abs _section_cstart, $3  }
0xc5: {  	[dreg:$0x1] =	wrdreg $0xFFFFFFFF  }
0xc6: {  	_ =	task.clear_ibuf [dreg:s9], $0x2FFFF;
	_ =	strace $0x9FFFFFFF  }
0xc7: {  	(tm) =	ssettm $0x7FFFFFFF  }
tec
execute0_lowered:
.L_overlay_start_1:
0x0: {  	(tag) =	ssettag $0x1  }
0x1: {  	s0 =	rddreg [dreg:$0x0]  }
0x2: {  	s1 =	rddreg [dreg:$0x1];
	s15 =	stileid.u32  }
0x3: {  	s4 =	rddreg [dreg:$0x4];
	s3 =	simm.s32 $0x0;
	s5 =	smul.u32 $0x14000, s15  }
0x4: {  	s2 =	srdreg.scid;
	s30 =	simm.s32 $0x3;
	s6 =	smul.u32 $0x55000, s15  }
0x5: {  	s29 =	simm.s32 $0x40;
	s31 =	simm.s32 $0x300;
	s12 =	smul.u32 $0x1400, s15  }
0x6: {  	[smem:$0x7FF] =	sst s3;
	s2 =	sand.u32 $0x1, s2;
	s26 =	smul.u32 $0x50000, s15  }
0x7: {  	s7 =	sadd.s32 $0x5E00, s0;
	s8 =	sadd.s32 $0x2DE00, s0;
	s17 =	smul.u32 $0x5000, s15  }
0x8: {  	s9 =	sadd.s32 $0x55E00, s0;
	s10 =	sadd.s32 $0x565E00, s0;
	s20 =	smul.u32 $0x140000, s2  }
0x9: {  	_ =	strace $0x8000004D;
	s21 =	smul.u32 $0x14000, s2;
	s22 =	ssub.s32 $0x2, s2  }
0xa: {  	s2 =	sshll.u32 s2, $0x4;
	s6 =	sshrl.u32 s6, $0x2;
	s13 =	sshrl.u32 s22, $0x1  }
0xb: {  	s2 =	sor.u32 s15, s2;
	s15 =	simm.s32 $0x0;
	s3 =	sadd.s32 s5, s20  }
0xc: {  	s11 =	sadd.s32 s6, s4;
	s5 =	sadd.s32 s12, s21;
	s18 =	ssub.s32 s22, s13  }
0xd: {  	v0 =	vimm.s32 $0xFEDCBA98;
	v1 =	vimm.s32 $0x76543210;
	s22 =	sshrl.u32 s26, $0x2;
	s6 =	simm.s32 $0x1;
	s23 =	sadd.s32 $0x2000, s11  }
0xe: {  	v2 =	vimm.s32 $0xBA98FEDC;
	v3 =	vimm.s32 $0x32107654;
	s12 =	simm.s32 $0x2;
	s24 =	sadd.s32 $0x4000, s11;
	[dreg:$0x6] =	wrdreg s23  }
0xf: {  	v4 =	vimm.s32 $0xDCFE98BA;
	v5 =	vimm.s32 $0x54761032;
	s13 =	simm.s32 $0x100;
	s25 =	sadd.s32 $0x6000, s11;
	[dreg:$0x7] =	wrdreg s24  }
0x10: {  	v6 =	vimm.s32 $0xEFCDAB89;
	v7 =	vimm.s32 $0x67452301;
	vm0 =	vmmov $0x1;
	s3 =	sshrl.u32 s3, $0x3;
	s14 =	sadd.s32 $0x8000, s11;
	[dreg:$0x8] =	wrdreg s25  }
0x11: {  	vm1 =	vcmask $0x320;
	vm2 =	vcmask $0x720;
	vm3 =	vcmask $0xB20;
	s5 =	sshrl.u32 s5, $0x3;
	s16 =	sadd.s32 $0xA000, s11;
	[dreg:$0x9] =	wrdreg s14  }
0x12: {  	vm4 =	vcmask $0xF20;
	vm5 =	vcmask $0x1320;
	vm6 =	vcmask $0x1720;
	s19 =	sadd.s32 $0xC000, s11;
	s20 =	sadd.s32 $0xE000, s11;
	[dreg:$0xa] =	wrdreg s16  }
0x13: {  	v0 =	vunpack.c.l.s4.s8 v0;
	v1 =	vunpack.c.l.s4.s8 v1;
	v2 =	vunpack.c.l.s4.s8 v2;
	s21 =	sadd.s32 $0x10000, s11;
	s26 =	smax.u32 s18, $0x1;
	[dreg:$0xb] =	wrdreg s19  }
0x14: {  	v3 =	vunpack.c.l.s4.s8 v3;
	v4 =	vunpack.c.l.s4.s8 v4;
	v5 =	vunpack.c.l.s4.s8 v5;
	s28 =	sadd.s32 $0x14000, s11;
	s3 =	sadd.s32 s3, s0;
	[dreg:$0xc] =	wrdreg s20  }
0x15: {  	v6 =	vunpack.c.l.s4.s8 v6;
	v7 =	vunpack.c.l.s4.s8 v7;
	v0 =	vunpack.c.0.s8.s32 v0;
	s0 =	sadd.s32 s5, s0;
	[dreg:$0xd] =	wrdreg s21;
	s20 =	smul.u32 $0xA2, s2  }
0x16: {  	v2 =	vunpack.c.0.s8.s32 v2;
	v3 =	vunpack.c.0.s8.s32 v3;
	v4 =	vunpack.c.0.s8.s32 v4;
	s23 =	sshrl.u32 s17, $0x2;
	s2 =	sadd.s32 s22, s4;
	[dreg:$0x10] =	wrdreg s26  }
0x17: {  	v5 =	vunpack.c.0.s8.s32 v5;
	v6 =	vunpack.c.0.s8.s32 v6;
	v7 =	vunpack.c.0.s8.s32 v7;
	s26 =	sadd.s32 $0x12000, s11;
	s5 =	simm.s32 $0x2300;
	s3 =	sadd.s32 $0x6F200, s3  }
0x18: {  	vm7 =	vcmask $0x1B20;
	v1 =	vunpack.c.0.s8.s32 v1;
	v2 =	vcombine.low v3, v2;
	s14 =	simm.s32 $0x6300;
	s0 =	sadd.s32 $0x6A200, s0;
	[dreg:$0xe] =	wrdreg s3  }
0x19: {  	v3 =	vcombine.low v5, v4;
	v4 =	vand.u32 $0xF, v0;
	v5 =	vcombine.low v7, v6;
	s24 =	sadd.s32 s23, s4;
	s2 =	sshrl.u32 s2, $0x3;
	[dreg:$0xf] =	wrdreg s0  }
0x1a: {  	v0 =	vimm.f32 $0.0e+00;
	v1 =	vcombine.low v4, v1;
	v2 =	vand.u32 $0xF, v2;
	s25 =	sadd.s32 $0x140000, s24;
	[dreg:$0x11] =	wrdreg s2;
	s0 =	simm.s32 $0x4300  }
0x1b: {  	v3 =	vand.u32 $0xF, v3;
	v4 =	vand.u32 $0xF, v5;
	v5 =	vlaneseq.u32;
	s2 =	simm.s32 $0x80;
	s3 =	simm.s32 $0x400;
	s25 =	sshrl.u32 s25, $0x3  }
.LBB2_1:
0x1c: {  	s16 =	rddreg [dreg:$0x2];
	s17 =	simm.s32 $0x0;
	s18 =	simm.s32 $0x8300  }
0x1d: {  	[tilespmem:s18], [sflag:$0x3] =	stream.linear.gather [hbm4b:s16+s17], $0x200, $0x38;
	[tilespmem:$0x1DD00] =	vst v63  }
0x1e: {  	_ =	swait.ge [sflag:s30], $0x200  }
0x1f: {  	[sflag:s30] =	ssyncset.done $0x0  }
0x20: {  	[sflag:s30] =	ssyncadd.s32 $0xFFFFFE00  }
0x21: {  	s24 =	simm.s32 $0x8500;
	s23 =	rddreg [dreg:$0x3]  }
0x22: {  	[tilespmem:s24], [sflag:$0x3] =	stream.linear.gather [hbm4b:s23+s17], $0x400, $0x38;
	[tilespmem:$0x1DD00] =	vst v63  }
0x23: {  	_ =	swait.ge [sflag:s30], $0x400  }
0x24: {  	[sflag:s30] =	ssyncset.done $0x0  }
0x25: {  	s16 =	simm.s32 $0x0;
	s17 =	simm.s32 $0x200;
	[sflag:s30] =	ssyncadd.s32 $0xFFFFFC00  }
.LBB2_2:
0x26: {  	p0 =	sne.s32 s17, $0x7E00;
	[tilespmem:s16+$0x4370] =	vst v0  }
0x27: {  	[tilespmem:s16+$0x4300] =	vst v0  }
0x28: {  	[tilespmem:s16+$0x4310] =	vst v0  }
.Ltmp0:
0x29: {  	[tilespmem:s16+$0x4320] =	vst v0;
	(pc) =	sbr.rel @p0 .LBB2_2-.Ltmp0, $4  }
0x2a: {  	[tilespmem:s16+$0x4330] =	vst v0  }
0x2b: {  	[tilespmem:s16+$0x4340] =	vst v0  }
0x2c: {  	[tilespmem:s16+$0x4350] =	vst v0  }
0x2d: {  	[tilespmem:s16+$0x4360] =	vst v0;
	s16 =	sshra.s32 s17, $0x2;
	s17 =	sadd.s32 $0x200, s17  }
0x2e: {  	[tilespmem:s16+$0x4370] =	vst v0  }
0x2f: {  	[tilespmem:s16+$0x4300] =	vst v0  }
0x30: {  	[tilespmem:s16+$0x4310] =	vst v0  }
0x31: {  	[tilespmem:s16+$0x4320] =	vst v0  }
0x32: {  	[tilespmem:s16+$0x4330] =	vst v0  }
0x33: {  	[tilespmem:s16+$0x4340] =	vst v0  }
0x34: {  	[tilespmem:s16+$0x4350] =	vst v0  }
0x35: {  	[tilespmem:s16+$0x4360] =	vst v0  }
0x36: {  	[spmem:s11] =	stream.linear.scatter [tilespmem:s0], [sflag:$0x3], $0x2000, $0x38;
	[tilespmem:$0x1DD00] =	vst v63  }
0x37: {  	_ =	swait.ge [sflag:s30], $0x2000  }
0x38: {  	[sflag:s30] =	ssyncset.done $0x0  }
0x39: {  	s24 =	rddreg [dreg:$0x6];
	[sflag:s30] =	ssyncadd.s32 $0xFFFFE000  }
0x3a: {  	[spmem:s24] =	stream.linear.scatter [tilespmem:s0], [sflag:$0x3], $0x2000, $0x38;
	[tilespmem:$0x1DD00] =	vst v63  }
0x3b: {  	_ =	swait.ge [sflag:s30], $0x2000  }
0x3c: {  	[sflag:s30] =	ssyncset.done $0x0  }
0x3d: {  	s17 =	rddreg [dreg:$0x7];
	[sflag:s30] =	ssyncadd.s32 $0xFFFFE000  }
0x3e: {  	[spmem:s17] =	stream.linear.scatter [tilespmem:s0], [sflag:$0x3], $0x2000, $0x38;
	[tilespmem:$0x1DD00] =	vst v63  }
0x3f: {  	_ =	swait.ge [sflag:s30], $0x2000  }
0x40: {  	[sflag:s30] =	ssyncset.done $0x0  }
0x41: {  	s18 =	rddreg [dreg:$0x8];
	[sflag:s30] =	ssyncadd.s32 $0xFFFFE000  }
0x42: {  	[spmem:s18] =	stream.linear.scatter [tilespmem:s0], [sflag:$0x3], $0x2000, $0x38;
	[tilespmem:$0x1DD00] =	vst v63  }
0x43: {  	_ =	swait.ge [sflag:s30], $0x2000  }
0x44: {  	[sflag:s30] =	ssyncset.done $0x0  }
0x45: {  	s19 =	rddreg [dreg:$0x9];
	[sflag:s30] =	ssyncadd.s32 $0xFFFFE000  }
0x46: {  	[spmem:s19] =	stream.linear.scatter [tilespmem:s0], [sflag:$0x3], $0x2000, $0x38;
	[tilespmem:$0x1DD00] =	vst v63  }
0x47: {  	_ =	swait.ge [sflag:s30], $0x2000  }
0x48: {  	[sflag:s30] =	ssyncset.done $0x0  }
0x49: {  	s21 =	rddreg [dreg:$0xa];
	[sflag:s30] =	ssyncadd.s32 $0xFFFFE000  }
0x4a: {  	[spmem:s21] =	stream.linear.scatter [tilespmem:s0], [sflag:$0x3], $0x2000, $0x38;
	[tilespmem:$0x1DD00] =	vst v63  }
0x4b: {  	_ =	swait.ge [sflag:s30], $0x2000  }
0x4c: {  	[sflag:s30] =	ssyncset.done $0x0  }
0x4d: {  	s22 =	rddreg [dreg:$0xb];
	[sflag:s30] =	ssyncadd.s32 $0xFFFFE000  }
0x4e: {  	[spmem:s22] =	stream.linear.scatter [tilespmem:s0], [sflag:$0x3], $0x2000, $0x38;
	[tilespmem:$0x1DD00] =	vst v63  }
0x4f: {  	_ =	swait.ge [sflag:s30], $0x2000  }
0x50: {  	[sflag:s30] =	ssyncset.done $0x0  }
0x51: {  	s23 =	rddreg [dreg:$0xc];
	[sflag:s30] =	ssyncadd.s32 $0xFFFFE000  }
0x52: {  	[spmem:s23] =	stream.linear.scatter [tilespmem:s0], [sflag:$0x3], $0x2000, $0x38;
	[tilespmem:$0x1DD00] =	vst v63  }
0x53: {  	_ =	swait.ge [sflag:s30], $0x2000  }
0x54: {  	[sflag:s30] =	ssyncset.done $0x0  }
0x55: {  	s24 =	rddreg [dreg:$0xd];
	[sflag:s30] =	ssyncadd.s32 $0xFFFFE000  }
0x56: {  	[spmem:s24] =	stream.linear.scatter [tilespmem:s0], [sflag:$0x3], $0x2000, $0x38;
	[tilespmem:$0x1DD00] =	vst v63  }
0x57: {  	_ =	swait.ge [sflag:s30], $0x2000  }
0x58: {  	[sflag:s30] =	ssyncset.done $0x0  }
0x59: {  	[sflag:s30] =	ssyncadd.s32 $0xFFFFE000  }
0x5a: {  	[spmem:s26] =	stream.linear.scatter [tilespmem:s0], [sflag:$0x3], $0x2000, $0x38;
	[tilespmem:$0x1DD00] =	vst v63  }
0x5b: {  	_ =	swait.ge [sflag:s30], $0x2000  }
0x5c: {  	[sflag:s30] =	ssyncset.done $0x0  }
0x5d: {  	[sflag:s30] =	ssyncadd.s32 $0xFFFFE000  }
0x5e: {  	[spmem:s28] =	stream.linear.scatter [tilespmem:s0], [sflag:$0x3], $0x1400, $0x38;
	[tilespmem:$0x1DD00] =	vst v63  }
0x5f: {  	_ =	swait.ge [sflag:s30], $0x1400  }
0x60: {  	[sflag:s30] =	ssyncset.done $0x0  }
0x61: {  	[sflag:s30] =	ssyncadd.s32 $0xFFFFEC00  }
0x62: {  	s16 =	simm.s32 $0x0;
	s17 =	simm.s32 $0x0;
	[bflag:$0x0] =	sbarrier.arrive $0xFFFF  }
.LBB2_4:
0x63: {  	s18 =	sadd.s32 s20, s17  }
0x64: {  	s19 =	sshrl.u32 s18, $0x3;
	s18 =	sshll.u32 s18, $0x7  }
0x65: {  	s18 =	sand.u32 $0x380, s18;
	s21 =	sshll.u32 s19, $0xA  }
0x66: {  	s21 =	sor.u32 s18, s21  }
0x67: {  	s21 =	sshrl.u32 s21, $0x3  }
0x68: {  	s22 =	sadd.s32 s1, s21  }
0x69: {  	[tilespmem:s16], [sflag:$0x3] =	stream.linear.gather [hbm4b:s22+s16], $0x80, $0x38;
	[tilespmem:$0x1DD00] =	vst v63  }
0x6a: {  	_ =	swait.ge [sflag:s30], $0x80  }
0x6b: {  	[sflag:s30] =	ssyncset.done $0x0  }
0x6c: {  	s19 =	sshll.u32 s19, $0xB;
	s21 =	sadd.s32 s9, s21;
	[sflag:s30] =	ssyncadd.s32 $0xFFFFFF80  }
0x6d: {  	[tilespmem:s2], [sflag:$0x3] =	stream.linear.gather [hbm4b:s21+s16], $0x80, $0x38;
	[tilespmem:$0x1DD00] =	vst v63  }
0x6e: {  	s18 =	sor.u32 s18, s19;
	_ =	swait.ge [sflag:s30], $0x80  }
0x6f: {  	s18 =	sshrl.u32 s18, $0x3;
	[sflag:s30] =	ssyncset.done $0x0  }
0x70: {  	s24 =	sadd.s32 s10, s18;
	s18 =	simm.s32 $0x180;
	[sflag:s30] =	ssyncadd.s32 $0xFFFFFF80  }
0x71: {  	[tilespmem:s18], [sflag:$0x3] =	stream.strided.gather [hbm4b:s24+s2], $0x100, s3, s2, $0x38;
	[tilespmem:$0x1DD00] =	vst v63  }
0x72: {  	_ =	swait.ge [sflag:s30], $0x100  }
0x73: {  	[sflag:s30] =	ssyncset.done $0x0  }
0x74: {  	[sflag:s30] =	ssyncadd.s32 $0xFFFFFF00  }
0x75: {  	[tilespmem:s31], [sflag:$0x1] =	stream.indirect.gather [hbm4b:s7+s29], $0x80, s16, s29, $0xb8;
	[tilespmem:$0x1DD00] =	vst v63  }
0x76: {  	_ = 	snop  }
0x77: {  	[tilespmem:s5], [sflag:$0x2] =	stream.indirect.gather [hbm4b:s8+s29], $0x80, s2, s29, $0xb8;
	[tilespmem:$0x1DD00] =	vst v63  }
0x78: {  	_ =	swait.ge [sflag:s6], $0x2000  }
0x79: {  	[sflag:s6] =	ssyncset.done $0x0  }
0x7a: {  	[sflag:s6] =	ssyncadd.s32 $0xFFFFE000  }
0x7b: {  	_ =	swait.ge [sflag:s12], $0x2000  }
0x7c: {  	[sflag:s12] =	ssyncset.done $0x0  }
0x7d: {  	[sflag:s12] =	ssyncadd.s32 $0xFFFFE000  }
0x7e: {  	v6 =	vld [tilespmem:$0x80]  }
0x7f: {  	v7 =	vld [tilespmem:$0x90]  }
0x80: {  	v8 =	vld [tilespmem:$0xA0]  }
0x81: {  	v9 =	vld [tilespmem:$0xB0];
	_ =	sdelay $0x1  }
0x82: {  	v6 =	vshra.s32 v6, $0x4  }
0x83: {  	v7 =	vshra.s32 v7, $0x4;
	v6 =	vadd.s32 $0x2800, v6  }
0x84: {  	[tilespmem:$0x100] =	vst v6;
	v6 =	vadd.s32 $0x2800, v7;
	v7 =	vshra.s32 v8, $0x4  }
0x85: {  	[tilespmem:$0x110] =	vst v6;
	v6 =	vadd.s32 $0x2800, v7;
	v7 =	vshra.s32 v9, $0x4  }
0x86: {  	[tilespmem:$0x120] =	vst v6;
	v6 =	vadd.s32 $0x2800, v7  }
0x87: {  	s19 =	simm.s32 $0x0;
	s21 =	simm.s32 $0x0;
	[tilespmem:$0x130] =	vst v6  }
.LBB2_5:
0x88: {  	v6 =	vld [tilespmem:s18+$0x0];
	_ =	sdelay $0x1  }
0x89: {  	v9 =	vld [tilespmem:$0x8300]  }
0x8a: {  	v10 =	vld [tilespmem:$0x8380];
	_ =	sdelay $0x1  }
0x8b: {  	v11 =	vld [tilespmem:$0x8400];
	v7 =	vbroadcast v6, $0x0  }
0x8c: {  	v8 =	vbroadcast v6, $0x1  }
0x8d: {  	v13 =	vld [tilespmem:$0x8480];
	s22 =	sshra.s32 s19, $0x2;
	v12 =	vmul.f32 v9, v7  }
0x8e: {  	v14 =	vld [tilespmem:s22+$0x300];
	v10 =	vmul.f32 v10, v8;
	v9 =	vbroadcast v6, $0x2  }
0x8f: {  	v15 =	vld [tilespmem:s22+$0x2300]  }
0x90: {  	v12 =	vadd.f32 v10, v12;
	v11 =	vmul.f32 v11, v9;
	v10 =	vbroadcast v6, $0x3;
	_ =	sdelay $0x1  }
0x91: {  	v6 =	vadd.f32 v11, v12;
	v33 =	vmul.f32 v13, v10;
	_ =	sdelay $0x1  }
0x92: {  	v34 =	vadd.f32 v15, v14;
	v6 =	vadd.f32 v33, v6;
	_ =	sdelay $0x1  }
0x93: {  	v35 =	vld [tilespmem:$0x8500];
	v6 =	vadd.f32 v34, v6;
	_ =	sdelay $0x1  }
0x94: {  	v36 =	vmul.f32 $2.000000030e-01, v6;
	_ =	sdelay $0x1  }
0x95: {  	v6 =	vmax.f32 v6, v36  }
0x96: {  	v6 =	vmul.f32 v6, v35;
	_ =	sdelay $0x1  }
0x97: {  	v11 =	vperm.xlane v6, v1;
	_ =	sdelay $0x1  }
0x98: {  	v6 =	vadd.f32 v6, v11;
	_ =	sdelay $0x1  }
0x99: {  	v11 =	vperm.xlane v6, v2;
	_ =	sdelay $0x1  }
0x9a: {  	v6 =	vadd.f32 v6, v11;
	_ =	sdelay $0x1  }
0x9b: {  	v11 =	vperm.xlane v6, v3;
	_ =	sdelay $0x1  }
0x9c: {  	v6 =	vadd.f32 v6, v11;
	_ =	sdelay $0x1  }
0x9d: {  	v11 =	vperm.xlane v6, v4;
	_ =	sdelay $0x1  }
0x9e: {  	v6 =	vadd.f32 v6, v11;
	_ =	sdelay $0x1  }
0x9f: {  	v6 =	vmul.f32 $1.442695020e+00, v6;
	_ =	sdelay $0x1  }
0xa0: {  	(erf) = vpow2.f32 v6;
	_ =	sdelay $0x8  }
0xa1: {  	v6 =	vpop (erf)  }
0xa2: {  	v37 =	vmul.f32 v6, v14;
	_ =	sdelay $0x1  }
0xa3: {  	[tilespmem:s22+$0x4300] =	vst v37  }
0xa4: {  	v11 =	vld [tilespmem:$0x8310]  }
0xa5: {  	v38 =	vld [tilespmem:$0x8390];
	_ =	sdelay $0x1  }
0xa6: {  	v39 =	vld [tilespmem:$0x8410];
	_ =	sdelay $0x1  }
0xa7: {  	v40 =	vld [tilespmem:$0x8490]  }
0xa8: {  	v41 =	vld [tilespmem:s22+$0x310];
	v11 =	vmul.f32 v11, v7;
	v12 =	vmul.f32 v38, v8  }
0xa9: {  	v16 =	vld [tilespmem:s22+$0x2310]  }
0xaa: {  	v42 =	vmul.f32 v39, v9;
	v11 =	vadd.f32 v12, v11;
	_ =	sdelay $0x1  }
0xab: {  	v43 =	vmul.f32 v40, v10;
	v11 =	vadd.f32 v42, v11;
	_ =	sdelay $0x1  }
0xac: {  	v44 =	vadd.f32 v16, v41;
	v11 =	vadd.f32 v43, v11;
	_ =	sdelay $0x1  }
0xad: {  	v45 =	vld [tilespmem:$0x8580];
	v11 =	vadd.f32 v44, v11;
	_ =	sdelay $0x1  }
0xae: {  	v46 =	vmul.f32 $2.000000030e-01, v11;
	_ =	sdelay $0x1  }
0xaf: {  	v11 =	vmax.f32 v11, v46  }
0xb0: {  	v11 =	vmul.f32 v11, v45;
	_ =	sdelay $0x1  }
0xb1: {  	v12 =	vperm.xlane v11, v1;
	_ =	sdelay $0x1  }
0xb2: {  	v11 =	vadd.f32 v11, v12;
	_ =	sdelay $0x1  }
0xb3: {  	v12 =	vperm.xlane v11, v2;
	_ =	sdelay $0x1  }
0xb4: {  	v11 =	vadd.f32 v11, v12;
	_ =	sdelay $0x1  }
0xb5: {  	v12 =	vperm.xlane v11, v3;
	_ =	sdelay $0x1  }
0xb6: {  	v11 =	vadd.f32 v11, v12;
	_ =	sdelay $0x1  }
0xb7: {  	v12 =	vperm.xlane v11, v4;
	_ =	sdelay $0x1  }
0xb8: {  	v11 =	vadd.f32 v11, v12;
	_ =	sdelay $0x1  }
0xb9: {  	v11 =	vmul.f32 $1.442695020e+00, v11;
	_ =	sdelay $0x1  }
0xba: {  	(erf) = vpow2.f32 v11;
	_ =	sdelay $0x8  }
0xbb: {  	v11 =	vpop (erf)  }
0xbc: {  	v47 =	vmul.f32 v11, v41;
	_ =	sdelay $0x1  }
0xbd: {  	[tilespmem:s22+$0x4310] =	vst v47  }
0xbe: {  	v12 =	vld [tilespmem:$0x8320]  }
0xbf: {  	v48 =	vld [tilespmem:$0x83A0];
	_ =	sdelay $0x1  }
0xc0: {  	v49 =	vld [tilespmem:$0x8420];
	_ =	sdelay $0x1  }
0xc1: {  	v50 =	vld [tilespmem:$0x84A0]  }
0xc2: {  	v51 =	vld [tilespmem:s22+$0x320];
	v12 =	vmul.f32 v12, v7;
	v13 =	vmul.f32 v48, v8  }
0xc3: {  	v17 =	vld [tilespmem:s22+$0x2320]  }
0xc4: {  	v52 =	vmul.f32 v49, v9;
	v12 =	vadd.f32 v13, v12;
	_ =	sdelay $0x1  }
0xc5: {  	v53 =	vmul.f32 v50, v10;
	v12 =	vadd.f32 v52, v12;
	_ =	sdelay $0x1  }
0xc6: {  	v54 =	vadd.f32 v17, v51;
	v12 =	vadd.f32 v53, v12;
	_ =	sdelay $0x1  }
0xc7: {  	v55 =	vld [tilespmem:$0x8600];
	v12 =	vadd.f32 v54, v12;
	_ =	sdelay $0x1  }
0xc8: {  	v56 =	vmul.f32 $2.000000030e-01, v12;
	_ =	sdelay $0x1  }
0xc9: {  	v12 =	vmax.f32 v12, v56  }
0xca: {  	v12 =	vmul.f32 v12, v55;
	_ =	sdelay $0x1  }
0xcb: {  	v13 =	vperm.xlane v12, v1;
	_ =	sdelay $0x1  }
0xcc: {  	v12 =	vadd.f32 v12, v13;
	_ =	sdelay $0x1  }
0xcd: {  	v13 =	vperm.xlane v12, v2;
	_ =	sdelay $0x1  }
0xce: {  	v12 =	vadd.f32 v12, v13;
	_ =	sdelay $0x1  }
0xcf: {  	v13 =	vperm.xlane v12, v3;
	_ =	sdelay $0x1  }
0xd0: {  	v12 =	vadd.f32 v12, v13;
	_ =	sdelay $0x1  }
0xd1: {  	v13 =	vperm.xlane v12, v4;
	_ =	sdelay $0x1  }
0xd2: {  	v12 =	vadd.f32 v12, v13;
	_ =	sdelay $0x1  }
0xd3: {  	v12 =	vmul.f32 $1.442695020e+00, v12;
	_ =	sdelay $0x1  }
0xd4: {  	(erf) = vpow2.f32 v12;
	_ =	sdelay $0x8  }
0xd5: {  	v12 =	vpop (erf)  }
0xd6: {  	v57 =	vmul.f32 v12, v51;
	_ =	sdelay $0x1  }
0xd7: {  	[tilespmem:s22+$0x4320] =	vst v57  }
0xd8: {  	v13 =	vld [tilespmem:$0x8330]  }
0xd9: {  	v58 =	vld [tilespmem:$0x83B0];
	_ =	sdelay $0x1  }
0xda: {  	v59 =	vld [tilespmem:$0x8430];
	_ =	sdelay $0x1  }
0xdb: {  	v60 =	vld [tilespmem:$0x84B0]  }
0xdc: {  	v61 =	vld [tilespmem:s22+$0x330];
	v13 =	vmul.f32 v13, v7;
	v14 =	vmul.f32 v58, v8  }
0xdd: {  	v18 =	vld [tilespmem:s22+$0x2330]  }
0xde: {  	v62 =	vmul.f32 v59, v9;
	v13 =	vadd.f32 v14, v13;
	_ =	sdelay $0x1  }
0xdf: {  	v63 =	vmul.f32 v60, v10;
	v13 =	vadd.f32 v62, v13;
	_ =	sdelay $0x1  }
0xe0: {  	v16 =	vadd.f32 v18, v61;
	v13 =	vadd.f32 v63, v13;
	_ =	sdelay $0x1  }
0xe1: {  	v18 =	vld [tilespmem:$0x8680];
	v13 =	vadd.f32 v16, v13;
	_ =	sdelay $0x1  }
0xe2: {  	v19 =	vmul.f32 $2.000000030e-01, v13;
	_ =	sdelay $0x1  }
0xe3: {  	v13 =	vmax.f32 v13, v19  }
0xe4: {  	v13 =	vmul.f32 v13, v18;
	_ =	sdelay $0x1  }
0xe5: {  	v14 =	vperm.xlane v13, v1;
	_ =	sdelay $0x1  }
0xe6: {  	v13 =	vadd.f32 v13, v14;
	_ =	sdelay $0x1  }
0xe7: {  	v14 =	vperm.xlane v13, v2;
	_ =	sdelay $0x1  }
0xe8: {  	v13 =	vadd.f32 v13, v14;
	_ =	sdelay $0x1  }
0xe9: {  	v14 =	vperm.xlane v13, v3;
	_ =	sdelay $0x1  }
0xea: {  	v13 =	vadd.f32 v13, v14;
	_ =	sdelay $0x1  }
0xeb: {  	v14 =	vperm.xlane v13, v4;
	_ =	sdelay $0x1  }
0xec: {  	v13 =	vadd.f32 v13, v14;
	_ =	sdelay $0x1  }
0xed: {  	v13 =	vmul.f32 $1.442695020e+00, v13;
	_ =	sdelay $0x1  }
0xee: {  	(erf) = vpow2.f32 v13;
	_ =	sdelay $0x8  }
0xef: {  	v13 =	vpop (erf)  }
0xf0: {  	v20 =	vmul.f32 v13, v61;
	_ =	sdelay $0x1  }
0xf1: {  	[tilespmem:s22+$0x4330] =	vst v20  }
0xf2: {  	v14 =	vld [tilespmem:$0x8340]  }
0xf3: {  	v21 =	vld [tilespmem:$0x83C0];
	_ =	sdelay $0x1  }
0xf4: {  	v22 =	vld [tilespmem:$0x8440];
	_ =	sdelay $0x1  }
0xf5: {  	v23 =	vld [tilespmem:$0x84C0]  }
0xf6: {  	v24 =	vld [tilespmem:s22+$0x340];
	v14 =	vmul.f32 v14, v7;
	v15 =	vmul.f32 v21, v8  }
0xf7: {  	v19 =	vld [tilespmem:s22+$0x2340]  }
0xf8: {  	v25 =	vmul.f32 v22, v9;
	v14 =	vadd.f32 v15, v14;
	_ =	sdelay $0x1  }
0xf9: {  	v26 =	vmul.f32 v23, v10;
	v14 =	vadd.f32 v25, v14;
	_ =	sdelay $0x1  }
0xfa: {  	v27 =	vadd.f32 v19, v24;
	v14 =	vadd.f32 v26, v14;
	_ =	sdelay $0x1  }
0xfb: {  	v28 =	vld [tilespmem:$0x8700];
	v14 =	vadd.f32 v27, v14;
	_ =	sdelay $0x1  }
0xfc: {  	v29 =	vmul.f32 $2.000000030e-01, v14;
	_ =	sdelay $0x1  }
0xfd: {  	v14 =	vmax.f32 v14, v29  }
0xfe: {  	v14 =	vmul.f32 v14, v28;
	_ =	sdelay $0x1  }
0xff: {  	v15 =	vperm.xlane v14, v1;
	_ =	sdelay $0x1  }
0x100: {  	v14 =	vadd.f32 v14, v15;
	_ =	sdelay $0x1  }
0x101: {  	v15 =	vperm.xlane v14, v2;
	_ =	sdelay $0x1  }
0x102: {  	v14 =	vadd.f32 v14, v15;
	_ =	sdelay $0x1  }
0x103: {  	v15 =	vperm.xlane v14, v3;
	_ =	sdelay $0x1  }
0x104: {  	v14 =	vadd.f32 v14, v15;
	_ =	sdelay $0x1  }
0x105: {  	v15 =	vperm.xlane v14, v4;
	_ =	sdelay $0x1  }
0x106: {  	v14 =	vadd.f32 v14, v15;
	_ =	sdelay $0x1  }
0x107: {  	v14 =	vmul.f32 $1.442695020e+00, v14;
	_ =	sdelay $0x1  }
0x108: {  	(erf) = vpow2.f32 v14;
	_ =	sdelay $0x8  }
0x109: {  	v14 =	vpop (erf)  }
0x10a: {  	v30 =	vmul.f32 v14, v24;
	_ =	sdelay $0x1  }
0x10b: {  	[tilespmem:s22+$0x4340] =	vst v30  }
0x10c: {  	v15 =	vld [tilespmem:$0x8350]  }
0x10d: {  	v31 =	vld [tilespmem:$0x83D0];
	_ =	sdelay $0x1  }
0x10e: {  	v32 =	vld [tilespmem:$0x8450];
	_ =	sdelay $0x1  }
0x10f: {  	v33 =	vld [tilespmem:$0x84D0]  }
0x110: {  	v34 =	vld [tilespmem:s22+$0x350];
	v15 =	vmul.f32 v15, v7;
	v16 =	vmul.f32 v31, v8  }
0x111: {  	v20 =	vld [tilespmem:s22+$0x2350]  }
0x112: {  	v35 =	vmul.f32 v32, v9;
	v15 =	vadd.f32 v16, v15;
	_ =	sdelay $0x1  }
0x113: {  	v36 =	vmul.f32 v33, v10;
	v15 =	vadd.f32 v35, v15;
	_ =	sdelay $0x1  }
0x114: {  	v37 =	vadd.f32 v20, v34;
	v15 =	vadd.f32 v36, v15;
	_ =	sdelay $0x1  }
0x115: {  	v38 =	vld [tilespmem:$0x8780];
	v15 =	vadd.f32 v37, v15;
	_ =	sdelay $0x1  }
0x116: {  	v39 =	vmul.f32 $2.000000030e-01, v15;
	_ =	sdelay $0x1  }
0x117: {  	v15 =	vmax.f32 v15, v39  }
0x118: {  	v15 =	vmul.f32 v15, v38;
	_ =	sdelay $0x1  }
0x119: {  	v16 =	vperm.xlane v15, v1;
	_ =	sdelay $0x1  }
0x11a: {  	v15 =	vadd.f32 v15, v16;
	_ =	sdelay $0x1  }
0x11b: {  	v16 =	vperm.xlane v15, v2;
	_ =	sdelay $0x1  }
0x11c: {  	v15 =	vadd.f32 v15, v16;
	_ =	sdelay $0x1  }
0x11d: {  	v16 =	vperm.xlane v15, v3;
	_ =	sdelay $0x1  }
0x11e: {  	v15 =	vadd.f32 v15, v16;
	_ =	sdelay $0x1  }
0x11f: {  	v16 =	vperm.xlane v15, v4;
	_ =	sdelay $0x1  }
0x120: {  	v15 =	vadd.f32 v15, v16;
	_ =	sdelay $0x1  }
0x121: {  	v15 =	vmul.f32 $1.442695020e+00, v15;
	_ =	sdelay $0x1  }
0x122: {  	(erf) = vpow2.f32 v15;
	_ =	sdelay $0x8  }
0x123: {  	v15 =	vpop (erf)  }
0x124: {  	v40 =	vmul.f32 v15, v34;
	_ =	sdelay $0x1  }
0x125: {  	[tilespmem:s22+$0x4350] =	vst v40  }
0x126: {  	v16 =	vld [tilespmem:$0x8360]  }
0x127: {  	v41 =	vld [tilespmem:$0x83E0];
	_ =	sdelay $0x1  }
0x128: {  	v42 =	vld [tilespmem:$0x8460];
	_ =	sdelay $0x1  }
0x129: {  	v43 =	vld [tilespmem:$0x84E0]  }
0x12a: {  	v44 =	vld [tilespmem:s22+$0x360];
	v16 =	vmul.f32 v16, v7;
	v17 =	vmul.f32 v41, v8  }
0x12b: {  	v21 =	vld [tilespmem:s22+$0x2360]  }
0x12c: {  	v45 =	vmul.f32 v42, v9;
	v16 =	vadd.f32 v17, v16;
	_ =	sdelay $0x1  }
0x12d: {  	v46 =	vmul.f32 v43, v10;
	v16 =	vadd.f32 v45, v16;
	_ =	sdelay $0x1  }
0x12e: {  	v47 =	vadd.f32 v21, v44;
	v16 =	vadd.f32 v46, v16;
	_ =	sdelay $0x1  }
0x12f: {  	v48 =	vld [tilespmem:$0x8800];
	v16 =	vadd.f32 v47, v16;
	_ =	sdelay $0x1  }
0x130: {  	v49 =	vmul.f32 $2.000000030e-01, v16;
	_ =	sdelay $0x1  }
0x131: {  	v16 =	vmax.f32 v16, v49  }
0x132: {  	v16 =	vmul.f32 v16, v48;
	_ =	sdelay $0x1  }
0x133: {  	v17 =	vperm.xlane v16, v1;
	_ =	sdelay $0x1  }
0x134: {  	v16 =	vadd.f32 v16, v17;
	_ =	sdelay $0x1  }
0x135: {  	v17 =	vperm.xlane v16, v2;
	_ =	sdelay $0x1  }
0x136: {  	v16 =	vadd.f32 v16, v17;
	_ =	sdelay $0x1  }
0x137: {  	v17 =	vperm.xlane v16, v3;
	_ =	sdelay $0x1  }
0x138: {  	v16 =	vadd.f32 v16, v17;
	_ =	sdelay $0x1  }
0x139: {  	v17 =	vperm.xlane v16, v4;
	_ =	sdelay $0x1  }
0x13a: {  	v16 =	vadd.f32 v16, v17;
	_ =	sdelay $0x1  }
0x13b: {  	v16 =	vmul.f32 $1.442695020e+00, v16;
	_ =	sdelay $0x1  }
0x13c: {  	(erf) = vpow2.f32 v16;
	_ =	sdelay $0x8  }
0x13d: {  	v16 =	vpop (erf)  }
0x13e: {  	v50 =	vmul.f32 v16, v44;
	_ =	sdelay $0x1  }
0x13f: {  	[tilespmem:s22+$0x4360] =	vst v50  }
0x140: {  	v17 =	vld [tilespmem:$0x8370]  }
0x141: {  	v51 =	vld [tilespmem:$0x83F0];
	_ =	sdelay $0x1  }
0x142: {  	v52 =	vld [tilespmem:$0x8470];
	_ =	sdelay $0x1  }
0x143: {  	v53 =	vld [tilespmem:$0x84F0]  }
0x144: {  	v54 =	vld [tilespmem:s22+$0x370];
	v7 =	vmul.f32 v17, v7;
	v8 =	vmul.f32 v51, v8  }
0x145: {  	v55 =	vld [tilespmem:s22+$0x2370]  }
0x146: {  	v56 =	vmul.f32 v52, v9;
	v7 =	vadd.f32 v8, v7;
	_ =	sdelay $0x1  }
0x147: {  	v57 =	vmul.f32 v53, v10;
	v7 =	vadd.f32 v56, v7;
	_ =	sdelay $0x1  }
0x148: {  	v58 =	vadd.f32 v55, v54;
	v7 =	vadd.f32 v57, v7;
	_ =	sdelay $0x1  }
0x149: {  	v59 =	vld [tilespmem:$0x8880];
	v7 =	vadd.f32 v58, v7;
	_ =	sdelay $0x1  }
0x14a: {  	v60 =	vmul.f32 $2.000000030e-01, v7;
	_ =	sdelay $0x1  }
0x14b: {  	v7 =	vmax.f32 v7, v60  }
0x14c: {  	v7 =	vmul.f32 v7, v59;
	_ =	sdelay $0x1  }
0x14d: {  	v8 =	vperm.xlane v7, v1;
	_ =	sdelay $0x1  }
0x14e: {  	v7 =	vadd.f32 v7, v8;
	_ =	sdelay $0x1  }
0x14f: {  	v8 =	vperm.xlane v7, v2;
	_ =	sdelay $0x1  }
0x150: {  	v7 =	vadd.f32 v7, v8;
	_ =	sdelay $0x1  }
0x151: {  	v8 =	vperm.xlane v7, v3;
	_ =	sdelay $0x1  }
0x152: {  	v7 =	vadd.f32 v7, v8;
	_ =	sdelay $0x1  }
0x153: {  	v8 =	vperm.xlane v7, v4;
	_ =	sdelay $0x1  }
0x154: {  	v7 =	vadd.f32 v7, v8;
	_ =	sdelay $0x1  }
0x155: {  	v7 =	vmul.f32 $1.442695020e+00, v7;
	_ =	sdelay $0x1  }
0x156: {  	(erf) = vpow2.f32 v7;
	_ =	sdelay $0x3  }
0x157: {  	[tilespmem:s22+$0x6300] =	vst v0  }
0x158: {  	[tilespmem:s22+$0x6310] =	vst v0  }
0x159: {  	[tilespmem:s22+$0x6320] =	vst v0  }
0x15a: {  	[tilespmem:s22+$0x6330] =	vst v0  }
0x15b: {  	[tilespmem:s22+$0x6340] =	vst v0  }
0x15c: {  	[tilespmem:s22+$0x6350] =	vst v0;
	v7 =	vpop (erf)  }
0x15d: {  	[tilespmem:s22+$0x6360] =	vst v0;
	v61 =	vmul.f32 v7, v54  }
0x15e: {  	[tilespmem:s22+$0x6370] =	vst v0  }
0x15f: {  	s23 =	sand.u32 $0x30, s21;
	[tilespmem:s22+$0x4370] =	vst v61  }
0x160: {  	v8 =	vld [tilespmem:s23+$0x80];
	_ =	sdelay $0x3  }
0x161: {  	v62 =	vmov s21  }
0x162: {  	v8 =	vperm.xlane v8, v62;
	_ =	sdelay $0x1  }
0x163: {  	(v2sf) =	vpush v8, $0x0;
	_ =	sdelay $0xb  }
0x164: {  	v6 =	vnsel vm0, $0x0, v6  }
0x165: {  	v6 =	vsel vm1, v6, v11  }
0x166: {  	v6 =	vsel vm2, v6, v12  }
0x167: {  	v6 =	vsel vm3, v6, v13;
	s24 =	spop (v2sf)  }
0x168: {  	v6 =	vsel vm4, v6, v14;
	s23 =	sshll.u32 s24, $0x3  }
0x169: {  	v6 =	vsel vm5, v6, v15;
	s24 =	sand.u32 $0x8, s23  }
0x16a: {  	p0 =	sne.s32 s19, $0x7E00;
	v6 =	vsel vm6, v6, v16;
	v63 =	vmov s24  }
.Ltmp1:
0x16b: {  	v6 =	vsel vm7, v6, v7;
	v7 =	vsub.s32 v5, v63;
	(pc) =	sbr.rel @p0 .LBB2_5-.Ltmp1, $4  }
0x16c: {  	v6 =	vperm.xlane v6, v7  }
0x16d: {  	s23 =	sand.u32 $0x70, s23;
	vm8 =	vlt.u32 v7, $0x8  }
0x16e: {  	s22 =	sadd.s32 s22, s23;
	v6 =	vnsel vm8, $0x0, v6  }
0x16f: {  	s18 =	sadd.s32 $0x4, s18;
	s19 =	sadd.s32 $0x200, s19;
	s21 =	sadd.s32 $0x1, s21;
	[tilespmem:s22+$0x6300] =	vst v6  }
0x170: {  	[spmem:s4] =	stream.indirect.scatter.add.f32 [tilespmem:s0], [sflag:$0x3], $0x80, s2, s29, $0xb8;
	[tilespmem:$0x1DD00] =	vst v63  }
0x171: {  	s17 =	sadd.s32 $0x1, s17;
	_ =	swait.ge [sflag:s30], $0x2000  }
0x172: {  	p0 =	sne.s32 s17, $0xA2;
	[sflag:s30] =	ssyncset.done $0x0  }
.Ltmp2:
0x173: {  	[sflag:s30] =	ssyncadd.s32 $0xFFFFE000;
	(pc) =	sbr.rel @p0 .LBB2_4-.Ltmp2, $4  }
0x174: {  	[spmem:s4] =	stream.indirect.scatter.add.f32 [tilespmem:s14], [sflag:$0x3], $0x80, s13, s29, $0xb8;
	[tilespmem:$0x1DD00] =	vst v63  }
0x175: {  	_ =	swait.ge [sflag:s30], $0x2000  }
0x176: {  	[sflag:s30] =	ssyncset.done $0x0  }
0x177: {  	[sflag:s30] =	ssyncadd.s32 $0xFFFFE000  }
0x178: {  	s16 =	stileid.u32;
	[bflag:$0x0] =	sbarrier.arrive $0xFFFF  }
0x179: {  	s16 =	sshll.u32 s16, $0x6;
	s17 =	rddreg [dreg:$0xe]  }
0x17a: {  	s18 =	rddreg [dreg:$0x11];
	s16 =	sor.u32 $0x1C03, s16  }
0x17b: {  	[hbm:s17], [sflag:s16] =	dma.local [spmem:s18], $0x2800  }
0x17c: {  	_ =	swait.ge [sflag:s30], $0x2800  }
0x17d: {  	[sflag:s30] =	ssyncset.done $0x0  }
0x17e: {  	s23 =	rddreg [dreg:$0xf];
	[sflag:s30] =	ssyncadd.s32 $0xFFFFD800  }
0x17f: {  	[hbm:s23], [sflag:s16] =	dma.local [spmem:s25], $0x280  }
0x180: {  	_ =	swait.ge [sflag:s30], $0x280  }
0x181: {  	s15 =	sadd.s32 $0x1, s15;
	s24 =	rddreg [dreg:$0x10]  }
0x182: {  	p0 =	sne.s32 s15, s24  }
.Ltmp3:
0x183: {  	_ = 	snop;
	(pc) =	sbr.rel @p0 .LBB2_1-.Ltmp3, $3  }
0x184: {  	_ =	sdelay $0x1  }
0x185: {  	[sflag:s30] =	ssyncset.done $0x0  }
0x186: {  	[sflag:s30] =	ssyncadd.s32 $0xFFFFFD80  }
0x187: {  	_ =	sfence.sel $0x180000  }
0x188: {  	[bflag:$0x0] =	sbarrier.arrive $0xFFFF  }
0x189: {  	_ =	strace $0x9000004D  }
0x18a: {  	s0 =	stileid.u32;
	[bflag:$0x2] =	sbarrier.arrive $0xFFFF  }
0x18b: {  	p0 =	sne.s32 s0, $0x0;
	s0 =	rddreg [dreg:$0x5]  }
0x18c: {  	s0 =	sadd.s32 @!p0 $0x100000, s0  }
0x18d: {  	[sflag:s0] =	ssyncadd.tile.s32 @!p0 $0x1;
	_ =	shalt  }
.Lfunc_end2:
_tile_overlayer_lowered:
.L_overlay_start_2:
0x18e: {  	(tag) =	ssettag $0x2  }
0x18f: {  	s0 =	rddreg [dreg:$0x0];
	s2 =	stileid.u32  }
0x190: {  	s1 =	rddreg [dreg:$0x1];
	p0 =	sne.s32 s2, $0x0  }
0x191: {  	s3 =	rddreg [dreg:$0x2];
	[bflag:$0x3] =	sbarrier.arrive $0xFFFF;
	s2 =	simm.s32 @!p0 $0x1C03  }
0x192: {  	[timem:s3], [sflag:s2] =	dma.local @!p0 [hbm:s0], s1  }
0x193: {  	s0 =	simm.s32 @!p0 $0x3  }
0x194: {  	_ =	swait.ge @!p0 [sflag:s0], s1  }
0x195: {  	s1 =	ssub.s32 @!p0 $0x0, s1;
	[sflag:s0] =	ssyncset.done @!p0 $0x0  }
0x196: {  	[sflag:s0] =	ssyncadd.s32 @!p0 s1  }
0x197: {  	[bflag:$0x3] =	sbarrier.arrive $0xFFFF  }
0x198: {  	_ =	shalt  }

// kernel: kernel.9.cloned.1.call-start
scs
__scs_entry_jumppad:
0x0: {  	(pc) =	sbr.rel $0x88, $3  }
0x1: {  	(tag) =	ssettag $0x0;
	lr =	simm.s32 $0x1  }
0x2: {  	[smem:$0x3F81] =	sst lr;
	_ =	strace $0xD0000000  }
0x3: {  	_ = 	snop  }
0x4: {  	_ = 	snop  }
0x5: {  	_ = 	snop  }
0x6: {  	_ = 	snop  }
0x7: {  	_ = 	snop  }
__scs_overlays_trampoline_lowered:
0x8: {  	[smem:$0x3F90] =	sst s0  }
0x9: {  	[smem:$0x3F91] =	sst s1  }
0xa: {  	[smem:$0x3F92] =	sst s2  }
0xb: {  	[smem:$0x3F93] =	sst s3  }
0xc: {  	[smem:$0x3F94] =	sst s4  }
0xd: {  	[smem:$0x3F95] =	sst s5  }
0xe: {  	[smem:$0x3F96] =	sst s6  }
0xf: {  	[smem:$0x3F97] =	sst s7  }
0x10: {  	[smem:$0x3F98] =	sst s8  }
0x11: {  	[smem:$0x3F99] =	sst s9;
	s0 =	simm.s32 @!p0 $0x0  }
0x12: {  	s1 =	sld [smem:$0x3F7F];
	s0 =	simm.s32 @p0 $0x1  }
0x13: {  	[smem:$0x3F9A] =	sst s0;
	s0 =	simm.s32 @!p1 $0x0  }
0x14: {  	s2 =	sld [smem:$0x3F7E];
	s0 =	simm.s32 @p1 $0x1  }
0x15: {  	[smem:$0x3F9B] =	sst s0;
	s0 =	simm.s32 @!p2 $0x0  }
0x16: {  	s3 =	sld [smem:$0x3FDB];
	s0 =	simm.s32 @p2 $0x1  }
0x17: {  	s4 =	simm.s32 $0x1BF5;
	[smem:$0x3F9D] =	sst s0  }
0x18: {  	s0 =	sld [smem:$0x3F80];
	_ =	swait.ge [sflag:s4], $0x0  }
0x19: {  	s7 =	sld [smem:$0x3F81]  }
0x1a: {  	s8 =	sadd.s32 $0xFFFFE003, lr  }
0x1b: {  	s9 =	sadd.s32 $0xFFFFFEF7, lr;
	s5 =	simm.s32 $0xFFFFFFFF;
	p2 =	slt.u32 s8, $0xFFFFF086  }
0x1c: {  	p1 =	slt.u32 s9, $0xF7A;
	s5 =	simm.s32 @!p2 $0x0  }
0x1d: {  	s5 =	simm.s32 @p1 $0x1;
	p0 =	seq.s32 s7, s2  }
0x1e: {  	s7 =	smul.u32 @!p0 $0xF7A, s2;
	p2 =	seq.s32 @!p0 s5, $0x0  }
0x1f: {  	s9 =	smul.u32 $0xF7A, s1;
	s8 =	simm.s32 @!p0 $0x1BF5;
	p2 =	por !p2, p0  }
0x20: {  	[sflag:s8] =	ssyncset.s32 @!p0 $0xFFFFF086;
	s6 =	sadd.s32 @!p0 s3, s7;
	s7 =	simm.s32 @!p0 $0x108  }
0x21: {  	s3 =	sadd.s32 s3, s9;
	s6 =	sadd.s32 @!p0 $0x88, s6;
	s7 =	simm.s32 @p2 $0x1082  }
0x22: {  	[simem:s7], [sflag:s8] =	dma.local @!p0 [hbm:s6], $0xF7A  }
0x23: {  	s9 =	sor.u32 $0xD0000000, s2;
	s6 =	simm.s32 $0x108;
	_ =	swait.ge @!p0 [sflag:s8], $0x0  }
0x24: {  	s3 =	sadd.s32 $0x88, s3;
	s6 =	simm.s32 @!p1 $0x1082;
	[sflag:s4] =	ssyncset.s32 $0xFFFFF086  }
0x25: {  	[simem:s6], [sflag:s4] =	dma.local [hbm:s3], $0xF7A  }
0x26: {  	[smem:$0x3F81] =	sst s1;
	(tag) =	ssettag s2;
	_ =	strace s9  }
0x27: {  	s1 =	sld [smem:$0x3F91]  }
0x28: {  	s2 =	sld [smem:$0x3F92]  }
0x29: {  	s4 =	sld [smem:$0x3F94]  }
0x2a: {  	p0 =	seq.s32 s5, $0x0;
	s5 =	sld [smem:$0x3F95]  }
0x2b: {  	s6 =	sld [smem:$0x3F96]  }
0x2c: {  	s7 =	sld [smem:$0x3F97]  }
0x2d: {  	s3 =	simm.s32 $0x108;
	s8 =	sld [smem:$0x3F98]  }
0x2e: {  	s3 =	simm.s32 @!p0 $0x1082;
	s9 =	sld [smem:$0x3F99]  }
0x2f: {  	lr =	sadd.s32 s0, s3;
	s0 =	sld [smem:$0x3F90]  }
0x30: {  	s3 =	sld [smem:$0x3F93]  }
0x31: {  	[smem:$0x3F9C] =	sst s10  }
0x32: {  	s10 =	sld [smem:$0x3F9A];
	_ =	sdelay $0x3  }
0x33: {  	p0 =	seq.s32 s10, $0x1;
	s10 =	sld [smem:$0x3F9C];
	_ =	sdelay $0x3  }
0x34: {  	[smem:$0x3F9C] =	sst s10  }
0x35: {  	s10 =	sld [smem:$0x3F9B];
	_ =	sdelay $0x3  }
0x36: {  	p1 =	seq.s32 s10, $0x1;
	s10 =	sld [smem:$0x3F9C];
	_ =	sdelay $0x3  }
0x37: {  	[smem:$0x3F9C] =	sst s10  }
0x38: {  	s10 =	sld [smem:$0x3F9D]  }
0x39: {  	_ = 	snop;
	(pc) =	sbr.ind lr, $3  }
0x3a: {  	_ = 	snop  }
0x3b: {  	_ = 	snop  }
0x3c: {  	p2 =	seq.s32 s10, $0x1;
	s10 =	sld [smem:$0x3F9C]  }
0x3d: {  	_ =	shalt  }
0x3e: {  	_ =	shalt  }
0x3f: {  	_ =	shalt  }
0x40: {  	_ =	shalt  }
0x41: {  	_ =	shalt  }
0x42: {  	_ =	shalt  }
0x43: {  	_ =	shalt  }
0x44: {  	_ =	shalt  }
0x45: {  	_ =	shalt  }
0x46: {  	_ =	shalt  }
0x47: {  	_ =	shalt  }
0x48: {  	_ =	shalt  }
0x49: {  	_ =	shalt  }
0x4a: {  	_ =	shalt  }
0x4b: {  	_ =	shalt  }
0x4c: {  	_ =	shalt  }
0x4d: {  	_ =	shalt  }
0x4e: {  	_ =	shalt  }
0x4f: {  	_ =	shalt  }
0x50: {  	_ =	shalt  }
0x51: {  	_ =	shalt  }
0x52: {  	_ =	shalt  }
0x53: {  	_ =	shalt  }
0x54: {  	_ =	shalt  }
0x55: {  	_ =	shalt  }
0x56: {  	_ =	shalt  }
0x57: {  	_ =	shalt  }
0x58: {  	_ =	shalt  }
0x59: {  	_ =	shalt  }
0x5a: {  	_ =	shalt  }
0x5b: {  	_ =	shalt  }
0x5c: {  	_ =	shalt  }
0x5d: {  	_ =	shalt  }
0x5e: {  	_ =	shalt  }
0x5f: {  	_ =	shalt  }
0x60: {  	_ =	shalt  }
0x61: {  	_ =	shalt  }
0x62: {  	_ =	shalt  }
0x63: {  	_ =	shalt  }
0x64: {  	_ =	shalt  }
0x65: {  	_ =	shalt  }
0x66: {  	_ =	shalt  }
0x67: {  	_ =	shalt  }
0x68: {  	_ =	shalt  }
0x69: {  	_ =	shalt  }
0x6a: {  	_ =	shalt  }
0x6b: {  	_ =	shalt  }
0x6c: {  	_ =	shalt  }
0x6d: {  	_ =	shalt  }
0x6e: {  	_ =	shalt  }
0x6f: {  	_ =	shalt  }
0x70: {  	_ =	shalt  }
0x71: {  	_ =	shalt  }
0x72: {  	_ =	shalt  }
0x73: {  	_ =	shalt  }
0x74: {  	_ =	shalt  }
0x75: {  	_ =	shalt  }
0x76: {  	_ =	shalt  }
0x77: {  	_ =	shalt  }
0x78: {  	_ =	shalt  }
0x79: {  	_ =	shalt  }
0x7a: {  	_ =	shalt  }
0x7b: {  	_ =	shalt  }
0x7c: {  	_ =	shalt  }
0x7d: {  	_ =	shalt  }
0x7e: {  	_ =	shalt  }
0x7f: {  	_ =	shalt  }
0x80: {  	_ =	shalt  }
0x81: {  	_ =	shalt  }
0x82: {  	_ =	shalt  }
0x83: {  	_ =	shalt  }
0x84: {  	_ =	shalt  }
0x85: {  	_ =	shalt  }
0x86: {  	_ =	shalt  }
0x87: {  	_ =	shalt  }
.Lfunc_end0:
.L_simem_size_0:
called_computation_lowered:
.L_overlay_start_0:
0x88: {  	s2 =	sld [smem:$0x3FD9]  }
0x89: {  	s3 =	sld [smem:$0x3FFE];
	_ =	sdelay $0x1  }
0x8a: {  	s1 =	srdreg.scid  }
0x8b: {  	s0 =	sand.u32 $0x1, s1  }
0x8c: {  	s17 =	sshll.u32 s0, $0xA;
	s2 =	sadd.s32 s3, s2  }
0x8d: {  	s2 =	sadd.s32 s2, s17  }
0x8e: {  	[smem:$0x3FA8] =	sst s2  }
0x8f: {  	_ = 	snop  }
0x90: {  	s2 =	sld [smem:$0x3FC2]  }
0x91: {  	s18 =	sld [smem:$0x3FC1]  }
0x92: {  	s4 =	sld [smem:$0x3FD0];
	(tm) =	ssettm $0x1  }
0x93: {  	s5 =	sld [smem:$0x3FFB];
	_ =	sdelay $0x3  }
0x94: {  	_ =	strace s5  }
0x95: {  	s5 =	sld [smem:$0x3FFC];
	_ =	sdelay $0x3  }
0x96: {  	_ =	strace s5  }
0x97: {  	s5 =	sld [smem:$0x3FFD];
	_ =	sdelay $0x3  }
0x98: {  	_ =	strace s5  }
0x99: {  	_ =	strace $0x8FFFFFFF  }
0x9a: {  	s19 =	sld [smem:$0x3FDB];
	_ =	sdelay $0x1  }
0x9b: {  	s6 =	simm.s32 $_scs_section_size  }
0x9c: {  	s7 =	simm.s32 $_size__tile_overlayer_lowered;
	s8 =	simm.s32 $_tile_overlayer_lowered  }
0x9d: {  	s22 =	simm.s32 $0x1BFF;
	s21 =	sshll.u32 s8, $0x1;
	s5 =	sadd.s32 s6, s19  }
0x9e: {  	s9 =	simm.s32 $0x0;
	s20 =	sshll.u32 s7, $0x1;
	s7 =	sadd.s32 s21, s5  }
0x9f: {  	[timem:s9], [sflag:s22] =	dma.local [hbm:s7], s20  }
0xa0: {  	_ =	swait.ge [sflag:s22], s20  }
0xa1: {  	s6 =	ssub.s32 $0x0, s20;
	[sflag:s22] =	ssyncset.done $0x0  }
0xa2: {  	[sflag:s22] =	ssyncadd.s32 s6;
	_ =	sdelay $0x1  }
0xa3: {  	s23 =	simm.s32 $0x1B8B  }
0xa4: {  	_ =	swait.ge [sflag:s23], $0x1  }
0xa5: {  	[sflag:s23] =	ssyncset.done $0x0  }
0xa6: {  	s25 =	simm.s32 $0x1B8E;
	s24 =	sld [smem:$0x3FFE];
	[sflag:s23] =	ssyncadd.s32 $0xFFFFFFFF  }
0xa7: {  	s26 =	simm.s32 $execute0_lowered;
	[smem:$0x3FD2] =	sst s25  }
0xa8: {  	s7 =	sshll.u32 s26, $0x1;
	_ =	strace $0x80000046;
	[dreg:$0x1] =	wrdreg $0xFFFFFFFF  }
0xa9: {  	s28 =	simm.s32 $_size_execute0_lowered;
	s5 =	sadd.s32 s5, s7;
	[dreg:$0x0] =	wrdreg $0x0  }
0xaa: {  	s7 =	sshll.u32 s28, $0x1;
	[dreg:$0x2] =	wrdreg s5  }
0xab: {  	[dreg:$0x3] =	wrdreg s7  }
0xac: {  	[dreg:$0x4] =	wrdreg $0xC0  }
0xad: {  	_ =	task [dreg:s9], $0x5FFFF  }
0xae: {  	[dreg:$0x1] =	wrdreg $0xFFFFFFFF  }
0xaf: {  	[dreg:$0x0] =	wrdreg $0x60  }
0xb0: {  	[dreg:$0x2] =	wrdreg s24  }
0xb1: {  	[dreg:$0x3] =	wrdreg s4  }
0xb2: {  	[dreg:$0x4] =	wrdreg s18  }
0xb3: {  	[dreg:$0x5] =	wrdreg s2  }
0xb4: {  	[dreg:$0x6] =	wrdreg $0x89000  }
0xb5: {  	[dreg:$0x7] =	wrdreg $0x9  }
0xb6: {  	_ =	task.clear_ibuf [dreg:s9], $0x8FFFF;
	_ =	strace $0x90000046  }
0xb7: {  	s29 =	simm.s32 $0x9;
	_ =	strace $0x80000048  }
0xb8: {  	_ =	swait.ge [sflag:s29], $0x1  }
0xb9: {  	[sflag:s29] =	ssyncadd.s32 $0xFFFFFFFF  }
0xba: {  	_ =	strace $0x90000048  }
0xbb: {  	_ =	sfence  }
0xbc: {  	s30 =	sld [smem:$0x0];
	_ =	sdelay $0x2  }
0xbd: {  	s31 =	sshll.u32 s1, $0xD;
	s1 =	sshrl.u32 s1, $0x2  }
0xbe: {  	s3 =	sand.u32 $0x4000, s31;
	s1 =	sadd.s32 s1, s30  }
0xbf: {  	s0 =	sor.u32 s3, s0;
	s1 =	sshll.u32 s1, $0x11  }
0xc0: {  	s0 =	sor.u32 s1, s0  }
0xc1: {  	s0 =	sadd.s32 $0x8F2B, s0  }
0xc2: {  	[sflag:s0] =	ssyncadd.remote.s32 $0x1  }
0xc3: {  	_ =	sfence.sel $0xFFFF  }
0xc4: {  	[dreg:$0x0] =	wrdreg $0xFFFFFFFF;
	(pc) =	sbr.abs _section_cstart, $3  }
0xc5: {  	[dreg:$0x1] =	wrdreg $0xFFFFFFFF  }
0xc6: {  	_ =	task.clear_ibuf [dreg:s9], $0x2FFFF;
	_ =	strace $0x9FFFFFFF  }
0xc7: {  	(tm) =	ssettm $0x7FFFFFFF  }
tec
execute0_lowered:
.L_overlay_start_1:
0x0: {  	(tag) =	ssettag $0x1  }
0x1: {  	s0 =	rddreg [dreg:$0x0]  }
0x2: {  	s1 =	rddreg [dreg:$0x1];
	s15 =	stileid.u32  }
0x3: {  	s4 =	rddreg [dreg:$0x4];
	s3 =	simm.s32 $0x0;
	s5 =	smul.u32 $0x14000, s15  }
0x4: {  	s2 =	srdreg.scid;
	s30 =	simm.s32 $0x3;
	s6 =	smul.u32 $0x55000, s15  }
0x5: {  	s29 =	simm.s32 $0x40;
	s31 =	simm.s32 $0x300;
	s12 =	smul.u32 $0x1400, s15  }
0x6: {  	[smem:$0x7FF] =	sst s3;
	s2 =	sand.u32 $0x1, s2;
	s26 =	smul.u32 $0x50000, s15  }
0x7: {  	s7 =	sadd.s32 $0x5E00, s0;
	s8 =	sadd.s32 $0x2DE00, s0;
	s17 =	smul.u32 $0x5000, s15  }
0x8: {  	s9 =	sadd.s32 $0x55E00, s0;
	s10 =	sadd.s32 $0x565E00, s0;
	s20 =	smul.u32 $0x140000, s2  }
0x9: {  	_ =	strace $0x80000047;
	s21 =	smul.u32 $0x14000, s2;
	s22 =	ssub.s32 $0x2, s2  }
0xa: {  	s2 =	sshll.u32 s2, $0x4;
	s6 =	sshrl.u32 s6, $0x2;
	s13 =	sshrl.u32 s22, $0x1  }
0xb: {  	s2 =	sor.u32 s15, s2;
	s15 =	simm.s32 $0x0;
	s3 =	sadd.s32 s5, s20  }
0xc: {  	s11 =	sadd.s32 s6, s4;
	s5 =	sadd.s32 s12, s21;
	s18 =	ssub.s32 s22, s13  }
0xd: {  	v0 =	vimm.s32 $0xFEDCBA98;
	v1 =	vimm.s32 $0x76543210;
	s22 =	sshrl.u32 s26, $0x2;
	s6 =	simm.s32 $0x1;
	s23 =	sadd.s32 $0x2000, s11  }
0xe: {  	v2 =	vimm.s32 $0xBA98FEDC;
	v3 =	vimm.s32 $0x32107654;
	s12 =	simm.s32 $0x2;
	s24 =	sadd.s32 $0x4000, s11;
	[dreg:$0x6] =	wrdreg s23  }
0xf: {  	v4 =	vimm.s32 $0xDCFE98BA;
	v5 =	vimm.s32 $0x54761032;
	s13 =	simm.s32 $0x100;
	s25 =	sadd.s32 $0x6000, s11;
	[dreg:$0x7] =	wrdreg s24  }
0x10: {  	v6 =	vimm.s32 $0xEFCDAB89;
	v7 =	vimm.s32 $0x67452301;
	vm0 =	vmmov $0x1;
	s3 =	sshrl.u32 s3, $0x3;
	s14 =	sadd.s32 $0x8000, s11;
	[dreg:$0x8] =	wrdreg s25  }
0x11: {  	vm1 =	vcmask $0x320;
	vm2 =	vcmask $0x720;
	vm3 =	vcmask $0xB20;
	s5 =	sshrl.u32 s5, $0x3;
	s16 =	sadd.s32 $0xA000, s11;
	[dreg:$0x9] =	wrdreg s14  }
0x12: {  	vm4 =	vcmask $0xF20;
	vm5 =	vcmask $0x1320;
	vm6 =	vcmask $0x1720;
	s19 =	sadd.s32 $0xC000, s11;
	s20 =	sadd.s32 $0xE000, s11;
	[dreg:$0xa] =	wrdreg s16  }
0x13: {  	v0 =	vunpack.c.l.s4.s8 v0;
	v1 =	vunpack.c.l.s4.s8 v1;
	v2 =	vunpack.c.l.s4.s8 v2;
	s21 =	sadd.s32 $0x10000, s11;
	s26 =	smax.u32 s18, $0x1;
	[dreg:$0xb] =	wrdreg s19  }
0x14: {  	v3 =	vunpack.c.l.s4.s8 v3;
	v4 =	vunpack.c.l.s4.s8 v4;
	v5 =	vunpack.c.l.s4.s8 v5;
	s28 =	sadd.s32 $0x14000, s11;
	s3 =	sadd.s32 s3, s0;
	[dreg:$0xc] =	wrdreg s20  }
0x15: {  	v6 =	vunpack.c.l.s4.s8 v6;
	v7 =	vunpack.c.l.s4.s8 v7;
	v0 =	vunpack.c.0.s8.s32 v0;
	s0 =	sadd.s32 s5, s0;
	[dreg:$0xd] =	wrdreg s21;
	s20 =	smul.u32 $0xA2, s2  }
0x16: {  	v2 =	vunpack.c.0.s8.s32 v2;
	v3 =	vunpack.c.0.s8.s32 v3;
	v4 =	vunpack.c.0.s8.s32 v4;
	s23 =	sshrl.u32 s17, $0x2;
	s2 =	sadd.s32 s22, s4;
	[dreg:$0x10] =	wrdreg s26  }
0x17: {  	v5 =	vunpack.c.0.s8.s32 v5;
	v6 =	vunpack.c.0.s8.s32 v6;
	v7 =	vunpack.c.0.s8.s32 v7;
	s26 =	sadd.s32 $0x12000, s11;
	s5 =	simm.s32 $0x2300;
	s3 =	sadd.s32 $0x6F200, s3  }
0x18: {  	vm7 =	vcmask $0x1B20;
	v1 =	vunpack.c.0.s8.s32 v1;
	v2 =	vcombine.low v3, v2;
	s14 =	simm.s32 $0x6300;
	s0 =	sadd.s32 $0x6A200, s0;
	[dreg:$0xe] =	wrdreg s3  }
0x19: {  	v3 =	vcombine.low v5, v4;
	v4 =	vand.u32 $0xF, v0;
	v5 =	vcombine.low v7, v6;
	s24 =	sadd.s32 s23, s4;
	s2 =	sshrl.u32 s2, $0x3;
	[dreg:$0xf] =	wrdreg s0  }
0x1a: {  	v0 =	vimm.f32 $0.0e+00;
	v1 =	vcombine.low v4, v1;
	v2 =	vand.u32 $0xF, v2;
	s25 =	sadd.s32 $0x140000, s24;
	[dreg:$0x11] =	wrdreg s2;
	s0 =	simm.s32 $0x4300  }
0x1b: {  	v3 =	vand.u32 $0xF, v3;
	v4 =	vand.u32 $0xF, v5;
	v5 =	vlaneseq.u32;
	s2 =	simm.s32 $0x80;
	s3 =	simm.s32 $0x400;
	s25 =	sshrl.u32 s25, $0x3  }
.LBB2_1:
0x1c: {  	s16 =	rddreg [dreg:$0x2];
	s17 =	simm.s32 $0x0;
	s18 =	simm.s32 $0x8300  }
0x1d: {  	[tilespmem:s18], [sflag:$0x3] =	stream.linear.gather [hbm4b:s16+s17], $0x200, $0x38;
	[tilespmem:$0x1DD00] =	vst v63  }
0x1e: {  	_ =	swait.ge [sflag:s30], $0x200  }
0x1f: {  	[sflag:s30] =	ssyncset.done $0x0  }
0x20: {  	[sflag:s30] =	ssyncadd.s32 $0xFFFFFE00  }
0x21: {  	s24 =	simm.s32 $0x8500;
	s23 =	rddreg [dreg:$0x3]  }
0x22: {  	[tilespmem:s24], [sflag:$0x3] =	stream.linear.gather [hbm4b:s23+s17], $0x400, $0x38;
	[tilespmem:$0x1DD00] =	vst v63  }
0x23: {  	_ =	swait.ge [sflag:s30], $0x400  }
0x24: {  	[sflag:s30] =	ssyncset.done $0x0  }
0x25: {  	s16 =	simm.s32 $0x0;
	s17 =	simm.s32 $0x200;
	[sflag:s30] =	ssyncadd.s32 $0xFFFFFC00  }
.LBB2_2:
0x26: {  	p0 =	sne.s32 s17, $0x7E00;
	[tilespmem:s16+$0x4370] =	vst v0  }
0x27: {  	[tilespmem:s16+$0x4300] =	vst v0  }
0x28: {  	[tilespmem:s16+$0x4310] =	vst v0  }
.Ltmp0:
0x29: {  	[tilespmem:s16+$0x4320] =	vst v0;
	(pc) =	sbr.rel @p0 .LBB2_2-.Ltmp0, $4  }
0x2a: {  	[tilespmem:s16+$0x4330] =	vst v0  }
0x2b: {  	[tilespmem:s16+$0x4340] =	vst v0  }
0x2c: {  	[tilespmem:s16+$0x4350] =	vst v0  }
0x2d: {  	[tilespmem:s16+$0x4360] =	vst v0;
	s16 =	sshra.s32 s17, $0x2;
	s17 =	sadd.s32 $0x200, s17  }
0x2e: {  	[tilespmem:s16+$0x4370] =	vst v0  }
0x2f: {  	[tilespmem:s16+$0x4300] =	vst v0  }
0x30: {  	[tilespmem:s16+$0x4310] =	vst v0  }
0x31: {  	[tilespmem:s16+$0x4320] =	vst v0  }
0x32: {  	[tilespmem:s16+$0x4330] =	vst v0  }
0x33: {  	[tilespmem:s16+$0x4340] =	vst v0  }
0x34: {  	[tilespmem:s16+$0x4350] =	vst v0  }
0x35: {  	[tilespmem:s16+$0x4360] =	vst v0  }
0x36: {  	[spmem:s11] =	stream.linear.scatter [tilespmem:s0], [sflag:$0x3], $0x2000, $0x38;
	[tilespmem:$0x1DD00] =	vst v63  }
0x37: {  	_ =	swait.ge [sflag:s30], $0x2000  }
0x38: {  	[sflag:s30] =	ssyncset.done $0x0  }
0x39: {  	s24 =	rddreg [dreg:$0x6];
	[sflag:s30] =	ssyncadd.s32 $0xFFFFE000  }
0x3a: {  	[spmem:s24] =	stream.linear.scatter [tilespmem:s0], [sflag:$0x3], $0x2000, $0x38;
	[tilespmem:$0x1DD00] =	vst v63  }
0x3b: {  	_ =	swait.ge [sflag:s30], $0x2000  }
0x3c: {  	[sflag:s30] =	ssyncset.done $0x0  }
0x3d: {  	s17 =	rddreg [dreg:$0x7];
	[sflag:s30] =	ssyncadd.s32 $0xFFFFE000  }
0x3e: {  	[spmem:s17] =	stream.linear.scatter [tilespmem:s0], [sflag:$0x3], $0x2000, $0x38;
	[tilespmem:$0x1DD00] =	vst v63  }
0x3f: {  	_ =	swait.ge [sflag:s30], $0x2000  }
0x40: {  	[sflag:s30] =	ssyncset.done $0x0  }
0x41: {  	s18 =	rddreg [dreg:$0x8];
	[sflag:s30] =	ssyncadd.s32 $0xFFFFE000  }
0x42: {  	[spmem:s18] =	stream.linear.scatter [tilespmem:s0], [sflag:$0x3], $0x2000, $0x38;
	[tilespmem:$0x1DD00] =	vst v63  }
0x43: {  	_ =	swait.ge [sflag:s30], $0x2000  }
0x44: {  	[sflag:s30] =	ssyncset.done $0x0  }
0x45: {  	s19 =	rddreg [dreg:$0x9];
	[sflag:s30] =	ssyncadd.s32 $0xFFFFE000  }
0x46: {  	[spmem:s19] =	stream.linear.scatter [tilespmem:s0], [sflag:$0x3], $0x2000, $0x38;
	[tilespmem:$0x1DD00] =	vst v63  }
0x47: {  	_ =	swait.ge [sflag:s30], $0x2000  }
0x48: {  	[sflag:s30] =	ssyncset.done $0x0  }
0x49: {  	s21 =	rddreg [dreg:$0xa];
	[sflag:s30] =	ssyncadd.s32 $0xFFFFE000  }
0x4a: {  	[spmem:s21] =	stream.linear.scatter [tilespmem:s0], [sflag:$0x3], $0x2000, $0x38;
	[tilespmem:$0x1DD00] =	vst v63  }
0x4b: {  	_ =	swait.ge [sflag:s30], $0x2000  }
0x4c: {  	[sflag:s30] =	ssyncset.done $0x0  }
0x4d: {  	s22 =	rddreg [dreg:$0xb];
	[sflag:s30] =	ssyncadd.s32 $0xFFFFE000  }
0x4e: {  	[spmem:s22] =	stream.linear.scatter [tilespmem:s0], [sflag:$0x3], $0x2000, $0x38;
	[tilespmem:$0x1DD00] =	vst v63  }
0x4f: {  	_ =	swait.ge [sflag:s30], $0x2000  }
0x50: {  	[sflag:s30] =	ssyncset.done $0x0  }
0x51: {  	s23 =	rddreg [dreg:$0xc];
	[sflag:s30] =	ssyncadd.s32 $0xFFFFE000  }
0x52: {  	[spmem:s23] =	stream.linear.scatter [tilespmem:s0], [sflag:$0x3], $0x2000, $0x38;
	[tilespmem:$0x1DD00] =	vst v63  }
0x53: {  	_ =	swait.ge [sflag:s30], $0x2000  }
0x54: {  	[sflag:s30] =	ssyncset.done $0x0  }
0x55: {  	s24 =	rddreg [dreg:$0xd];
	[sflag:s30] =	ssyncadd.s32 $0xFFFFE000  }
0x56: {  	[spmem:s24] =	stream.linear.scatter [tilespmem:s0], [sflag:$0x3], $0x2000, $0x38;
	[tilespmem:$0x1DD00] =	vst v63  }
0x57: {  	_ =	swait.ge [sflag:s30], $0x2000  }
0x58: {  	[sflag:s30] =	ssyncset.done $0x0  }
0x59: {  	[sflag:s30] =	ssyncadd.s32 $0xFFFFE000  }
0x5a: {  	[spmem:s26] =	stream.linear.scatter [tilespmem:s0], [sflag:$0x3], $0x2000, $0x38;
	[tilespmem:$0x1DD00] =	vst v63  }
0x5b: {  	_ =	swait.ge [sflag:s30], $0x2000  }
0x5c: {  	[sflag:s30] =	ssyncset.done $0x0  }
0x5d: {  	[sflag:s30] =	ssyncadd.s32 $0xFFFFE000  }
0x5e: {  	[spmem:s28] =	stream.linear.scatter [tilespmem:s0], [sflag:$0x3], $0x1400, $0x38;
	[tilespmem:$0x1DD00] =	vst v63  }
0x5f: {  	_ =	swait.ge [sflag:s30], $0x1400  }
0x60: {  	[sflag:s30] =	ssyncset.done $0x0  }
0x61: {  	[sflag:s30] =	ssyncadd.s32 $0xFFFFEC00  }
0x62: {  	s16 =	simm.s32 $0x0;
	s17 =	simm.s32 $0x0;
	[bflag:$0x0] =	sbarrier.arrive $0xFFFF  }
.LBB2_4:
0x63: {  	s18 =	sadd.s32 s20, s17  }
0x64: {  	s19 =	sshrl.u32 s18, $0x3;
	s18 =	sshll.u32 s18, $0x7  }
0x65: {  	s18 =	sand.u32 $0x380, s18;
	s21 =	sshll.u32 s19, $0xA  }
0x66: {  	s21 =	sor.u32 s18, s21  }
0x67: {  	s21 =	sshrl.u32 s21, $0x3  }
0x68: {  	s22 =	sadd.s32 s1, s21  }
0x69: {  	[tilespmem:s16], [sflag:$0x3] =	stream.linear.gather [hbm4b:s22+s16], $0x80, $0x38;
	[tilespmem:$0x1DD00] =	vst v63  }
0x6a: {  	_ =	swait.ge [sflag:s30], $0x80  }
0x6b: {  	[sflag:s30] =	ssyncset.done $0x0  }
0x6c: {  	s19 =	sshll.u32 s19, $0xB;
	s21 =	sadd.s32 s9, s21;
	[sflag:s30] =	ssyncadd.s32 $0xFFFFFF80  }
0x6d: {  	[tilespmem:s2], [sflag:$0x3] =	stream.linear.gather [hbm4b:s21+s16], $0x80, $0x38;
	[tilespmem:$0x1DD00] =	vst v63  }
0x6e: {  	s18 =	sor.u32 s18, s19;
	_ =	swait.ge [sflag:s30], $0x80  }
0x6f: {  	s18 =	sshrl.u32 s18, $0x3;
	[sflag:s30] =	ssyncset.done $0x0  }
0x70: {  	s24 =	sadd.s32 s10, s18;
	s18 =	simm.s32 $0x180;
	[sflag:s30] =	ssyncadd.s32 $0xFFFFFF80  }
0x71: {  	[tilespmem:s18], [sflag:$0x3] =	stream.strided.gather [hbm4b:s24+s2], $0x100, s3, s2, $0x38;
	[tilespmem:$0x1DD00] =	vst v63  }
0x72: {  	_ =	swait.ge [sflag:s30], $0x100  }
0x73: {  	[sflag:s30] =	ssyncset.done $0x0  }
0x74: {  	[sflag:s30] =	ssyncadd.s32 $0xFFFFFF00  }
0x75: {  	[tilespmem:s31], [sflag:$0x1] =	stream.indirect.gather [hbm4b:s7+s29], $0x80, s16, s29, $0xb8;
	[tilespmem:$0x1DD00] =	vst v63  }
0x76: {  	_ = 	snop  }
0x77: {  	[tilespmem:s5], [sflag:$0x2] =	stream.indirect.gather [hbm4b:s8+s29], $0x80, s2, s29, $0xb8;
	[tilespmem:$0x1DD00] =	vst v63  }
0x78: {  	_ =	swait.ge [sflag:s6], $0x2000  }
0x79: {  	[sflag:s6] =	ssyncset.done $0x0  }
0x7a: {  	[sflag:s6] =	ssyncadd.s32 $0xFFFFE000  }
0x7b: {  	_ =	swait.ge [sflag:s12], $0x2000  }
0x7c: {  	[sflag:s12] =	ssyncset.done $0x0  }
0x7d: {  	[sflag:s12] =	ssyncadd.s32 $0xFFFFE000  }
0x7e: {  	v6 =	vld [tilespmem:$0x80]  }
0x7f: {  	v7 =	vld [tilespmem:$0x90]  }
0x80: {  	v8 =	vld [tilespmem:$0xA0]  }
0x81: {  	v9 =	vld [tilespmem:$0xB0];
	_ =	sdelay $0x1  }
0x82: {  	v6 =	vshra.s32 v6, $0x4  }
0x83: {  	v7 =	vshra.s32 v7, $0x4;
	v6 =	vadd.s32 $0x2800, v6  }
0x84: {  	[tilespmem:$0x100] =	vst v6;
	v6 =	vadd.s32 $0x2800, v7;
	v7 =	vshra.s32 v8, $0x4  }
0x85: {  	[tilespmem:$0x110] =	vst v6;
	v6 =	vadd.s32 $0x2800, v7;
	v7 =	vshra.s32 v9, $0x4  }
0x86: {  	[tilespmem:$0x120] =	vst v6;
	v6 =	vadd.s32 $0x2800, v7  }
0x87: {  	s19 =	simm.s32 $0x0;
	s21 =	simm.s32 $0x0;
	[tilespmem:$0x130] =	vst v6  }
.LBB2_5:
0x88: {  	v6 =	vld [tilespmem:s18+$0x0];
	_ =	sdelay $0x1  }
0x89: {  	v9 =	vld [tilespmem:$0x8300]  }
0x8a: {  	v10 =	vld [tilespmem:$0x8380];
	_ =	sdelay $0x1  }
0x8b: {  	v11 =	vld [tilespmem:$0x8400];
	v7 =	vbroadcast v6, $0x0  }
0x8c: {  	v8 =	vbroadcast v6, $0x1  }
0x8d: {  	v13 =	vld [tilespmem:$0x8480];
	s22 =	sshra.s32 s19, $0x2;
	v12 =	vmul.f32 v9, v7  }
0x8e: {  	v14 =	vld [tilespmem:s22+$0x300];
	v10 =	vmul.f32 v10, v8;
	v9 =	vbroadcast v6, $0x2  }
0x8f: {  	v15 =	vld [tilespmem:s22+$0x2300]  }
0x90: {  	v12 =	vadd.f32 v10, v12;
	v11 =	vmul.f32 v11, v9;
	v10 =	vbroadcast v6, $0x3;
	_ =	sdelay $0x1  }
0x91: {  	v6 =	vadd.f32 v11, v12;
	v33 =	vmul.f32 v13, v10;
	_ =	sdelay $0x1  }
0x92: {  	v34 =	vadd.f32 v15, v14;
	v6 =	vadd.f32 v33, v6;
	_ =	sdelay $0x1  }
0x93: {  	v35 =	vld [tilespmem:$0x8500];
	v6 =	vadd.f32 v34, v6;
	_ =	sdelay $0x1  }
0x94: {  	v36 =	vmul.f32 $2.000000030e-01, v6;
	_ =	sdelay $0x1  }
0x95: {  	v6 =	vmax.f32 v6, v36  }
0x96: {  	v6 =	vmul.f32 v6, v35;
	_ =	sdelay $0x1  }
0x97: {  	v11 =	vperm.xlane v6, v1;
	_ =	sdelay $0x1  }
0x98: {  	v6 =	vadd.f32 v6, v11;
	_ =	sdelay $0x1  }
0x99: {  	v11 =	vperm.xlane v6, v2;
	_ =	sdelay $0x1  }
0x9a: {  	v6 =	vadd.f32 v6, v11;
	_ =	sdelay $0x1  }
0x9b: {  	v11 =	vperm.xlane v6, v3;
	_ =	sdelay $0x1  }
0x9c: {  	v6 =	vadd.f32 v6, v11;
	_ =	sdelay $0x1  }
0x9d: {  	v11 =	vperm.xlane v6, v4;
	_ =	sdelay $0x1  }
0x9e: {  	v6 =	vadd.f32 v6, v11;
	_ =	sdelay $0x1  }
0x9f: {  	v6 =	vmul.f32 $1.442695020e+00, v6;
	_ =	sdelay $0x1  }
0xa0: {  	(erf) = vpow2.f32 v6;
	_ =	sdelay $0x8  }
0xa1: {  	v6 =	vpop (erf)  }
0xa2: {  	v37 =	vmul.f32 v6, v14;
	_ =	sdelay $0x1  }
0xa3: {  	[tilespmem:s22+$0x4300] =	vst v37  }
0xa4: {  	v11 =	vld [tilespmem:$0x8310]  }
0xa5: {  	v38 =	vld [tilespmem:$0x8390];
	_ =	sdelay $0x1  }
0xa6: {  	v39 =	vld [tilespmem:$0x8410];
	_ =	sdelay $0x1  }
0xa7: {  	v40 =	vld [tilespmem:$0x8490]  }
0xa8: {  	v41 =	vld [tilespmem:s22+$0x310];
	v11 =	vmul.f32 v11, v7;
	v12 =	vmul.f32 v38, v8  }
0xa9: {  	v16 =	vld [tilespmem:s22+$0x2310]  }
0xaa: {  	v42 =	vmul.f32 v39, v9;
	v11 =	vadd.f32 v12, v11;
	_ =	sdelay $0x1  }
0xab: {  	v43 =	vmul.f32 v40, v10;
	v11 =	vadd.f32 v42, v11;
	_ =	sdelay $0x1  }
0xac: {  	v44 =	vadd.f32 v16, v41;
	v11 =	vadd.f32 v43, v11;
	_ =	sdelay $0x1  }
0xad: {  	v45 =	vld [tilespmem:$0x8580];
	v11 =	vadd.f32 v44, v11;
	_ =	sdelay $0x1  }
0xae: {  	v46 =	vmul.f32 $2.000000030e-01, v11;
	_ =	sdelay $0x1  }
0xaf: {  	v11 =	vmax.f32 v11, v46  }
0xb0: {  	v11 =	vmul.f32 v11, v45;
	_ =	sdelay $0x1  }
0xb1: {  	v12 =	vperm.xlane v11, v1;
	_ =	sdelay $0x1  }
0xb2: {  	v11 =	vadd.f32 v11, v12;
	_ =	sdelay $0x1  }
0xb3: {  	v12 =	vperm.xlane v11, v2;
	_ =	sdelay $0x1  }
0xb4: {  	v11 =	vadd.f32 v11, v12;
	_ =	sdelay $0x1  }
0xb5: {  	v12 =	vperm.xlane v11, v3;
	_ =	sdelay $0x1  }
0xb6: {  	v11 =	vadd.f32 v11, v12;
	_ =	sdelay $0x1  }
0xb7: {  	v12 =	vperm.xlane v11, v4;
	_ =	sdelay $0x1  }
0xb8: {  	v11 =	vadd.f32 v11, v12;
	_ =	sdelay $0x1  }
0xb9: {  	v11 =	vmul.f32 $1.442695020e+00, v11;
	_ =	sdelay $0x1  }
0xba: {  	(erf) = vpow2.f32 v11;
	_ =	sdelay $0x8  }
0xbb: {  	v11 =	vpop (erf)  }
0xbc: {  	v47 =	vmul.f32 v11, v41;
	_ =	sdelay $0x1  }
0xbd: {  	[tilespmem:s22+$0x4310] =	vst v47  }
0xbe: {  	v12 =	vld [tilespmem:$0x8320]  }
0xbf: {  	v48 =	vld [tilespmem:$0x83A0];
	_ =	sdelay $0x1  }
0xc0: {  	v49 =	vld [tilespmem:$0x8420];
	_ =	sdelay $0x1  }
0xc1: {  	v50 =	vld [tilespmem:$0x84A0]  }
0xc2: {  	v51 =	vld [tilespmem:s22+$0x320];
	v12 =	vmul.f32 v12, v7;
	v13 =	vmul.f32 v48, v8  }
0xc3: {  	v17 =	vld [tilespmem:s22+$0x2320]  }
0xc4: {  	v52 =	vmul.f32 v49, v9;
	v12 =	vadd.f32 v13, v12;
	_ =	sdelay $0x1  }
0xc5: {  	v53 =	vmul.f32 v50, v10;
	v12 =	vadd.f32 v52, v12;
	_ =	sdelay $0x1  }
0xc6: {  	v54 =	vadd.f32 v17, v51;
	v12 =	vadd.f32 v53, v12;
	_ =	sdelay $0x1  }
0xc7: {  	v55 =	vld [tilespmem:$0x8600];
	v12 =	vadd.f32 v54, v12;
	_ =	sdelay $0x1  }
0xc8: {  	v56 =	vmul.f32 $2.000000030e-01, v12;
	_ =	sdelay $0x1  }
0xc9: {  	v12 =	vmax.f32 v12, v56  }
0xca: {  	v12 =	vmul.f32 v12, v55;
	_ =	sdelay $0x1  }
0xcb: {  	v13 =	vperm.xlane v12, v1;
	_ =	sdelay $0x1  }
0xcc: {  	v12 =	vadd.f32 v12, v13;
	_ =	sdelay $0x1  }
0xcd: {  	v13 =	vperm.xlane v12, v2;
	_ =	sdelay $0x1  }
0xce: {  	v12 =	vadd.f32 v12, v13;
	_ =	sdelay $0x1  }
0xcf: {  	v13 =	vperm.xlane v12, v3;
	_ =	sdelay $0x1  }
0xd0: {  	v12 =	vadd.f32 v12, v13;
	_ =	sdelay $0x1  }
0xd1: {  	v13 =	vperm.xlane v12, v4;
	_ =	sdelay $0x1  }
0xd2: {  	v12 =	vadd.f32 v12, v13;
	_ =	sdelay $0x1  }
0xd3: {  	v12 =	vmul.f32 $1.442695020e+00, v12;
	_ =	sdelay $0x1  }
0xd4: {  	(erf) = vpow2.f32 v12;
	_ =	sdelay $0x8  }
0xd5: {  	v12 =	vpop (erf)  }
0xd6: {  	v57 =	vmul.f32 v12, v51;
	_ =	sdelay $0x1  }
0xd7: {  	[tilespmem:s22+$0x4320] =	vst v57  }
0xd8: {  	v13 =	vld [tilespmem:$0x8330]  }
0xd9: {  	v58 =	vld [tilespmem:$0x83B0];
	_ =	sdelay $0x1  }
0xda: {  	v59 =	vld [tilespmem:$0x8430];
	_ =	sdelay $0x1  }
0xdb: {  	v60 =	vld [tilespmem:$0x84B0]  }
0xdc: {  	v61 =	vld [tilespmem:s22+$0x330];
	v13 =	vmul.f32 v13, v7;
	v14 =	vmul.f32 v58, v8  }
0xdd: {  	v18 =	vld [tilespmem:s22+$0x2330]  }
0xde: {  	v62 =	vmul.f32 v59, v9;
	v13 =	vadd.f32 v14, v13;
	_ =	sdelay $0x1  }
0xdf: {  	v63 =	vmul.f32 v60, v10;
	v13 =	vadd.f32 v62, v13;
	_ =	sdelay $0x1  }
0xe0: {  	v16 =	vadd.f32 v18, v61;
	v13 =	vadd.f32 v63, v13;
	_ =	sdelay $0x1  }
0xe1: {  	v18 =	vld [tilespmem:$0x8680];
	v13 =	vadd.f32 v16, v13;
	_ =	sdelay $0x1  }
0xe2: {  	v19 =	vmul.f32 $2.000000030e-01, v13;
	_ =	sdelay $0x1  }
0xe3: {  	v13 =	vmax.f32 v13, v19  }
0xe4: {  	v13 =	vmul.f32 v13, v18;
	_ =	sdelay $0x1  }
0xe5: {  	v14 =	vperm.xlane v13, v1;
	_ =	sdelay $0x1  }
0xe6: {  	v13 =	vadd.f32 v13, v14;
	_ =	sdelay $0x1  }
0xe7: {  	v14 =	vperm.xlane v13, v2;
	_ =	sdelay $0x1  }
0xe8: {  	v13 =	vadd.f32 v13, v14;
	_ =	sdelay $0x1  }
0xe9: {  	v14 =	vperm.xlane v13, v3;
	_ =	sdelay $0x1  }
0xea: {  	v13 =	vadd.f32 v13, v14;
	_ =	sdelay $0x1  }
0xeb: {  	v14 =	vperm.xlane v13, v4;
	_ =	sdelay $0x1  }
0xec: {  	v13 =	vadd.f32 v13, v14;
	_ =	sdelay $0x1  }
0xed: {  	v13 =	vmul.f32 $1.442695020e+00, v13;
	_ =	sdelay $0x1  }
0xee: {  	(erf) = vpow2.f32 v13;
	_ =	sdelay $0x8  }
0xef: {  	v13 =	vpop (erf)  }
0xf0: {  	v20 =	vmul.f32 v13, v61;
	_ =	sdelay $0x1  }
0xf1: {  	[tilespmem:s22+$0x4330] =	vst v20  }
0xf2: {  	v14 =	vld [tilespmem:$0x8340]  }
0xf3: {  	v21 =	vld [tilespmem:$0x83C0];
	_ =	sdelay $0x1  }
0xf4: {  	v22 =	vld [tilespmem:$0x8440];
	_ =	sdelay $0x1  }
0xf5: {  	v23 =	vld [tilespmem:$0x84C0]  }
0xf6: {  	v24 =	vld [tilespmem:s22+$0x340];
	v14 =	vmul.f32 v14, v7;
	v15 =	vmul.f32 v21, v8  }
0xf7: {  	v19 =	vld [tilespmem:s22+$0x2340]  }
0xf8: {  	v25 =	vmul.f32 v22, v9;
	v14 =	vadd.f32 v15, v14;
	_ =	sdelay $0x1  }
0xf9: {  	v26 =	vmul.f32 v23, v10;
	v14 =	vadd.f32 v25, v14;
	_ =	sdelay $0x1  }
0xfa: {  	v27 =	vadd.f32 v19, v24;
	v14 =	vadd.f32 v26, v14;
	_ =	sdelay $0x1  }
0xfb: {  	v28 =	vld [tilespmem:$0x8700];
	v14 =	vadd.f32 v27, v14;
	_ =	sdelay $0x1  }
0xfc: {  	v29 =	vmul.f32 $2.000000030e-01, v14;
	_ =	sdelay $0x1  }
0xfd: {  	v14 =	vmax.f32 v14, v29  }
0xfe: {  	v14 =	vmul.f32 v14, v28;
	_ =	sdelay $0x1  }
0xff: {  	v15 =	vperm.xlane v14, v1;
	_ =	sdelay $0x1  }
0x100: {  	v14 =	vadd.f32 v14, v15;
	_ =	sdelay $0x1  }
0x101: {  	v15 =	vperm.xlane v14, v2;
	_ =	sdelay $0x1  }
0x102: {  	v14 =	vadd.f32 v14, v15;
	_ =	sdelay $0x1  }
0x103: {  	v15 =	vperm.xlane v14, v3;
	_ =	sdelay $0x1  }
0x104: {  	v14 =	vadd.f32 v14, v15;
	_ =	sdelay $0x1  }
0x105: {  	v15 =	vperm.xlane v14, v4;
	_ =	sdelay $0x1  }
0x106: {  	v14 =	vadd.f32 v14, v15;
	_ =	sdelay $0x1  }
0x107: {  	v14 =	vmul.f32 $1.442695020e+00, v14;
	_ =	sdelay $0x1  }
0x108: {  	(erf) = vpow2.f32 v14;
	_ =	sdelay $0x8  }
0x109: {  	v14 =	vpop (erf)  }
0x10a: {  	v30 =	vmul.f32 v14, v24;
	_ =	sdelay $0x1  }
0x10b: {  	[tilespmem:s22+$0x4340] =	vst v30  }
0x10c: {  	v15 =	vld [tilespmem:$0x8350]  }
0x10d: {  	v31 =	vld [tilespmem:$0x83D0];
	_ =	sdelay $0x1  }
0x10e: {  	v32 =	vld [tilespmem:$0x8450];
	_ =	sdelay $0x1  }
0x10f: {  	v33 =	vld [tilespmem:$0x84D0]  }
0x110: {  	v34 =	vld [tilespmem:s22+$0x350];
	v15 =	vmul.f32 v15, v7;
	v16 =	vmul.f32 v31, v8  }
0x111: {  	v20 =	vld [tilespmem:s22+$0x2350]  }
0x112: {  	v35 =	vmul.f32 v32, v9;
	v15 =	vadd.f32 v16, v15;
	_ =	sdelay $0x1  }
0x113: {  	v36 =	vmul.f32 v33, v10;
	v15 =	vadd.f32 v35, v15;
	_ =	sdelay $0x1  }
0x114: {  	v37 =	vadd.f32 v20, v34;
	v15 =	vadd.f32 v36, v15;
	_ =	sdelay $0x1  }
0x115: {  	v38 =	vld [tilespmem:$0x8780];
	v15 =	vadd.f32 v37, v15;
	_ =	sdelay $0x1  }
0x116: {  	v39 =	vmul.f32 $2.000000030e-01, v15;
	_ =	sdelay $0x1  }
0x117: {  	v15 =	vmax.f32 v15, v39  }
0x118: {  	v15 =	vmul.f32 v15, v38;
	_ =	sdelay $0x1  }
0x119: {  	v16 =	vperm.xlane v15, v1;
	_ =	sdelay $0x1  }
0x11a: {  	v15 =	vadd.f32 v15, v16;
	_ =	sdelay $0x1  }
0x11b: {  	v16 =	vperm.xlane v15, v2;
	_ =	sdelay $0x1  }
0x11c: {  	v15 =	vadd.f32 v15, v16;
	_ =	sdelay $0x1  }
0x11d: {  	v16 =	vperm.xlane v15, v3;
	_ =	sdelay $0x1  }
0x11e: {  	v15 =	vadd.f32 v15, v16;
	_ =	sdelay $0x1  }
0x11f: {  	v16 =	vperm.xlane v15, v4;
	_ =	sdelay $0x1  }
0x120: {  	v15 =	vadd.f32 v15, v16;
	_ =	sdelay $0x1  }
0x121: {  	v15 =	vmul.f32 $1.442695020e+00, v15;
	_ =	sdelay $0x1  }
0x122: {  	(erf) = vpow2.f32 v15;
	_ =	sdelay $0x8  }
0x123: {  	v15 =	vpop (erf)  }
0x124: {  	v40 =	vmul.f32 v15, v34;
	_ =	sdelay $0x1  }
0x125: {  	[tilespmem:s22+$0x4350] =	vst v40  }
0x126: {  	v16 =	vld [tilespmem:$0x8360]  }
0x127: {  	v41 =	vld [tilespmem:$0x83E0];
	_ =	sdelay $0x1  }
0x128: {  	v42 =	vld [tilespmem:$0x8460];
	_ =	sdelay $0x1  }
0x129: {  	v43 =	vld [tilespmem:$0x84E0]  }
0x12a: {  	v44 =	vld [tilespmem:s22+$0x360];
	v16 =	vmul.f32 v16, v7;
	v17 =	vmul.f32 v41, v8  }
0x12b: {  	v21 =	vld [tilespmem:s22+$0x2360]  }
0x12c: {  	v45 =	vmul.f32 v42, v9;
	v16 =	vadd.f32 v17, v16;
	_ =	sdelay $0x1  }
0x12d: {  	v46 =	vmul.f32 v43, v10;
	v16 =	vadd.f32 v45, v16;
	_ =	sdelay $0x1  }
0x12e: {  	v47 =	vadd.f32 v21, v44;
	v16 =	vadd.f32 v46, v16;
	_ =	sdelay $0x1  }
0x12f: {  	v48 =	vld [tilespmem:$0x8800];
	v16 =	vadd.f32 v47, v16;
	_ =	sdelay $0x1  }
0x130: {  	v49 =	vmul.f32 $2.000000030e-01, v16;
	_ =	sdelay $0x1  }
0x131: {  	v16 =	vmax.f32 v16, v49  }
0x132: {  	v16 =	vmul.f32 v16, v48;
	_ =	sdelay $0x1  }
0x133: {  	v17 =	vperm.xlane v16, v1;
	_ =	sdelay $0x1  }
0x134: {  	v16 =	vadd.f32 v16, v17;
	_ =	sdelay $0x1  }
0x135: {  	v17 =	vperm.xlane v16, v2;
	_ =	sdelay $0x1  }
0x136: {  	v16 =	vadd.f32 v16, v17;
	_ =	sdelay $0x1  }
0x137: {  	v17 =	vperm.xlane v16, v3;
	_ =	sdelay $0x1  }
0x138: {  	v16 =	vadd.f32 v16, v17;
	_ =	sdelay $0x1  }
0x139: {  	v17 =	vperm.xlane v16, v4;
	_ =	sdelay $0x1  }
0x13a: {  	v16 =	vadd.f32 v16, v17;
	_ =	sdelay $0x1  }
0x13b: {  	v16 =	vmul.f32 $1.442695020e+00, v16;
	_ =	sdelay $0x1  }
0x13c: {  	(erf) = vpow2.f32 v16;
	_ =	sdelay $0x8  }
0x13d: {  	v16 =	vpop (erf)  }
0x13e: {  	v50 =	vmul.f32 v16, v44;
	_ =	sdelay $0x1  }
0x13f: {  	[tilespmem:s22+$0x4360] =	vst v50  }
0x140: {  	v17 =	vld [tilespmem:$0x8370]  }
0x141: {  	v51 =	vld [tilespmem:$0x83F0];
	_ =	sdelay $0x1  }
0x142: {  	v52 =	vld [tilespmem:$0x8470];
	_ =	sdelay $0x1  }
0x143: {  	v53 =	vld [tilespmem:$0x84F0]  }
0x144: {  	v54 =	vld [tilespmem:s22+$0x370];
	v7 =	vmul.f32 v17, v7;
	v8 =	vmul.f32 v51, v8  }
0x145: {  	v55 =	vld [tilespmem:s22+$0x2370]  }
0x146: {  	v56 =	vmul.f32 v52, v9;
	v7 =	vadd.f32 v8, v7;
	_ =	sdelay $0x1  }
0x147: {  	v57 =	vmul.f32 v53, v10;
	v7 =	vadd.f32 v56, v7;
	_ =	sdelay $0x1  }
0x148: {  	v58 =	vadd.f32 v55, v54;
	v7 =	vadd.f32 v57, v7;
	_ =	sdelay $0x1  }
0x149: {  	v59 =	vld [tilespmem:$0x8880];
	v7 =	vadd.f32 v58, v7;
	_ =	sdelay $0x1  }
0x14a: {  	v60 =	vmul.f32 $2.000000030e-01, v7;
	_ =	sdelay $0x1  }
0x14b: {  	v7 =	vmax.f32 v7, v60  }
0x14c: {  	v7 =	vmul.f32 v7, v59;
	_ =	sdelay $0x1  }
0x14d: {  	v8 =	vperm.xlane v7, v1;
	_ =	sdelay $0x1  }
0x14e: {  	v7 =	vadd.f32 v7, v8;
	_ =	sdelay $0x1  }
0x14f: {  	v8 =	vperm.xlane v7, v2;
	_ =	sdelay $0x1  }
0x150: {  	v7 =	vadd.f32 v7, v8;
	_ =	sdelay $0x1  }
0x151: {  	v8 =	vperm.xlane v7, v3;
	_ =	sdelay $0x1  }
0x152: {  	v7 =	vadd.f32 v7, v8;
	_ =	sdelay $0x1  }
0x153: {  	v8 =	vperm.xlane v7, v4;
	_ =	sdelay $0x1  }
0x154: {  	v7 =	vadd.f32 v7, v8;
	_ =	sdelay $0x1  }
0x155: {  	v7 =	vmul.f32 $1.442695020e+00, v7;
	_ =	sdelay $0x1  }
0x156: {  	(erf) = vpow2.f32 v7;
	_ =	sdelay $0x3  }
0x157: {  	[tilespmem:s22+$0x6300] =	vst v0  }
0x158: {  	[tilespmem:s22+$0x6310] =	vst v0  }
0x159: {  	[tilespmem:s22+$0x6320] =	vst v0  }
0x15a: {  	[tilespmem:s22+$0x6330] =	vst v0  }
0x15b: {  	[tilespmem:s22+$0x6340] =	vst v0  }
0x15c: {  	[tilespmem:s22+$0x6350] =	vst v0;
	v7 =	vpop (erf)  }
0x15d: {  	[tilespmem:s22+$0x6360] =	vst v0;
	v61 =	vmul.f32 v7, v54  }
0x15e: {  	[tilespmem:s22+$0x6370] =	vst v0  }
0x15f: {  	s23 =	sand.u32 $0x30, s21;
	[tilespmem:s22+$0x4370] =	vst v61  }
0x160: {  	v8 =	vld [tilespmem:s23+$0x80];
	_ =	sdelay $0x3  }
0x161: {  	v62 =	vmov s21  }
0x162: {  	v8 =	vperm.xlane v8, v62;
	_ =	sdelay $0x1  }
0x163: {  	(v2sf) =	vpush v8, $0x0;
	_ =	sdelay $0xb  }
0x164: {  	v6 =	vnsel vm0, $0x0, v6  }
0x165: {  	v6 =	vsel vm1, v6, v11  }
0x166: {  	v6 =	vsel vm2, v6, v12  }
0x167: {  	v6 =	vsel vm3, v6, v13;
	s24 =	spop (v2sf)  }
0x168: {  	v6 =	vsel vm4, v6, v14;
	s23 =	sshll.u32 s24, $0x3  }
0x169: {  	v6 =	vsel vm5, v6, v15;
	s24 =	sand.u32 $0x8, s23  }
0x16a: {  	p0 =	sne.s32 s19, $0x7E00;
	v6 =	vsel vm6, v6, v16;
	v63 =	vmov s24  }
.Ltmp1:
0x16b: {  	v6 =	vsel vm7, v6, v7;
	v7 =	vsub.s32 v5, v63;
	(pc) =	sbr.rel @p0 .LBB2_5-.Ltmp1, $4  }
0x16c: {  	v6 =	vperm.xlane v6, v7  }
0x16d: {  	s23 =	sand.u32 $0x70, s23;
	vm8 =	vlt.u32 v7, $0x8  }
0x16e: {  	s22 =	sadd.s32 s22, s23;
	v6 =	vnsel vm8, $0x0, v6  }
0x16f: {  	s18 =	sadd.s32 $0x4, s18;
	s19 =	sadd.s32 $0x200, s19;
	s21 =	sadd.s32 $0x1, s21;
	[tilespmem:s22+$0x6300] =	vst v6  }
0x170: {  	[spmem:s4] =	stream.indirect.scatter.add.f32 [tilespmem:s0], [sflag:$0x3], $0x80, s2, s29, $0xb8;
	[tilespmem:$0x1DD00] =	vst v63  }
0x171: {  	s17 =	sadd.s32 $0x1, s17;
	_ =	swait.ge [sflag:s30], $0x2000  }
0x172: {  	p0 =	sne.s32 s17, $0xA2;
	[sflag:s30] =	ssyncset.done $0x0  }
.Ltmp2:
0x173: {  	[sflag:s30] =	ssyncadd.s32 $0xFFFFE000;
	(pc) =	sbr.rel @p0 .LBB2_4-.Ltmp2, $4  }
0x174: {  	[spmem:s4] =	stream.indirect.scatter.add.f32 [tilespmem:s14], [sflag:$0x3], $0x80, s13, s29, $0xb8;
	[tilespmem:$0x1DD00] =	vst v63  }
0x175: {  	_ =	swait.ge [sflag:s30], $0x2000  }
0x176: {  	[sflag:s30] =	ssyncset.done $0x0  }
0x177: {  	[sflag:s30] =	ssyncadd.s32 $0xFFFFE000  }
0x178: {  	s16 =	stileid.u32;
	[bflag:$0x0] =	sbarrier.arrive $0xFFFF  }
0x179: {  	s16 =	sshll.u32 s16, $0x6;
	s17 =	rddreg [dreg:$0xe]  }
0x17a: {  	s18 =	rddreg [dreg:$0x11];
	s16 =	sor.u32 $0x1C03, s16  }
0x17b: {  	[hbm:s17], [sflag:s16] =	dma.local [spmem:s18], $0x2800  }
0x17c: {  	_ =	swait.ge [sflag:s30], $0x2800  }
0x17d: {  	[sflag:s30] =	ssyncset.done $0x0  }
0x17e: {  	s23 =	rddreg [dreg:$0xf];
	[sflag:s30] =	ssyncadd.s32 $0xFFFFD800  }
0x17f: {  	[hbm:s23], [sflag:s16] =	dma.local [spmem:s25], $0x280  }
0x180: {  	_ =	swait.ge [sflag:s30], $0x280  }
0x181: {  	s15 =	sadd.s32 $0x1, s15;
	s24 =	rddreg [dreg:$0x10]  }
0x182: {  	p0 =	sne.s32 s15, s24  }
.Ltmp3:
0x183: {  	_ = 	snop;
	(pc) =	sbr.rel @p0 .LBB2_1-.Ltmp3, $3  }
0x184: {  	_ =	sdelay $0x1  }
0x185: {  	[sflag:s30] =	ssyncset.done $0x0  }
0x186: {  	[sflag:s30] =	ssyncadd.s32 $0xFFFFFD80  }
0x187: {  	_ =	sfence.sel $0x180000  }
0x188: {  	[bflag:$0x0] =	sbarrier.arrive $0xFFFF  }
0x189: {  	_ =	strace $0x90000047  }
0x18a: {  	s0 =	stileid.u32;
	[bflag:$0x2] =	sbarrier.arrive $0xFFFF  }
0x18b: {  	p0 =	sne.s32 s0, $0x0;
	s0 =	rddreg [dreg:$0x5]  }
0x18c: {  	s0 =	sadd.s32 @!p0 $0x100000, s0  }
0x18d: {  	[sflag:s0] =	ssyncadd.tile.s32 @!p0 $0x1;
	_ =	shalt  }
.Lfunc_end2:
_tile_overlayer_lowered:
.L_overlay_start_2:
0x18e: {  	(tag) =	ssettag $0x2  }
0x18f: {  	s0 =	rddreg [dreg:$0x0];
	s2 =	stileid.u32  }
0x190: {  	s1 =	rddreg [dreg:$0x1];
	p0 =	sne.s32 s2, $0x0  }
0x191: {  	s3 =	rddreg [dreg:$0x2];
	[bflag:$0x3] =	sbarrier.arrive $0xFFFF;
	s2 =	simm.s32 @!p0 $0x1C03  }
0x192: {  	[timem:s3], [sflag:s2] =	dma.local @!p0 [hbm:s0], s1  }
0x193: {  	s0 =	simm.s32 @!p0 $0x3  }
0x194: {  	_ =	swait.ge @!p0 [sflag:s0], s1  }
0x195: {  	s1 =	ssub.s32 @!p0 $0x0, s1;
	[sflag:s0] =	ssyncset.done @!p0 $0x0  }
0x196: {  	[sflag:s0] =	ssyncadd.s32 @!p0 s1  }
0x197: {  	[bflag:$0x3] =	sbarrier.arrive $0xFFFF  }
0x198: {  	_ =	shalt  }

</sc_bundles>
